<compile_context>
chip_gen: v7x
topology: tpu7x:2x2x1
jax: 0.10.2.dev20260603
libtpu: 0.0.44.dev20260713+nightly
codegen_flags: <defaults>
</compile_context>

<pallas_src>
import functools

import jax
import jax.numpy as jnp
from jax import lax
from jax.experimental import pallas as pl
from jax.experimental.pallas import tpu as pltpu
from jax.experimental.pallas import tpu_sc as plsc

T = 2048
H = 768
M = 128
E = 16

B = 128
LOG2B = B.bit_length() - 1
NB = T // B + E
TG = NB * B
NC = 2
NS = 16
NW = NC * NS
TPW = T // NW


def _onehot(lanes, e):
    return 1 - jnp.minimum(jnp.abs(lanes - e), 1)


def _gather16(vec, idx):
    return lax.gather(
        vec, idx[:, None],
        lax.GatherDimensionNumbers(
            offset_dims=(), collapsed_slice_dims=(0,), start_index_map=(0,)),
        (1,), mode=lax.GatherScatterMode.PROMISE_IN_BOUNDS)


def _hist_chunk(seg_v, lo, lanes):
    h = jnp.zeros((16,), jnp.int32)
    for g in range(TPW // 16):
        sv = seg_v[pl.ds(lo + g * 16, 16)]
        for lane in range(16):
            h = h + _onehot(lanes, sv[lane])
    return h


@functools.cache
def _sc_kernels():
    mesh = plsc.VectorSubcoreMesh(core_axis_name="c", subcore_axis_name="s")

    @functools.partial(
        pl.kernel,
        out_type=(
            jax.ShapeDtypeStruct((TG, H), jnp.float32),
            jax.ShapeDtypeStruct((T,), jnp.int32),
            jax.ShapeDtypeStruct((NB,), jnp.int32),
        ),
        mesh=mesh,
        scratch_types=[
            pltpu.VMEM((2 * TPW,), jnp.int32),
            pltpu.VMEM((16,), jnp.int32),
            pltpu.VMEM((16,), jnp.int32),
            pltpu.VMEM((NW * 16,), jnp.int32),
            pltpu.VMEM((TPW,), jnp.int32),
            pltpu.VMEM((TPW, H), jnp.float32),
            pltpu.VMEM((NB,), jnp.int32),
            pltpu.VMEM_SHARED((NW * 16,), jnp.int32),
            pltpu.SemaphoreType.DMA,
            pltpu.SemaphoreType.DMA,
        ],
    )
    def sc_route_scatter(seg_hbm, x_hbm, xg_hbm, pos_hbm, be_hbm,
                         seg_v, ha_v, hb_v, hists_v, pos_v, rows_v, be_v,
                         board, sem, sem_x):
        cid = lax.axis_index("c")
        sid = lax.axis_index("s")
        wid = sid * NC + cid
        lanes = lax.broadcasted_iota(jnp.int32, (16,), 0)
        xcp = pltpu.async_copy(x_hbm.at[pl.ds(wid * TPW, TPW)], rows_v, sem_x)

        pltpu.sync_copy(seg_hbm.at[pl.ds(sid * 2 * TPW, 2 * TPW)], seg_v)
        ha_v[...] = _hist_chunk(seg_v, 0, lanes)
        hb_v[...] = _hist_chunk(seg_v, TPW, lanes)
        pltpu.sync_copy(ha_v, board.at[pl.ds((sid * 2) * 16, 16)])
        pltpu.sync_copy(hb_v, board.at[pl.ds((sid * 2 + 1) * 16, 16)])
        plsc.subcore_barrier()

        pltpu.sync_copy(board, hists_v)

        def acc(w, carry):
            tot, base = carry
            row = hists_v[pl.ds(w * 16, 16)]
            wf = jnp.full((16,), jnp.where(w < wid, 1, 0))
            return tot + row, base + row * wf

        total, tile_base = lax.fori_loop(
            0, NW, acc,
            (jnp.zeros((16,), jnp.int32), jnp.zeros((16,), jnp.int32)))
        nblk = (total + (B - 1)) >> LOG2B
        excl = jnp.zeros((16,), jnp.int32)
        run = jnp.int32(0)
        for e in range(E):
            excl = excl + _onehot(lanes, e) * run
            run = run + nblk[e]
        my_start = (excl << LOG2B) + tile_base

        cnt = jnp.zeros((16,), jnp.int32)
        for g in range(TPW // 16):
            sv = seg_v[pl.ds(cid * TPW + g * 16, 16)]
            gath = _gather16(my_start + cnt, sv)
            dup = jnp.zeros((16,), jnp.int32)
            for l2 in range(16):
                same = _onehot(sv, sv[l2])
                after = jnp.minimum(jnp.maximum(lanes - l2, 0), 1)
                dup = dup + same * after
                cnt = cnt + _onehot(lanes, sv[l2])
            pos_v[pl.ds(g * 16, 16)] = gath + dup
        pltpu.sync_copy(pos_v, pos_hbm.at[pl.ds(wid * TPW, TPW)])

        xcp.wait()
        pltpu.async_copy(rows_v, xg_hbm.at[pos_v], sem).wait()

        @pl.when(wid == 0)
        def _():
            for k in range(NB // 16):
                jv = lanes + k * 16
                bev = jnp.zeros((16,), jnp.int32)
                for e in range(E):
                    bev = bev + jnp.minimum(jnp.maximum(jv - excl[e] + 1, 0), 1)
                be_v[pl.ds(k * 16, 16)] = bev - 1
            pltpu.sync_copy(be_v, be_hbm)

    @functools.partial(
        pl.kernel,
        out_type=jax.ShapeDtypeStruct((T, H), jnp.float32),
        mesh=mesh,
        scratch_types=[
            pltpu.VMEM((TPW,), jnp.int32),
            pltpu.VMEM((TPW, H), jnp.float32),
            pltpu.SemaphoreType.DMA,
            pltpu.SemaphoreType.DMA,
        ],
    )
    def sc_gather(y_hbm, pos_hbm, out_hbm, pos_v, rows_v, sem, sem2):
        del sem2
        wid = lax.axis_index("s") * NC + lax.axis_index("c")
        base = wid * TPW
        pltpu.sync_copy(pos_hbm.at[pl.ds(base, TPW)], pos_v)
        pltpu.async_copy(y_hbm.at[pos_v], rows_v, sem).wait()
        pltpu.sync_copy(rows_v, out_hbm.at[pl.ds(base, TPW)])

    return sc_route_scatter, sc_gather


def _one_mlp(x, w1, w2, b1, b2):
    xb = x.astype(jnp.bfloat16)
    hid = lax.dot_general(xb, w1.astype(jnp.bfloat16),
                          (((1,), (1,)), ((), ())),
                          preferred_element_type=jnp.float32)
    hid = jnp.maximum(hid + b1, 0.0).astype(jnp.bfloat16)
    y = lax.dot_general(hid, w2.astype(jnp.bfloat16),
                        (((1,), (1,)), ((), ())),
                        preferred_element_type=jnp.float32)
    return y + b2


PB = 4


def _mlp_body(be_ref, xg_ref, *refs):
    w_refs, y_ref = refs[:-1], refs[-1]
    for p in range(PB):
        w1_ref, w2_ref, b1_ref, b2_ref = w_refs[4 * p:4 * p + 4]
        y_ref[p * B:(p + 1) * B, :] = _one_mlp(
            xg_ref[p * B:(p + 1) * B, :], w1_ref[0], w2_ref[0],
            b1_ref[0], b2_ref[0])


def _w_specs(p):
    return [
        pl.BlockSpec((1, M, H), lambda j, be, p=p: (be[PB * j + p], 0, 0)),
        pl.BlockSpec((1, H, M), lambda j, be, p=p: (be[PB * j + p], 0, 0)),
        pl.BlockSpec((1, 1, M), lambda j, be, p=p: (be[PB * j + p], 0, 0)),
        pl.BlockSpec((1, 1, H), lambda j, be, p=p: (be[PB * j + p], 0, 0)),
    ]


_mlp = pl.pallas_call(
    _mlp_body,
    grid_spec=pltpu.PrefetchScalarGridSpec(
        num_scalar_prefetch=1,
        grid=(NB // PB,),
        in_specs=[pl.BlockSpec((PB * B, H), lambda j, be: (j, 0))]
        + [s for p in range(PB) for s in _w_specs(p)],
        out_specs=pl.BlockSpec((PB * B, H), lambda j, be: (j, 0)),
    ),
    out_shape=jax.ShapeDtypeStruct((TG, H), jnp.float32),
    compiler_params=pltpu.CompilerParams(
        dimension_semantics=("arbitrary",),
    ),
)


@jax.jit
def kernel(math_hidden_states, segment_ids, W1_matrices, W2_matrices, b1_bias, b2_bias):
    sc_route_scatter, sc_gather = _sc_kernels()
    xg, pos, be = sc_route_scatter(segment_ids, math_hidden_states)
    b1r = b1_bias.reshape(E, 1, M)
    b2r = b2_bias.reshape(E, 1, H)
    wargs = [a for _ in range(PB)
             for a in (W1_matrices, W2_matrices, b1r, b2r)]
    y = _mlp(be, xg, *wargs)
    return sc_gather(y, pos)

# --- scband reference (transcript-rebuilt; emitter-appended) ---
"""Pipeline reference for scband-translator-3496103379639 (READ-ONLY COPY).

The authoritative reference and input builder live on the scoring server;
editing this copy changes nothing except your own understanding.
"""

import jax, jax.numpy as jnp
import numpy as np

T = 2048
H = 768
M = 128
E = 16

def setup_inputs(seed: int = 0) -> dict:
    key = jax.random.key(seed)
    k1, k2, k3, k4 = jax.random.split(key, 4)
    math_hidden_states = jax.random.normal(k1, (T, H), dtype=jnp.float32)
    segment_ids = jax.random.randint(k2, (T,), 0, E, dtype=jnp.int32)
    W1_matrices = jax.random.normal(k3, (E, M, H), dtype=jnp.float32)
    W2_matrices = jax.random.normal(k4, (E, H, M), dtype=jnp.float32)
    b1_bias = jnp.zeros((E, M), dtype=jnp.float32)
    b2_bias = jnp.zeros((E, H), dtype=jnp.float32)
    return {
        "math_hidden_states": math_hidden_states,
        "segment_ids": segment_ids,
        "W1_matrices": W1_matrices,
        "W2_matrices": W2_matrices,
        "b1_bias": b1_bias,
        "b2_bias": b2_bias,
    }

def reference(math_hidden_states, segment_ids, W1_matrices, W2_matrices, b1_bias, b2_bias):
    # gather per-token segment weights (SparseCore-style gather)
    gathered_W1 = jnp.take(W1_matrices, segment_ids, axis=0)  # [T, M, H]
    gathered_W2 = jnp.take(W2_matrices, segment_ids, axis=0)  # [T, H, M]
    gathered_b1 = jnp.take(b1_bias, segment_ids, axis=0)      # [T, M]
    gathered_b2 = jnp.take(b2_bias, segment_ids, axis=0)      # [T, H]
    # bmm(gathered_W1, x.unsqueeze(-1)).squeeze(-1)
    intermediate_states = jnp.einsum('tmh,th->tm', gathered_W1, math_hidden_states)
    intermediate_states = intermediate_states + gathered_b1
    intermediate_states = jax.nn.relu(intermediate_states)
    transformed_states = jnp.einsum('thm,tm->th', gathered_W2, intermediate_states)
    return transformed_states + gathered_b2

if __name__ == "__main__":
    import jax
    _d = setup_inputs()
    print(jax.jit(kernel)(*tuple(_d.values())))

</pallas_src>

<mosaic_0001>
#map = affine_map<(d0, d1) -> (0)>
#map1 = affine_map<(d0, d1) -> (0, 0)>
module attributes {stable_mosaic.version = 14 : i64} {
  func.func @sc_route_scatter(%arg0: i32, %arg1: i32, %arg2: memref<2048xi32, #tpu.memory_space<hbm>>, %arg3: memref<2048x768xf32, #tpu.memory_space<hbm>>, %arg4: memref<4096x768xf32, #tpu.memory_space<hbm>>, %arg5: memref<2048xi32, #tpu.memory_space<hbm>>, %arg6: memref<32xi32, #tpu.memory_space<hbm>>, %arg7: memref<128xi32, #tpu.memory_space<vmem>>, %arg8: memref<16xi32, #tpu.memory_space<vmem>>, %arg9: memref<16xi32, #tpu.memory_space<vmem>>, %arg10: memref<512xi32, #tpu.memory_space<vmem>>, %arg11: memref<64xi32, #tpu.memory_space<vmem>>, %arg12: memref<64x768xf32, #tpu.memory_space<vmem>>, %arg13: memref<32xi32, #tpu.memory_space<vmem>>, %arg14: memref<512xi32, #tpu.memory_space<vmem_shared>>, %arg15: memref<!tpu.dma_semaphore, #tpu.memory_space<semaphore_mem>>, %arg16: memref<!tpu.dma_semaphore, #tpu.memory_space<semaphore_mem>>) attributes {dimension_semantics = [#tpu.dimension_semantics<core_parallel>, #tpu.dimension_semantics<subcore_parallel>], iteration_bounds = array<i64: 2, 16>, scalar_prefetch = 0 : i64, scratch_operands = 10 : i64, tpu.core_type = #tpu.core_type<sc_vector_subcore>, window_params = [{transform_indices = #map}, {transform_indices = #map1}, {transform_indices = #map1}, {transform_indices = #map}, {transform_indices = #map}]} {
    %mul3A = arith.constant 2 : i32
    %mul3A_0 = arith.muli %arg1, %mul3A : i32
    %add3A = arith.addi %mul3A_0, %arg0 : i32
    %iota3A = tpu.iota {dimensions = array<i32: 0>} : vector<16xi32>
    %mul3A_1 = arith.constant 64 : i32
    %mul3A_2 = arith.muli %add3A, %mul3A_1 : i32
    %dma_start3A = arith.constant 0 : i32
    %dma_start3A_3 = tpu.memref_slice %arg3[%mul3A_2, %dma_start3A] : memref<2048x768xf32, #tpu.memory_space<hbm>> -> memref<64x768xf32, #tpu.memory_space<hbm>>
    %dma_start3A_4 = arith.constant 0 : i32
    %dma_start3A_5 = tpu.memref_slice %arg3[%mul3A_2, %dma_start3A_4] : memref<2048x768xf32, #tpu.memory_space<hbm>> -> memref<64x768xf32, #tpu.memory_space<hbm>>
    tpu.enqueue_dma source(%dma_start3A_5 : memref<64x768xf32, #tpu.memory_space<hbm>>) target(%arg12 : memref<64x768xf32, #tpu.memory_space<vmem>>) target_semaphore(%arg16 : memref<!tpu.dma_semaphore, #tpu.memory_space<semaphore_mem>>)
    %mul3A_6 = arith.constant 2 : i32
    %mul3A_7 = arith.muli %arg1, %mul3A_6 : i32
    %mul3A_8 = arith.constant 64 : i32
    %mul3A_9 = arith.muli %mul3A_7, %mul3A_8 : i32
    "tpu.region"() ({
      %run_scoped3A = tpu.sem_alloc : memref<!tpu.dma_semaphore, #tpu.memory_space<semaphore_mem>>
      %dma_start3A_4122 = tpu.memref_slice %arg2[%mul3A_9] : memref<2048xi32, #tpu.memory_space<hbm>> -> memref<128xi32, #tpu.memory_space<hbm>>
      %dma_start3A_4123 = tpu.memref_slice %arg2[%mul3A_9] : memref<2048xi32, #tpu.memory_space<hbm>> -> memref<128xi32, #tpu.memory_space<hbm>>
      tpu.enqueue_dma source(%dma_start3A_4123 : memref<128xi32, #tpu.memory_space<hbm>>) target(%arg7 : memref<128xi32, #tpu.memory_space<vmem>>) target_semaphore(%run_scoped3A : memref<!tpu.dma_semaphore, #tpu.memory_space<semaphore_mem>>)
      %dma_wait3A_4124 = tpu.memref_slice %arg2[%mul3A_9] : memref<2048xi32, #tpu.memory_space<hbm>> -> memref<128xi32, #tpu.memory_space<hbm>>
      %dma_wait3A_4125 = tpu.memref_slice %arg2[%mul3A_9] : memref<2048xi32, #tpu.memory_space<hbm>> -> memref<128xi32, #tpu.memory_space<hbm>>
      tpu.wait_dma2 semaphore(%run_scoped3A : memref<!tpu.dma_semaphore, #tpu.memory_space<semaphore_mem>>) src(%dma_wait3A_4125 : memref<128xi32, #tpu.memory_space<hbm>>) dst(%arg7 : memref<128xi32, #tpu.memory_space<vmem>>)
      tpu.yield
    }) : () -> ()
    %broadcast_in_dim3A = arith.constant 0 : i32
    %broadcast_in_dim3A_10 = vector.broadcast %broadcast_in_dim3A : i32 to vector<16xi32>
    %get3A = arith.constant 0 : index
    %get3A_11 = tpu.vector_load %arg7[%get3A] {strides = array<i32>} : memref<128xi32, #tpu.memory_space<vmem>>, vector<16xi32>,
    %get3A_12 = vector.shape_cast %get3A_11 : vector<16xi32> to vector<16xi32>
    %slice3A = vector.extract_strided_slice %get3A_12 {offsets = [0], sizes = [1], strides = [1]} : vector<16xi32> to vector<1xi32>
    %squeeze3A = vector.extract %slice3A[0] : i32 from vector<1xi32>
    %sub3A = vector.broadcast %squeeze3A : i32 to vector<16xi32>
    %sub3A_13 = arith.subi %iota3A, %sub3A : vector<16xi32>
    %abs3A = math.absi %sub3A_13 : vector<16xi32>
    %min3A = arith.constant 1 : i32
    %min3A_14 = vector.broadcast %min3A : i32 to vector<16xi32>
    %min3A_15 = arith.minsi %abs3A, %min3A_14 : vector<16xi32>
    %sub3A_16 = arith.constant 1 : i32
    %sub3A_17 = vector.broadcast %sub3A_16 : i32 to vector<16xi32>
    %sub3A_18 = arith.subi %sub3A_17, %min3A_15 : vector<16xi32>
    %add3A_19 = arith.addi %broadcast_in_dim3A_10, %sub3A_18 : vector<16xi32>
    %slice3A_20 = vector.extract_strided_slice %get3A_12 {offsets = [1], sizes = [1], strides = [1]} : vector<16xi32> to vector<1xi32>
    %squeeze3A_21 = vector.extract %slice3A_20[0] : i32 from vector<1xi32>
    %sub3A_22 = vector.broadcast %squeeze3A_21 : i32 to vector<16xi32>
    %sub3A_23 = arith.subi %iota3A, %sub3A_22 : vector<16xi32>
    %abs3A_24 = math.absi %sub3A_23 : vector<16xi32>
    %min3A_25 = arith.constant 1 : i32
    %min3A_26 = vector.broadcast %min3A_25 : i32 to vector<16xi32>
    %min3A_27 = arith.minsi %abs3A_24, %min3A_26 : vector<16xi32>
    %sub3A_28 = arith.constant 1 : i32
    %sub3A_29 = vector.broadcast %sub3A_28 : i32 to vector<16xi32>
    %sub3A_30 = arith.subi %sub3A_29, %min3A_27 : vector<16xi32>
    %add3A_31 = arith.addi %add3A_19, %sub3A_30 : vector<16xi32>
    %slice3A_32 = vector.extract_strided_slice %get3A_12 {offsets = [2], sizes = [1], strides = [1]} : vector<16xi32> to vector<1xi32>
    %squeeze3A_33 = vector.extract %slice3A_32[0] : i32 from vector<1xi32>
    %sub3A_34 = vector.broadcast %squeeze3A_33 : i32 to vector<16xi32>
    %sub3A_35 = arith.subi %iota3A, %sub3A_34 : vector<16xi32>
    %abs3A_36 = math.absi %sub3A_35 : vector<16xi32>
    %min3A_37 = arith.constant 1 : i32
    %min3A_38 = vector.broadcast %min3A_37 : i32 to vector<16xi32>
    %min3A_39 = arith.minsi %abs3A_36, %min3A_38 : vector<16xi32>
    %sub3A_40 = arith.constant 1 : i32
    %sub3A_41 = vector.broadcast %sub3A_40 : i32 to vector<16xi32>
    %sub3A_42 = arith.subi %sub3A_41, %min3A_39 : vector<16xi32>
    %add3A_43 = arith.addi %add3A_31, %sub3A_42 : vector<16xi32>
    %slice3A_44 = vector.extract_strided_slice %get3A_12 {offsets = [3], sizes = [1], strides = [1]} : vector<16xi32> to vector<1xi32>
    %squeeze3A_45 = vector.extract %slice3A_44[0] : i32 from vector<1xi32>
    %sub3A_46 = vector.broadcast %squeeze3A_45 : i32 to vector<16xi32>
    %sub3A_47 = arith.subi %iota3A, %sub3A_46 : vector<16xi32>
    %abs3A_48 = math.absi %sub3A_47 : vector<16xi32>
    %min3A_49 = arith.constant 1 : i32
    %min3A_50 = vector.broadcast %min3A_49 : i32 to vector<16xi32>
    %min3A_51 = arith.minsi %abs3A_48, %min3A_50 : vector<16xi32>
    %sub3A_52 = arith.constant 1 : i32
    %sub3A_53 = vector.broadcast %sub3A_52 : i32 to vector<16xi32>
    %sub3A_54 = arith.subi %sub3A_53, %min3A_51 : vector<16xi32>
    %add3A_55 = arith.addi %add3A_43, %sub3A_54 : vector<16xi32>
    %slice3A_56 = vector.extract_strided_slice %get3A_12 {offsets = [4], sizes = [1], strides = [1]} : vector<16xi32> to vector<1xi32>
    %squeeze3A_57 = vector.extract %slice3A_56[0] : i32 from vector<1xi32>
    %sub3A_58 = vector.broadcast %squeeze3A_57 : i32 to vector<16xi32>
    %sub3A_59 = arith.subi %iota3A, %sub3A_58 : vector<16xi32>
    %abs3A_60 = math.absi %sub3A_59 : vector<16xi32>
    %min3A_61 = arith.constant 1 : i32
    %min3A_62 = vector.broadcast %min3A_61 : i32 to vector<16xi32>
    %min3A_63 = arith.minsi %abs3A_60, %min3A_62 : vector<16xi32>
    %sub3A_64 = arith.constant 1 : i32
    %sub3A_65 = vector.broadcast %sub3A_64 : i32 to vector<16xi32>
    %sub3A_66 = arith.subi %sub3A_65, %min3A_63 : vector<16xi32>
    %add3A_67 = arith.addi %add3A_55, %sub3A_66 : vector<16xi32>
    %slice3A_68 = vector.extract_strided_slice %get3A_12 {offsets = [5], sizes = [1], strides = [1]} : vector<16xi32> to vector<1xi32>
    %squeeze3A_69 = vector.extract %slice3A_68[0] : i32 from vector<1xi32>
    %sub3A_70 = vector.broadcast %squeeze3A_69 : i32 to vector<16xi32>
    %sub3A_71 = arith.subi %iota3A, %sub3A_70 : vector<16xi32>
    %abs3A_72 = math.absi %sub3A_71 : vector<16xi32>
    %min3A_73 = arith.constant 1 : i32
    %min3A_74 = vector.broadcast %min3A_73 : i32 to vector<16xi32>
    %min3A_75 = arith.minsi %abs3A_72, %min3A_74 : vector<16xi32>
    %sub3A_76 = arith.constant 1 : i32
    %sub3A_77 = vector.broadcast %sub3A_76 : i32 to vector<16xi32>
    %sub3A_78 = arith.subi %sub3A_77, %min3A_75 : vector<16xi32>
    %add3A_79 = arith.addi %add3A_67, %sub3A_78 : vector<16xi32>
    %slice3A_80 = vector.extract_strided_slice %get3A_12 {offsets = [6], sizes = [1], strides = [1]} : vector<16xi32> to vector<1xi32>
    %squeeze3A_81 = vector.extract %slice3A_80[0] : i32 from vector<1xi32>
    %sub3A_82 = vector.broadcast %squeeze3A_81 : i32 to vector<16xi32>
    %sub3A_83 = arith.subi %iota3A, %sub3A_82 : vector<16xi32>
    %abs3A_84 = math.absi %sub3A_83 : vector<16xi32>
    %min3A_85 = arith.constant 1 : i32
    %min3A_86 = vector.broadcast %min3A_85 : i32 to vector<16xi32>
    %min3A_87 = arith.minsi %abs3A_84, %min3A_86 : vector<16xi32>
    %sub3A_88 = arith.constant 1 : i32
    %sub3A_89 = vector.broadcast %sub3A_88 : i32 to vector<16xi32>
    %sub3A_90 = arith.subi %sub3A_89, %min3A_87 : vector<16xi32>
    %add3A_91 = arith.addi %add3A_79, %sub3A_90 : vector<16xi32>
    %slice3A_92 = vector.extract_strided_slice %get3A_12 {offsets = [7], sizes = [1], strides = [1]} : vector<16xi32> to vector<1xi32>
    %squeeze3A_93 = vector.extract %slice3A_92[0] : i32 from vector<1xi32>
    %sub3A_94 = vector.broadcast %squeeze3A_93 : i32 to vector<16xi32>
    %sub3A_95 = arith.subi %iota3A, %sub3A_94 : vector<16xi32>
    %abs3A_96 = math.absi %sub3A_95 : vector<16xi32>
    %min3A_97 = arith.constant 1 : i32
    %min3A_98 = vector.broadcast %min3A_97 : i32 to vector<16xi32>
    %min3A_99 = arith.minsi %abs3A_96, %min3A_98 : vector<16xi32>
    %sub3A_100 = arith.constant 1 : i32
    %sub3A_101 = vector.broadcast %sub3A_100 : i32 to vector<16xi32>
    %sub3A_102 = arith.subi %sub3A_101, %min3A_99 : vector<16xi32>
    %add3A_103 = arith.addi %add3A_91, %sub3A_102 : vector<16xi32>
    %slice3A_104 = vector.extract_strided_slice %get3A_12 {offsets = [8], sizes = [1], strides = [1]} : vector<16xi32> to vector<1xi32>
    %squeeze3A_105 = vector.extract %slice3A_104[0] : i32 from vector<1xi32>
    %sub3A_106 = vector.broadcast %squeeze3A_105 : i32 to vector<16xi32>
    %sub3A_107 = arith.subi %iota3A, %sub3A_106 : vector<16xi32>
    %abs3A_108 = math.absi %sub3A_107 : vector<16xi32>
    %min3A_109 = arith.constant 1 : i32
    %min3A_110 = vector.broadcast %min3A_109 : i32 to vector<16xi32>
    %min3A_111 = arith.minsi %abs3A_108, %min3A_110 : vector<16xi32>
    %sub3A_112 = arith.constant 1 : i32
    %sub3A_113 = vector.broadcast %sub3A_112 : i32 to vector<16xi32>
    %sub3A_114 = arith.subi %sub3A_113, %min3A_111 : vector<16xi32>
    %add3A_115 = arith.addi %add3A_103, %sub3A_114 : vector<16xi32>
    %slice3A_116 = vector.extract_strided_slice %get3A_12 {offsets = [9], sizes = [1], strides = [1]} : vector<16xi32> to vector<1xi32>
    %squeeze3A_117 = vector.extract %slice3A_116[0] : i32 from vector<1xi32>
    %sub3A_118 = vector.broadcast %squeeze3A_117 : i32 to vector<16xi32>
    %sub3A_119 = arith.subi %iota3A, %sub3A_118 : vector<16xi32>
    %abs3A_120 = math.absi %sub3A_119 : vector<16xi32>
    %min3A_121 = arith.constant 1 : i32
    %min3A_122 = vector.broadcast %min3A_121 : i32 to vector<16xi32>
    %min3A_123 = arith.minsi %abs3A_120, %min3A_122 : vector<16xi32>
    %sub3A_124 = arith.constant 1 : i32
    %sub3A_125 = vector.broadcast %sub3A_124 : i32 to vector<16xi32>
    %sub3A_126 = arith.subi %sub3A_125, %min3A_123 : vector<16xi32>
    %add3A_127 = arith.addi %add3A_115, %sub3A_126 : vector<16xi32>
    %slice3A_128 = vector.extract_strided_slice %get3A_12 {offsets = [10], sizes = [1], strides = [1]} : vector<16xi32> to vector<1xi32>
    %squeeze3A_129 = vector.extract %slice3A_128[0] : i32 from vector<1xi32>
    %sub3A_130 = vector.broadcast %squeeze3A_129 : i32 to vector<16xi32>
    %sub3A_131 = arith.subi %iota3A, %sub3A_130 : vector<16xi32>
    %abs3A_132 = math.absi %sub3A_131 : vector<16xi32>
    %min3A_133 = arith.constant 1 : i32
    %min3A_134 = vector.broadcast %min3A_133 : i32 to vector<16xi32>
    %min3A_135 = arith.minsi %abs3A_132, %min3A_134 : vector<16xi32>
    %sub3A_136 = arith.constant 1 : i32
    %sub3A_137 = vector.broadcast %sub3A_136 : i32 to vector<16xi32>
    %sub3A_138 = arith.subi %sub3A_137, %min3A_135 : vector<16xi32>
    %add3A_139 = arith.addi %add3A_127, %sub3A_138 : vector<16xi32>
    %slice3A_140 = vector.extract_strided_slice %get3A_12 {offsets = [11], sizes = [1], strides = [1]} : vector<16xi32> to vector<1xi32>
    %squeeze3A_141 = vector.extract %slice3A_140[0] : i32 from vector<1xi32>
    %sub3A_142 = vector.broadcast %squeeze3A_141 : i32 to vector<16xi32>
    %sub3A_143 = arith.subi %iota3A, %sub3A_142 : vector<16xi32>
    %abs3A_144 = math.absi %sub3A_143 : vector<16xi32>
    %min3A_145 = arith.constant 1 : i32
    %min3A_146 = vector.broadcast %min3A_145 : i32 to vector<16xi32>
    %min3A_147 = arith.minsi %abs3A_144, %min3A_146 : vector<16xi32>
    %sub3A_148 = arith.constant 1 : i32
    %sub3A_149 = vector.broadcast %sub3A_148 : i32 to vector<16xi32>
    %sub3A_150 = arith.subi %sub3A_149, %min3A_147 : vector<16xi32>
    %add3A_151 = arith.addi %add3A_139, %sub3A_150 : vector<16xi32>
    %slice3A_152 = vector.extract_strided_slice %get3A_12 {offsets = [12], sizes = [1], strides = [1]} : vector<16xi32> to vector<1xi32>
    %squeeze3A_153 = vector.extract %slice3A_152[0] : i32 from vector<1xi32>
    %sub3A_154 = vector.broadcast %squeeze3A_153 : i32 to vector<16xi32>
    %sub3A_155 = arith.subi %iota3A, %sub3A_154 : vector<16xi32>
    %abs3A_156 = math.absi %sub3A_155 : vector<16xi32>
    %min3A_157 = arith.constant 1 : i32
    %min3A_158 = vector.broadcast %min3A_157 : i32 to vector<16xi32>
    %min3A_159 = arith.minsi %abs3A_156, %min3A_158 : vector<16xi32>
    %sub3A_160 = arith.constant 1 : i32
    %sub3A_161 = vector.broadcast %sub3A_160 : i32 to vector<16xi32>
    %sub3A_162 = arith.subi %sub3A_161, %min3A_159 : vector<16xi32>
    %add3A_163 = arith.addi %add3A_151, %sub3A_162 : vector<16xi32>
    %slice3A_164 = vector.extract_strided_slice %get3A_12 {offsets = [13], sizes = [1], strides = [1]} : vector<16xi32> to vector<1xi32>
    %squeeze3A_165 = vector.extract %slice3A_164[0] : i32 from vector<1xi32>
    %sub3A_166 = vector.broadcast %squeeze3A_165 : i32 to vector<16xi32>
    %sub3A_167 = arith.subi %iota3A, %sub3A_166 : vector<16xi32>
    %abs3A_168 = math.absi %sub3A_167 : vector<16xi32>
    %min3A_169 = arith.constant 1 : i32
    %min3A_170 = vector.broadcast %min3A_169 : i32 to vector<16xi32>
    %min3A_171 = arith.minsi %abs3A_168, %min3A_170 : vector<16xi32>
    %sub3A_172 = arith.constant 1 : i32
    %sub3A_173 = vector.broadcast %sub3A_172 : i32 to vector<16xi32>
    %sub3A_174 = arith.subi %sub3A_173, %min3A_171 : vector<16xi32>
    %add3A_175 = arith.addi %add3A_163, %sub3A_174 : vector<16xi32>
    %slice3A_176 = vector.extract_strided_slice %get3A_12 {offsets = [14], sizes = [1], strides = [1]} : vector<16xi32> to vector<1xi32>
    %squeeze3A_177 = vector.extract %slice3A_176[0] : i32 from vector<1xi32>
    %sub3A_178 = vector.broadcast %squeeze3A_177 : i32 to vector<16xi32>
    %sub3A_179 = arith.subi %iota3A, %sub3A_178 : vector<16xi32>
    %abs3A_180 = math.absi %sub3A_179 : vector<16xi32>
    %min3A_181 = arith.constant 1 : i32
    %min3A_182 = vector.broadcast %min3A_181 : i32 to vector<16xi32>
    %min3A_183 = arith.minsi %abs3A_180, %min3A_182 : vector<16xi32>
    %sub3A_184 = arith.constant 1 : i32
    %sub3A_185 = vector.broadcast %sub3A_184 : i32 to vector<16xi32>
    %sub3A_186 = arith.subi %sub3A_185, %min3A_183 : vector<16xi32>
    %add3A_187 = arith.addi %add3A_175, %sub3A_186 : vector<16xi32>
    %slice3A_188 = vector.extract_strided_slice %get3A_12 {offsets = [15], sizes = [1], strides = [1]} : vector<16xi32> to vector<1xi32>
    %squeeze3A_189 = vector.extract %slice3A_188[0] : i32 from vector<1xi32>
    %sub3A_190 = vector.broadcast %squeeze3A_189 : i32 to vector<16xi32>
    %sub3A_191 = arith.subi %iota3A, %sub3A_190 : vector<16xi32>
    %abs3A_192 = math.absi %sub3A_191 : vector<16xi32>
    %min3A_193 = arith.constant 1 : i32
    %min3A_194 = vector.broadcast %min3A_193 : i32 to vector<16xi32>
    %min3A_195 = arith.minsi %abs3A_192, %min3A_194 : vector<16xi32>
    %sub3A_196 = arith.constant 1 : i32
    %sub3A_197 = vector.broadcast %sub3A_196 : i32 to vector<16xi32>
    %sub3A_198 = arith.subi %sub3A_197, %min3A_195 : vector<16xi32>
    %add3A_199 = arith.addi %add3A_187, %sub3A_198 : vector<16xi32>
    %get3A_200 = arith.constant 16 : index
    %get3A_201 = tpu.vector_load %arg7[%get3A_200] {strides = array<i32>} : memref<128xi32, #tpu.memory_space<vmem>>, vector<16xi32>,
    %get3A_202 = vector.shape_cast %get3A_201 : vector<16xi32> to vector<16xi32>
    %slice3A_203 = vector.extract_strided_slice %get3A_202 {offsets = [0], sizes = [1], strides = [1]} : vector<16xi32> to vector<1xi32>
    %squeeze3A_204 = vector.extract %slice3A_203[0] : i32 from vector<1xi32>
    %sub3A_205 = vector.broadcast %squeeze3A_204 : i32 to vector<16xi32>
    %sub3A_206 = arith.subi %iota3A, %sub3A_205 : vector<16xi32>
    %abs3A_207 = math.absi %sub3A_206 : vector<16xi32>
    %min3A_208 = arith.constant 1 : i32
    %min3A_209 = vector.broadcast %min3A_208 : i32 to vector<16xi32>
    %min3A_210 = arith.minsi %abs3A_207, %min3A_209 : vector<16xi32>
    %sub3A_211 = arith.constant 1 : i32
    %sub3A_212 = vector.broadcast %sub3A_211 : i32 to vector<16xi32>
    %sub3A_213 = arith.subi %sub3A_212, %min3A_210 : vector<16xi32>
    %add3A_214 = arith.addi %add3A_199, %sub3A_213 : vector<16xi32>
    %slice3A_215 = vector.extract_strided_slice %get3A_202 {offsets = [1], sizes = [1], strides = [1]} : vector<16xi32> to vector<1xi32>
    %squeeze3A_216 = vector.extract %slice3A_215[0] : i32 from vector<1xi32>
    %sub3A_217 = vector.broadcast %squeeze3A_216 : i32 to vector<16xi32>
    %sub3A_218 = arith.subi %iota3A, %sub3A_217 : vector<16xi32>
    %abs3A_219 = math.absi %sub3A_218 : vector<16xi32>
    %min3A_220 = arith.constant 1 : i32
    %min3A_221 = vector.broadcast %min3A_220 : i32 to vector<16xi32>
    %min3A_222 = arith.minsi %abs3A_219, %min3A_221 : vector<16xi32>
    %sub3A_223 = arith.constant 1 : i32
    %sub3A_224 = vector.broadcast %sub3A_223 : i32 to vector<16xi32>
    %sub3A_225 = arith.subi %sub3A_224, %min3A_222 : vector<16xi32>
    %add3A_226 = arith.addi %add3A_214, %sub3A_225 : vector<16xi32>
    %slice3A_227 = vector.extract_strided_slice %get3A_202 {offsets = [2], sizes = [1], strides = [1]} : vector<16xi32> to vector<1xi32>
    %squeeze3A_228 = vector.extract %slice3A_227[0] : i32 from vector<1xi32>
    %sub3A_229 = vector.broadcast %squeeze3A_228 : i32 to vector<16xi32>
    %sub3A_230 = arith.subi %iota3A, %sub3A_229 : vector<16xi32>
    %abs3A_231 = math.absi %sub3A_230 : vector<16xi32>
    %min3A_232 = arith.constant 1 : i32
    %min3A_233 = vector.broadcast %min3A_232 : i32 to vector<16xi32>
    %min3A_234 = arith.minsi %abs3A_231, %min3A_233 : vector<16xi32>
    %sub3A_235 = arith.constant 1 : i32
    %sub3A_236 = vector.broadcast %sub3A_235 : i32 to vector<16xi32>
    %sub3A_237 = arith.subi %sub3A_236, %min3A_234 : vector<16xi32>
    %add3A_238 = arith.addi %add3A_226, %sub3A_237 : vector<16xi32>
    %slice3A_239 = vector.extract_strided_slice %get3A_202 {offsets = [3], sizes = [1], strides = [1]} : vector<16xi32> to vector<1xi32>
    %squeeze3A_240 = vector.extract %slice3A_239[0] : i32 from vector<1xi32>
    %sub3A_241 = vector.broadcast %squeeze3A_240 : i32 to vector<16xi32>
    %sub3A_242 = arith.subi %iota3A, %sub3A_241 : vector<16xi32>
    %abs3A_243 = math.absi %sub3A_242 : vector<16xi32>
    %min3A_244 = arith.constant 1 : i32
    %min3A_245 = vector.broadcast %min3A_244 : i32 to vector<16xi32>
    %min3A_246 = arith.minsi %abs3A_243, %min3A_245 : vector<16xi32>
    %sub3A_247 = arith.constant 1 : i32
    %sub3A_248 = vector.broadcast %sub3A_247 : i32 to vector<16xi32>
    %sub3A_249 = arith.subi %sub3A_248, %min3A_246 : vector<16xi32>
    %add3A_250 = arith.addi %add3A_238, %sub3A_249 : vector<16xi32>
    %slice3A_251 = vector.extract_strided_slice %get3A_202 {offsets = [4], sizes = [1], strides = [1]} : vector<16xi32> to vector<1xi32>
    %squeeze3A_252 = vector.extract %slice3A_251[0] : i32 from vector<1xi32>
    %sub3A_253 = vector.broadcast %squeeze3A_252 : i32 to vector<16xi32>
    %sub3A_254 = arith.subi %iota3A, %sub3A_253 : vector<16xi32>
    %abs3A_255 = math.absi %sub3A_254 : vector<16xi32>
    %min3A_256 = arith.constant 1 : i32
    %min3A_257 = vector.broadcast %min3A_256 : i32 to vector<16xi32>
    %min3A_258 = arith.minsi %abs3A_255, %min3A_257 : vector<16xi32>
    %sub3A_259 = arith.constant 1 : i32
    %sub3A_260 = vector.broadcast %sub3A_259 : i32 to vector<16xi32>
    %sub3A_261 = arith.subi %sub3A_260, %min3A_258 : vector<16xi32>
    %add3A_262 = arith.addi %add3A_250, %sub3A_261 : vector<16xi32>
    %slice3A_263 = vector.extract_strided_slice %get3A_202 {offsets = [5], sizes = [1], strides = [1]} : vector<16xi32> to vector<1xi32>
    %squeeze3A_264 = vector.extract %slice3A_263[0] : i32 from vector<1xi32>
    %sub3A_265 = vector.broadcast %squeeze3A_264 : i32 to vector<16xi32>
    %sub3A_266 = arith.subi %iota3A, %sub3A_265 : vector<16xi32>
    %abs3A_267 = math.absi %sub3A_266 : vector<16xi32>
    %min3A_268 = arith.constant 1 : i32
    %min3A_269 = vector.broadcast %min3A_268 : i32 to vector<16xi32>
    %min3A_270 = arith.minsi %abs3A_267, %min3A_269 : vector<16xi32>
    %sub3A_271 = arith.constant 1 : i32
    %sub3A_272 = vector.broadcast %sub3A_271 : i32 to vector<16xi32>
    %sub3A_273 = arith.subi %sub3A_272, %min3A_270 : vector<16xi32>
    %add3A_274 = arith.addi %add3A_262, %sub3A_273 : vector<16xi32>
    %slice3A_275 = vector.extract_strided_slice %get3A_202 {offsets = [6], sizes = [1], strides = [1]} : vector<16xi32> to vector<1xi32>
    %squeeze3A_276 = vector.extract %slice3A_275[0] : i32 from vector<1xi32>
    %sub3A_277 = vector.broadcast %squeeze3A_276 : i32 to vector<16xi32>
    %sub3A_278 = arith.subi %iota3A, %sub3A_277 : vector<16xi32>
    %abs3A_279 = math.absi %sub3A_278 : vector<16xi32>
    %min3A_280 = arith.constant 1 : i32
    %min3A_281 = vector.broadcast %min3A_280 : i32 to vector<16xi32>
    %min3A_282 = arith.minsi %abs3A_279, %min3A_281 : vector<16xi32>
    %sub3A_283 = arith.constant 1 : i32
    %sub3A_284 = vector.broadcast %sub3A_283 : i32 to vector<16xi32>
    %sub3A_285 = arith.subi %sub3A_284, %min3A_282 : vector<16xi32>
    %add3A_286 = arith.addi %add3A_274, %sub3A_285 : vector<16xi32>
    %slice3A_287 = vector.extract_strided_slice %get3A_202 {offsets = [7], sizes = [1], strides = [1]} : vector<16xi32> to vector<1xi32>
    %squeeze3A_288 = vector.extract %slice3A_287[0] : i32 from vector<1xi32>
    %sub3A_289 = vector.broadcast %squeeze3A_288 : i32 to vector<16xi32>
    %sub3A_290 = arith.subi %iota3A, %sub3A_289 : vector<16xi32>
    %abs3A_291 = math.absi %sub3A_290 : vector<16xi32>
    %min3A_292 = arith.constant 1 : i32
    %min3A_293 = vector.broadcast %min3A_292 : i32 to vector<16xi32>
    %min3A_294 = arith.minsi %abs3A_291, %min3A_293 : vector<16xi32>
    %sub3A_295 = arith.constant 1 : i32
    %sub3A_296 = vector.broadcast %sub3A_295 : i32 to vector<16xi32>
    %sub3A_297 = arith.subi %sub3A_296, %min3A_294 : vector<16xi32>
    %add3A_298 = arith.addi %add3A_286, %sub3A_297 : vector<16xi32>
    %slice3A_299 = vector.extract_strided_slice %get3A_202 {offsets = [8], sizes = [1], strides = [1]} : vector<16xi32> to vector<1xi32>
    %squeeze3A_300 = vector.extract %slice3A_299[0] : i32 from vector<1xi32>
    %sub3A_301 = vector.broadcast %squeeze3A_300 : i32 to vector<16xi32>
    %sub3A_302 = arith.subi %iota3A, %sub3A_301 : vector<16xi32>
    %abs3A_303 = math.absi %sub3A_302 : vector<16xi32>
    %min3A_304 = arith.constant 1 : i32
    %min3A_305 = vector.broadcast %min3A_304 : i32 to vector<16xi32>
    %min3A_306 = arith.minsi %abs3A_303, %min3A_305 : vector<16xi32>
    %sub3A_307 = arith.constant 1 : i32
    %sub3A_308 = vector.broadcast %sub3A_307 : i32 to vector<16xi32>
    %sub3A_309 = arith.subi %sub3A_308, %min3A_306 : vector<16xi32>
    %add3A_310 = arith.addi %add3A_298, %sub3A_309 : vector<16xi32>
    %slice3A_311 = vector.extract_strided_slice %get3A_202 {offsets = [9], sizes = [1], strides = [1]} : vector<16xi32> to vector<1xi32>
    %squeeze3A_312 = vector.extract %slice3A_311[0] : i32 from vector<1xi32>
    %sub3A_313 = vector.broadcast %squeeze3A_312 : i32 to vector<16xi32>
    %sub3A_314 = arith.subi %iota3A, %sub3A_313 : vector<16xi32>
    %abs3A_315 = math.absi %sub3A_314 : vector<16xi32>
    %min3A_316 = arith.constant 1 : i32
    %min3A_317 = vector.broadcast %min3A_316 : i32 to vector<16xi32>
    %min3A_318 = arith.minsi %abs3A_315, %min3A_317 : vector<16xi32>
    %sub3A_319 = arith.constant 1 : i32
    %sub3A_320 = vector.broadcast %sub3A_319 : i32 to vector<16xi32>
    %sub3A_321 = arith.subi %sub3A_320, %min3A_318 : vector<16xi32>
    %add3A_322 = arith.addi %add3A_310, %sub3A_321 : vector<16xi32>
    %slice3A_323 = vector.extract_strided_slice %get3A_202 {offsets = [10], sizes = [1], strides = [1]} : vector<16xi32> to vector<1xi32>
    %squeeze3A_324 = vector.extract %slice3A_323[0] : i32 from vector<1xi32>
    %sub3A_325 = vector.broadcast %squeeze3A_324 : i32 to vector<16xi32>
    %sub3A_326 = arith.subi %iota3A, %sub3A_325 : vector<16xi32>
    %abs3A_327 = math.absi %sub3A_326 : vector<16xi32>
    %min3A_328 = arith.constant 1 : i32
    %min3A_329 = vector.broadcast %min3A_328 : i32 to vector<16xi32>
    %min3A_330 = arith.minsi %abs3A_327, %min3A_329 : vector<16xi32>
    %sub3A_331 = arith.constant 1 : i32
    %sub3A_332 = vector.broadcast %sub3A_331 : i32 to vector<16xi32>
    %sub3A_333 = arith.subi %sub3A_332, %min3A_330 : vector<16xi32>
    %add3A_334 = arith.addi %add3A_322, %sub3A_333 : vector<16xi32>
    %slice3A_335 = vector.extract_strided_slice %get3A_202 {offsets = [11], sizes = [1], strides = [1]} : vector<16xi32> to vector<1xi32>
    %squeeze3A_336 = vector.extract %slice3A_335[0] : i32 from vector<1xi32>
    %sub3A_337 = vector.broadcast %squeeze3A_336 : i32 to vector<16xi32>
    %sub3A_338 = arith.subi %iota3A, %sub3A_337 : vector<16xi32>
    %abs3A_339 = math.absi %sub3A_338 : vector<16xi32>
    %min3A_340 = arith.constant 1 : i32
    %min3A_341 = vector.broadcast %min3A_340 : i32 to vector<16xi32>
    %min3A_342 = arith.minsi %abs3A_339, %min3A_341 : vector<16xi32>
    %sub3A_343 = arith.constant 1 : i32
    %sub3A_344 = vector.broadcast %sub3A_343 : i32 to vector<16xi32>
    %sub3A_345 = arith.subi %sub3A_344, %min3A_342 : vector<16xi32>
    %add3A_346 = arith.addi %add3A_334, %sub3A_345 : vector<16xi32>
    %slice3A_347 = vector.extract_strided_slice %get3A_202 {offsets = [12], sizes = [1], strides = [1]} : vector<16xi32> to vector<1xi32>
    %squeeze3A_348 = vector.extract %slice3A_347[0] : i32 from vector<1xi32>
    %sub3A_349 = vector.broadcast %squeeze3A_348 : i32 to vector<16xi32>
    %sub3A_350 = arith.subi %iota3A, %sub3A_349 : vector<16xi32>
    %abs3A_351 = math.absi %sub3A_350 : vector<16xi32>
    %min3A_352 = arith.constant 1 : i32
    %min3A_353 = vector.broadcast %min3A_352 : i32 to vector<16xi32>
    %min3A_354 = arith.minsi %abs3A_351, %min3A_353 : vector<16xi32>
    %sub3A_355 = arith.constant 1 : i32
    %sub3A_356 = vector.broadcast %sub3A_355 : i32 to vector<16xi32>
    %sub3A_357 = arith.subi %sub3A_356, %min3A_354 : vector<16xi32>
    %add3A_358 = arith.addi %add3A_346, %sub3A_357 : vector<16xi32>
    %slice3A_359 = vector.extract_strided_slice %get3A_202 {offsets = [13], sizes = [1], strides = [1]} : vector<16xi32> to vector<1xi32>
    %squeeze3A_360 = vector.extract %slice3A_359[0] : i32 from vector<1xi32>
    %sub3A_361 = vector.broadcast %squeeze3A_360 : i32 to vector<16xi32>
    %sub3A_362 = arith.subi %iota3A, %sub3A_361 : vector<16xi32>
    %abs3A_363 = math.absi %sub3A_362 : vector<16xi32>
    %min3A_364 = arith.constant 1 : i32
    %min3A_365 = vector.broadcast %min3A_364 : i32 to vector<16xi32>
    %min3A_366 = arith.minsi %abs3A_363, %min3A_365 : vector<16xi32>
    %sub3A_367 = arith.constant 1 : i32
    %sub3A_368 = vector.broadcast %sub3A_367 : i32 to vector<16xi32>
    %sub3A_369 = arith.subi %sub3A_368, %min3A_366 : vector<16xi32>
    %add3A_370 = arith.addi %add3A_358, %sub3A_369 : vector<16xi32>
    %slice3A_371 = vector.extract_strided_slice %get3A_202 {offsets = [14], sizes = [1], strides = [1]} : vector<16xi32> to vector<1xi32>
    %squeeze3A_372 = vector.extract %slice3A_371[0] : i32 from vector<1xi32>
    %sub3A_373 = vector.broadcast %squeeze3A_372 : i32 to vector<16xi32>
    %sub3A_374 = arith.subi %iota3A, %sub3A_373 : vector<16xi32>
    %abs3A_375 = math.absi %sub3A_374 : vector<16xi32>
    %min3A_376 = arith.constant 1 : i32
    %min3A_377 = vector.broadcast %min3A_376 : i32 to vector<16xi32>
    %min3A_378 = arith.minsi %abs3A_375, %min3A_377 : vector<16xi32>
    %sub3A_379 = arith.constant 1 : i32
    %sub3A_380 = vector.broadcast %sub3A_379 : i32 to vector<16xi32>
    %sub3A_381 = arith.subi %sub3A_380, %min3A_378 : vector<16xi32>
    %add3A_382 = arith.addi %add3A_370, %sub3A_381 : vector<16xi32>
    %slice3A_383 = vector.extract_strided_slice %get3A_202 {offsets = [15], sizes = [1], strides = [1]} : vector<16xi32> to vector<1xi32>
    %squeeze3A_384 = vector.extract %slice3A_383[0] : i32 from vector<1xi32>
    %sub3A_385 = vector.broadcast %squeeze3A_384 : i32 to vector<16xi32>
    %sub3A_386 = arith.subi %iota3A, %sub3A_385 : vector<16xi32>
    %abs3A_387 = math.absi %sub3A_386 : vector<16xi32>
    %min3A_388 = arith.constant 1 : i32
    %min3A_389 = vector.broadcast %min3A_388 : i32 to vector<16xi32>
    %min3A_390 = arith.minsi %abs3A_387, %min3A_389 : vector<16xi32>
    %sub3A_391 = arith.constant 1 : i32
    %sub3A_392 = vector.broadcast %sub3A_391 : i32 to vector<16xi32>
    %sub3A_393 = arith.subi %sub3A_392, %min3A_390 : vector<16xi32>
    %add3A_394 = arith.addi %add3A_382, %sub3A_393 : vector<16xi32>
    %get3A_395 = arith.constant 32 : index
    %get3A_396 = tpu.vector_load %arg7[%get3A_395] {strides = array<i32>} : memref<128xi32, #tpu.memory_space<vmem>>, vector<16xi32>,
    %get3A_397 = vector.shape_cast %get3A_396 : vector<16xi32> to vector<16xi32>
    %slice3A_398 = vector.extract_strided_slice %get3A_397 {offsets = [0], sizes = [1], strides = [1]} : vector<16xi32> to vector<1xi32>
    %squeeze3A_399 = vector.extract %slice3A_398[0] : i32 from vector<1xi32>
    %sub3A_400 = vector.broadcast %squeeze3A_399 : i32 to vector<16xi32>
    %sub3A_401 = arith.subi %iota3A, %sub3A_400 : vector<16xi32>
    %abs3A_402 = math.absi %sub3A_401 : vector<16xi32>
    %min3A_403 = arith.constant 1 : i32
    %min3A_404 = vector.broadcast %min3A_403 : i32 to vector<16xi32>
    %min3A_405 = arith.minsi %abs3A_402, %min3A_404 : vector<16xi32>
    %sub3A_406 = arith.constant 1 : i32
    %sub3A_407 = vector.broadcast %sub3A_406 : i32 to vector<16xi32>
    %sub3A_408 = arith.subi %sub3A_407, %min3A_405 : vector<16xi32>
    %add3A_409 = arith.addi %add3A_394, %sub3A_408 : vector<16xi32>
    %slice3A_410 = vector.extract_strided_slice %get3A_397 {offsets = [1], sizes = [1], strides = [1]} : vector<16xi32> to vector<1xi32>
    %squeeze3A_411 = vector.extract %slice3A_410[0] : i32 from vector<1xi32>
    %sub3A_412 = vector.broadcast %squeeze3A_411 : i32 to vector<16xi32>
    %sub3A_413 = arith.subi %iota3A, %sub3A_412 : vector<16xi32>
    %abs3A_414 = math.absi %sub3A_413 : vector<16xi32>
    %min3A_415 = arith.constant 1 : i32
    %min3A_416 = vector.broadcast %min3A_415 : i32 to vector<16xi32>
    %min3A_417 = arith.minsi %abs3A_414, %min3A_416 : vector<16xi32>
    %sub3A_418 = arith.constant 1 : i32
    %sub3A_419 = vector.broadcast %sub3A_418 : i32 to vector<16xi32>
    %sub3A_420 = arith.subi %sub3A_419, %min3A_417 : vector<16xi32>
    %add3A_421 = arith.addi %add3A_409, %sub3A_420 : vector<16xi32>
    %slice3A_422 = vector.extract_strided_slice %get3A_397 {offsets = [2], sizes = [1], strides = [1]} : vector<16xi32> to vector<1xi32>
    %squeeze3A_423 = vector.extract %slice3A_422[0] : i32 from vector<1xi32>
    %sub3A_424 = vector.broadcast %squeeze3A_423 : i32 to vector<16xi32>
    %sub3A_425 = arith.subi %iota3A, %sub3A_424 : vector<16xi32>
    %abs3A_426 = math.absi %sub3A_425 : vector<16xi32>
    %min3A_427 = arith.constant 1 : i32
    %min3A_428 = vector.broadcast %min3A_427 : i32 to vector<16xi32>
    %min3A_429 = arith.minsi %abs3A_426, %min3A_428 : vector<16xi32>
    %sub3A_430 = arith.constant 1 : i32
    %sub3A_431 = vector.broadcast %sub3A_430 : i32 to vector<16xi32>
    %sub3A_432 = arith.subi %sub3A_431, %min3A_429 : vector<16xi32>
    %add3A_433 = arith.addi %add3A_421, %sub3A_432 : vector<16xi32>
    %slice3A_434 = vector.extract_strided_slice %get3A_397 {offsets = [3], sizes = [1], strides = [1]} : vector<16xi32> to vector<1xi32>
    %squeeze3A_435 = vector.extract %slice3A_434[0] : i32 from vector<1xi32>
    %sub3A_436 = vector.broadcast %squeeze3A_435 : i32 to vector<16xi32>
    %sub3A_437 = arith.subi %iota3A, %sub3A_436 : vector<16xi32>
    %abs3A_438 = math.absi %sub3A_437 : vector<16xi32>
    %min3A_439 = arith.constant 1 : i32
    %min3A_440 = vector.broadcast %min3A_439 : i32 to vector<16xi32>
    %min3A_441 = arith.minsi %abs3A_438, %min3A_440 : vector<16xi32>
    %sub3A_442 = arith.constant 1 : i32
    %sub3A_443 = vector.broadcast %sub3A_442 : i32 to vector<16xi32>
    %sub3A_444 = arith.subi %sub3A_443, %min3A_441 : vector<16xi32>
    %add3A_445 = arith.addi %add3A_433, %sub3A_444 : vector<16xi32>
    %slice3A_446 = vector.extract_strided_slice %get3A_397 {offsets = [4], sizes = [1], strides = [1]} : vector<16xi32> to vector<1xi32>
    %squeeze3A_447 = vector.extract %slice3A_446[0] : i32 from vector<1xi32>
    %sub3A_448 = vector.broadcast %squeeze3A_447 : i32 to vector<16xi32>
    %sub3A_449 = arith.subi %iota3A, %sub3A_448 : vector<16xi32>
    %abs3A_450 = math.absi %sub3A_449 : vector<16xi32>
    %min3A_451 = arith.constant 1 : i32
    %min3A_452 = vector.broadcast %min3A_451 : i32 to vector<16xi32>
    %min3A_453 = arith.minsi %abs3A_450, %min3A_452 : vector<16xi32>
    %sub3A_454 = arith.constant 1 : i32
    %sub3A_455 = vector.broadcast %sub3A_454 : i32 to vector<16xi32>
    %sub3A_456 = arith.subi %sub3A_455, %min3A_453 : vector<16xi32>
    %add3A_457 = arith.addi %add3A_445, %sub3A_456 : vector<16xi32>
    %slice3A_458 = vector.extract_strided_slice %get3A_397 {offsets = [5], sizes = [1], strides = [1]} : vector<16xi32> to vector<1xi32>
    %squeeze3A_459 = vector.extract %slice3A_458[0] : i32 from vector<1xi32>
    %sub3A_460 = vector.broadcast %squeeze3A_459 : i32 to vector<16xi32>
    %sub3A_461 = arith.subi %iota3A, %sub3A_460 : vector<16xi32>
    %abs3A_462 = math.absi %sub3A_461 : vector<16xi32>
    %min3A_463 = arith.constant 1 : i32
    %min3A_464 = vector.broadcast %min3A_463 : i32 to vector<16xi32>
    %min3A_465 = arith.minsi %abs3A_462, %min3A_464 : vector<16xi32>
    %sub3A_466 = arith.constant 1 : i32
    %sub3A_467 = vector.broadcast %sub3A_466 : i32 to vector<16xi32>
    %sub3A_468 = arith.subi %sub3A_467, %min3A_465 : vector<16xi32>
    %add3A_469 = arith.addi %add3A_457, %sub3A_468 : vector<16xi32>
    %slice3A_470 = vector.extract_strided_slice %get3A_397 {offsets = [6], sizes = [1], strides = [1]} : vector<16xi32> to vector<1xi32>
    %squeeze3A_471 = vector.extract %slice3A_470[0] : i32 from vector<1xi32>
    %sub3A_472 = vector.broadcast %squeeze3A_471 : i32 to vector<16xi32>
    %sub3A_473 = arith.subi %iota3A, %sub3A_472 : vector<16xi32>
    %abs3A_474 = math.absi %sub3A_473 : vector<16xi32>
    %min3A_475 = arith.constant 1 : i32
    %min3A_476 = vector.broadcast %min3A_475 : i32 to vector<16xi32>
    %min3A_477 = arith.minsi %abs3A_474, %min3A_476 : vector<16xi32>
    %sub3A_478 = arith.constant 1 : i32
    %sub3A_479 = vector.broadcast %sub3A_478 : i32 to vector<16xi32>
    %sub3A_480 = arith.subi %sub3A_479, %min3A_477 : vector<16xi32>
    %add3A_481 = arith.addi %add3A_469, %sub3A_480 : vector<16xi32>
    %slice3A_482 = vector.extract_strided_slice %get3A_397 {offsets = [7], sizes = [1], strides = [1]} : vector<16xi32> to vector<1xi32>
    %squeeze3A_483 = vector.extract %slice3A_482[0] : i32 from vector<1xi32>
    %sub3A_484 = vector.broadcast %squeeze3A_483 : i32 to vector<16xi32>
    %sub3A_485 = arith.subi %iota3A, %sub3A_484 : vector<16xi32>
    %abs3A_486 = math.absi %sub3A_485 : vector<16xi32>
    %min3A_487 = arith.constant 1 : i32
    %min3A_488 = vector.broadcast %min3A_487 : i32 to vector<16xi32>
    %min3A_489 = arith.minsi %abs3A_486, %min3A_488 : vector<16xi32>
    %sub3A_490 = arith.constant 1 : i32
    %sub3A_491 = vector.broadcast %sub3A_490 : i32 to vector<16xi32>
    %sub3A_492 = arith.subi %sub3A_491, %min3A_489 : vector<16xi32>
    %add3A_493 = arith.addi %add3A_481, %sub3A_492 : vector<16xi32>
    %slice3A_494 = vector.extract_strided_slice %get3A_397 {offsets = [8], sizes = [1], strides = [1]} : vector<16xi32> to vector<1xi32>
    %squeeze3A_495 = vector.extract %slice3A_494[0] : i32 from vector<1xi32>
    %sub3A_496 = vector.broadcast %squeeze3A_495 : i32 to vector<16xi32>
    %sub3A_497 = arith.subi %iota3A, %sub3A_496 : vector<16xi32>
    %abs3A_498 = math.absi %sub3A_497 : vector<16xi32>
    %min3A_499 = arith.constant 1 : i32
    %min3A_500 = vector.broadcast %min3A_499 : i32 to vector<16xi32>
    %min3A_501 = arith.minsi %abs3A_498, %min3A_500 : vector<16xi32>
    %sub3A_502 = arith.constant 1 : i32
    %sub3A_503 = vector.broadcast %sub3A_502 : i32 to vector<16xi32>
    %sub3A_504 = arith.subi %sub3A_503, %min3A_501 : vector<16xi32>
    %add3A_505 = arith.addi %add3A_493, %sub3A_504 : vector<16xi32>
    %slice3A_506 = vector.extract_strided_slice %get3A_397 {offsets = [9], sizes = [1], strides = [1]} : vector<16xi32> to vector<1xi32>
    %squeeze3A_507 = vector.extract %slice3A_506[0] : i32 from vector<1xi32>
    %sub3A_508 = vector.broadcast %squeeze3A_507 : i32 to vector<16xi32>
    %sub3A_509 = arith.subi %iota3A, %sub3A_508 : vector<16xi32>
    %abs3A_510 = math.absi %sub3A_509 : vector<16xi32>
    %min3A_511 = arith.constant 1 : i32
    %min3A_512 = vector.broadcast %min3A_511 : i32 to vector<16xi32>
    %min3A_513 = arith.minsi %abs3A_510, %min3A_512 : vector<16xi32>
    %sub3A_514 = arith.constant 1 : i32
    %sub3A_515 = vector.broadcast %sub3A_514 : i32 to vector<16xi32>
    %sub3A_516 = arith.subi %sub3A_515, %min3A_513 : vector<16xi32>
    %add3A_517 = arith.addi %add3A_505, %sub3A_516 : vector<16xi32>
    %slice3A_518 = vector.extract_strided_slice %get3A_397 {offsets = [10], sizes = [1], strides = [1]} : vector<16xi32> to vector<1xi32>
    %squeeze3A_519 = vector.extract %slice3A_518[0] : i32 from vector<1xi32>
    %sub3A_520 = vector.broadcast %squeeze3A_519 : i32 to vector<16xi32>
    %sub3A_521 = arith.subi %iota3A, %sub3A_520 : vector<16xi32>
    %abs3A_522 = math.absi %sub3A_521 : vector<16xi32>
    %min3A_523 = arith.constant 1 : i32
    %min3A_524 = vector.broadcast %min3A_523 : i32 to vector<16xi32>
    %min3A_525 = arith.minsi %abs3A_522, %min3A_524 : vector<16xi32>
    %sub3A_526 = arith.constant 1 : i32
    %sub3A_527 = vector.broadcast %sub3A_526 : i32 to vector<16xi32>
    %sub3A_528 = arith.subi %sub3A_527, %min3A_525 : vector<16xi32>
    %add3A_529 = arith.addi %add3A_517, %sub3A_528 : vector<16xi32>
    %slice3A_530 = vector.extract_strided_slice %get3A_397 {offsets = [11], sizes = [1], strides = [1]} : vector<16xi32> to vector<1xi32>
    %squeeze3A_531 = vector.extract %slice3A_530[0] : i32 from vector<1xi32>
    %sub3A_532 = vector.broadcast %squeeze3A_531 : i32 to vector<16xi32>
    %sub3A_533 = arith.subi %iota3A, %sub3A_532 : vector<16xi32>
    %abs3A_534 = math.absi %sub3A_533 : vector<16xi32>
    %min3A_535 = arith.constant 1 : i32
    %min3A_536 = vector.broadcast %min3A_535 : i32 to vector<16xi32>
    %min3A_537 = arith.minsi %abs3A_534, %min3A_536 : vector<16xi32>
    %sub3A_538 = arith.constant 1 : i32
    %sub3A_539 = vector.broadcast %sub3A_538 : i32 to vector<16xi32>
    %sub3A_540 = arith.subi %sub3A_539, %min3A_537 : vector<16xi32>
    %add3A_541 = arith.addi %add3A_529, %sub3A_540 : vector<16xi32>
    %slice3A_542 = vector.extract_strided_slice %get3A_397 {offsets = [12], sizes = [1], strides = [1]} : vector<16xi32> to vector<1xi32>
    %squeeze3A_543 = vector.extract %slice3A_542[0] : i32 from vector<1xi32>
    %sub3A_544 = vector.broadcast %squeeze3A_543 : i32 to vector<16xi32>
    %sub3A_545 = arith.subi %iota3A, %sub3A_544 : vector<16xi32>
    %abs3A_546 = math.absi %sub3A_545 : vector<16xi32>
    %min3A_547 = arith.constant 1 : i32
    %min3A_548 = vector.broadcast %min3A_547 : i32 to vector<16xi32>
    %min3A_549 = arith.minsi %abs3A_546, %min3A_548 : vector<16xi32>
    %sub3A_550 = arith.constant 1 : i32
    %sub3A_551 = vector.broadcast %sub3A_550 : i32 to vector<16xi32>
    %sub3A_552 = arith.subi %sub3A_551, %min3A_549 : vector<16xi32>
    %add3A_553 = arith.addi %add3A_541, %sub3A_552 : vector<16xi32>
    %slice3A_554 = vector.extract_strided_slice %get3A_397 {offsets = [13], sizes = [1], strides = [1]} : vector<16xi32> to vector<1xi32>
    %squeeze3A_555 = vector.extract %slice3A_554[0] : i32 from vector<1xi32>
    %sub3A_556 = vector.broadcast %squeeze3A_555 : i32 to vector<16xi32>
    %sub3A_557 = arith.subi %iota3A, %sub3A_556 : vector<16xi32>
    %abs3A_558 = math.absi %sub3A_557 : vector<16xi32>
    %min3A_559 = arith.constant 1 : i32
    %min3A_560 = vector.broadcast %min3A_559 : i32 to vector<16xi32>
    %min3A_561 = arith.minsi %abs3A_558, %min3A_560 : vector<16xi32>
    %sub3A_562 = arith.constant 1 : i32
    %sub3A_563 = vector.broadcast %sub3A_562 : i32 to vector<16xi32>
    %sub3A_564 = arith.subi %sub3A_563, %min3A_561 : vector<16xi32>
    %add3A_565 = arith.addi %add3A_553, %sub3A_564 : vector<16xi32>
    %slice3A_566 = vector.extract_strided_slice %get3A_397 {offsets = [14], sizes = [1], strides = [1]} : vector<16xi32> to vector<1xi32>
    %squeeze3A_567 = vector.extract %slice3A_566[0] : i32 from vector<1xi32>
    %sub3A_568 = vector.broadcast %squeeze3A_567 : i32 to vector<16xi32>
    %sub3A_569 = arith.subi %iota3A, %sub3A_568 : vector<16xi32>
    %abs3A_570 = math.absi %sub3A_569 : vector<16xi32>
    %min3A_571 = arith.constant 1 : i32
    %min3A_572 = vector.broadcast %min3A_571 : i32 to vector<16xi32>
    %min3A_573 = arith.minsi %abs3A_570, %min3A_572 : vector<16xi32>
    %sub3A_574 = arith.constant 1 : i32
    %sub3A_575 = vector.broadcast %sub3A_574 : i32 to vector<16xi32>
    %sub3A_576 = arith.subi %sub3A_575, %min3A_573 : vector<16xi32>
    %add3A_577 = arith.addi %add3A_565, %sub3A_576 : vector<16xi32>
    %slice3A_578 = vector.extract_strided_slice %get3A_397 {offsets = [15], sizes = [1], strides = [1]} : vector<16xi32> to vector<1xi32>
    %squeeze3A_579 = vector.extract %slice3A_578[0] : i32 from vector<1xi32>
    %sub3A_580 = vector.broadcast %squeeze3A_579 : i32 to vector<16xi32>
    %sub3A_581 = arith.subi %iota3A, %sub3A_580 : vector<16xi32>
    %abs3A_582 = math.absi %sub3A_581 : vector<16xi32>
    %min3A_583 = arith.constant 1 : i32
    %min3A_584 = vector.broadcast %min3A_583 : i32 to vector<16xi32>
    %min3A_585 = arith.minsi %abs3A_582, %min3A_584 : vector<16xi32>
    %sub3A_586 = arith.constant 1 : i32
    %sub3A_587 = vector.broadcast %sub3A_586 : i32 to vector<16xi32>
    %sub3A_588 = arith.subi %sub3A_587, %min3A_585 : vector<16xi32>
    %add3A_589 = arith.addi %add3A_577, %sub3A_588 : vector<16xi32>
    %get3A_590 = arith.constant 48 : index
    %get3A_591 = tpu.vector_load %arg7[%get3A_590] {strides = array<i32>} : memref<128xi32, #tpu.memory_space<vmem>>, vector<16xi32>,
    %get3A_592 = vector.shape_cast %get3A_591 : vector<16xi32> to vector<16xi32>
    %slice3A_593 = vector.extract_strided_slice %get3A_592 {offsets = [0], sizes = [1], strides = [1]} : vector<16xi32> to vector<1xi32>
    %squeeze3A_594 = vector.extract %slice3A_593[0] : i32 from vector<1xi32>
    %sub3A_595 = vector.broadcast %squeeze3A_594 : i32 to vector<16xi32>
    %sub3A_596 = arith.subi %iota3A, %sub3A_595 : vector<16xi32>
    %abs3A_597 = math.absi %sub3A_596 : vector<16xi32>
    %min3A_598 = arith.constant 1 : i32
    %min3A_599 = vector.broadcast %min3A_598 : i32 to vector<16xi32>
    %min3A_600 = arith.minsi %abs3A_597, %min3A_599 : vector<16xi32>
    %sub3A_601 = arith.constant 1 : i32
    %sub3A_602 = vector.broadcast %sub3A_601 : i32 to vector<16xi32>
    %sub3A_603 = arith.subi %sub3A_602, %min3A_600 : vector<16xi32>
    %add3A_604 = arith.addi %add3A_589, %sub3A_603 : vector<16xi32>
    %slice3A_605 = vector.extract_strided_slice %get3A_592 {offsets = [1], sizes = [1], strides = [1]} : vector<16xi32> to vector<1xi32>
    %squeeze3A_606 = vector.extract %slice3A_605[0] : i32 from vector<1xi32>
    %sub3A_607 = vector.broadcast %squeeze3A_606 : i32 to vector<16xi32>
    %sub3A_608 = arith.subi %iota3A, %sub3A_607 : vector<16xi32>
    %abs3A_609 = math.absi %sub3A_608 : vector<16xi32>
    %min3A_610 = arith.constant 1 : i32
    %min3A_611 = vector.broadcast %min3A_610 : i32 to vector<16xi32>
    %min3A_612 = arith.minsi %abs3A_609, %min3A_611 : vector<16xi32>
    %sub3A_613 = arith.constant 1 : i32
    %sub3A_614 = vector.broadcast %sub3A_613 : i32 to vector<16xi32>
    %sub3A_615 = arith.subi %sub3A_614, %min3A_612 : vector<16xi32>
    %add3A_616 = arith.addi %add3A_604, %sub3A_615 : vector<16xi32>
    %slice3A_617 = vector.extract_strided_slice %get3A_592 {offsets = [2], sizes = [1], strides = [1]} : vector<16xi32> to vector<1xi32>
    %squeeze3A_618 = vector.extract %slice3A_617[0] : i32 from vector<1xi32>
    %sub3A_619 = vector.broadcast %squeeze3A_618 : i32 to vector<16xi32>
    %sub3A_620 = arith.subi %iota3A, %sub3A_619 : vector<16xi32>
    %abs3A_621 = math.absi %sub3A_620 : vector<16xi32>
    %min3A_622 = arith.constant 1 : i32
    %min3A_623 = vector.broadcast %min3A_622 : i32 to vector<16xi32>
    %min3A_624 = arith.minsi %abs3A_621, %min3A_623 : vector<16xi32>
    %sub3A_625 = arith.constant 1 : i32
    %sub3A_626 = vector.broadcast %sub3A_625 : i32 to vector<16xi32>
    %sub3A_627 = arith.subi %sub3A_626, %min3A_624 : vector<16xi32>
    %add3A_628 = arith.addi %add3A_616, %sub3A_627 : vector<16xi32>
    %slice3A_629 = vector.extract_strided_slice %get3A_592 {offsets = [3], sizes = [1], strides = [1]} : vector<16xi32> to vector<1xi32>
    %squeeze3A_630 = vector.extract %slice3A_629[0] : i32 from vector<1xi32>
    %sub3A_631 = vector.broadcast %squeeze3A_630 : i32 to vector<16xi32>
    %sub3A_632 = arith.subi %iota3A, %sub3A_631 : vector<16xi32>
    %abs3A_633 = math.absi %sub3A_632 : vector<16xi32>
    %min3A_634 = arith.constant 1 : i32
    %min3A_635 = vector.broadcast %min3A_634 : i32 to vector<16xi32>
    %min3A_636 = arith.minsi %abs3A_633, %min3A_635 : vector<16xi32>
    %sub3A_637 = arith.constant 1 : i32
    %sub3A_638 = vector.broadcast %sub3A_637 : i32 to vector<16xi32>
    %sub3A_639 = arith.subi %sub3A_638, %min3A_636 : vector<16xi32>
    %add3A_640 = arith.addi %add3A_628, %sub3A_639 : vector<16xi32>
    %slice3A_641 = vector.extract_strided_slice %get3A_592 {offsets = [4], sizes = [1], strides = [1]} : vector<16xi32> to vector<1xi32>
    %squeeze3A_642 = vector.extract %slice3A_641[0] : i32 from vector<1xi32>
    %sub3A_643 = vector.broadcast %squeeze3A_642 : i32 to vector<16xi32>
    %sub3A_644 = arith.subi %iota3A, %sub3A_643 : vector<16xi32>
    %abs3A_645 = math.absi %sub3A_644 : vector<16xi32>
    %min3A_646 = arith.constant 1 : i32
    %min3A_647 = vector.broadcast %min3A_646 : i32 to vector<16xi32>
    %min3A_648 = arith.minsi %abs3A_645, %min3A_647 : vector<16xi32>
    %sub3A_649 = arith.constant 1 : i32
    %sub3A_650 = vector.broadcast %sub3A_649 : i32 to vector<16xi32>
    %sub3A_651 = arith.subi %sub3A_650, %min3A_648 : vector<16xi32>
    %add3A_652 = arith.addi %add3A_640, %sub3A_651 : vector<16xi32>
    %slice3A_653 = vector.extract_strided_slice %get3A_592 {offsets = [5], sizes = [1], strides = [1]} : vector<16xi32> to vector<1xi32>
    %squeeze3A_654 = vector.extract %slice3A_653[0] : i32 from vector<1xi32>
    %sub3A_655 = vector.broadcast %squeeze3A_654 : i32 to vector<16xi32>
    %sub3A_656 = arith.subi %iota3A, %sub3A_655 : vector<16xi32>
    %abs3A_657 = math.absi %sub3A_656 : vector<16xi32>
    %min3A_658 = arith.constant 1 : i32
    %min3A_659 = vector.broadcast %min3A_658 : i32 to vector<16xi32>
    %min3A_660 = arith.minsi %abs3A_657, %min3A_659 : vector<16xi32>
    %sub3A_661 = arith.constant 1 : i32
    %sub3A_662 = vector.broadcast %sub3A_661 : i32 to vector<16xi32>
    %sub3A_663 = arith.subi %sub3A_662, %min3A_660 : vector<16xi32>
    %add3A_664 = arith.addi %add3A_652, %sub3A_663 : vector<16xi32>
    %slice3A_665 = vector.extract_strided_slice %get3A_592 {offsets = [6], sizes = [1], strides = [1]} : vector<16xi32> to vector<1xi32>
    %squeeze3A_666 = vector.extract %slice3A_665[0] : i32 from vector<1xi32>
    %sub3A_667 = vector.broadcast %squeeze3A_666 : i32 to vector<16xi32>
    %sub3A_668 = arith.subi %iota3A, %sub3A_667 : vector<16xi32>
    %abs3A_669 = math.absi %sub3A_668 : vector<16xi32>
    %min3A_670 = arith.constant 1 : i32
    %min3A_671 = vector.broadcast %min3A_670 : i32 to vector<16xi32>
    %min3A_672 = arith.minsi %abs3A_669, %min3A_671 : vector<16xi32>
    %sub3A_673 = arith.constant 1 : i32
    %sub3A_674 = vector.broadcast %sub3A_673 : i32 to vector<16xi32>
    %sub3A_675 = arith.subi %sub3A_674, %min3A_672 : vector<16xi32>
    %add3A_676 = arith.addi %add3A_664, %sub3A_675 : vector<16xi32>
    %slice3A_677 = vector.extract_strided_slice %get3A_592 {offsets = [7], sizes = [1], strides = [1]} : vector<16xi32> to vector<1xi32>
    %squeeze3A_678 = vector.extract %slice3A_677[0] : i32 from vector<1xi32>
    %sub3A_679 = vector.broadcast %squeeze3A_678 : i32 to vector<16xi32>
    %sub3A_680 = arith.subi %iota3A, %sub3A_679 : vector<16xi32>
    %abs3A_681 = math.absi %sub3A_680 : vector<16xi32>
    %min3A_682 = arith.constant 1 : i32
    %min3A_683 = vector.broadcast %min3A_682 : i32 to vector<16xi32>
    %min3A_684 = arith.minsi %abs3A_681, %min3A_683 : vector<16xi32>
    %sub3A_685 = arith.constant 1 : i32
    %sub3A_686 = vector.broadcast %sub3A_685 : i32 to vector<16xi32>
    %sub3A_687 = arith.subi %sub3A_686, %min3A_684 : vector<16xi32>
    %add3A_688 = arith.addi %add3A_676, %sub3A_687 : vector<16xi32>
    %slice3A_689 = vector.extract_strided_slice %get3A_592 {offsets = [8], sizes = [1], strides = [1]} : vector<16xi32> to vector<1xi32>
    %squeeze3A_690 = vector.extract %slice3A_689[0] : i32 from vector<1xi32>
    %sub3A_691 = vector.broadcast %squeeze3A_690 : i32 to vector<16xi32>
    %sub3A_692 = arith.subi %iota3A, %sub3A_691 : vector<16xi32>
    %abs3A_693 = math.absi %sub3A_692 : vector<16xi32>
    %min3A_694 = arith.constant 1 : i32
    %min3A_695 = vector.broadcast %min3A_694 : i32 to vector<16xi32>
    %min3A_696 = arith.minsi %abs3A_693, %min3A_695 : vector<16xi32>
    %sub3A_697 = arith.constant 1 : i32
    %sub3A_698 = vector.broadcast %sub3A_697 : i32 to vector<16xi32>
    %sub3A_699 = arith.subi %sub3A_698, %min3A_696 : vector<16xi32>
    %add3A_700 = arith.addi %add3A_688, %sub3A_699 : vector<16xi32>
    %slice3A_701 = vector.extract_strided_slice %get3A_592 {offsets = [9], sizes = [1], strides = [1]} : vector<16xi32> to vector<1xi32>
    %squeeze3A_702 = vector.extract %slice3A_701[0] : i32 from vector<1xi32>
    %sub3A_703 = vector.broadcast %squeeze3A_702 : i32 to vector<16xi32>
    %sub3A_704 = arith.subi %iota3A, %sub3A_703 : vector<16xi32>
    %abs3A_705 = math.absi %sub3A_704 : vector<16xi32>
    %min3A_706 = arith.constant 1 : i32
    %min3A_707 = vector.broadcast %min3A_706 : i32 to vector<16xi32>
    %min3A_708 = arith.minsi %abs3A_705, %min3A_707 : vector<16xi32>
    %sub3A_709 = arith.constant 1 : i32
    %sub3A_710 = vector.broadcast %sub3A_709 : i32 to vector<16xi32>
    %sub3A_711 = arith.subi %sub3A_710, %min3A_708 : vector<16xi32>
    %add3A_712 = arith.addi %add3A_700, %sub3A_711 : vector<16xi32>
    %slice3A_713 = vector.extract_strided_slice %get3A_592 {offsets = [10], sizes = [1], strides = [1]} : vector<16xi32> to vector<1xi32>
    %squeeze3A_714 = vector.extract %slice3A_713[0] : i32 from vector<1xi32>
    %sub3A_715 = vector.broadcast %squeeze3A_714 : i32 to vector<16xi32>
    %sub3A_716 = arith.subi %iota3A, %sub3A_715 : vector<16xi32>
    %abs3A_717 = math.absi %sub3A_716 : vector<16xi32>
    %min3A_718 = arith.constant 1 : i32
    %min3A_719 = vector.broadcast %min3A_718 : i32 to vector<16xi32>
    %min3A_720 = arith.minsi %abs3A_717, %min3A_719 : vector<16xi32>
    %sub3A_721 = arith.constant 1 : i32
    %sub3A_722 = vector.broadcast %sub3A_721 : i32 to vector<16xi32>
    %sub3A_723 = arith.subi %sub3A_722, %min3A_720 : vector<16xi32>
    %add3A_724 = arith.addi %add3A_712, %sub3A_723 : vector<16xi32>
    %slice3A_725 = vector.extract_strided_slice %get3A_592 {offsets = [11], sizes = [1], strides = [1]} : vector<16xi32> to vector<1xi32>
    %squeeze3A_726 = vector.extract %slice3A_725[0] : i32 from vector<1xi32>
    %sub3A_727 = vector.broadcast %squeeze3A_726 : i32 to vector<16xi32>
    %sub3A_728 = arith.subi %iota3A, %sub3A_727 : vector<16xi32>
    %abs3A_729 = math.absi %sub3A_728 : vector<16xi32>
    %min3A_730 = arith.constant 1 : i32
    %min3A_731 = vector.broadcast %min3A_730 : i32 to vector<16xi32>
    %min3A_732 = arith.minsi %abs3A_729, %min3A_731 : vector<16xi32>
    %sub3A_733 = arith.constant 1 : i32
    %sub3A_734 = vector.broadcast %sub3A_733 : i32 to vector<16xi32>
    %sub3A_735 = arith.subi %sub3A_734, %min3A_732 : vector<16xi32>
    %add3A_736 = arith.addi %add3A_724, %sub3A_735 : vector<16xi32>
    %slice3A_737 = vector.extract_strided_slice %get3A_592 {offsets = [12], sizes = [1], strides = [1]} : vector<16xi32> to vector<1xi32>
    %squeeze3A_738 = vector.extract %slice3A_737[0] : i32 from vector<1xi32>
    %sub3A_739 = vector.broadcast %squeeze3A_738 : i32 to vector<16xi32>
    %sub3A_740 = arith.subi %iota3A, %sub3A_739 : vector<16xi32>
    %abs3A_741 = math.absi %sub3A_740 : vector<16xi32>
    %min3A_742 = arith.constant 1 : i32
    %min3A_743 = vector.broadcast %min3A_742 : i32 to vector<16xi32>
    %min3A_744 = arith.minsi %abs3A_741, %min3A_743 : vector<16xi32>
    %sub3A_745 = arith.constant 1 : i32
    %sub3A_746 = vector.broadcast %sub3A_745 : i32 to vector<16xi32>
    %sub3A_747 = arith.subi %sub3A_746, %min3A_744 : vector<16xi32>
    %add3A_748 = arith.addi %add3A_736, %sub3A_747 : vector<16xi32>
    %slice3A_749 = vector.extract_strided_slice %get3A_592 {offsets = [13], sizes = [1], strides = [1]} : vector<16xi32> to vector<1xi32>
    %squeeze3A_750 = vector.extract %slice3A_749[0] : i32 from vector<1xi32>
    %sub3A_751 = vector.broadcast %squeeze3A_750 : i32 to vector<16xi32>
    %sub3A_752 = arith.subi %iota3A, %sub3A_751 : vector<16xi32>
    %abs3A_753 = math.absi %sub3A_752 : vector<16xi32>
    %min3A_754 = arith.constant 1 : i32
    %min3A_755 = vector.broadcast %min3A_754 : i32 to vector<16xi32>
    %min3A_756 = arith.minsi %abs3A_753, %min3A_755 : vector<16xi32>
    %sub3A_757 = arith.constant 1 : i32
    %sub3A_758 = vector.broadcast %sub3A_757 : i32 to vector<16xi32>
    %sub3A_759 = arith.subi %sub3A_758, %min3A_756 : vector<16xi32>
    %add3A_760 = arith.addi %add3A_748, %sub3A_759 : vector<16xi32>
    %slice3A_761 = vector.extract_strided_slice %get3A_592 {offsets = [14], sizes = [1], strides = [1]} : vector<16xi32> to vector<1xi32>
    %squeeze3A_762 = vector.extract %slice3A_761[0] : i32 from vector<1xi32>
    %sub3A_763 = vector.broadcast %squeeze3A_762 : i32 to vector<16xi32>
    %sub3A_764 = arith.subi %iota3A, %sub3A_763 : vector<16xi32>
    %abs3A_765 = math.absi %sub3A_764 : vector<16xi32>
    %min3A_766 = arith.constant 1 : i32
    %min3A_767 = vector.broadcast %min3A_766 : i32 to vector<16xi32>
    %min3A_768 = arith.minsi %abs3A_765, %min3A_767 : vector<16xi32>
    %sub3A_769 = arith.constant 1 : i32
    %sub3A_770 = vector.broadcast %sub3A_769 : i32 to vector<16xi32>
    %sub3A_771 = arith.subi %sub3A_770, %min3A_768 : vector<16xi32>
    %add3A_772 = arith.addi %add3A_760, %sub3A_771 : vector<16xi32>
    %slice3A_773 = vector.extract_strided_slice %get3A_592 {offsets = [15], sizes = [1], strides = [1]} : vector<16xi32> to vector<1xi32>
    %squeeze3A_774 = vector.extract %slice3A_773[0] : i32 from vector<1xi32>
    %sub3A_775 = vector.broadcast %squeeze3A_774 : i32 to vector<16xi32>
    %sub3A_776 = arith.subi %iota3A, %sub3A_775 : vector<16xi32>
    %abs3A_777 = math.absi %sub3A_776 : vector<16xi32>
    %min3A_778 = arith.constant 1 : i32
    %min3A_779 = vector.broadcast %min3A_778 : i32 to vector<16xi32>
    %min3A_780 = arith.minsi %abs3A_777, %min3A_779 : vector<16xi32>
    %sub3A_781 = arith.constant 1 : i32
    %sub3A_782 = vector.broadcast %sub3A_781 : i32 to vector<16xi32>
    %sub3A_783 = arith.subi %sub3A_782, %min3A_780 : vector<16xi32>
    %add3A_784 = arith.addi %add3A_772, %sub3A_783 : vector<16xi32>
    %swap3A = arith.constant 0 : index
    %swap3A_785 = tpu.vector_load %arg8[%swap3A] {strides = array<i32>} : memref<16xi32, #tpu.memory_space<vmem>>, vector<16xi32>,
    %swap3A_786 = vector.shape_cast %swap3A_785 : vector<16xi32> to vector<16xi32>
    %swap3A_787 = vector.shape_cast %add3A_784 : vector<16xi32> to vector<16xi32>
    tpu.vector_store %arg8[%swap3A], %swap3A_787 {strides = array<i32>} : memref<16xi32, #tpu.memory_space<vmem>>, vector<16xi32>,
    %broadcast_in_dim3A_788 = arith.constant 0 : i32
    %broadcast_in_dim3A_789 = vector.broadcast %broadcast_in_dim3A_788 : i32 to vector<16xi32>
    %get3A_790 = arith.constant 64 : index
    %get3A_791 = tpu.vector_load %arg7[%get3A_790] {strides = array<i32>} : memref<128xi32, #tpu.memory_space<vmem>>, vector<16xi32>,
    %get3A_792 = vector.shape_cast %get3A_791 : vector<16xi32> to vector<16xi32>
    %slice3A_793 = vector.extract_strided_slice %get3A_792 {offsets = [0], sizes = [1], strides = [1]} : vector<16xi32> to vector<1xi32>
    %squeeze3A_794 = vector.extract %slice3A_793[0] : i32 from vector<1xi32>
    %sub3A_795 = vector.broadcast %squeeze3A_794 : i32 to vector<16xi32>
    %sub3A_796 = arith.subi %iota3A, %sub3A_795 : vector<16xi32>
    %abs3A_797 = math.absi %sub3A_796 : vector<16xi32>
    %min3A_798 = arith.constant 1 : i32
    %min3A_799 = vector.broadcast %min3A_798 : i32 to vector<16xi32>
    %min3A_800 = arith.minsi %abs3A_797, %min3A_799 : vector<16xi32>
    %sub3A_801 = arith.constant 1 : i32
    %sub3A_802 = vector.broadcast %sub3A_801 : i32 to vector<16xi32>
    %sub3A_803 = arith.subi %sub3A_802, %min3A_800 : vector<16xi32>
    %add3A_804 = arith.addi %broadcast_in_dim3A_789, %sub3A_803 : vector<16xi32>
    %slice3A_805 = vector.extract_strided_slice %get3A_792 {offsets = [1], sizes = [1], strides = [1]} : vector<16xi32> to vector<1xi32>
    %squeeze3A_806 = vector.extract %slice3A_805[0] : i32 from vector<1xi32>
    %sub3A_807 = vector.broadcast %squeeze3A_806 : i32 to vector<16xi32>
    %sub3A_808 = arith.subi %iota3A, %sub3A_807 : vector<16xi32>
    %abs3A_809 = math.absi %sub3A_808 : vector<16xi32>
    %min3A_810 = arith.constant 1 : i32
    %min3A_811 = vector.broadcast %min3A_810 : i32 to vector<16xi32>
    %min3A_812 = arith.minsi %abs3A_809, %min3A_811 : vector<16xi32>
    %sub3A_813 = arith.constant 1 : i32
    %sub3A_814 = vector.broadcast %sub3A_813 : i32 to vector<16xi32>
    %sub3A_815 = arith.subi %sub3A_814, %min3A_812 : vector<16xi32>
    %add3A_816 = arith.addi %add3A_804, %sub3A_815 : vector<16xi32>
    %slice3A_817 = vector.extract_strided_slice %get3A_792 {offsets = [2], sizes = [1], strides = [1]} : vector<16xi32> to vector<1xi32>
    %squeeze3A_818 = vector.extract %slice3A_817[0] : i32 from vector<1xi32>
    %sub3A_819 = vector.broadcast %squeeze3A_818 : i32 to vector<16xi32>
    %sub3A_820 = arith.subi %iota3A, %sub3A_819 : vector<16xi32>
    %abs3A_821 = math.absi %sub3A_820 : vector<16xi32>
    %min3A_822 = arith.constant 1 : i32
    %min3A_823 = vector.broadcast %min3A_822 : i32 to vector<16xi32>
    %min3A_824 = arith.minsi %abs3A_821, %min3A_823 : vector<16xi32>
    %sub3A_825 = arith.constant 1 : i32
    %sub3A_826 = vector.broadcast %sub3A_825 : i32 to vector<16xi32>
    %sub3A_827 = arith.subi %sub3A_826, %min3A_824 : vector<16xi32>
    %add3A_828 = arith.addi %add3A_816, %sub3A_827 : vector<16xi32>
    %slice3A_829 = vector.extract_strided_slice %get3A_792 {offsets = [3], sizes = [1], strides = [1]} : vector<16xi32> to vector<1xi32>
    %squeeze3A_830 = vector.extract %slice3A_829[0] : i32 from vector<1xi32>
    %sub3A_831 = vector.broadcast %squeeze3A_830 : i32 to vector<16xi32>
    %sub3A_832 = arith.subi %iota3A, %sub3A_831 : vector<16xi32>
    %abs3A_833 = math.absi %sub3A_832 : vector<16xi32>
    %min3A_834 = arith.constant 1 : i32
    %min3A_835 = vector.broadcast %min3A_834 : i32 to vector<16xi32>
    %min3A_836 = arith.minsi %abs3A_833, %min3A_835 : vector<16xi32>
    %sub3A_837 = arith.constant 1 : i32
    %sub3A_838 = vector.broadcast %sub3A_837 : i32 to vector<16xi32>
    %sub3A_839 = arith.subi %sub3A_838, %min3A_836 : vector<16xi32>
    %add3A_840 = arith.addi %add3A_828, %sub3A_839 : vector<16xi32>
    %slice3A_841 = vector.extract_strided_slice %get3A_792 {offsets = [4], sizes = [1], strides = [1]} : vector<16xi32> to vector<1xi32>
    %squeeze3A_842 = vector.extract %slice3A_841[0] : i32 from vector<1xi32>
    %sub3A_843 = vector.broadcast %squeeze3A_842 : i32 to vector<16xi32>
    %sub3A_844 = arith.subi %iota3A, %sub3A_843 : vector<16xi32>
    %abs3A_845 = math.absi %sub3A_844 : vector<16xi32>
    %min3A_846 = arith.constant 1 : i32
    %min3A_847 = vector.broadcast %min3A_846 : i32 to vector<16xi32>
    %min3A_848 = arith.minsi %abs3A_845, %min3A_847 : vector<16xi32>
    %sub3A_849 = arith.constant 1 : i32
    %sub3A_850 = vector.broadcast %sub3A_849 : i32 to vector<16xi32>
    %sub3A_851 = arith.subi %sub3A_850, %min3A_848 : vector<16xi32>
    %add3A_852 = arith.addi %add3A_840, %sub3A_851 : vector<16xi32>
    %slice3A_853 = vector.extract_strided_slice %get3A_792 {offsets = [5], sizes = [1], strides = [1]} : vector<16xi32> to vector<1xi32>
    %squeeze3A_854 = vector.extract %slice3A_853[0] : i32 from vector<1xi32>
    %sub3A_855 = vector.broadcast %squeeze3A_854 : i32 to vector<16xi32>
    %sub3A_856 = arith.subi %iota3A, %sub3A_855 : vector<16xi32>
    %abs3A_857 = math.absi %sub3A_856 : vector<16xi32>
    %min3A_858 = arith.constant 1 : i32
    %min3A_859 = vector.broadcast %min3A_858 : i32 to vector<16xi32>
    %min3A_860 = arith.minsi %abs3A_857, %min3A_859 : vector<16xi32>
    %sub3A_861 = arith.constant 1 : i32
    %sub3A_862 = vector.broadcast %sub3A_861 : i32 to vector<16xi32>
    %sub3A_863 = arith.subi %sub3A_862, %min3A_860 : vector<16xi32>
    %add3A_864 = arith.addi %add3A_852, %sub3A_863 : vector<16xi32>
    %slice3A_865 = vector.extract_strided_slice %get3A_792 {offsets = [6], sizes = [1], strides = [1]} : vector<16xi32> to vector<1xi32>
    %squeeze3A_866 = vector.extract %slice3A_865[0] : i32 from vector<1xi32>
    %sub3A_867 = vector.broadcast %squeeze3A_866 : i32 to vector<16xi32>
    %sub3A_868 = arith.subi %iota3A, %sub3A_867 : vector<16xi32>
    %abs3A_869 = math.absi %sub3A_868 : vector<16xi32>
    %min3A_870 = arith.constant 1 : i32
    %min3A_871 = vector.broadcast %min3A_870 : i32 to vector<16xi32>
    %min3A_872 = arith.minsi %abs3A_869, %min3A_871 : vector<16xi32>
    %sub3A_873 = arith.constant 1 : i32
    %sub3A_874 = vector.broadcast %sub3A_873 : i32 to vector<16xi32>
    %sub3A_875 = arith.subi %sub3A_874, %min3A_872 : vector<16xi32>
    %add3A_876 = arith.addi %add3A_864, %sub3A_875 : vector<16xi32>
    %slice3A_877 = vector.extract_strided_slice %get3A_792 {offsets = [7], sizes = [1], strides = [1]} : vector<16xi32> to vector<1xi32>
    %squeeze3A_878 = vector.extract %slice3A_877[0] : i32 from vector<1xi32>
    %sub3A_879 = vector.broadcast %squeeze3A_878 : i32 to vector<16xi32>
    %sub3A_880 = arith.subi %iota3A, %sub3A_879 : vector<16xi32>
    %abs3A_881 = math.absi %sub3A_880 : vector<16xi32>
    %min3A_882 = arith.constant 1 : i32
    %min3A_883 = vector.broadcast %min3A_882 : i32 to vector<16xi32>
    %min3A_884 = arith.minsi %abs3A_881, %min3A_883 : vector<16xi32>
    %sub3A_885 = arith.constant 1 : i32
    %sub3A_886 = vector.broadcast %sub3A_885 : i32 to vector<16xi32>
    %sub3A_887 = arith.subi %sub3A_886, %min3A_884 : vector<16xi32>
    %add3A_888 = arith.addi %add3A_876, %sub3A_887 : vector<16xi32>
    %slice3A_889 = vector.extract_strided_slice %get3A_792 {offsets = [8], sizes = [1], strides = [1]} : vector<16xi32> to vector<1xi32>
    %squeeze3A_890 = vector.extract %slice3A_889[0] : i32 from vector<1xi32>
    %sub3A_891 = vector.broadcast %squeeze3A_890 : i32 to vector<16xi32>
    %sub3A_892 = arith.subi %iota3A, %sub3A_891 : vector<16xi32>
    %abs3A_893 = math.absi %sub3A_892 : vector<16xi32>
    %min3A_894 = arith.constant 1 : i32
    %min3A_895 = vector.broadcast %min3A_894 : i32 to vector<16xi32>
    %min3A_896 = arith.minsi %abs3A_893, %min3A_895 : vector<16xi32>
    %sub3A_897 = arith.constant 1 : i32
    %sub3A_898 = vector.broadcast %sub3A_897 : i32 to vector<16xi32>
    %sub3A_899 = arith.subi %sub3A_898, %min3A_896 : vector<16xi32>
    %add3A_900 = arith.addi %add3A_888, %sub3A_899 : vector<16xi32>
    %slice3A_901 = vector.extract_strided_slice %get3A_792 {offsets = [9], sizes = [1], strides = [1]} : vector<16xi32> to vector<1xi32>
    %squeeze3A_902 = vector.extract %slice3A_901[0] : i32 from vector<1xi32>
    %sub3A_903 = vector.broadcast %squeeze3A_902 : i32 to vector<16xi32>
    %sub3A_904 = arith.subi %iota3A, %sub3A_903 : vector<16xi32>
    %abs3A_905 = math.absi %sub3A_904 : vector<16xi32>
    %min3A_906 = arith.constant 1 : i32
    %min3A_907 = vector.broadcast %min3A_906 : i32 to vector<16xi32>
    %min3A_908 = arith.minsi %abs3A_905, %min3A_907 : vector<16xi32>
    %sub3A_909 = arith.constant 1 : i32
    %sub3A_910 = vector.broadcast %sub3A_909 : i32 to vector<16xi32>
    %sub3A_911 = arith.subi %sub3A_910, %min3A_908 : vector<16xi32>
    %add3A_912 = arith.addi %add3A_900, %sub3A_911 : vector<16xi32>
    %slice3A_913 = vector.extract_strided_slice %get3A_792 {offsets = [10], sizes = [1], strides = [1]} : vector<16xi32> to vector<1xi32>
    %squeeze3A_914 = vector.extract %slice3A_913[0] : i32 from vector<1xi32>
    %sub3A_915 = vector.broadcast %squeeze3A_914 : i32 to vector<16xi32>
    %sub3A_916 = arith.subi %iota3A, %sub3A_915 : vector<16xi32>
    %abs3A_917 = math.absi %sub3A_916 : vector<16xi32>
    %min3A_918 = arith.constant 1 : i32
    %min3A_919 = vector.broadcast %min3A_918 : i32 to vector<16xi32>
    %min3A_920 = arith.minsi %abs3A_917, %min3A_919 : vector<16xi32>
    %sub3A_921 = arith.constant 1 : i32
    %sub3A_922 = vector.broadcast %sub3A_921 : i32 to vector<16xi32>
    %sub3A_923 = arith.subi %sub3A_922, %min3A_920 : vector<16xi32>
    %add3A_924 = arith.addi %add3A_912, %sub3A_923 : vector<16xi32>
    %slice3A_925 = vector.extract_strided_slice %get3A_792 {offsets = [11], sizes = [1], strides = [1]} : vector<16xi32> to vector<1xi32>
    %squeeze3A_926 = vector.extract %slice3A_925[0] : i32 from vector<1xi32>
    %sub3A_927 = vector.broadcast %squeeze3A_926 : i32 to vector<16xi32>
    %sub3A_928 = arith.subi %iota3A, %sub3A_927 : vector<16xi32>
    %abs3A_929 = math.absi %sub3A_928 : vector<16xi32>
    %min3A_930 = arith.constant 1 : i32
    %min3A_931 = vector.broadcast %min3A_930 : i32 to vector<16xi32>
    %min3A_932 = arith.minsi %abs3A_929, %min3A_931 : vector<16xi32>
    %sub3A_933 = arith.constant 1 : i32
    %sub3A_934 = vector.broadcast %sub3A_933 : i32 to vector<16xi32>
    %sub3A_935 = arith.subi %sub3A_934, %min3A_932 : vector<16xi32>
    %add3A_936 = arith.addi %add3A_924, %sub3A_935 : vector<16xi32>
    %slice3A_937 = vector.extract_strided_slice %get3A_792 {offsets = [12], sizes = [1], strides = [1]} : vector<16xi32> to vector<1xi32>
    %squeeze3A_938 = vector.extract %slice3A_937[0] : i32 from vector<1xi32>
    %sub3A_939 = vector.broadcast %squeeze3A_938 : i32 to vector<16xi32>
    %sub3A_940 = arith.subi %iota3A, %sub3A_939 : vector<16xi32>
    %abs3A_941 = math.absi %sub3A_940 : vector<16xi32>
    %min3A_942 = arith.constant 1 : i32
    %min3A_943 = vector.broadcast %min3A_942 : i32 to vector<16xi32>
    %min3A_944 = arith.minsi %abs3A_941, %min3A_943 : vector<16xi32>
    %sub3A_945 = arith.constant 1 : i32
    %sub3A_946 = vector.broadcast %sub3A_945 : i32 to vector<16xi32>
    %sub3A_947 = arith.subi %sub3A_946, %min3A_944 : vector<16xi32>
    %add3A_948 = arith.addi %add3A_936, %sub3A_947 : vector<16xi32>
    %slice3A_949 = vector.extract_strided_slice %get3A_792 {offsets = [13], sizes = [1], strides = [1]} : vector<16xi32> to vector<1xi32>
    %squeeze3A_950 = vector.extract %slice3A_949[0] : i32 from vector<1xi32>
    %sub3A_951 = vector.broadcast %squeeze3A_950 : i32 to vector<16xi32>
    %sub3A_952 = arith.subi %iota3A, %sub3A_951 : vector<16xi32>
    %abs3A_953 = math.absi %sub3A_952 : vector<16xi32>
    %min3A_954 = arith.constant 1 : i32
    %min3A_955 = vector.broadcast %min3A_954 : i32 to vector<16xi32>
    %min3A_956 = arith.minsi %abs3A_953, %min3A_955 : vector<16xi32>
    %sub3A_957 = arith.constant 1 : i32
    %sub3A_958 = vector.broadcast %sub3A_957 : i32 to vector<16xi32>
    %sub3A_959 = arith.subi %sub3A_958, %min3A_956 : vector<16xi32>
    %add3A_960 = arith.addi %add3A_948, %sub3A_959 : vector<16xi32>
    %slice3A_961 = vector.extract_strided_slice %get3A_792 {offsets = [14], sizes = [1], strides = [1]} : vector<16xi32> to vector<1xi32>
    %squeeze3A_962 = vector.extract %slice3A_961[0] : i32 from vector<1xi32>
    %sub3A_963 = vector.broadcast %squeeze3A_962 : i32 to vector<16xi32>
    %sub3A_964 = arith.subi %iota3A, %sub3A_963 : vector<16xi32>
    %abs3A_965 = math.absi %sub3A_964 : vector<16xi32>
    %min3A_966 = arith.constant 1 : i32
    %min3A_967 = vector.broadcast %min3A_966 : i32 to vector<16xi32>
    %min3A_968 = arith.minsi %abs3A_965, %min3A_967 : vector<16xi32>
    %sub3A_969 = arith.constant 1 : i32
    %sub3A_970 = vector.broadcast %sub3A_969 : i32 to vector<16xi32>
    %sub3A_971 = arith.subi %sub3A_970, %min3A_968 : vector<16xi32>
    %add3A_972 = arith.addi %add3A_960, %sub3A_971 : vector<16xi32>
    %slice3A_973 = vector.extract_strided_slice %get3A_792 {offsets = [15], sizes = [1], strides = [1]} : vector<16xi32> to vector<1xi32>
    %squeeze3A_974 = vector.extract %slice3A_973[0] : i32 from vector<1xi32>
    %sub3A_975 = vector.broadcast %squeeze3A_974 : i32 to vector<16xi32>
    %sub3A_976 = arith.subi %iota3A, %sub3A_975 : vector<16xi32>
    %abs3A_977 = math.absi %sub3A_976 : vector<16xi32>
    %min3A_978 = arith.constant 1 : i32
    %min3A_979 = vector.broadcast %min3A_978 : i32 to vector<16xi32>
    %min3A_980 = arith.minsi %abs3A_977, %min3A_979 : vector<16xi32>
    %sub3A_981 = arith.constant 1 : i32
    %sub3A_982 = vector.broadcast %sub3A_981 : i32 to vector<16xi32>
    %sub3A_983 = arith.subi %sub3A_982, %min3A_980 : vector<16xi32>
    %add3A_984 = arith.addi %add3A_972, %sub3A_983 : vector<16xi32>
    %get3A_985 = arith.constant 80 : index
    %get3A_986 = tpu.vector_load %arg7[%get3A_985] {strides = array<i32>} : memref<128xi32, #tpu.memory_space<vmem>>, vector<16xi32>,
    %get3A_987 = vector.shape_cast %get3A_986 : vector<16xi32> to vector<16xi32>
    %slice3A_988 = vector.extract_strided_slice %get3A_987 {offsets = [0], sizes = [1], strides = [1]} : vector<16xi32> to vector<1xi32>
    %squeeze3A_989 = vector.extract %slice3A_988[0] : i32 from vector<1xi32>
    %sub3A_990 = vector.broadcast %squeeze3A_989 : i32 to vector<16xi32>
    %sub3A_991 = arith.subi %iota3A, %sub3A_990 : vector<16xi32>
    %abs3A_992 = math.absi %sub3A_991 : vector<16xi32>
    %min3A_993 = arith.constant 1 : i32
    %min3A_994 = vector.broadcast %min3A_993 : i32 to vector<16xi32>
    %min3A_995 = arith.minsi %abs3A_992, %min3A_994 : vector<16xi32>
    %sub3A_996 = arith.constant 1 : i32
    %sub3A_997 = vector.broadcast %sub3A_996 : i32 to vector<16xi32>
    %sub3A_998 = arith.subi %sub3A_997, %min3A_995 : vector<16xi32>
    %add3A_999 = arith.addi %add3A_984, %sub3A_998 : vector<16xi32>
    %slice3A_1000 = vector.extract_strided_slice %get3A_987 {offsets = [1], sizes = [1], strides = [1]} : vector<16xi32> to vector<1xi32>
    %squeeze3A_1001 = vector.extract %slice3A_1000[0] : i32 from vector<1xi32>
    %sub3A_1002 = vector.broadcast %squeeze3A_1001 : i32 to vector<16xi32>
    %sub3A_1003 = arith.subi %iota3A, %sub3A_1002 : vector<16xi32>
    %abs3A_1004 = math.absi %sub3A_1003 : vector<16xi32>
    %min3A_1005 = arith.constant 1 : i32
    %min3A_1006 = vector.broadcast %min3A_1005 : i32 to vector<16xi32>
    %min3A_1007 = arith.minsi %abs3A_1004, %min3A_1006 : vector<16xi32>
    %sub3A_1008 = arith.constant 1 : i32
    %sub3A_1009 = vector.broadcast %sub3A_1008 : i32 to vector<16xi32>
    %sub3A_1010 = arith.subi %sub3A_1009, %min3A_1007 : vector<16xi32>
    %add3A_1011 = arith.addi %add3A_999, %sub3A_1010 : vector<16xi32>
    %slice3A_1012 = vector.extract_strided_slice %get3A_987 {offsets = [2], sizes = [1], strides = [1]} : vector<16xi32> to vector<1xi32>
    %squeeze3A_1013 = vector.extract %slice3A_1012[0] : i32 from vector<1xi32>
    %sub3A_1014 = vector.broadcast %squeeze3A_1013 : i32 to vector<16xi32>
    %sub3A_1015 = arith.subi %iota3A, %sub3A_1014 : vector<16xi32>
    %abs3A_1016 = math.absi %sub3A_1015 : vector<16xi32>
    %min3A_1017 = arith.constant 1 : i32
    %min3A_1018 = vector.broadcast %min3A_1017 : i32 to vector<16xi32>
    %min3A_1019 = arith.minsi %abs3A_1016, %min3A_1018 : vector<16xi32>
    %sub3A_1020 = arith.constant 1 : i32
    %sub3A_1021 = vector.broadcast %sub3A_1020 : i32 to vector<16xi32>
    %sub3A_1022 = arith.subi %sub3A_1021, %min3A_1019 : vector<16xi32>
    %add3A_1023 = arith.addi %add3A_1011, %sub3A_1022 : vector<16xi32>
    %slice3A_1024 = vector.extract_strided_slice %get3A_987 {offsets = [3], sizes = [1], strides = [1]} : vector<16xi32> to vector<1xi32>
    %squeeze3A_1025 = vector.extract %slice3A_1024[0] : i32 from vector<1xi32>
    %sub3A_1026 = vector.broadcast %squeeze3A_1025 : i32 to vector<16xi32>
    %sub3A_1027 = arith.subi %iota3A, %sub3A_1026 : vector<16xi32>
    %abs3A_1028 = math.absi %sub3A_1027 : vector<16xi32>
    %min3A_1029 = arith.constant 1 : i32
    %min3A_1030 = vector.broadcast %min3A_1029 : i32 to vector<16xi32>
    %min3A_1031 = arith.minsi %abs3A_1028, %min3A_1030 : vector<16xi32>
    %sub3A_1032 = arith.constant 1 : i32
    %sub3A_1033 = vector.broadcast %sub3A_1032 : i32 to vector<16xi32>
    %sub3A_1034 = arith.subi %sub3A_1033, %min3A_1031 : vector<16xi32>
    %add3A_1035 = arith.addi %add3A_1023, %sub3A_1034 : vector<16xi32>
    %slice3A_1036 = vector.extract_strided_slice %get3A_987 {offsets = [4], sizes = [1], strides = [1]} : vector<16xi32> to vector<1xi32>
    %squeeze3A_1037 = vector.extract %slice3A_1036[0] : i32 from vector<1xi32>
    %sub3A_1038 = vector.broadcast %squeeze3A_1037 : i32 to vector<16xi32>
    %sub3A_1039 = arith.subi %iota3A, %sub3A_1038 : vector<16xi32>
    %abs3A_1040 = math.absi %sub3A_1039 : vector<16xi32>
    %min3A_1041 = arith.constant 1 : i32
    %min3A_1042 = vector.broadcast %min3A_1041 : i32 to vector<16xi32>
    %min3A_1043 = arith.minsi %abs3A_1040, %min3A_1042 : vector<16xi32>
    %sub3A_1044 = arith.constant 1 : i32
    %sub3A_1045 = vector.broadcast %sub3A_1044 : i32 to vector<16xi32>
    %sub3A_1046 = arith.subi %sub3A_1045, %min3A_1043 : vector<16xi32>
    %add3A_1047 = arith.addi %add3A_1035, %sub3A_1046 : vector<16xi32>
    %slice3A_1048 = vector.extract_strided_slice %get3A_987 {offsets = [5], sizes = [1], strides = [1]} : vector<16xi32> to vector<1xi32>
    %squeeze3A_1049 = vector.extract %slice3A_1048[0] : i32 from vector<1xi32>
    %sub3A_1050 = vector.broadcast %squeeze3A_1049 : i32 to vector<16xi32>
    %sub3A_1051 = arith.subi %iota3A, %sub3A_1050 : vector<16xi32>
    %abs3A_1052 = math.absi %sub3A_1051 : vector<16xi32>
    %min3A_1053 = arith.constant 1 : i32
    %min3A_1054 = vector.broadcast %min3A_1053 : i32 to vector<16xi32>
    %min3A_1055 = arith.minsi %abs3A_1052, %min3A_1054 : vector<16xi32>
    %sub3A_1056 = arith.constant 1 : i32
    %sub3A_1057 = vector.broadcast %sub3A_1056 : i32 to vector<16xi32>
    %sub3A_1058 = arith.subi %sub3A_1057, %min3A_1055 : vector<16xi32>
    %add3A_1059 = arith.addi %add3A_1047, %sub3A_1058 : vector<16xi32>
    %slice3A_1060 = vector.extract_strided_slice %get3A_987 {offsets = [6], sizes = [1], strides = [1]} : vector<16xi32> to vector<1xi32>
    %squeeze3A_1061 = vector.extract %slice3A_1060[0] : i32 from vector<1xi32>
    %sub3A_1062 = vector.broadcast %squeeze3A_1061 : i32 to vector<16xi32>
    %sub3A_1063 = arith.subi %iota3A, %sub3A_1062 : vector<16xi32>
    %abs3A_1064 = math.absi %sub3A_1063 : vector<16xi32>
    %min3A_1065 = arith.constant 1 : i32
    %min3A_1066 = vector.broadcast %min3A_1065 : i32 to vector<16xi32>
    %min3A_1067 = arith.minsi %abs3A_1064, %min3A_1066 : vector<16xi32>
    %sub3A_1068 = arith.constant 1 : i32
    %sub3A_1069 = vector.broadcast %sub3A_1068 : i32 to vector<16xi32>
    %sub3A_1070 = arith.subi %sub3A_1069, %min3A_1067 : vector<16xi32>
    %add3A_1071 = arith.addi %add3A_1059, %sub3A_1070 : vector<16xi32>
    %slice3A_1072 = vector.extract_strided_slice %get3A_987 {offsets = [7], sizes = [1], strides = [1]} : vector<16xi32> to vector<1xi32>
    %squeeze3A_1073 = vector.extract %slice3A_1072[0] : i32 from vector<1xi32>
    %sub3A_1074 = vector.broadcast %squeeze3A_1073 : i32 to vector<16xi32>
    %sub3A_1075 = arith.subi %iota3A, %sub3A_1074 : vector<16xi32>
    %abs3A_1076 = math.absi %sub3A_1075 : vector<16xi32>
    %min3A_1077 = arith.constant 1 : i32
    %min3A_1078 = vector.broadcast %min3A_1077 : i32 to vector<16xi32>
    %min3A_1079 = arith.minsi %abs3A_1076, %min3A_1078 : vector<16xi32>
    %sub3A_1080 = arith.constant 1 : i32
    %sub3A_1081 = vector.broadcast %sub3A_1080 : i32 to vector<16xi32>
    %sub3A_1082 = arith.subi %sub3A_1081, %min3A_1079 : vector<16xi32>
    %add3A_1083 = arith.addi %add3A_1071, %sub3A_1082 : vector<16xi32>
    %slice3A_1084 = vector.extract_strided_slice %get3A_987 {offsets = [8], sizes = [1], strides = [1]} : vector<16xi32> to vector<1xi32>
    %squeeze3A_1085 = vector.extract %slice3A_1084[0] : i32 from vector<1xi32>
    %sub3A_1086 = vector.broadcast %squeeze3A_1085 : i32 to vector<16xi32>
    %sub3A_1087 = arith.subi %iota3A, %sub3A_1086 : vector<16xi32>
    %abs3A_1088 = math.absi %sub3A_1087 : vector<16xi32>
    %min3A_1089 = arith.constant 1 : i32
    %min3A_1090 = vector.broadcast %min3A_1089 : i32 to vector<16xi32>
    %min3A_1091 = arith.minsi %abs3A_1088, %min3A_1090 : vector<16xi32>
    %sub3A_1092 = arith.constant 1 : i32
    %sub3A_1093 = vector.broadcast %sub3A_1092 : i32 to vector<16xi32>
    %sub3A_1094 = arith.subi %sub3A_1093, %min3A_1091 : vector<16xi32>
    %add3A_1095 = arith.addi %add3A_1083, %sub3A_1094 : vector<16xi32>
    %slice3A_1096 = vector.extract_strided_slice %get3A_987 {offsets = [9], sizes = [1], strides = [1]} : vector<16xi32> to vector<1xi32>
    %squeeze3A_1097 = vector.extract %slice3A_1096[0] : i32 from vector<1xi32>
    %sub3A_1098 = vector.broadcast %squeeze3A_1097 : i32 to vector<16xi32>
    %sub3A_1099 = arith.subi %iota3A, %sub3A_1098 : vector<16xi32>
    %abs3A_1100 = math.absi %sub3A_1099 : vector<16xi32>
    %min3A_1101 = arith.constant 1 : i32
    %min3A_1102 = vector.broadcast %min3A_1101 : i32 to vector<16xi32>
    %min3A_1103 = arith.minsi %abs3A_1100, %min3A_1102 : vector<16xi32>
    %sub3A_1104 = arith.constant 1 : i32
    %sub3A_1105 = vector.broadcast %sub3A_1104 : i32 to vector<16xi32>
    %sub3A_1106 = arith.subi %sub3A_1105, %min3A_1103 : vector<16xi32>
    %add3A_1107 = arith.addi %add3A_1095, %sub3A_1106 : vector<16xi32>
    %slice3A_1108 = vector.extract_strided_slice %get3A_987 {offsets = [10], sizes = [1], strides = [1]} : vector<16xi32> to vector<1xi32>
    %squeeze3A_1109 = vector.extract %slice3A_1108[0] : i32 from vector<1xi32>
    %sub3A_1110 = vector.broadcast %squeeze3A_1109 : i32 to vector<16xi32>
    %sub3A_1111 = arith.subi %iota3A, %sub3A_1110 : vector<16xi32>
    %abs3A_1112 = math.absi %sub3A_1111 : vector<16xi32>
    %min3A_1113 = arith.constant 1 : i32
    %min3A_1114 = vector.broadcast %min3A_1113 : i32 to vector<16xi32>
    %min3A_1115 = arith.minsi %abs3A_1112, %min3A_1114 : vector<16xi32>
    %sub3A_1116 = arith.constant 1 : i32
    %sub3A_1117 = vector.broadcast %sub3A_1116 : i32 to vector<16xi32>
    %sub3A_1118 = arith.subi %sub3A_1117, %min3A_1115 : vector<16xi32>
    %add3A_1119 = arith.addi %add3A_1107, %sub3A_1118 : vector<16xi32>
    %slice3A_1120 = vector.extract_strided_slice %get3A_987 {offsets = [11], sizes = [1], strides = [1]} : vector<16xi32> to vector<1xi32>
    %squeeze3A_1121 = vector.extract %slice3A_1120[0] : i32 from vector<1xi32>
    %sub3A_1122 = vector.broadcast %squeeze3A_1121 : i32 to vector<16xi32>
    %sub3A_1123 = arith.subi %iota3A, %sub3A_1122 : vector<16xi32>
    %abs3A_1124 = math.absi %sub3A_1123 : vector<16xi32>
    %min3A_1125 = arith.constant 1 : i32
    %min3A_1126 = vector.broadcast %min3A_1125 : i32 to vector<16xi32>
    %min3A_1127 = arith.minsi %abs3A_1124, %min3A_1126 : vector<16xi32>
    %sub3A_1128 = arith.constant 1 : i32
    %sub3A_1129 = vector.broadcast %sub3A_1128 : i32 to vector<16xi32>
    %sub3A_1130 = arith.subi %sub3A_1129, %min3A_1127 : vector<16xi32>
    %add3A_1131 = arith.addi %add3A_1119, %sub3A_1130 : vector<16xi32>
    %slice3A_1132 = vector.extract_strided_slice %get3A_987 {offsets = [12], sizes = [1], strides = [1]} : vector<16xi32> to vector<1xi32>
    %squeeze3A_1133 = vector.extract %slice3A_1132[0] : i32 from vector<1xi32>
    %sub3A_1134 = vector.broadcast %squeeze3A_1133 : i32 to vector<16xi32>
    %sub3A_1135 = arith.subi %iota3A, %sub3A_1134 : vector<16xi32>
    %abs3A_1136 = math.absi %sub3A_1135 : vector<16xi32>
    %min3A_1137 = arith.constant 1 : i32
    %min3A_1138 = vector.broadcast %min3A_1137 : i32 to vector<16xi32>
    %min3A_1139 = arith.minsi %abs3A_1136, %min3A_1138 : vector<16xi32>
    %sub3A_1140 = arith.constant 1 : i32
    %sub3A_1141 = vector.broadcast %sub3A_1140 : i32 to vector<16xi32>
    %sub3A_1142 = arith.subi %sub3A_1141, %min3A_1139 : vector<16xi32>
    %add3A_1143 = arith.addi %add3A_1131, %sub3A_1142 : vector<16xi32>
    %slice3A_1144 = vector.extract_strided_slice %get3A_987 {offsets = [13], sizes = [1], strides = [1]} : vector<16xi32> to vector<1xi32>
    %squeeze3A_1145 = vector.extract %slice3A_1144[0] : i32 from vector<1xi32>
    %sub3A_1146 = vector.broadcast %squeeze3A_1145 : i32 to vector<16xi32>
    %sub3A_1147 = arith.subi %iota3A, %sub3A_1146 : vector<16xi32>
    %abs3A_1148 = math.absi %sub3A_1147 : vector<16xi32>
    %min3A_1149 = arith.constant 1 : i32
    %min3A_1150 = vector.broadcast %min3A_1149 : i32 to vector<16xi32>
    %min3A_1151 = arith.minsi %abs3A_1148, %min3A_1150 : vector<16xi32>
    %sub3A_1152 = arith.constant 1 : i32
    %sub3A_1153 = vector.broadcast %sub3A_1152 : i32 to vector<16xi32>
    %sub3A_1154 = arith.subi %sub3A_1153, %min3A_1151 : vector<16xi32>
    %add3A_1155 = arith.addi %add3A_1143, %sub3A_1154 : vector<16xi32>
    %slice3A_1156 = vector.extract_strided_slice %get3A_987 {offsets = [14], sizes = [1], strides = [1]} : vector<16xi32> to vector<1xi32>
    %squeeze3A_1157 = vector.extract %slice3A_1156[0] : i32 from vector<1xi32>
    %sub3A_1158 = vector.broadcast %squeeze3A_1157 : i32 to vector<16xi32>
    %sub3A_1159 = arith.subi %iota3A, %sub3A_1158 : vector<16xi32>
    %abs3A_1160 = math.absi %sub3A_1159 : vector<16xi32>
    %min3A_1161 = arith.constant 1 : i32
    %min3A_1162 = vector.broadcast %min3A_1161 : i32 to vector<16xi32>
    %min3A_1163 = arith.minsi %abs3A_1160, %min3A_1162 : vector<16xi32>
    %sub3A_1164 = arith.constant 1 : i32
    %sub3A_1165 = vector.broadcast %sub3A_1164 : i32 to vector<16xi32>
    %sub3A_1166 = arith.subi %sub3A_1165, %min3A_1163 : vector<16xi32>
    %add3A_1167 = arith.addi %add3A_1155, %sub3A_1166 : vector<16xi32>
    %slice3A_1168 = vector.extract_strided_slice %get3A_987 {offsets = [15], sizes = [1], strides = [1]} : vector<16xi32> to vector<1xi32>
    %squeeze3A_1169 = vector.extract %slice3A_1168[0] : i32 from vector<1xi32>
    %sub3A_1170 = vector.broadcast %squeeze3A_1169 : i32 to vector<16xi32>
    %sub3A_1171 = arith.subi %iota3A, %sub3A_1170 : vector<16xi32>
    %abs3A_1172 = math.absi %sub3A_1171 : vector<16xi32>
    %min3A_1173 = arith.constant 1 : i32
    %min3A_1174 = vector.broadcast %min3A_1173 : i32 to vector<16xi32>
    %min3A_1175 = arith.minsi %abs3A_1172, %min3A_1174 : vector<16xi32>
    %sub3A_1176 = arith.constant 1 : i32
    %sub3A_1177 = vector.broadcast %sub3A_1176 : i32 to vector<16xi32>
    %sub3A_1178 = arith.subi %sub3A_1177, %min3A_1175 : vector<16xi32>
    %add3A_1179 = arith.addi %add3A_1167, %sub3A_1178 : vector<16xi32>
    %get3A_1180 = arith.constant 96 : index
    %get3A_1181 = tpu.vector_load %arg7[%get3A_1180] {strides = array<i32>} : memref<128xi32, #tpu.memory_space<vmem>>, vector<16xi32>,
    %get3A_1182 = vector.shape_cast %get3A_1181 : vector<16xi32> to vector<16xi32>
    %slice3A_1183 = vector.extract_strided_slice %get3A_1182 {offsets = [0], sizes = [1], strides = [1]} : vector<16xi32> to vector<1xi32>
    %squeeze3A_1184 = vector.extract %slice3A_1183[0] : i32 from vector<1xi32>
    %sub3A_1185 = vector.broadcast %squeeze3A_1184 : i32 to vector<16xi32>
    %sub3A_1186 = arith.subi %iota3A, %sub3A_1185 : vector<16xi32>
    %abs3A_1187 = math.absi %sub3A_1186 : vector<16xi32>
    %min3A_1188 = arith.constant 1 : i32
    %min3A_1189 = vector.broadcast %min3A_1188 : i32 to vector<16xi32>
    %min3A_1190 = arith.minsi %abs3A_1187, %min3A_1189 : vector<16xi32>
    %sub3A_1191 = arith.constant 1 : i32
    %sub3A_1192 = vector.broadcast %sub3A_1191 : i32 to vector<16xi32>
    %sub3A_1193 = arith.subi %sub3A_1192, %min3A_1190 : vector<16xi32>
    %add3A_1194 = arith.addi %add3A_1179, %sub3A_1193 : vector<16xi32>
    %slice3A_1195 = vector.extract_strided_slice %get3A_1182 {offsets = [1], sizes = [1], strides = [1]} : vector<16xi32> to vector<1xi32>
    %squeeze3A_1196 = vector.extract %slice3A_1195[0] : i32 from vector<1xi32>
    %sub3A_1197 = vector.broadcast %squeeze3A_1196 : i32 to vector<16xi32>
    %sub3A_1198 = arith.subi %iota3A, %sub3A_1197 : vector<16xi32>
    %abs3A_1199 = math.absi %sub3A_1198 : vector<16xi32>
    %min3A_1200 = arith.constant 1 : i32
    %min3A_1201 = vector.broadcast %min3A_1200 : i32 to vector<16xi32>
    %min3A_1202 = arith.minsi %abs3A_1199, %min3A_1201 : vector<16xi32>
    %sub3A_1203 = arith.constant 1 : i32
    %sub3A_1204 = vector.broadcast %sub3A_1203 : i32 to vector<16xi32>
    %sub3A_1205 = arith.subi %sub3A_1204, %min3A_1202 : vector<16xi32>
    %add3A_1206 = arith.addi %add3A_1194, %sub3A_1205 : vector<16xi32>
    %slice3A_1207 = vector.extract_strided_slice %get3A_1182 {offsets = [2], sizes = [1], strides = [1]} : vector<16xi32> to vector<1xi32>
    %squeeze3A_1208 = vector.extract %slice3A_1207[0] : i32 from vector<1xi32>
    %sub3A_1209 = vector.broadcast %squeeze3A_1208 : i32 to vector<16xi32>
    %sub3A_1210 = arith.subi %iota3A, %sub3A_1209 : vector<16xi32>
    %abs3A_1211 = math.absi %sub3A_1210 : vector<16xi32>
    %min3A_1212 = arith.constant 1 : i32
    %min3A_1213 = vector.broadcast %min3A_1212 : i32 to vector<16xi32>
    %min3A_1214 = arith.minsi %abs3A_1211, %min3A_1213 : vector<16xi32>
    %sub3A_1215 = arith.constant 1 : i32
    %sub3A_1216 = vector.broadcast %sub3A_1215 : i32 to vector<16xi32>
    %sub3A_1217 = arith.subi %sub3A_1216, %min3A_1214 : vector<16xi32>
    %add3A_1218 = arith.addi %add3A_1206, %sub3A_1217 : vector<16xi32>
    %slice3A_1219 = vector.extract_strided_slice %get3A_1182 {offsets = [3], sizes = [1], strides = [1]} : vector<16xi32> to vector<1xi32>
    %squeeze3A_1220 = vector.extract %slice3A_1219[0] : i32 from vector<1xi32>
    %sub3A_1221 = vector.broadcast %squeeze3A_1220 : i32 to vector<16xi32>
    %sub3A_1222 = arith.subi %iota3A, %sub3A_1221 : vector<16xi32>
    %abs3A_1223 = math.absi %sub3A_1222 : vector<16xi32>
    %min3A_1224 = arith.constant 1 : i32
    %min3A_1225 = vector.broadcast %min3A_1224 : i32 to vector<16xi32>
    %min3A_1226 = arith.minsi %abs3A_1223, %min3A_1225 : vector<16xi32>
    %sub3A_1227 = arith.constant 1 : i32
    %sub3A_1228 = vector.broadcast %sub3A_1227 : i32 to vector<16xi32>
    %sub3A_1229 = arith.subi %sub3A_1228, %min3A_1226 : vector<16xi32>
    %add3A_1230 = arith.addi %add3A_1218, %sub3A_1229 : vector<16xi32>
    %slice3A_1231 = vector.extract_strided_slice %get3A_1182 {offsets = [4], sizes = [1], strides = [1]} : vector<16xi32> to vector<1xi32>
    %squeeze3A_1232 = vector.extract %slice3A_1231[0] : i32 from vector<1xi32>
    %sub3A_1233 = vector.broadcast %squeeze3A_1232 : i32 to vector<16xi32>
    %sub3A_1234 = arith.subi %iota3A, %sub3A_1233 : vector<16xi32>
    %abs3A_1235 = math.absi %sub3A_1234 : vector<16xi32>
    %min3A_1236 = arith.constant 1 : i32
    %min3A_1237 = vector.broadcast %min3A_1236 : i32 to vector<16xi32>
    %min3A_1238 = arith.minsi %abs3A_1235, %min3A_1237 : vector<16xi32>
    %sub3A_1239 = arith.constant 1 : i32
    %sub3A_1240 = vector.broadcast %sub3A_1239 : i32 to vector<16xi32>
    %sub3A_1241 = arith.subi %sub3A_1240, %min3A_1238 : vector<16xi32>
    %add3A_1242 = arith.addi %add3A_1230, %sub3A_1241 : vector<16xi32>
    %slice3A_1243 = vector.extract_strided_slice %get3A_1182 {offsets = [5], sizes = [1], strides = [1]} : vector<16xi32> to vector<1xi32>
    %squeeze3A_1244 = vector.extract %slice3A_1243[0] : i32 from vector<1xi32>
    %sub3A_1245 = vector.broadcast %squeeze3A_1244 : i32 to vector<16xi32>
    %sub3A_1246 = arith.subi %iota3A, %sub3A_1245 : vector<16xi32>
    %abs3A_1247 = math.absi %sub3A_1246 : vector<16xi32>
    %min3A_1248 = arith.constant 1 : i32
    %min3A_1249 = vector.broadcast %min3A_1248 : i32 to vector<16xi32>
    %min3A_1250 = arith.minsi %abs3A_1247, %min3A_1249 : vector<16xi32>
    %sub3A_1251 = arith.constant 1 : i32
    %sub3A_1252 = vector.broadcast %sub3A_1251 : i32 to vector<16xi32>
    %sub3A_1253 = arith.subi %sub3A_1252, %min3A_1250 : vector<16xi32>
    %add3A_1254 = arith.addi %add3A_1242, %sub3A_1253 : vector<16xi32>
    %slice3A_1255 = vector.extract_strided_slice %get3A_1182 {offsets = [6], sizes = [1], strides = [1]} : vector<16xi32> to vector<1xi32>
    %squeeze3A_1256 = vector.extract %slice3A_1255[0] : i32 from vector<1xi32>
    %sub3A_1257 = vector.broadcast %squeeze3A_1256 : i32 to vector<16xi32>
    %sub3A_1258 = arith.subi %iota3A, %sub3A_1257 : vector<16xi32>
    %abs3A_1259 = math.absi %sub3A_1258 : vector<16xi32>
    %min3A_1260 = arith.constant 1 : i32
    %min3A_1261 = vector.broadcast %min3A_1260 : i32 to vector<16xi32>
    %min3A_1262 = arith.minsi %abs3A_1259, %min3A_1261 : vector<16xi32>
    %sub3A_1263 = arith.constant 1 : i32
    %sub3A_1264 = vector.broadcast %sub3A_1263 : i32 to vector<16xi32>
    %sub3A_1265 = arith.subi %sub3A_1264, %min3A_1262 : vector<16xi32>
    %add3A_1266 = arith.addi %add3A_1254, %sub3A_1265 : vector<16xi32>
    %slice3A_1267 = vector.extract_strided_slice %get3A_1182 {offsets = [7], sizes = [1], strides = [1]} : vector<16xi32> to vector<1xi32>
    %squeeze3A_1268 = vector.extract %slice3A_1267[0] : i32 from vector<1xi32>
    %sub3A_1269 = vector.broadcast %squeeze3A_1268 : i32 to vector<16xi32>
    %sub3A_1270 = arith.subi %iota3A, %sub3A_1269 : vector<16xi32>
    %abs3A_1271 = math.absi %sub3A_1270 : vector<16xi32>
    %min3A_1272 = arith.constant 1 : i32
    %min3A_1273 = vector.broadcast %min3A_1272 : i32 to vector<16xi32>
    %min3A_1274 = arith.minsi %abs3A_1271, %min3A_1273 : vector<16xi32>
    %sub3A_1275 = arith.constant 1 : i32
    %sub3A_1276 = vector.broadcast %sub3A_1275 : i32 to vector<16xi32>
    %sub3A_1277 = arith.subi %sub3A_1276, %min3A_1274 : vector<16xi32>
    %add3A_1278 = arith.addi %add3A_1266, %sub3A_1277 : vector<16xi32>
    %slice3A_1279 = vector.extract_strided_slice %get3A_1182 {offsets = [8], sizes = [1], strides = [1]} : vector<16xi32> to vector<1xi32>
    %squeeze3A_1280 = vector.extract %slice3A_1279[0] : i32 from vector<1xi32>
    %sub3A_1281 = vector.broadcast %squeeze3A_1280 : i32 to vector<16xi32>
    %sub3A_1282 = arith.subi %iota3A, %sub3A_1281 : vector<16xi32>
    %abs3A_1283 = math.absi %sub3A_1282 : vector<16xi32>
    %min3A_1284 = arith.constant 1 : i32
    %min3A_1285 = vector.broadcast %min3A_1284 : i32 to vector<16xi32>
    %min3A_1286 = arith.minsi %abs3A_1283, %min3A_1285 : vector<16xi32>
    %sub3A_1287 = arith.constant 1 : i32
    %sub3A_1288 = vector.broadcast %sub3A_1287 : i32 to vector<16xi32>
    %sub3A_1289 = arith.subi %sub3A_1288, %min3A_1286 : vector<16xi32>
    %add3A_1290 = arith.addi %add3A_1278, %sub3A_1289 : vector<16xi32>
    %slice3A_1291 = vector.extract_strided_slice %get3A_1182 {offsets = [9], sizes = [1], strides = [1]} : vector<16xi32> to vector<1xi32>
    %squeeze3A_1292 = vector.extract %slice3A_1291[0] : i32 from vector<1xi32>
    %sub3A_1293 = vector.broadcast %squeeze3A_1292 : i32 to vector<16xi32>
    %sub3A_1294 = arith.subi %iota3A, %sub3A_1293 : vector<16xi32>
    %abs3A_1295 = math.absi %sub3A_1294 : vector<16xi32>
    %min3A_1296 = arith.constant 1 : i32
    %min3A_1297 = vector.broadcast %min3A_1296 : i32 to vector<16xi32>
    %min3A_1298 = arith.minsi %abs3A_1295, %min3A_1297 : vector<16xi32>
    %sub3A_1299 = arith.constant 1 : i32
    %sub3A_1300 = vector.broadcast %sub3A_1299 : i32 to vector<16xi32>
    %sub3A_1301 = arith.subi %sub3A_1300, %min3A_1298 : vector<16xi32>
    %add3A_1302 = arith.addi %add3A_1290, %sub3A_1301 : vector<16xi32>
    %slice3A_1303 = vector.extract_strided_slice %get3A_1182 {offsets = [10], sizes = [1], strides = [1]} : vector<16xi32> to vector<1xi32>
    %squeeze3A_1304 = vector.extract %slice3A_1303[0] : i32 from vector<1xi32>
    %sub3A_1305 = vector.broadcast %squeeze3A_1304 : i32 to vector<16xi32>
    %sub3A_1306 = arith.subi %iota3A, %sub3A_1305 : vector<16xi32>
    %abs3A_1307 = math.absi %sub3A_1306 : vector<16xi32>
    %min3A_1308 = arith.constant 1 : i32
    %min3A_1309 = vector.broadcast %min3A_1308 : i32 to vector<16xi32>
    %min3A_1310 = arith.minsi %abs3A_1307, %min3A_1309 : vector<16xi32>
    %sub3A_1311 = arith.constant 1 : i32
    %sub3A_1312 = vector.broadcast %sub3A_1311 : i32 to vector<16xi32>
    %sub3A_1313 = arith.subi %sub3A_1312, %min3A_1310 : vector<16xi32>
    %add3A_1314 = arith.addi %add3A_1302, %sub3A_1313 : vector<16xi32>
    %slice3A_1315 = vector.extract_strided_slice %get3A_1182 {offsets = [11], sizes = [1], strides = [1]} : vector<16xi32> to vector<1xi32>
    %squeeze3A_1316 = vector.extract %slice3A_1315[0] : i32 from vector<1xi32>
    %sub3A_1317 = vector.broadcast %squeeze3A_1316 : i32 to vector<16xi32>
    %sub3A_1318 = arith.subi %iota3A, %sub3A_1317 : vector<16xi32>
    %abs3A_1319 = math.absi %sub3A_1318 : vector<16xi32>
    %min3A_1320 = arith.constant 1 : i32
    %min3A_1321 = vector.broadcast %min3A_1320 : i32 to vector<16xi32>
    %min3A_1322 = arith.minsi %abs3A_1319, %min3A_1321 : vector<16xi32>
    %sub3A_1323 = arith.constant 1 : i32
    %sub3A_1324 = vector.broadcast %sub3A_1323 : i32 to vector<16xi32>
    %sub3A_1325 = arith.subi %sub3A_1324, %min3A_1322 : vector<16xi32>
    %add3A_1326 = arith.addi %add3A_1314, %sub3A_1325 : vector<16xi32>
    %slice3A_1327 = vector.extract_strided_slice %get3A_1182 {offsets = [12], sizes = [1], strides = [1]} : vector<16xi32> to vector<1xi32>
    %squeeze3A_1328 = vector.extract %slice3A_1327[0] : i32 from vector<1xi32>
    %sub3A_1329 = vector.broadcast %squeeze3A_1328 : i32 to vector<16xi32>
    %sub3A_1330 = arith.subi %iota3A, %sub3A_1329 : vector<16xi32>
    %abs3A_1331 = math.absi %sub3A_1330 : vector<16xi32>
    %min3A_1332 = arith.constant 1 : i32
    %min3A_1333 = vector.broadcast %min3A_1332 : i32 to vector<16xi32>
    %min3A_1334 = arith.minsi %abs3A_1331, %min3A_1333 : vector<16xi32>
    %sub3A_1335 = arith.constant 1 : i32
    %sub3A_1336 = vector.broadcast %sub3A_1335 : i32 to vector<16xi32>
    %sub3A_1337 = arith.subi %sub3A_1336, %min3A_1334 : vector<16xi32>
    %add3A_1338 = arith.addi %add3A_1326, %sub3A_1337 : vector<16xi32>
    %slice3A_1339 = vector.extract_strided_slice %get3A_1182 {offsets = [13], sizes = [1], strides = [1]} : vector<16xi32> to vector<1xi32>
    %squeeze3A_1340 = vector.extract %slice3A_1339[0] : i32 from vector<1xi32>
    %sub3A_1341 = vector.broadcast %squeeze3A_1340 : i32 to vector<16xi32>
    %sub3A_1342 = arith.subi %iota3A, %sub3A_1341 : vector<16xi32>
    %abs3A_1343 = math.absi %sub3A_1342 : vector<16xi32>
    %min3A_1344 = arith.constant 1 : i32
    %min3A_1345 = vector.broadcast %min3A_1344 : i32 to vector<16xi32>
    %min3A_1346 = arith.minsi %abs3A_1343, %min3A_1345 : vector<16xi32>
    %sub3A_1347 = arith.constant 1 : i32
    %sub3A_1348 = vector.broadcast %sub3A_1347 : i32 to vector<16xi32>
    %sub3A_1349 = arith.subi %sub3A_1348, %min3A_1346 : vector<16xi32>
    %add3A_1350 = arith.addi %add3A_1338, %sub3A_1349 : vector<16xi32>
    %slice3A_1351 = vector.extract_strided_slice %get3A_1182 {offsets = [14], sizes = [1], strides = [1]} : vector<16xi32> to vector<1xi32>
    %squeeze3A_1352 = vector.extract %slice3A_1351[0] : i32 from vector<1xi32>
    %sub3A_1353 = vector.broadcast %squeeze3A_1352 : i32 to vector<16xi32>
    %sub3A_1354 = arith.subi %iota3A, %sub3A_1353 : vector<16xi32>
    %abs3A_1355 = math.absi %sub3A_1354 : vector<16xi32>
    %min3A_1356 = arith.constant 1 : i32
    %min3A_1357 = vector.broadcast %min3A_1356 : i32 to vector<16xi32>
    %min3A_1358 = arith.minsi %abs3A_1355, %min3A_1357 : vector<16xi32>
    %sub3A_1359 = arith.constant 1 : i32
    %sub3A_1360 = vector.broadcast %sub3A_1359 : i32 to vector<16xi32>
    %sub3A_1361 = arith.subi %sub3A_1360, %min3A_1358 : vector<16xi32>
    %add3A_1362 = arith.addi %add3A_1350, %sub3A_1361 : vector<16xi32>
    %slice3A_1363 = vector.extract_strided_slice %get3A_1182 {offsets = [15], sizes = [1], strides = [1]} : vector<16xi32> to vector<1xi32>
    %squeeze3A_1364 = vector.extract %slice3A_1363[0] : i32 from vector<1xi32>
    %sub3A_1365 = vector.broadcast %squeeze3A_1364 : i32 to vector<16xi32>
    %sub3A_1366 = arith.subi %iota3A, %sub3A_1365 : vector<16xi32>
    %abs3A_1367 = math.absi %sub3A_1366 : vector<16xi32>
    %min3A_1368 = arith.constant 1 : i32
    %min3A_1369 = vector.broadcast %min3A_1368 : i32 to vector<16xi32>
    %min3A_1370 = arith.minsi %abs3A_1367, %min3A_1369 : vector<16xi32>
    %sub3A_1371 = arith.constant 1 : i32
    %sub3A_1372 = vector.broadcast %sub3A_1371 : i32 to vector<16xi32>
    %sub3A_1373 = arith.subi %sub3A_1372, %min3A_1370 : vector<16xi32>
    %add3A_1374 = arith.addi %add3A_1362, %sub3A_1373 : vector<16xi32>
    %get3A_1375 = arith.constant 112 : index
    %get3A_1376 = tpu.vector_load %arg7[%get3A_1375] {strides = array<i32>} : memref<128xi32, #tpu.memory_space<vmem>>, vector<16xi32>,
    %get3A_1377 = vector.shape_cast %get3A_1376 : vector<16xi32> to vector<16xi32>
    %slice3A_1378 = vector.extract_strided_slice %get3A_1377 {offsets = [0], sizes = [1], strides = [1]} : vector<16xi32> to vector<1xi32>
    %squeeze3A_1379 = vector.extract %slice3A_1378[0] : i32 from vector<1xi32>
    %sub3A_1380 = vector.broadcast %squeeze3A_1379 : i32 to vector<16xi32>
    %sub3A_1381 = arith.subi %iota3A, %sub3A_1380 : vector<16xi32>
    %abs3A_1382 = math.absi %sub3A_1381 : vector<16xi32>
    %min3A_1383 = arith.constant 1 : i32
    %min3A_1384 = vector.broadcast %min3A_1383 : i32 to vector<16xi32>
    %min3A_1385 = arith.minsi %abs3A_1382, %min3A_1384 : vector<16xi32>
    %sub3A_1386 = arith.constant 1 : i32
    %sub3A_1387 = vector.broadcast %sub3A_1386 : i32 to vector<16xi32>
    %sub3A_1388 = arith.subi %sub3A_1387, %min3A_1385 : vector<16xi32>
    %add3A_1389 = arith.addi %add3A_1374, %sub3A_1388 : vector<16xi32>
    %slice3A_1390 = vector.extract_strided_slice %get3A_1377 {offsets = [1], sizes = [1], strides = [1]} : vector<16xi32> to vector<1xi32>
    %squeeze3A_1391 = vector.extract %slice3A_1390[0] : i32 from vector<1xi32>
    %sub3A_1392 = vector.broadcast %squeeze3A_1391 : i32 to vector<16xi32>
    %sub3A_1393 = arith.subi %iota3A, %sub3A_1392 : vector<16xi32>
    %abs3A_1394 = math.absi %sub3A_1393 : vector<16xi32>
    %min3A_1395 = arith.constant 1 : i32
    %min3A_1396 = vector.broadcast %min3A_1395 : i32 to vector<16xi32>
    %min3A_1397 = arith.minsi %abs3A_1394, %min3A_1396 : vector<16xi32>
    %sub3A_1398 = arith.constant 1 : i32
    %sub3A_1399 = vector.broadcast %sub3A_1398 : i32 to vector<16xi32>
    %sub3A_1400 = arith.subi %sub3A_1399, %min3A_1397 : vector<16xi32>
    %add3A_1401 = arith.addi %add3A_1389, %sub3A_1400 : vector<16xi32>
    %slice3A_1402 = vector.extract_strided_slice %get3A_1377 {offsets = [2], sizes = [1], strides = [1]} : vector<16xi32> to vector<1xi32>
    %squeeze3A_1403 = vector.extract %slice3A_1402[0] : i32 from vector<1xi32>
    %sub3A_1404 = vector.broadcast %squeeze3A_1403 : i32 to vector<16xi32>
    %sub3A_1405 = arith.subi %iota3A, %sub3A_1404 : vector<16xi32>
    %abs3A_1406 = math.absi %sub3A_1405 : vector<16xi32>
    %min3A_1407 = arith.constant 1 : i32
    %min3A_1408 = vector.broadcast %min3A_1407 : i32 to vector<16xi32>
    %min3A_1409 = arith.minsi %abs3A_1406, %min3A_1408 : vector<16xi32>
    %sub3A_1410 = arith.constant 1 : i32
    %sub3A_1411 = vector.broadcast %sub3A_1410 : i32 to vector<16xi32>
    %sub3A_1412 = arith.subi %sub3A_1411, %min3A_1409 : vector<16xi32>
    %add3A_1413 = arith.addi %add3A_1401, %sub3A_1412 : vector<16xi32>
    %slice3A_1414 = vector.extract_strided_slice %get3A_1377 {offsets = [3], sizes = [1], strides = [1]} : vector<16xi32> to vector<1xi32>
    %squeeze3A_1415 = vector.extract %slice3A_1414[0] : i32 from vector<1xi32>
    %sub3A_1416 = vector.broadcast %squeeze3A_1415 : i32 to vector<16xi32>
    %sub3A_1417 = arith.subi %iota3A, %sub3A_1416 : vector<16xi32>
    %abs3A_1418 = math.absi %sub3A_1417 : vector<16xi32>
    %min3A_1419 = arith.constant 1 : i32
    %min3A_1420 = vector.broadcast %min3A_1419 : i32 to vector<16xi32>
    %min3A_1421 = arith.minsi %abs3A_1418, %min3A_1420 : vector<16xi32>
    %sub3A_1422 = arith.constant 1 : i32
    %sub3A_1423 = vector.broadcast %sub3A_1422 : i32 to vector<16xi32>
    %sub3A_1424 = arith.subi %sub3A_1423, %min3A_1421 : vector<16xi32>
    %add3A_1425 = arith.addi %add3A_1413, %sub3A_1424 : vector<16xi32>
    %slice3A_1426 = vector.extract_strided_slice %get3A_1377 {offsets = [4], sizes = [1], strides = [1]} : vector<16xi32> to vector<1xi32>
    %squeeze3A_1427 = vector.extract %slice3A_1426[0] : i32 from vector<1xi32>
    %sub3A_1428 = vector.broadcast %squeeze3A_1427 : i32 to vector<16xi32>
    %sub3A_1429 = arith.subi %iota3A, %sub3A_1428 : vector<16xi32>
    %abs3A_1430 = math.absi %sub3A_1429 : vector<16xi32>
    %min3A_1431 = arith.constant 1 : i32
    %min3A_1432 = vector.broadcast %min3A_1431 : i32 to vector<16xi32>
    %min3A_1433 = arith.minsi %abs3A_1430, %min3A_1432 : vector<16xi32>
    %sub3A_1434 = arith.constant 1 : i32
    %sub3A_1435 = vector.broadcast %sub3A_1434 : i32 to vector<16xi32>
    %sub3A_1436 = arith.subi %sub3A_1435, %min3A_1433 : vector<16xi32>
    %add3A_1437 = arith.addi %add3A_1425, %sub3A_1436 : vector<16xi32>
    %slice3A_1438 = vector.extract_strided_slice %get3A_1377 {offsets = [5], sizes = [1], strides = [1]} : vector<16xi32> to vector<1xi32>
    %squeeze3A_1439 = vector.extract %slice3A_1438[0] : i32 from vector<1xi32>
    %sub3A_1440 = vector.broadcast %squeeze3A_1439 : i32 to vector<16xi32>
    %sub3A_1441 = arith.subi %iota3A, %sub3A_1440 : vector<16xi32>
    %abs3A_1442 = math.absi %sub3A_1441 : vector<16xi32>
    %min3A_1443 = arith.constant 1 : i32
    %min3A_1444 = vector.broadcast %min3A_1443 : i32 to vector<16xi32>
    %min3A_1445 = arith.minsi %abs3A_1442, %min3A_1444 : vector<16xi32>
    %sub3A_1446 = arith.constant 1 : i32
    %sub3A_1447 = vector.broadcast %sub3A_1446 : i32 to vector<16xi32>
    %sub3A_1448 = arith.subi %sub3A_1447, %min3A_1445 : vector<16xi32>
    %add3A_1449 = arith.addi %add3A_1437, %sub3A_1448 : vector<16xi32>
    %slice3A_1450 = vector.extract_strided_slice %get3A_1377 {offsets = [6], sizes = [1], strides = [1]} : vector<16xi32> to vector<1xi32>
    %squeeze3A_1451 = vector.extract %slice3A_1450[0] : i32 from vector<1xi32>
    %sub3A_1452 = vector.broadcast %squeeze3A_1451 : i32 to vector<16xi32>
    %sub3A_1453 = arith.subi %iota3A, %sub3A_1452 : vector<16xi32>
    %abs3A_1454 = math.absi %sub3A_1453 : vector<16xi32>
    %min3A_1455 = arith.constant 1 : i32
    %min3A_1456 = vector.broadcast %min3A_1455 : i32 to vector<16xi32>
    %min3A_1457 = arith.minsi %abs3A_1454, %min3A_1456 : vector<16xi32>
    %sub3A_1458 = arith.constant 1 : i32
    %sub3A_1459 = vector.broadcast %sub3A_1458 : i32 to vector<16xi32>
    %sub3A_1460 = arith.subi %sub3A_1459, %min3A_1457 : vector<16xi32>
    %add3A_1461 = arith.addi %add3A_1449, %sub3A_1460 : vector<16xi32>
    %slice3A_1462 = vector.extract_strided_slice %get3A_1377 {offsets = [7], sizes = [1], strides = [1]} : vector<16xi32> to vector<1xi32>
    %squeeze3A_1463 = vector.extract %slice3A_1462[0] : i32 from vector<1xi32>
    %sub3A_1464 = vector.broadcast %squeeze3A_1463 : i32 to vector<16xi32>
    %sub3A_1465 = arith.subi %iota3A, %sub3A_1464 : vector<16xi32>
    %abs3A_1466 = math.absi %sub3A_1465 : vector<16xi32>
    %min3A_1467 = arith.constant 1 : i32
    %min3A_1468 = vector.broadcast %min3A_1467 : i32 to vector<16xi32>
    %min3A_1469 = arith.minsi %abs3A_1466, %min3A_1468 : vector<16xi32>
    %sub3A_1470 = arith.constant 1 : i32
    %sub3A_1471 = vector.broadcast %sub3A_1470 : i32 to vector<16xi32>
    %sub3A_1472 = arith.subi %sub3A_1471, %min3A_1469 : vector<16xi32>
    %add3A_1473 = arith.addi %add3A_1461, %sub3A_1472 : vector<16xi32>
    %slice3A_1474 = vector.extract_strided_slice %get3A_1377 {offsets = [8], sizes = [1], strides = [1]} : vector<16xi32> to vector<1xi32>
    %squeeze3A_1475 = vector.extract %slice3A_1474[0] : i32 from vector<1xi32>
    %sub3A_1476 = vector.broadcast %squeeze3A_1475 : i32 to vector<16xi32>
    %sub3A_1477 = arith.subi %iota3A, %sub3A_1476 : vector<16xi32>
    %abs3A_1478 = math.absi %sub3A_1477 : vector<16xi32>
    %min3A_1479 = arith.constant 1 : i32
    %min3A_1480 = vector.broadcast %min3A_1479 : i32 to vector<16xi32>
    %min3A_1481 = arith.minsi %abs3A_1478, %min3A_1480 : vector<16xi32>
    %sub3A_1482 = arith.constant 1 : i32
    %sub3A_1483 = vector.broadcast %sub3A_1482 : i32 to vector<16xi32>
    %sub3A_1484 = arith.subi %sub3A_1483, %min3A_1481 : vector<16xi32>
    %add3A_1485 = arith.addi %add3A_1473, %sub3A_1484 : vector<16xi32>
    %slice3A_1486 = vector.extract_strided_slice %get3A_1377 {offsets = [9], sizes = [1], strides = [1]} : vector<16xi32> to vector<1xi32>
    %squeeze3A_1487 = vector.extract %slice3A_1486[0] : i32 from vector<1xi32>
    %sub3A_1488 = vector.broadcast %squeeze3A_1487 : i32 to vector<16xi32>
    %sub3A_1489 = arith.subi %iota3A, %sub3A_1488 : vector<16xi32>
    %abs3A_1490 = math.absi %sub3A_1489 : vector<16xi32>
    %min3A_1491 = arith.constant 1 : i32
    %min3A_1492 = vector.broadcast %min3A_1491 : i32 to vector<16xi32>
    %min3A_1493 = arith.minsi %abs3A_1490, %min3A_1492 : vector<16xi32>
    %sub3A_1494 = arith.constant 1 : i32
    %sub3A_1495 = vector.broadcast %sub3A_1494 : i32 to vector<16xi32>
    %sub3A_1496 = arith.subi %sub3A_1495, %min3A_1493 : vector<16xi32>
    %add3A_1497 = arith.addi %add3A_1485, %sub3A_1496 : vector<16xi32>
    %slice3A_1498 = vector.extract_strided_slice %get3A_1377 {offsets = [10], sizes = [1], strides = [1]} : vector<16xi32> to vector<1xi32>
    %squeeze3A_1499 = vector.extract %slice3A_1498[0] : i32 from vector<1xi32>
    %sub3A_1500 = vector.broadcast %squeeze3A_1499 : i32 to vector<16xi32>
    %sub3A_1501 = arith.subi %iota3A, %sub3A_1500 : vector<16xi32>
    %abs3A_1502 = math.absi %sub3A_1501 : vector<16xi32>
    %min3A_1503 = arith.constant 1 : i32
    %min3A_1504 = vector.broadcast %min3A_1503 : i32 to vector<16xi32>
    %min3A_1505 = arith.minsi %abs3A_1502, %min3A_1504 : vector<16xi32>
    %sub3A_1506 = arith.constant 1 : i32
    %sub3A_1507 = vector.broadcast %sub3A_1506 : i32 to vector<16xi32>
    %sub3A_1508 = arith.subi %sub3A_1507, %min3A_1505 : vector<16xi32>
    %add3A_1509 = arith.addi %add3A_1497, %sub3A_1508 : vector<16xi32>
    %slice3A_1510 = vector.extract_strided_slice %get3A_1377 {offsets = [11], sizes = [1], strides = [1]} : vector<16xi32> to vector<1xi32>
    %squeeze3A_1511 = vector.extract %slice3A_1510[0] : i32 from vector<1xi32>
    %sub3A_1512 = vector.broadcast %squeeze3A_1511 : i32 to vector<16xi32>
    %sub3A_1513 = arith.subi %iota3A, %sub3A_1512 : vector<16xi32>
    %abs3A_1514 = math.absi %sub3A_1513 : vector<16xi32>
    %min3A_1515 = arith.constant 1 : i32
    %min3A_1516 = vector.broadcast %min3A_1515 : i32 to vector<16xi32>
    %min3A_1517 = arith.minsi %abs3A_1514, %min3A_1516 : vector<16xi32>
    %sub3A_1518 = arith.constant 1 : i32
    %sub3A_1519 = vector.broadcast %sub3A_1518 : i32 to vector<16xi32>
    %sub3A_1520 = arith.subi %sub3A_1519, %min3A_1517 : vector<16xi32>
    %add3A_1521 = arith.addi %add3A_1509, %sub3A_1520 : vector<16xi32>
    %slice3A_1522 = vector.extract_strided_slice %get3A_1377 {offsets = [12], sizes = [1], strides = [1]} : vector<16xi32> to vector<1xi32>
    %squeeze3A_1523 = vector.extract %slice3A_1522[0] : i32 from vector<1xi32>
    %sub3A_1524 = vector.broadcast %squeeze3A_1523 : i32 to vector<16xi32>
    %sub3A_1525 = arith.subi %iota3A, %sub3A_1524 : vector<16xi32>
    %abs3A_1526 = math.absi %sub3A_1525 : vector<16xi32>
    %min3A_1527 = arith.constant 1 : i32
    %min3A_1528 = vector.broadcast %min3A_1527 : i32 to vector<16xi32>
    %min3A_1529 = arith.minsi %abs3A_1526, %min3A_1528 : vector<16xi32>
    %sub3A_1530 = arith.constant 1 : i32
    %sub3A_1531 = vector.broadcast %sub3A_1530 : i32 to vector<16xi32>
    %sub3A_1532 = arith.subi %sub3A_1531, %min3A_1529 : vector<16xi32>
    %add3A_1533 = arith.addi %add3A_1521, %sub3A_1532 : vector<16xi32>
    %slice3A_1534 = vector.extract_strided_slice %get3A_1377 {offsets = [13], sizes = [1], strides = [1]} : vector<16xi32> to vector<1xi32>
    %squeeze3A_1535 = vector.extract %slice3A_1534[0] : i32 from vector<1xi32>
    %sub3A_1536 = vector.broadcast %squeeze3A_1535 : i32 to vector<16xi32>
    %sub3A_1537 = arith.subi %iota3A, %sub3A_1536 : vector<16xi32>
    %abs3A_1538 = math.absi %sub3A_1537 : vector<16xi32>
    %min3A_1539 = arith.constant 1 : i32
    %min3A_1540 = vector.broadcast %min3A_1539 : i32 to vector<16xi32>
    %min3A_1541 = arith.minsi %abs3A_1538, %min3A_1540 : vector<16xi32>
    %sub3A_1542 = arith.constant 1 : i32
    %sub3A_1543 = vector.broadcast %sub3A_1542 : i32 to vector<16xi32>
    %sub3A_1544 = arith.subi %sub3A_1543, %min3A_1541 : vector<16xi32>
    %add3A_1545 = arith.addi %add3A_1533, %sub3A_1544 : vector<16xi32>
    %slice3A_1546 = vector.extract_strided_slice %get3A_1377 {offsets = [14], sizes = [1], strides = [1]} : vector<16xi32> to vector<1xi32>
    %squeeze3A_1547 = vector.extract %slice3A_1546[0] : i32 from vector<1xi32>
    %sub3A_1548 = vector.broadcast %squeeze3A_1547 : i32 to vector<16xi32>
    %sub3A_1549 = arith.subi %iota3A, %sub3A_1548 : vector<16xi32>
    %abs3A_1550 = math.absi %sub3A_1549 : vector<16xi32>
    %min3A_1551 = arith.constant 1 : i32
    %min3A_1552 = vector.broadcast %min3A_1551 : i32 to vector<16xi32>
    %min3A_1553 = arith.minsi %abs3A_1550, %min3A_1552 : vector<16xi32>
    %sub3A_1554 = arith.constant 1 : i32
    %sub3A_1555 = vector.broadcast %sub3A_1554 : i32 to vector<16xi32>
    %sub3A_1556 = arith.subi %sub3A_1555, %min3A_1553 : vector<16xi32>
    %add3A_1557 = arith.addi %add3A_1545, %sub3A_1556 : vector<16xi32>
    %slice3A_1558 = vector.extract_strided_slice %get3A_1377 {offsets = [15], sizes = [1], strides = [1]} : vector<16xi32> to vector<1xi32>
    %squeeze3A_1559 = vector.extract %slice3A_1558[0] : i32 from vector<1xi32>
    %sub3A_1560 = vector.broadcast %squeeze3A_1559 : i32 to vector<16xi32>
    %sub3A_1561 = arith.subi %iota3A, %sub3A_1560 : vector<16xi32>
    %abs3A_1562 = math.absi %sub3A_1561 : vector<16xi32>
    %min3A_1563 = arith.constant 1 : i32
    %min3A_1564 = vector.broadcast %min3A_1563 : i32 to vector<16xi32>
    %min3A_1565 = arith.minsi %abs3A_1562, %min3A_1564 : vector<16xi32>
    %sub3A_1566 = arith.constant 1 : i32
    %sub3A_1567 = vector.broadcast %sub3A_1566 : i32 to vector<16xi32>
    %sub3A_1568 = arith.subi %sub3A_1567, %min3A_1565 : vector<16xi32>
    %add3A_1569 = arith.addi %add3A_1557, %sub3A_1568 : vector<16xi32>
    %swap3A_1570 = arith.constant 0 : index
    %swap3A_1571 = tpu.vector_load %arg9[%swap3A_1570] {strides = array<i32>} : memref<16xi32, #tpu.memory_space<vmem>>, vector<16xi32>,
    %swap3A_1572 = vector.shape_cast %swap3A_1571 : vector<16xi32> to vector<16xi32>
    %swap3A_1573 = vector.shape_cast %add3A_1569 : vector<16xi32> to vector<16xi32>
    tpu.vector_store %arg9[%swap3A_1570], %swap3A_1573 {strides = array<i32>} : memref<16xi32, #tpu.memory_space<vmem>>, vector<16xi32>,
    %mul3A_1574 = arith.constant 2 : i32
    %mul3A_1575 = arith.muli %arg1, %mul3A_1574 : i32
    %mul3A_1576 = arith.constant 16 : i32
    %mul3A_1577 = arith.muli %mul3A_1575, %mul3A_1576 : i32
    "tpu.region"() ({
      %run_scoped3A = tpu.sem_alloc : memref<!tpu.dma_semaphore, #tpu.memory_space<semaphore_mem>>
      %dma_start3A_4122 = tpu.memref_slice %arg14[%mul3A_1577] : memref<512xi32, #tpu.memory_space<vmem_shared>> -> memref<16xi32, #tpu.memory_space<vmem_shared>>
      %dma_start3A_4123 = tpu.memref_slice %arg14[%mul3A_1577] : memref<512xi32, #tpu.memory_space<vmem_shared>> -> memref<16xi32, #tpu.memory_space<vmem_shared>>
      tpu.enqueue_dma source(%arg8 : memref<16xi32, #tpu.memory_space<vmem>>) target(%dma_start3A_4123 : memref<16xi32, #tpu.memory_space<vmem_shared>>) target_semaphore(%run_scoped3A : memref<!tpu.dma_semaphore, #tpu.memory_space<semaphore_mem>>)
      %dma_wait3A_4124 = tpu.memref_slice %arg14[%mul3A_1577] : memref<512xi32, #tpu.memory_space<vmem_shared>> -> memref<16xi32, #tpu.memory_space<vmem_shared>>
      %dma_wait3A_4125 = tpu.memref_slice %arg14[%mul3A_1577] : memref<512xi32, #tpu.memory_space<vmem_shared>> -> memref<16xi32, #tpu.memory_space<vmem_shared>>
      tpu.wait_dma2 semaphore(%run_scoped3A : memref<!tpu.dma_semaphore, #tpu.memory_space<semaphore_mem>>) src(%arg8 : memref<16xi32, #tpu.memory_space<vmem>>) dst(%dma_wait3A_4125 : memref<16xi32, #tpu.memory_space<vmem_shared>>)
      tpu.yield
    }) : () -> ()
    %mul3A_1578 = arith.constant 2 : i32
    %mul3A_1579 = arith.muli %arg1, %mul3A_1578 : i32
    %add3A_1580 = arith.constant 1 : i32
    %add3A_1581 = arith.addi %mul3A_1579, %add3A_1580 : i32
    %mul3A_1582 = arith.constant 16 : i32
    %mul3A_1583 = arith.muli %add3A_1581, %mul3A_1582 : i32
    "tpu.region"() ({
      %run_scoped3A = tpu.sem_alloc : memref<!tpu.dma_semaphore, #tpu.memory_space<semaphore_mem>>
      %dma_start3A_4122 = tpu.memref_slice %arg14[%mul3A_1583] : memref<512xi32, #tpu.memory_space<vmem_shared>> -> memref<16xi32, #tpu.memory_space<vmem_shared>>
      %dma_start3A_4123 = tpu.memref_slice %arg14[%mul3A_1583] : memref<512xi32, #tpu.memory_space<vmem_shared>> -> memref<16xi32, #tpu.memory_space<vmem_shared>>
      tpu.enqueue_dma source(%arg9 : memref<16xi32, #tpu.memory_space<vmem>>) target(%dma_start3A_4123 : memref<16xi32, #tpu.memory_space<vmem_shared>>) target_semaphore(%run_scoped3A : memref<!tpu.dma_semaphore, #tpu.memory_space<semaphore_mem>>)
      %dma_wait3A_4124 = tpu.memref_slice %arg14[%mul3A_1583] : memref<512xi32, #tpu.memory_space<vmem_shared>> -> memref<16xi32, #tpu.memory_space<vmem_shared>>
      %dma_wait3A_4125 = tpu.memref_slice %arg14[%mul3A_1583] : memref<512xi32, #tpu.memory_space<vmem_shared>> -> memref<16xi32, #tpu.memory_space<vmem_shared>>
      tpu.wait_dma2 semaphore(%run_scoped3A : memref<!tpu.dma_semaphore, #tpu.memory_space<semaphore_mem>>) src(%arg9 : memref<16xi32, #tpu.memory_space<vmem>>) dst(%dma_wait3A_4125 : memref<16xi32, #tpu.memory_space<vmem_shared>>)
      tpu.yield
    }) : () -> ()
    %barrier3A = arith.constant 0 : index
    tpu.barrier barrier_id(%barrier3A)
    "tpu.region"() ({
      %run_scoped3A = tpu.sem_alloc : memref<!tpu.dma_semaphore, #tpu.memory_space<semaphore_mem>>
      tpu.enqueue_dma source(%arg14 : memref<512xi32, #tpu.memory_space<vmem_shared>>) target(%arg10 : memref<512xi32, #tpu.memory_space<vmem>>) target_semaphore(%run_scoped3A : memref<!tpu.dma_semaphore, #tpu.memory_space<semaphore_mem>>)
      tpu.wait_dma2 semaphore(%run_scoped3A : memref<!tpu.dma_semaphore, #tpu.memory_space<semaphore_mem>>) src(%arg14 : memref<512xi32, #tpu.memory_space<vmem_shared>>) dst(%arg10 : memref<512xi32, #tpu.memory_space<vmem>>)
      tpu.yield
    }) : () -> ()
    %broadcast_in_dim3A_1584 = arith.constant 0 : i32
    %broadcast_in_dim3A_1585 = vector.broadcast %broadcast_in_dim3A_1584 : i32 to vector<16xi32>
    %broadcast_in_dim3A_1586 = arith.constant 0 : i32
    %broadcast_in_dim3A_1587 = vector.broadcast %broadcast_in_dim3A_1586 : i32 to vector<16xi32>
    %scan3A = arith.constant 0 : i32
    %scan3A_1588 = arith.constant 32 : i32
    %scan3A_1589 = arith.addi %scan3A, %scan3A_1588 : i32
    %scan3A_1590 = arith.constant 1 : i32
    %scan3A_1591:2 = scf.for %scan3A_4122 = %scan3A to %scan3A_1589 step %scan3A_1590 iter_args(%scan3A_4123 = %broadcast_in_dim3A_1585, %scan3A_4124 = %broadcast_in_dim3A_1587) -> (vector<16xi32>, vector<16xi32>)  : i32 {
      %mul3A_4125 = arith.constant 16 : i32
      %mul3A_4126 = arith.muli %scan3A_4122, %mul3A_4125 : i32
      %get3A_4127 = arith.index_cast %mul3A_4126 : i32 to index
      %get3A_4128 = tpu.vector_load %arg10[%get3A_4127] {strides = array<i32>} : memref<512xi32, #tpu.memory_space<vmem>>, vector<16xi32>,
      %get3A_4129 = vector.shape_cast %get3A_4128 : vector<16xi32> to vector<16xi32>
      %lt3A = arith.cmpi slt, %scan3A_4122, %add3A : i32
      %jit3A = arith.constant 1 : i32
      %jit3A_4130 = arith.constant 0 : i32
      %select_n3A = arith.select %lt3A, %jit3A, %jit3A_4130 : i32
      %broadcast_in_dim3A_4131 = vector.broadcast %select_n3A : i32 to vector<16xi32>
      %add3A_4132 = arith.addi %scan3A_4123, %get3A_4129 : vector<16xi32>
      %mul3A_4133 = arith.muli %get3A_4129, %broadcast_in_dim3A_4131 : vector<16xi32>
      %add3A_4134 = arith.addi %scan3A_4124, %mul3A_4133 : vector<16xi32>
      scf.yield %add3A_4132, %add3A_4134 : vector<16xi32>, vector<16xi32>
    }
    %scan3A_1592 = arith.constant 32 : i32
    %add3A_1593 = arith.constant 127 : i32
    %add3A_1594 = vector.broadcast %add3A_1593 : i32 to vector<16xi32>
    %add3A_1595 = arith.addi %scan3A_1591#0, %add3A_1594 : vector<16xi32>
    %shift_right_arithmetic3A = arith.constant 7 : i32
    %shift_right_arithmetic3A_1596 = vector.broadcast %shift_right_arithmetic3A : i32 to vector<16xi32>
    %shift_right_arithmetic3A_1597 = arith.shrsi %add3A_1595, %shift_right_arithmetic3A_1596 : vector<16xi32>
    %broadcast_in_dim3A_1598 = arith.constant 0 : i32
    %broadcast_in_dim3A_1599 = vector.broadcast %broadcast_in_dim3A_1598 : i32 to vector<16xi32>
    %sub3A_1600 = arith.constant 0 : i32
    %sub3A_1601 = vector.broadcast %sub3A_1600 : i32 to vector<16xi32>
    %sub3A_1602 = arith.subi %iota3A, %sub3A_1601 : vector<16xi32>
    %abs3A_1603 = math.absi %sub3A_1602 : vector<16xi32>
    %min3A_1604 = arith.constant 1 : i32
    %min3A_1605 = vector.broadcast %min3A_1604 : i32 to vector<16xi32>
    %min3A_1606 = arith.minsi %abs3A_1603, %min3A_1605 : vector<16xi32>
    %sub3A_1607 = arith.constant 1 : i32
    %sub3A_1608 = vector.broadcast %sub3A_1607 : i32 to vector<16xi32>
    %sub3A_1609 = arith.subi %sub3A_1608, %min3A_1606 : vector<16xi32>
    %mul3A_1610 = arith.constant 0 : i32
    %mul3A_1611 = vector.broadcast %mul3A_1610 : i32 to vector<16xi32>
    %mul3A_1612 = arith.muli %sub3A_1609, %mul3A_1611 : vector<16xi32>
    %add3A_1613 = arith.addi %broadcast_in_dim3A_1599, %mul3A_1612 : vector<16xi32>
    %slice3A_1614 = vector.extract_strided_slice %shift_right_arithmetic3A_1597 {offsets = [0], sizes = [1], strides = [1]} : vector<16xi32> to vector<1xi32>
    %squeeze3A_1615 = vector.extract %slice3A_1614[0] : i32 from vector<1xi32>
    %add3A_1616 = arith.constant 0 : i32
    %add3A_1617 = arith.addi %add3A_1616, %squeeze3A_1615 : i32
    %sub3A_1618 = arith.constant 1 : i32
    %sub3A_1619 = vector.broadcast %sub3A_1618 : i32 to vector<16xi32>
    %sub3A_1620 = arith.subi %iota3A, %sub3A_1619 : vector<16xi32>
    %abs3A_1621 = math.absi %sub3A_1620 : vector<16xi32>
    %min3A_1622 = arith.constant 1 : i32
    %min3A_1623 = vector.broadcast %min3A_1622 : i32 to vector<16xi32>
    %min3A_1624 = arith.minsi %abs3A_1621, %min3A_1623 : vector<16xi32>
    %sub3A_1625 = arith.constant 1 : i32
    %sub3A_1626 = vector.broadcast %sub3A_1625 : i32 to vector<16xi32>
    %sub3A_1627 = arith.subi %sub3A_1626, %min3A_1624 : vector<16xi32>
    %mul3A_1628 = vector.broadcast %add3A_1617 : i32 to vector<16xi32>
    %mul3A_1629 = arith.muli %sub3A_1627, %mul3A_1628 : vector<16xi32>
    %add3A_1630 = arith.addi %add3A_1613, %mul3A_1629 : vector<16xi32>
    %slice3A_1631 = vector.extract_strided_slice %shift_right_arithmetic3A_1597 {offsets = [1], sizes = [1], strides = [1]} : vector<16xi32> to vector<1xi32>
    %squeeze3A_1632 = vector.extract %slice3A_1631[0] : i32 from vector<1xi32>
    %add3A_1633 = arith.addi %add3A_1617, %squeeze3A_1632 : i32
    %sub3A_1634 = arith.constant 2 : i32
    %sub3A_1635 = vector.broadcast %sub3A_1634 : i32 to vector<16xi32>
    %sub3A_1636 = arith.subi %iota3A, %sub3A_1635 : vector<16xi32>
    %abs3A_1637 = math.absi %sub3A_1636 : vector<16xi32>
    %min3A_1638 = arith.constant 1 : i32
    %min3A_1639 = vector.broadcast %min3A_1638 : i32 to vector<16xi32>
    %min3A_1640 = arith.minsi %abs3A_1637, %min3A_1639 : vector<16xi32>
    %sub3A_1641 = arith.constant 1 : i32
    %sub3A_1642 = vector.broadcast %sub3A_1641 : i32 to vector<16xi32>
    %sub3A_1643 = arith.subi %sub3A_1642, %min3A_1640 : vector<16xi32>
    %mul3A_1644 = vector.broadcast %add3A_1633 : i32 to vector<16xi32>
    %mul3A_1645 = arith.muli %sub3A_1643, %mul3A_1644 : vector<16xi32>
    %add3A_1646 = arith.addi %add3A_1630, %mul3A_1645 : vector<16xi32>
    %slice3A_1647 = vector.extract_strided_slice %shift_right_arithmetic3A_1597 {offsets = [2], sizes = [1], strides = [1]} : vector<16xi32> to vector<1xi32>
    %squeeze3A_1648 = vector.extract %slice3A_1647[0] : i32 from vector<1xi32>
    %add3A_1649 = arith.addi %add3A_1633, %squeeze3A_1648 : i32
    %sub3A_1650 = arith.constant 3 : i32
    %sub3A_1651 = vector.broadcast %sub3A_1650 : i32 to vector<16xi32>
    %sub3A_1652 = arith.subi %iota3A, %sub3A_1651 : vector<16xi32>
    %abs3A_1653 = math.absi %sub3A_1652 : vector<16xi32>
    %min3A_1654 = arith.constant 1 : i32
    %min3A_1655 = vector.broadcast %min3A_1654 : i32 to vector<16xi32>
    %min3A_1656 = arith.minsi %abs3A_1653, %min3A_1655 : vector<16xi32>
    %sub3A_1657 = arith.constant 1 : i32
    %sub3A_1658 = vector.broadcast %sub3A_1657 : i32 to vector<16xi32>
    %sub3A_1659 = arith.subi %sub3A_1658, %min3A_1656 : vector<16xi32>
    %mul3A_1660 = vector.broadcast %add3A_1649 : i32 to vector<16xi32>
    %mul3A_1661 = arith.muli %sub3A_1659, %mul3A_1660 : vector<16xi32>
    %add3A_1662 = arith.addi %add3A_1646, %mul3A_1661 : vector<16xi32>
    %slice3A_1663 = vector.extract_strided_slice %shift_right_arithmetic3A_1597 {offsets = [3], sizes = [1], strides = [1]} : vector<16xi32> to vector<1xi32>
    %squeeze3A_1664 = vector.extract %slice3A_1663[0] : i32 from vector<1xi32>
    %add3A_1665 = arith.addi %add3A_1649, %squeeze3A_1664 : i32
    %sub3A_1666 = arith.constant 4 : i32
    %sub3A_1667 = vector.broadcast %sub3A_1666 : i32 to vector<16xi32>
    %sub3A_1668 = arith.subi %iota3A, %sub3A_1667 : vector<16xi32>
    %abs3A_1669 = math.absi %sub3A_1668 : vector<16xi32>
    %min3A_1670 = arith.constant 1 : i32
    %min3A_1671 = vector.broadcast %min3A_1670 : i32 to vector<16xi32>
    %min3A_1672 = arith.minsi %abs3A_1669, %min3A_1671 : vector<16xi32>
    %sub3A_1673 = arith.constant 1 : i32
    %sub3A_1674 = vector.broadcast %sub3A_1673 : i32 to vector<16xi32>
    %sub3A_1675 = arith.subi %sub3A_1674, %min3A_1672 : vector<16xi32>
    %mul3A_1676 = vector.broadcast %add3A_1665 : i32 to vector<16xi32>
    %mul3A_1677 = arith.muli %sub3A_1675, %mul3A_1676 : vector<16xi32>
    %add3A_1678 = arith.addi %add3A_1662, %mul3A_1677 : vector<16xi32>
    %slice3A_1679 = vector.extract_strided_slice %shift_right_arithmetic3A_1597 {offsets = [4], sizes = [1], strides = [1]} : vector<16xi32> to vector<1xi32>
    %squeeze3A_1680 = vector.extract %slice3A_1679[0] : i32 from vector<1xi32>
    %add3A_1681 = arith.addi %add3A_1665, %squeeze3A_1680 : i32
    %sub3A_1682 = arith.constant 5 : i32
    %sub3A_1683 = vector.broadcast %sub3A_1682 : i32 to vector<16xi32>
    %sub3A_1684 = arith.subi %iota3A, %sub3A_1683 : vector<16xi32>
    %abs3A_1685 = math.absi %sub3A_1684 : vector<16xi32>
    %min3A_1686 = arith.constant 1 : i32
    %min3A_1687 = vector.broadcast %min3A_1686 : i32 to vector<16xi32>
    %min3A_1688 = arith.minsi %abs3A_1685, %min3A_1687 : vector<16xi32>
    %sub3A_1689 = arith.constant 1 : i32
    %sub3A_1690 = vector.broadcast %sub3A_1689 : i32 to vector<16xi32>
    %sub3A_1691 = arith.subi %sub3A_1690, %min3A_1688 : vector<16xi32>
    %mul3A_1692 = vector.broadcast %add3A_1681 : i32 to vector<16xi32>
    %mul3A_1693 = arith.muli %sub3A_1691, %mul3A_1692 : vector<16xi32>
    %add3A_1694 = arith.addi %add3A_1678, %mul3A_1693 : vector<16xi32>
    %slice3A_1695 = vector.extract_strided_slice %shift_right_arithmetic3A_1597 {offsets = [5], sizes = [1], strides = [1]} : vector<16xi32> to vector<1xi32>
    %squeeze3A_1696 = vector.extract %slice3A_1695[0] : i32 from vector<1xi32>
    %add3A_1697 = arith.addi %add3A_1681, %squeeze3A_1696 : i32
    %sub3A_1698 = arith.constant 6 : i32
    %sub3A_1699 = vector.broadcast %sub3A_1698 : i32 to vector<16xi32>
    %sub3A_1700 = arith.subi %iota3A, %sub3A_1699 : vector<16xi32>
    %abs3A_1701 = math.absi %sub3A_1700 : vector<16xi32>
    %min3A_1702 = arith.constant 1 : i32
    %min3A_1703 = vector.broadcast %min3A_1702 : i32 to vector<16xi32>
    %min3A_1704 = arith.minsi %abs3A_1701, %min3A_1703 : vector<16xi32>
    %sub3A_1705 = arith.constant 1 : i32
    %sub3A_1706 = vector.broadcast %sub3A_1705 : i32 to vector<16xi32>
    %sub3A_1707 = arith.subi %sub3A_1706, %min3A_1704 : vector<16xi32>
    %mul3A_1708 = vector.broadcast %add3A_1697 : i32 to vector<16xi32>
    %mul3A_1709 = arith.muli %sub3A_1707, %mul3A_1708 : vector<16xi32>
    %add3A_1710 = arith.addi %add3A_1694, %mul3A_1709 : vector<16xi32>
    %slice3A_1711 = vector.extract_strided_slice %shift_right_arithmetic3A_1597 {offsets = [6], sizes = [1], strides = [1]} : vector<16xi32> to vector<1xi32>
    %squeeze3A_1712 = vector.extract %slice3A_1711[0] : i32 from vector<1xi32>
    %add3A_1713 = arith.addi %add3A_1697, %squeeze3A_1712 : i32
    %sub3A_1714 = arith.constant 7 : i32
    %sub3A_1715 = vector.broadcast %sub3A_1714 : i32 to vector<16xi32>
    %sub3A_1716 = arith.subi %iota3A, %sub3A_1715 : vector<16xi32>
    %abs3A_1717 = math.absi %sub3A_1716 : vector<16xi32>
    %min3A_1718 = arith.constant 1 : i32
    %min3A_1719 = vector.broadcast %min3A_1718 : i32 to vector<16xi32>
    %min3A_1720 = arith.minsi %abs3A_1717, %min3A_1719 : vector<16xi32>
    %sub3A_1721 = arith.constant 1 : i32
    %sub3A_1722 = vector.broadcast %sub3A_1721 : i32 to vector<16xi32>
    %sub3A_1723 = arith.subi %sub3A_1722, %min3A_1720 : vector<16xi32>
    %mul3A_1724 = vector.broadcast %add3A_1713 : i32 to vector<16xi32>
    %mul3A_1725 = arith.muli %sub3A_1723, %mul3A_1724 : vector<16xi32>
    %add3A_1726 = arith.addi %add3A_1710, %mul3A_1725 : vector<16xi32>
    %slice3A_1727 = vector.extract_strided_slice %shift_right_arithmetic3A_1597 {offsets = [7], sizes = [1], strides = [1]} : vector<16xi32> to vector<1xi32>
    %squeeze3A_1728 = vector.extract %slice3A_1727[0] : i32 from vector<1xi32>
    %add3A_1729 = arith.addi %add3A_1713, %squeeze3A_1728 : i32
    %sub3A_1730 = arith.constant 8 : i32
    %sub3A_1731 = vector.broadcast %sub3A_1730 : i32 to vector<16xi32>
    %sub3A_1732 = arith.subi %iota3A, %sub3A_1731 : vector<16xi32>
    %abs3A_1733 = math.absi %sub3A_1732 : vector<16xi32>
    %min3A_1734 = arith.constant 1 : i32
    %min3A_1735 = vector.broadcast %min3A_1734 : i32 to vector<16xi32>
    %min3A_1736 = arith.minsi %abs3A_1733, %min3A_1735 : vector<16xi32>
    %sub3A_1737 = arith.constant 1 : i32
    %sub3A_1738 = vector.broadcast %sub3A_1737 : i32 to vector<16xi32>
    %sub3A_1739 = arith.subi %sub3A_1738, %min3A_1736 : vector<16xi32>
    %mul3A_1740 = vector.broadcast %add3A_1729 : i32 to vector<16xi32>
    %mul3A_1741 = arith.muli %sub3A_1739, %mul3A_1740 : vector<16xi32>
    %add3A_1742 = arith.addi %add3A_1726, %mul3A_1741 : vector<16xi32>
    %slice3A_1743 = vector.extract_strided_slice %shift_right_arithmetic3A_1597 {offsets = [8], sizes = [1], strides = [1]} : vector<16xi32> to vector<1xi32>
    %squeeze3A_1744 = vector.extract %slice3A_1743[0] : i32 from vector<1xi32>
    %add3A_1745 = arith.addi %add3A_1729, %squeeze3A_1744 : i32
    %sub3A_1746 = arith.constant 9 : i32
    %sub3A_1747 = vector.broadcast %sub3A_1746 : i32 to vector<16xi32>
    %sub3A_1748 = arith.subi %iota3A, %sub3A_1747 : vector<16xi32>
    %abs3A_1749 = math.absi %sub3A_1748 : vector<16xi32>
    %min3A_1750 = arith.constant 1 : i32
    %min3A_1751 = vector.broadcast %min3A_1750 : i32 to vector<16xi32>
    %min3A_1752 = arith.minsi %abs3A_1749, %min3A_1751 : vector<16xi32>
    %sub3A_1753 = arith.constant 1 : i32
    %sub3A_1754 = vector.broadcast %sub3A_1753 : i32 to vector<16xi32>
    %sub3A_1755 = arith.subi %sub3A_1754, %min3A_1752 : vector<16xi32>
    %mul3A_1756 = vector.broadcast %add3A_1745 : i32 to vector<16xi32>
    %mul3A_1757 = arith.muli %sub3A_1755, %mul3A_1756 : vector<16xi32>
    %add3A_1758 = arith.addi %add3A_1742, %mul3A_1757 : vector<16xi32>
    %slice3A_1759 = vector.extract_strided_slice %shift_right_arithmetic3A_1597 {offsets = [9], sizes = [1], strides = [1]} : vector<16xi32> to vector<1xi32>
    %squeeze3A_1760 = vector.extract %slice3A_1759[0] : i32 from vector<1xi32>
    %add3A_1761 = arith.addi %add3A_1745, %squeeze3A_1760 : i32
    %sub3A_1762 = arith.constant 10 : i32
    %sub3A_1763 = vector.broadcast %sub3A_1762 : i32 to vector<16xi32>
    %sub3A_1764 = arith.subi %iota3A, %sub3A_1763 : vector<16xi32>
    %abs3A_1765 = math.absi %sub3A_1764 : vector<16xi32>
    %min3A_1766 = arith.constant 1 : i32
    %min3A_1767 = vector.broadcast %min3A_1766 : i32 to vector<16xi32>
    %min3A_1768 = arith.minsi %abs3A_1765, %min3A_1767 : vector<16xi32>
    %sub3A_1769 = arith.constant 1 : i32
    %sub3A_1770 = vector.broadcast %sub3A_1769 : i32 to vector<16xi32>
    %sub3A_1771 = arith.subi %sub3A_1770, %min3A_1768 : vector<16xi32>
    %mul3A_1772 = vector.broadcast %add3A_1761 : i32 to vector<16xi32>
    %mul3A_1773 = arith.muli %sub3A_1771, %mul3A_1772 : vector<16xi32>
    %add3A_1774 = arith.addi %add3A_1758, %mul3A_1773 : vector<16xi32>
    %slice3A_1775 = vector.extract_strided_slice %shift_right_arithmetic3A_1597 {offsets = [10], sizes = [1], strides = [1]} : vector<16xi32> to vector<1xi32>
    %squeeze3A_1776 = vector.extract %slice3A_1775[0] : i32 from vector<1xi32>
    %add3A_1777 = arith.addi %add3A_1761, %squeeze3A_1776 : i32
    %sub3A_1778 = arith.constant 11 : i32
    %sub3A_1779 = vector.broadcast %sub3A_1778 : i32 to vector<16xi32>
    %sub3A_1780 = arith.subi %iota3A, %sub3A_1779 : vector<16xi32>
    %abs3A_1781 = math.absi %sub3A_1780 : vector<16xi32>
    %min3A_1782 = arith.constant 1 : i32
    %min3A_1783 = vector.broadcast %min3A_1782 : i32 to vector<16xi32>
    %min3A_1784 = arith.minsi %abs3A_1781, %min3A_1783 : vector<16xi32>
    %sub3A_1785 = arith.constant 1 : i32
    %sub3A_1786 = vector.broadcast %sub3A_1785 : i32 to vector<16xi32>
    %sub3A_1787 = arith.subi %sub3A_1786, %min3A_1784 : vector<16xi32>
    %mul3A_1788 = vector.broadcast %add3A_1777 : i32 to vector<16xi32>
    %mul3A_1789 = arith.muli %sub3A_1787, %mul3A_1788 : vector<16xi32>
    %add3A_1790 = arith.addi %add3A_1774, %mul3A_1789 : vector<16xi32>
    %slice3A_1791 = vector.extract_strided_slice %shift_right_arithmetic3A_1597 {offsets = [11], sizes = [1], strides = [1]} : vector<16xi32> to vector<1xi32>
    %squeeze3A_1792 = vector.extract %slice3A_1791[0] : i32 from vector<1xi32>
    %add3A_1793 = arith.addi %add3A_1777, %squeeze3A_1792 : i32
    %sub3A_1794 = arith.constant 12 : i32
    %sub3A_1795 = vector.broadcast %sub3A_1794 : i32 to vector<16xi32>
    %sub3A_1796 = arith.subi %iota3A, %sub3A_1795 : vector<16xi32>
    %abs3A_1797 = math.absi %sub3A_1796 : vector<16xi32>
    %min3A_1798 = arith.constant 1 : i32
    %min3A_1799 = vector.broadcast %min3A_1798 : i32 to vector<16xi32>
    %min3A_1800 = arith.minsi %abs3A_1797, %min3A_1799 : vector<16xi32>
    %sub3A_1801 = arith.constant 1 : i32
    %sub3A_1802 = vector.broadcast %sub3A_1801 : i32 to vector<16xi32>
    %sub3A_1803 = arith.subi %sub3A_1802, %min3A_1800 : vector<16xi32>
    %mul3A_1804 = vector.broadcast %add3A_1793 : i32 to vector<16xi32>
    %mul3A_1805 = arith.muli %sub3A_1803, %mul3A_1804 : vector<16xi32>
    %add3A_1806 = arith.addi %add3A_1790, %mul3A_1805 : vector<16xi32>
    %slice3A_1807 = vector.extract_strided_slice %shift_right_arithmetic3A_1597 {offsets = [12], sizes = [1], strides = [1]} : vector<16xi32> to vector<1xi32>
    %squeeze3A_1808 = vector.extract %slice3A_1807[0] : i32 from vector<1xi32>
    %add3A_1809 = arith.addi %add3A_1793, %squeeze3A_1808 : i32
    %sub3A_1810 = arith.constant 13 : i32
    %sub3A_1811 = vector.broadcast %sub3A_1810 : i32 to vector<16xi32>
    %sub3A_1812 = arith.subi %iota3A, %sub3A_1811 : vector<16xi32>
    %abs3A_1813 = math.absi %sub3A_1812 : vector<16xi32>
    %min3A_1814 = arith.constant 1 : i32
    %min3A_1815 = vector.broadcast %min3A_1814 : i32 to vector<16xi32>
    %min3A_1816 = arith.minsi %abs3A_1813, %min3A_1815 : vector<16xi32>
    %sub3A_1817 = arith.constant 1 : i32
    %sub3A_1818 = vector.broadcast %sub3A_1817 : i32 to vector<16xi32>
    %sub3A_1819 = arith.subi %sub3A_1818, %min3A_1816 : vector<16xi32>
    %mul3A_1820 = vector.broadcast %add3A_1809 : i32 to vector<16xi32>
    %mul3A_1821 = arith.muli %sub3A_1819, %mul3A_1820 : vector<16xi32>
    %add3A_1822 = arith.addi %add3A_1806, %mul3A_1821 : vector<16xi32>
    %slice3A_1823 = vector.extract_strided_slice %shift_right_arithmetic3A_1597 {offsets = [13], sizes = [1], strides = [1]} : vector<16xi32> to vector<1xi32>
    %squeeze3A_1824 = vector.extract %slice3A_1823[0] : i32 from vector<1xi32>
    %add3A_1825 = arith.addi %add3A_1809, %squeeze3A_1824 : i32
    %sub3A_1826 = arith.constant 14 : i32
    %sub3A_1827 = vector.broadcast %sub3A_1826 : i32 to vector<16xi32>
    %sub3A_1828 = arith.subi %iota3A, %sub3A_1827 : vector<16xi32>
    %abs3A_1829 = math.absi %sub3A_1828 : vector<16xi32>
    %min3A_1830 = arith.constant 1 : i32
    %min3A_1831 = vector.broadcast %min3A_1830 : i32 to vector<16xi32>
    %min3A_1832 = arith.minsi %abs3A_1829, %min3A_1831 : vector<16xi32>
    %sub3A_1833 = arith.constant 1 : i32
    %sub3A_1834 = vector.broadcast %sub3A_1833 : i32 to vector<16xi32>
    %sub3A_1835 = arith.subi %sub3A_1834, %min3A_1832 : vector<16xi32>
    %mul3A_1836 = vector.broadcast %add3A_1825 : i32 to vector<16xi32>
    %mul3A_1837 = arith.muli %sub3A_1835, %mul3A_1836 : vector<16xi32>
    %add3A_1838 = arith.addi %add3A_1822, %mul3A_1837 : vector<16xi32>
    %slice3A_1839 = vector.extract_strided_slice %shift_right_arithmetic3A_1597 {offsets = [14], sizes = [1], strides = [1]} : vector<16xi32> to vector<1xi32>
    %squeeze3A_1840 = vector.extract %slice3A_1839[0] : i32 from vector<1xi32>
    %add3A_1841 = arith.addi %add3A_1825, %squeeze3A_1840 : i32
    %sub3A_1842 = arith.constant 15 : i32
    %sub3A_1843 = vector.broadcast %sub3A_1842 : i32 to vector<16xi32>
    %sub3A_1844 = arith.subi %iota3A, %sub3A_1843 : vector<16xi32>
    %abs3A_1845 = math.absi %sub3A_1844 : vector<16xi32>
    %min3A_1846 = arith.constant 1 : i32
    %min3A_1847 = vector.broadcast %min3A_1846 : i32 to vector<16xi32>
    %min3A_1848 = arith.minsi %abs3A_1845, %min3A_1847 : vector<16xi32>
    %sub3A_1849 = arith.constant 1 : i32
    %sub3A_1850 = vector.broadcast %sub3A_1849 : i32 to vector<16xi32>
    %sub3A_1851 = arith.subi %sub3A_1850, %min3A_1848 : vector<16xi32>
    %mul3A_1852 = vector.broadcast %add3A_1841 : i32 to vector<16xi32>
    %mul3A_1853 = arith.muli %sub3A_1851, %mul3A_1852 : vector<16xi32>
    %add3A_1854 = arith.addi %add3A_1838, %mul3A_1853 : vector<16xi32>
    %slice3A_1855 = vector.extract_strided_slice %shift_right_arithmetic3A_1597 {offsets = [15], sizes = [1], strides = [1]} : vector<16xi32> to vector<1xi32>
    %squeeze3A_1856 = vector.extract %slice3A_1855[0] : i32 from vector<1xi32>
    %add3A_1857 = arith.addi %add3A_1841, %squeeze3A_1856 : i32
    %shift_left3A = arith.constant 7 : i32
    %shift_left3A_1858 = vector.broadcast %shift_left3A : i32 to vector<16xi32>
    %shift_left3A_1859 = arith.shli %add3A_1854, %shift_left3A_1858 : vector<16xi32>
    %add3A_1860 = arith.addi %shift_left3A_1859, %scan3A_1591#1 : vector<16xi32>
    %broadcast_in_dim3A_1861 = arith.constant 0 : i32
    %broadcast_in_dim3A_1862 = vector.broadcast %broadcast_in_dim3A_1861 : i32 to vector<16xi32>
    %mul3A_1863 = arith.constant 64 : i32
    %mul3A_1864 = arith.muli %arg0, %mul3A_1863 : i32
    %add3A_1865 = arith.constant 0 : i32
    %add3A_1866 = arith.addi %mul3A_1864, %add3A_1865 : i32
    %get3A_1867 = arith.index_cast %add3A_1866 : i32 to index
    %get3A_1868 = tpu.vector_load %arg7[%get3A_1867] {strides = array<i32>} : memref<128xi32, #tpu.memory_space<vmem>>, vector<16xi32>,
    %get3A_1869 = vector.shape_cast %get3A_1868 : vector<16xi32> to vector<16xi32>
    %add3A_1870 = arith.addi %add3A_1860, %broadcast_in_dim3A_1862 : vector<16xi32>
    %broadcast_in_dim3A_1871 = vector.shape_cast %get3A_1869 : vector<16xi32> to vector<16x1xi32>
    %gather3A = vector.shape_cast %broadcast_in_dim3A_1871 : vector<16x1xi32> to vector<16xi32>
    %gather3A_1872 = tpu.dynamic_gather %add3A_1870[%gather3A] in [0] : vector<16xi32>, vector<16xi32> -> vector<16xi32>
    %broadcast_in_dim3A_1873 = arith.constant 0 : i32
    %broadcast_in_dim3A_1874 = vector.broadcast %broadcast_in_dim3A_1873 : i32 to vector<16xi32>
    %slice3A_1875 = vector.extract_strided_slice %get3A_1869 {offsets = [0], sizes = [1], strides = [1]} : vector<16xi32> to vector<1xi32>
    %squeeze3A_1876 = vector.extract %slice3A_1875[0] : i32 from vector<1xi32>
    %sub3A_1877 = vector.broadcast %squeeze3A_1876 : i32 to vector<16xi32>
    %sub3A_1878 = arith.subi %get3A_1869, %sub3A_1877 : vector<16xi32>
    %abs3A_1879 = math.absi %sub3A_1878 : vector<16xi32>
    %min3A_1880 = arith.constant 1 : i32
    %min3A_1881 = vector.broadcast %min3A_1880 : i32 to vector<16xi32>
    %min3A_1882 = arith.minsi %abs3A_1879, %min3A_1881 : vector<16xi32>
    %sub3A_1883 = arith.constant 1 : i32
    %sub3A_1884 = vector.broadcast %sub3A_1883 : i32 to vector<16xi32>
    %sub3A_1885 = arith.subi %sub3A_1884, %min3A_1882 : vector<16xi32>
    %sub3A_1886 = arith.constant 0 : i32
    %sub3A_1887 = vector.broadcast %sub3A_1886 : i32 to vector<16xi32>
    %sub3A_1888 = arith.subi %iota3A, %sub3A_1887 : vector<16xi32>
    %max3A = arith.constant 0 : i32
    %max3A_1889 = vector.broadcast %max3A : i32 to vector<16xi32>
    %max3A_1890 = arith.maxsi %sub3A_1888, %max3A_1889 : vector<16xi32>
    %min3A_1891 = arith.constant 1 : i32
    %min3A_1892 = vector.broadcast %min3A_1891 : i32 to vector<16xi32>
    %min3A_1893 = arith.minsi %max3A_1890, %min3A_1892 : vector<16xi32>
    %mul3A_1894 = arith.muli %sub3A_1885, %min3A_1893 : vector<16xi32>
    %add3A_1895 = arith.addi %broadcast_in_dim3A_1874, %mul3A_1894 : vector<16xi32>
    %slice3A_1896 = vector.extract_strided_slice %get3A_1869 {offsets = [0], sizes = [1], strides = [1]} : vector<16xi32> to vector<1xi32>
    %squeeze3A_1897 = vector.extract %slice3A_1896[0] : i32 from vector<1xi32>
    %sub3A_1898 = vector.broadcast %squeeze3A_1897 : i32 to vector<16xi32>
    %sub3A_1899 = arith.subi %iota3A, %sub3A_1898 : vector<16xi32>
    %abs3A_1900 = math.absi %sub3A_1899 : vector<16xi32>
    %min3A_1901 = arith.constant 1 : i32
    %min3A_1902 = vector.broadcast %min3A_1901 : i32 to vector<16xi32>
    %min3A_1903 = arith.minsi %abs3A_1900, %min3A_1902 : vector<16xi32>
    %sub3A_1904 = arith.constant 1 : i32
    %sub3A_1905 = vector.broadcast %sub3A_1904 : i32 to vector<16xi32>
    %sub3A_1906 = arith.subi %sub3A_1905, %min3A_1903 : vector<16xi32>
    %add3A_1907 = arith.addi %broadcast_in_dim3A_1862, %sub3A_1906 : vector<16xi32>
    %slice3A_1908 = vector.extract_strided_slice %get3A_1869 {offsets = [1], sizes = [1], strides = [1]} : vector<16xi32> to vector<1xi32>
    %squeeze3A_1909 = vector.extract %slice3A_1908[0] : i32 from vector<1xi32>
    %sub3A_1910 = vector.broadcast %squeeze3A_1909 : i32 to vector<16xi32>
    %sub3A_1911 = arith.subi %get3A_1869, %sub3A_1910 : vector<16xi32>
    %abs3A_1912 = math.absi %sub3A_1911 : vector<16xi32>
    %min3A_1913 = arith.constant 1 : i32
    %min3A_1914 = vector.broadcast %min3A_1913 : i32 to vector<16xi32>
    %min3A_1915 = arith.minsi %abs3A_1912, %min3A_1914 : vector<16xi32>
    %sub3A_1916 = arith.constant 1 : i32
    %sub3A_1917 = vector.broadcast %sub3A_1916 : i32 to vector<16xi32>
    %sub3A_1918 = arith.subi %sub3A_1917, %min3A_1915 : vector<16xi32>
    %sub3A_1919 = arith.constant 1 : i32
    %sub3A_1920 = vector.broadcast %sub3A_1919 : i32 to vector<16xi32>
    %sub3A_1921 = arith.subi %iota3A, %sub3A_1920 : vector<16xi32>
    %max3A_1922 = arith.constant 0 : i32
    %max3A_1923 = vector.broadcast %max3A_1922 : i32 to vector<16xi32>
    %max3A_1924 = arith.maxsi %sub3A_1921, %max3A_1923 : vector<16xi32>
    %min3A_1925 = arith.constant 1 : i32
    %min3A_1926 = vector.broadcast %min3A_1925 : i32 to vector<16xi32>
    %min3A_1927 = arith.minsi %max3A_1924, %min3A_1926 : vector<16xi32>
    %mul3A_1928 = arith.muli %sub3A_1918, %min3A_1927 : vector<16xi32>
    %add3A_1929 = arith.addi %add3A_1895, %mul3A_1928 : vector<16xi32>
    %slice3A_1930 = vector.extract_strided_slice %get3A_1869 {offsets = [1], sizes = [1], strides = [1]} : vector<16xi32> to vector<1xi32>
    %squeeze3A_1931 = vector.extract %slice3A_1930[0] : i32 from vector<1xi32>
    %sub3A_1932 = vector.broadcast %squeeze3A_1931 : i32 to vector<16xi32>
    %sub3A_1933 = arith.subi %iota3A, %sub3A_1932 : vector<16xi32>
    %abs3A_1934 = math.absi %sub3A_1933 : vector<16xi32>
    %min3A_1935 = arith.constant 1 : i32
    %min3A_1936 = vector.broadcast %min3A_1935 : i32 to vector<16xi32>
    %min3A_1937 = arith.minsi %abs3A_1934, %min3A_1936 : vector<16xi32>
    %sub3A_1938 = arith.constant 1 : i32
    %sub3A_1939 = vector.broadcast %sub3A_1938 : i32 to vector<16xi32>
    %sub3A_1940 = arith.subi %sub3A_1939, %min3A_1937 : vector<16xi32>
    %add3A_1941 = arith.addi %add3A_1907, %sub3A_1940 : vector<16xi32>
    %slice3A_1942 = vector.extract_strided_slice %get3A_1869 {offsets = [2], sizes = [1], strides = [1]} : vector<16xi32> to vector<1xi32>
    %squeeze3A_1943 = vector.extract %slice3A_1942[0] : i32 from vector<1xi32>
    %sub3A_1944 = vector.broadcast %squeeze3A_1943 : i32 to vector<16xi32>
    %sub3A_1945 = arith.subi %get3A_1869, %sub3A_1944 : vector<16xi32>
    %abs3A_1946 = math.absi %sub3A_1945 : vector<16xi32>
    %min3A_1947 = arith.constant 1 : i32
    %min3A_1948 = vector.broadcast %min3A_1947 : i32 to vector<16xi32>
    %min3A_1949 = arith.minsi %abs3A_1946, %min3A_1948 : vector<16xi32>
    %sub3A_1950 = arith.constant 1 : i32
    %sub3A_1951 = vector.broadcast %sub3A_1950 : i32 to vector<16xi32>
    %sub3A_1952 = arith.subi %sub3A_1951, %min3A_1949 : vector<16xi32>
    %sub3A_1953 = arith.constant 2 : i32
    %sub3A_1954 = vector.broadcast %sub3A_1953 : i32 to vector<16xi32>
    %sub3A_1955 = arith.subi %iota3A, %sub3A_1954 : vector<16xi32>
    %max3A_1956 = arith.constant 0 : i32
    %max3A_1957 = vector.broadcast %max3A_1956 : i32 to vector<16xi32>
    %max3A_1958 = arith.maxsi %sub3A_1955, %max3A_1957 : vector<16xi32>
    %min3A_1959 = arith.constant 1 : i32
    %min3A_1960 = vector.broadcast %min3A_1959 : i32 to vector<16xi32>
    %min3A_1961 = arith.minsi %max3A_1958, %min3A_1960 : vector<16xi32>
    %mul3A_1962 = arith.muli %sub3A_1952, %min3A_1961 : vector<16xi32>
    %add3A_1963 = arith.addi %add3A_1929, %mul3A_1962 : vector<16xi32>
    %slice3A_1964 = vector.extract_strided_slice %get3A_1869 {offsets = [2], sizes = [1], strides = [1]} : vector<16xi32> to vector<1xi32>
    %squeeze3A_1965 = vector.extract %slice3A_1964[0] : i32 from vector<1xi32>
    %sub3A_1966 = vector.broadcast %squeeze3A_1965 : i32 to vector<16xi32>
    %sub3A_1967 = arith.subi %iota3A, %sub3A_1966 : vector<16xi32>
    %abs3A_1968 = math.absi %sub3A_1967 : vector<16xi32>
    %min3A_1969 = arith.constant 1 : i32
    %min3A_1970 = vector.broadcast %min3A_1969 : i32 to vector<16xi32>
    %min3A_1971 = arith.minsi %abs3A_1968, %min3A_1970 : vector<16xi32>
    %sub3A_1972 = arith.constant 1 : i32
    %sub3A_1973 = vector.broadcast %sub3A_1972 : i32 to vector<16xi32>
    %sub3A_1974 = arith.subi %sub3A_1973, %min3A_1971 : vector<16xi32>
    %add3A_1975 = arith.addi %add3A_1941, %sub3A_1974 : vector<16xi32>
    %slice3A_1976 = vector.extract_strided_slice %get3A_1869 {offsets = [3], sizes = [1], strides = [1]} : vector<16xi32> to vector<1xi32>
    %squeeze3A_1977 = vector.extract %slice3A_1976[0] : i32 from vector<1xi32>
    %sub3A_1978 = vector.broadcast %squeeze3A_1977 : i32 to vector<16xi32>
    %sub3A_1979 = arith.subi %get3A_1869, %sub3A_1978 : vector<16xi32>
    %abs3A_1980 = math.absi %sub3A_1979 : vector<16xi32>
    %min3A_1981 = arith.constant 1 : i32
    %min3A_1982 = vector.broadcast %min3A_1981 : i32 to vector<16xi32>
    %min3A_1983 = arith.minsi %abs3A_1980, %min3A_1982 : vector<16xi32>
    %sub3A_1984 = arith.constant 1 : i32
    %sub3A_1985 = vector.broadcast %sub3A_1984 : i32 to vector<16xi32>
    %sub3A_1986 = arith.subi %sub3A_1985, %min3A_1983 : vector<16xi32>
    %sub3A_1987 = arith.constant 3 : i32
    %sub3A_1988 = vector.broadcast %sub3A_1987 : i32 to vector<16xi32>
    %sub3A_1989 = arith.subi %iota3A, %sub3A_1988 : vector<16xi32>
    %max3A_1990 = arith.constant 0 : i32
    %max3A_1991 = vector.broadcast %max3A_1990 : i32 to vector<16xi32>
    %max3A_1992 = arith.maxsi %sub3A_1989, %max3A_1991 : vector<16xi32>
    %min3A_1993 = arith.constant 1 : i32
    %min3A_1994 = vector.broadcast %min3A_1993 : i32 to vector<16xi32>
    %min3A_1995 = arith.minsi %max3A_1992, %min3A_1994 : vector<16xi32>
    %mul3A_1996 = arith.muli %sub3A_1986, %min3A_1995 : vector<16xi32>
    %add3A_1997 = arith.addi %add3A_1963, %mul3A_1996 : vector<16xi32>
    %slice3A_1998 = vector.extract_strided_slice %get3A_1869 {offsets = [3], sizes = [1], strides = [1]} : vector<16xi32> to vector<1xi32>
    %squeeze3A_1999 = vector.extract %slice3A_1998[0] : i32 from vector<1xi32>
    %sub3A_2000 = vector.broadcast %squeeze3A_1999 : i32 to vector<16xi32>
    %sub3A_2001 = arith.subi %iota3A, %sub3A_2000 : vector<16xi32>
    %abs3A_2002 = math.absi %sub3A_2001 : vector<16xi32>
    %min3A_2003 = arith.constant 1 : i32
    %min3A_2004 = vector.broadcast %min3A_2003 : i32 to vector<16xi32>
    %min3A_2005 = arith.minsi %abs3A_2002, %min3A_2004 : vector<16xi32>
    %sub3A_2006 = arith.constant 1 : i32
    %sub3A_2007 = vector.broadcast %sub3A_2006 : i32 to vector<16xi32>
    %sub3A_2008 = arith.subi %sub3A_2007, %min3A_2005 : vector<16xi32>
    %add3A_2009 = arith.addi %add3A_1975, %sub3A_2008 : vector<16xi32>
    %slice3A_2010 = vector.extract_strided_slice %get3A_1869 {offsets = [4], sizes = [1], strides = [1]} : vector<16xi32> to vector<1xi32>
    %squeeze3A_2011 = vector.extract %slice3A_2010[0] : i32 from vector<1xi32>
    %sub3A_2012 = vector.broadcast %squeeze3A_2011 : i32 to vector<16xi32>
    %sub3A_2013 = arith.subi %get3A_1869, %sub3A_2012 : vector<16xi32>
    %abs3A_2014 = math.absi %sub3A_2013 : vector<16xi32>
    %min3A_2015 = arith.constant 1 : i32
    %min3A_2016 = vector.broadcast %min3A_2015 : i32 to vector<16xi32>
    %min3A_2017 = arith.minsi %abs3A_2014, %min3A_2016 : vector<16xi32>
    %sub3A_2018 = arith.constant 1 : i32
    %sub3A_2019 = vector.broadcast %sub3A_2018 : i32 to vector<16xi32>
    %sub3A_2020 = arith.subi %sub3A_2019, %min3A_2017 : vector<16xi32>
    %sub3A_2021 = arith.constant 4 : i32
    %sub3A_2022 = vector.broadcast %sub3A_2021 : i32 to vector<16xi32>
    %sub3A_2023 = arith.subi %iota3A, %sub3A_2022 : vector<16xi32>
    %max3A_2024 = arith.constant 0 : i32
    %max3A_2025 = vector.broadcast %max3A_2024 : i32 to vector<16xi32>
    %max3A_2026 = arith.maxsi %sub3A_2023, %max3A_2025 : vector<16xi32>
    %min3A_2027 = arith.constant 1 : i32
    %min3A_2028 = vector.broadcast %min3A_2027 : i32 to vector<16xi32>
    %min3A_2029 = arith.minsi %max3A_2026, %min3A_2028 : vector<16xi32>
    %mul3A_2030 = arith.muli %sub3A_2020, %min3A_2029 : vector<16xi32>
    %add3A_2031 = arith.addi %add3A_1997, %mul3A_2030 : vector<16xi32>
    %slice3A_2032 = vector.extract_strided_slice %get3A_1869 {offsets = [4], sizes = [1], strides = [1]} : vector<16xi32> to vector<1xi32>
    %squeeze3A_2033 = vector.extract %slice3A_2032[0] : i32 from vector<1xi32>
    %sub3A_2034 = vector.broadcast %squeeze3A_2033 : i32 to vector<16xi32>
    %sub3A_2035 = arith.subi %iota3A, %sub3A_2034 : vector<16xi32>
    %abs3A_2036 = math.absi %sub3A_2035 : vector<16xi32>
    %min3A_2037 = arith.constant 1 : i32
    %min3A_2038 = vector.broadcast %min3A_2037 : i32 to vector<16xi32>
    %min3A_2039 = arith.minsi %abs3A_2036, %min3A_2038 : vector<16xi32>
    %sub3A_2040 = arith.constant 1 : i32
    %sub3A_2041 = vector.broadcast %sub3A_2040 : i32 to vector<16xi32>
    %sub3A_2042 = arith.subi %sub3A_2041, %min3A_2039 : vector<16xi32>
    %add3A_2043 = arith.addi %add3A_2009, %sub3A_2042 : vector<16xi32>
    %slice3A_2044 = vector.extract_strided_slice %get3A_1869 {offsets = [5], sizes = [1], strides = [1]} : vector<16xi32> to vector<1xi32>
    %squeeze3A_2045 = vector.extract %slice3A_2044[0] : i32 from vector<1xi32>
    %sub3A_2046 = vector.broadcast %squeeze3A_2045 : i32 to vector<16xi32>
    %sub3A_2047 = arith.subi %get3A_1869, %sub3A_2046 : vector<16xi32>
    %abs3A_2048 = math.absi %sub3A_2047 : vector<16xi32>
    %min3A_2049 = arith.constant 1 : i32
    %min3A_2050 = vector.broadcast %min3A_2049 : i32 to vector<16xi32>
    %min3A_2051 = arith.minsi %abs3A_2048, %min3A_2050 : vector<16xi32>
    %sub3A_2052 = arith.constant 1 : i32
    %sub3A_2053 = vector.broadcast %sub3A_2052 : i32 to vector<16xi32>
    %sub3A_2054 = arith.subi %sub3A_2053, %min3A_2051 : vector<16xi32>
    %sub3A_2055 = arith.constant 5 : i32
    %sub3A_2056 = vector.broadcast %sub3A_2055 : i32 to vector<16xi32>
    %sub3A_2057 = arith.subi %iota3A, %sub3A_2056 : vector<16xi32>
    %max3A_2058 = arith.constant 0 : i32
    %max3A_2059 = vector.broadcast %max3A_2058 : i32 to vector<16xi32>
    %max3A_2060 = arith.maxsi %sub3A_2057, %max3A_2059 : vector<16xi32>
    %min3A_2061 = arith.constant 1 : i32
    %min3A_2062 = vector.broadcast %min3A_2061 : i32 to vector<16xi32>
    %min3A_2063 = arith.minsi %max3A_2060, %min3A_2062 : vector<16xi32>
    %mul3A_2064 = arith.muli %sub3A_2054, %min3A_2063 : vector<16xi32>
    %add3A_2065 = arith.addi %add3A_2031, %mul3A_2064 : vector<16xi32>
    %slice3A_2066 = vector.extract_strided_slice %get3A_1869 {offsets = [5], sizes = [1], strides = [1]} : vector<16xi32> to vector<1xi32>
    %squeeze3A_2067 = vector.extract %slice3A_2066[0] : i32 from vector<1xi32>
    %sub3A_2068 = vector.broadcast %squeeze3A_2067 : i32 to vector<16xi32>
    %sub3A_2069 = arith.subi %iota3A, %sub3A_2068 : vector<16xi32>
    %abs3A_2070 = math.absi %sub3A_2069 : vector<16xi32>
    %min3A_2071 = arith.constant 1 : i32
    %min3A_2072 = vector.broadcast %min3A_2071 : i32 to vector<16xi32>
    %min3A_2073 = arith.minsi %abs3A_2070, %min3A_2072 : vector<16xi32>
    %sub3A_2074 = arith.constant 1 : i32
    %sub3A_2075 = vector.broadcast %sub3A_2074 : i32 to vector<16xi32>
    %sub3A_2076 = arith.subi %sub3A_2075, %min3A_2073 : vector<16xi32>
    %add3A_2077 = arith.addi %add3A_2043, %sub3A_2076 : vector<16xi32>
    %slice3A_2078 = vector.extract_strided_slice %get3A_1869 {offsets = [6], sizes = [1], strides = [1]} : vector<16xi32> to vector<1xi32>
    %squeeze3A_2079 = vector.extract %slice3A_2078[0] : i32 from vector<1xi32>
    %sub3A_2080 = vector.broadcast %squeeze3A_2079 : i32 to vector<16xi32>
    %sub3A_2081 = arith.subi %get3A_1869, %sub3A_2080 : vector<16xi32>
    %abs3A_2082 = math.absi %sub3A_2081 : vector<16xi32>
    %min3A_2083 = arith.constant 1 : i32
    %min3A_2084 = vector.broadcast %min3A_2083 : i32 to vector<16xi32>
    %min3A_2085 = arith.minsi %abs3A_2082, %min3A_2084 : vector<16xi32>
    %sub3A_2086 = arith.constant 1 : i32
    %sub3A_2087 = vector.broadcast %sub3A_2086 : i32 to vector<16xi32>
    %sub3A_2088 = arith.subi %sub3A_2087, %min3A_2085 : vector<16xi32>
    %sub3A_2089 = arith.constant 6 : i32
    %sub3A_2090 = vector.broadcast %sub3A_2089 : i32 to vector<16xi32>
    %sub3A_2091 = arith.subi %iota3A, %sub3A_2090 : vector<16xi32>
    %max3A_2092 = arith.constant 0 : i32
    %max3A_2093 = vector.broadcast %max3A_2092 : i32 to vector<16xi32>
    %max3A_2094 = arith.maxsi %sub3A_2091, %max3A_2093 : vector<16xi32>
    %min3A_2095 = arith.constant 1 : i32
    %min3A_2096 = vector.broadcast %min3A_2095 : i32 to vector<16xi32>
    %min3A_2097 = arith.minsi %max3A_2094, %min3A_2096 : vector<16xi32>
    %mul3A_2098 = arith.muli %sub3A_2088, %min3A_2097 : vector<16xi32>
    %add3A_2099 = arith.addi %add3A_2065, %mul3A_2098 : vector<16xi32>
    %slice3A_2100 = vector.extract_strided_slice %get3A_1869 {offsets = [6], sizes = [1], strides = [1]} : vector<16xi32> to vector<1xi32>
    %squeeze3A_2101 = vector.extract %slice3A_2100[0] : i32 from vector<1xi32>
    %sub3A_2102 = vector.broadcast %squeeze3A_2101 : i32 to vector<16xi32>
    %sub3A_2103 = arith.subi %iota3A, %sub3A_2102 : vector<16xi32>
    %abs3A_2104 = math.absi %sub3A_2103 : vector<16xi32>
    %min3A_2105 = arith.constant 1 : i32
    %min3A_2106 = vector.broadcast %min3A_2105 : i32 to vector<16xi32>
    %min3A_2107 = arith.minsi %abs3A_2104, %min3A_2106 : vector<16xi32>
    %sub3A_2108 = arith.constant 1 : i32
    %sub3A_2109 = vector.broadcast %sub3A_2108 : i32 to vector<16xi32>
    %sub3A_2110 = arith.subi %sub3A_2109, %min3A_2107 : vector<16xi32>
    %add3A_2111 = arith.addi %add3A_2077, %sub3A_2110 : vector<16xi32>
    %slice3A_2112 = vector.extract_strided_slice %get3A_1869 {offsets = [7], sizes = [1], strides = [1]} : vector<16xi32> to vector<1xi32>
    %squeeze3A_2113 = vector.extract %slice3A_2112[0] : i32 from vector<1xi32>
    %sub3A_2114 = vector.broadcast %squeeze3A_2113 : i32 to vector<16xi32>
    %sub3A_2115 = arith.subi %get3A_1869, %sub3A_2114 : vector<16xi32>
    %abs3A_2116 = math.absi %sub3A_2115 : vector<16xi32>
    %min3A_2117 = arith.constant 1 : i32
    %min3A_2118 = vector.broadcast %min3A_2117 : i32 to vector<16xi32>
    %min3A_2119 = arith.minsi %abs3A_2116, %min3A_2118 : vector<16xi32>
    %sub3A_2120 = arith.constant 1 : i32
    %sub3A_2121 = vector.broadcast %sub3A_2120 : i32 to vector<16xi32>
    %sub3A_2122 = arith.subi %sub3A_2121, %min3A_2119 : vector<16xi32>
    %sub3A_2123 = arith.constant 7 : i32
    %sub3A_2124 = vector.broadcast %sub3A_2123 : i32 to vector<16xi32>
    %sub3A_2125 = arith.subi %iota3A, %sub3A_2124 : vector<16xi32>
    %max3A_2126 = arith.constant 0 : i32
    %max3A_2127 = vector.broadcast %max3A_2126 : i32 to vector<16xi32>
    %max3A_2128 = arith.maxsi %sub3A_2125, %max3A_2127 : vector<16xi32>
    %min3A_2129 = arith.constant 1 : i32
    %min3A_2130 = vector.broadcast %min3A_2129 : i32 to vector<16xi32>
    %min3A_2131 = arith.minsi %max3A_2128, %min3A_2130 : vector<16xi32>
    %mul3A_2132 = arith.muli %sub3A_2122, %min3A_2131 : vector<16xi32>
    %add3A_2133 = arith.addi %add3A_2099, %mul3A_2132 : vector<16xi32>
    %slice3A_2134 = vector.extract_strided_slice %get3A_1869 {offsets = [7], sizes = [1], strides = [1]} : vector<16xi32> to vector<1xi32>
    %squeeze3A_2135 = vector.extract %slice3A_2134[0] : i32 from vector<1xi32>
    %sub3A_2136 = vector.broadcast %squeeze3A_2135 : i32 to vector<16xi32>
    %sub3A_2137 = arith.subi %iota3A, %sub3A_2136 : vector<16xi32>
    %abs3A_2138 = math.absi %sub3A_2137 : vector<16xi32>
    %min3A_2139 = arith.constant 1 : i32
    %min3A_2140 = vector.broadcast %min3A_2139 : i32 to vector<16xi32>
    %min3A_2141 = arith.minsi %abs3A_2138, %min3A_2140 : vector<16xi32>
    %sub3A_2142 = arith.constant 1 : i32
    %sub3A_2143 = vector.broadcast %sub3A_2142 : i32 to vector<16xi32>
    %sub3A_2144 = arith.subi %sub3A_2143, %min3A_2141 : vector<16xi32>
    %add3A_2145 = arith.addi %add3A_2111, %sub3A_2144 : vector<16xi32>
    %slice3A_2146 = vector.extract_strided_slice %get3A_1869 {offsets = [8], sizes = [1], strides = [1]} : vector<16xi32> to vector<1xi32>
    %squeeze3A_2147 = vector.extract %slice3A_2146[0] : i32 from vector<1xi32>
    %sub3A_2148 = vector.broadcast %squeeze3A_2147 : i32 to vector<16xi32>
    %sub3A_2149 = arith.subi %get3A_1869, %sub3A_2148 : vector<16xi32>
    %abs3A_2150 = math.absi %sub3A_2149 : vector<16xi32>
    %min3A_2151 = arith.constant 1 : i32
    %min3A_2152 = vector.broadcast %min3A_2151 : i32 to vector<16xi32>
    %min3A_2153 = arith.minsi %abs3A_2150, %min3A_2152 : vector<16xi32>
    %sub3A_2154 = arith.constant 1 : i32
    %sub3A_2155 = vector.broadcast %sub3A_2154 : i32 to vector<16xi32>
    %sub3A_2156 = arith.subi %sub3A_2155, %min3A_2153 : vector<16xi32>
    %sub3A_2157 = arith.constant 8 : i32
    %sub3A_2158 = vector.broadcast %sub3A_2157 : i32 to vector<16xi32>
    %sub3A_2159 = arith.subi %iota3A, %sub3A_2158 : vector<16xi32>
    %max3A_2160 = arith.constant 0 : i32
    %max3A_2161 = vector.broadcast %max3A_2160 : i32 to vector<16xi32>
    %max3A_2162 = arith.maxsi %sub3A_2159, %max3A_2161 : vector<16xi32>
    %min3A_2163 = arith.constant 1 : i32
    %min3A_2164 = vector.broadcast %min3A_2163 : i32 to vector<16xi32>
    %min3A_2165 = arith.minsi %max3A_2162, %min3A_2164 : vector<16xi32>
    %mul3A_2166 = arith.muli %sub3A_2156, %min3A_2165 : vector<16xi32>
    %add3A_2167 = arith.addi %add3A_2133, %mul3A_2166 : vector<16xi32>
    %slice3A_2168 = vector.extract_strided_slice %get3A_1869 {offsets = [8], sizes = [1], strides = [1]} : vector<16xi32> to vector<1xi32>
    %squeeze3A_2169 = vector.extract %slice3A_2168[0] : i32 from vector<1xi32>
    %sub3A_2170 = vector.broadcast %squeeze3A_2169 : i32 to vector<16xi32>
    %sub3A_2171 = arith.subi %iota3A, %sub3A_2170 : vector<16xi32>
    %abs3A_2172 = math.absi %sub3A_2171 : vector<16xi32>
    %min3A_2173 = arith.constant 1 : i32
    %min3A_2174 = vector.broadcast %min3A_2173 : i32 to vector<16xi32>
    %min3A_2175 = arith.minsi %abs3A_2172, %min3A_2174 : vector<16xi32>
    %sub3A_2176 = arith.constant 1 : i32
    %sub3A_2177 = vector.broadcast %sub3A_2176 : i32 to vector<16xi32>
    %sub3A_2178 = arith.subi %sub3A_2177, %min3A_2175 : vector<16xi32>
    %add3A_2179 = arith.addi %add3A_2145, %sub3A_2178 : vector<16xi32>
    %slice3A_2180 = vector.extract_strided_slice %get3A_1869 {offsets = [9], sizes = [1], strides = [1]} : vector<16xi32> to vector<1xi32>
    %squeeze3A_2181 = vector.extract %slice3A_2180[0] : i32 from vector<1xi32>
    %sub3A_2182 = vector.broadcast %squeeze3A_2181 : i32 to vector<16xi32>
    %sub3A_2183 = arith.subi %get3A_1869, %sub3A_2182 : vector<16xi32>
    %abs3A_2184 = math.absi %sub3A_2183 : vector<16xi32>
    %min3A_2185 = arith.constant 1 : i32
    %min3A_2186 = vector.broadcast %min3A_2185 : i32 to vector<16xi32>
    %min3A_2187 = arith.minsi %abs3A_2184, %min3A_2186 : vector<16xi32>
    %sub3A_2188 = arith.constant 1 : i32
    %sub3A_2189 = vector.broadcast %sub3A_2188 : i32 to vector<16xi32>
    %sub3A_2190 = arith.subi %sub3A_2189, %min3A_2187 : vector<16xi32>
    %sub3A_2191 = arith.constant 9 : i32
    %sub3A_2192 = vector.broadcast %sub3A_2191 : i32 to vector<16xi32>
    %sub3A_2193 = arith.subi %iota3A, %sub3A_2192 : vector<16xi32>
    %max3A_2194 = arith.constant 0 : i32
    %max3A_2195 = vector.broadcast %max3A_2194 : i32 to vector<16xi32>
    %max3A_2196 = arith.maxsi %sub3A_2193, %max3A_2195 : vector<16xi32>
    %min3A_2197 = arith.constant 1 : i32
    %min3A_2198 = vector.broadcast %min3A_2197 : i32 to vector<16xi32>
    %min3A_2199 = arith.minsi %max3A_2196, %min3A_2198 : vector<16xi32>
    %mul3A_2200 = arith.muli %sub3A_2190, %min3A_2199 : vector<16xi32>
    %add3A_2201 = arith.addi %add3A_2167, %mul3A_2200 : vector<16xi32>
    %slice3A_2202 = vector.extract_strided_slice %get3A_1869 {offsets = [9], sizes = [1], strides = [1]} : vector<16xi32> to vector<1xi32>
    %squeeze3A_2203 = vector.extract %slice3A_2202[0] : i32 from vector<1xi32>
    %sub3A_2204 = vector.broadcast %squeeze3A_2203 : i32 to vector<16xi32>
    %sub3A_2205 = arith.subi %iota3A, %sub3A_2204 : vector<16xi32>
    %abs3A_2206 = math.absi %sub3A_2205 : vector<16xi32>
    %min3A_2207 = arith.constant 1 : i32
    %min3A_2208 = vector.broadcast %min3A_2207 : i32 to vector<16xi32>
    %min3A_2209 = arith.minsi %abs3A_2206, %min3A_2208 : vector<16xi32>
    %sub3A_2210 = arith.constant 1 : i32
    %sub3A_2211 = vector.broadcast %sub3A_2210 : i32 to vector<16xi32>
    %sub3A_2212 = arith.subi %sub3A_2211, %min3A_2209 : vector<16xi32>
    %add3A_2213 = arith.addi %add3A_2179, %sub3A_2212 : vector<16xi32>
    %slice3A_2214 = vector.extract_strided_slice %get3A_1869 {offsets = [10], sizes = [1], strides = [1]} : vector<16xi32> to vector<1xi32>
    %squeeze3A_2215 = vector.extract %slice3A_2214[0] : i32 from vector<1xi32>
    %sub3A_2216 = vector.broadcast %squeeze3A_2215 : i32 to vector<16xi32>
    %sub3A_2217 = arith.subi %get3A_1869, %sub3A_2216 : vector<16xi32>
    %abs3A_2218 = math.absi %sub3A_2217 : vector<16xi32>
    %min3A_2219 = arith.constant 1 : i32
    %min3A_2220 = vector.broadcast %min3A_2219 : i32 to vector<16xi32>
    %min3A_2221 = arith.minsi %abs3A_2218, %min3A_2220 : vector<16xi32>
    %sub3A_2222 = arith.constant 1 : i32
    %sub3A_2223 = vector.broadcast %sub3A_2222 : i32 to vector<16xi32>
    %sub3A_2224 = arith.subi %sub3A_2223, %min3A_2221 : vector<16xi32>
    %sub3A_2225 = arith.constant 10 : i32
    %sub3A_2226 = vector.broadcast %sub3A_2225 : i32 to vector<16xi32>
    %sub3A_2227 = arith.subi %iota3A, %sub3A_2226 : vector<16xi32>
    %max3A_2228 = arith.constant 0 : i32
    %max3A_2229 = vector.broadcast %max3A_2228 : i32 to vector<16xi32>
    %max3A_2230 = arith.maxsi %sub3A_2227, %max3A_2229 : vector<16xi32>
    %min3A_2231 = arith.constant 1 : i32
    %min3A_2232 = vector.broadcast %min3A_2231 : i32 to vector<16xi32>
    %min3A_2233 = arith.minsi %max3A_2230, %min3A_2232 : vector<16xi32>
    %mul3A_2234 = arith.muli %sub3A_2224, %min3A_2233 : vector<16xi32>
    %add3A_2235 = arith.addi %add3A_2201, %mul3A_2234 : vector<16xi32>
    %slice3A_2236 = vector.extract_strided_slice %get3A_1869 {offsets = [10], sizes = [1], strides = [1]} : vector<16xi32> to vector<1xi32>
    %squeeze3A_2237 = vector.extract %slice3A_2236[0] : i32 from vector<1xi32>
    %sub3A_2238 = vector.broadcast %squeeze3A_2237 : i32 to vector<16xi32>
    %sub3A_2239 = arith.subi %iota3A, %sub3A_2238 : vector<16xi32>
    %abs3A_2240 = math.absi %sub3A_2239 : vector<16xi32>
    %min3A_2241 = arith.constant 1 : i32
    %min3A_2242 = vector.broadcast %min3A_2241 : i32 to vector<16xi32>
    %min3A_2243 = arith.minsi %abs3A_2240, %min3A_2242 : vector<16xi32>
    %sub3A_2244 = arith.constant 1 : i32
    %sub3A_2245 = vector.broadcast %sub3A_2244 : i32 to vector<16xi32>
    %sub3A_2246 = arith.subi %sub3A_2245, %min3A_2243 : vector<16xi32>
    %add3A_2247 = arith.addi %add3A_2213, %sub3A_2246 : vector<16xi32>
    %slice3A_2248 = vector.extract_strided_slice %get3A_1869 {offsets = [11], sizes = [1], strides = [1]} : vector<16xi32> to vector<1xi32>
    %squeeze3A_2249 = vector.extract %slice3A_2248[0] : i32 from vector<1xi32>
    %sub3A_2250 = vector.broadcast %squeeze3A_2249 : i32 to vector<16xi32>
    %sub3A_2251 = arith.subi %get3A_1869, %sub3A_2250 : vector<16xi32>
    %abs3A_2252 = math.absi %sub3A_2251 : vector<16xi32>
    %min3A_2253 = arith.constant 1 : i32
    %min3A_2254 = vector.broadcast %min3A_2253 : i32 to vector<16xi32>
    %min3A_2255 = arith.minsi %abs3A_2252, %min3A_2254 : vector<16xi32>
    %sub3A_2256 = arith.constant 1 : i32
    %sub3A_2257 = vector.broadcast %sub3A_2256 : i32 to vector<16xi32>
    %sub3A_2258 = arith.subi %sub3A_2257, %min3A_2255 : vector<16xi32>
    %sub3A_2259 = arith.constant 11 : i32
    %sub3A_2260 = vector.broadcast %sub3A_2259 : i32 to vector<16xi32>
    %sub3A_2261 = arith.subi %iota3A, %sub3A_2260 : vector<16xi32>
    %max3A_2262 = arith.constant 0 : i32
    %max3A_2263 = vector.broadcast %max3A_2262 : i32 to vector<16xi32>
    %max3A_2264 = arith.maxsi %sub3A_2261, %max3A_2263 : vector<16xi32>
    %min3A_2265 = arith.constant 1 : i32
    %min3A_2266 = vector.broadcast %min3A_2265 : i32 to vector<16xi32>
    %min3A_2267 = arith.minsi %max3A_2264, %min3A_2266 : vector<16xi32>
    %mul3A_2268 = arith.muli %sub3A_2258, %min3A_2267 : vector<16xi32>
    %add3A_2269 = arith.addi %add3A_2235, %mul3A_2268 : vector<16xi32>
    %slice3A_2270 = vector.extract_strided_slice %get3A_1869 {offsets = [11], sizes = [1], strides = [1]} : vector<16xi32> to vector<1xi32>
    %squeeze3A_2271 = vector.extract %slice3A_2270[0] : i32 from vector<1xi32>
    %sub3A_2272 = vector.broadcast %squeeze3A_2271 : i32 to vector<16xi32>
    %sub3A_2273 = arith.subi %iota3A, %sub3A_2272 : vector<16xi32>
    %abs3A_2274 = math.absi %sub3A_2273 : vector<16xi32>
    %min3A_2275 = arith.constant 1 : i32
    %min3A_2276 = vector.broadcast %min3A_2275 : i32 to vector<16xi32>
    %min3A_2277 = arith.minsi %abs3A_2274, %min3A_2276 : vector<16xi32>
    %sub3A_2278 = arith.constant 1 : i32
    %sub3A_2279 = vector.broadcast %sub3A_2278 : i32 to vector<16xi32>
    %sub3A_2280 = arith.subi %sub3A_2279, %min3A_2277 : vector<16xi32>
    %add3A_2281 = arith.addi %add3A_2247, %sub3A_2280 : vector<16xi32>
    %slice3A_2282 = vector.extract_strided_slice %get3A_1869 {offsets = [12], sizes = [1], strides = [1]} : vector<16xi32> to vector<1xi32>
    %squeeze3A_2283 = vector.extract %slice3A_2282[0] : i32 from vector<1xi32>
    %sub3A_2284 = vector.broadcast %squeeze3A_2283 : i32 to vector<16xi32>
    %sub3A_2285 = arith.subi %get3A_1869, %sub3A_2284 : vector<16xi32>
    %abs3A_2286 = math.absi %sub3A_2285 : vector<16xi32>
    %min3A_2287 = arith.constant 1 : i32
    %min3A_2288 = vector.broadcast %min3A_2287 : i32 to vector<16xi32>
    %min3A_2289 = arith.minsi %abs3A_2286, %min3A_2288 : vector<16xi32>
    %sub3A_2290 = arith.constant 1 : i32
    %sub3A_2291 = vector.broadcast %sub3A_2290 : i32 to vector<16xi32>
    %sub3A_2292 = arith.subi %sub3A_2291, %min3A_2289 : vector<16xi32>
    %sub3A_2293 = arith.constant 12 : i32
    %sub3A_2294 = vector.broadcast %sub3A_2293 : i32 to vector<16xi32>
    %sub3A_2295 = arith.subi %iota3A, %sub3A_2294 : vector<16xi32>
    %max3A_2296 = arith.constant 0 : i32
    %max3A_2297 = vector.broadcast %max3A_2296 : i32 to vector<16xi32>
    %max3A_2298 = arith.maxsi %sub3A_2295, %max3A_2297 : vector<16xi32>
    %min3A_2299 = arith.constant 1 : i32
    %min3A_2300 = vector.broadcast %min3A_2299 : i32 to vector<16xi32>
    %min3A_2301 = arith.minsi %max3A_2298, %min3A_2300 : vector<16xi32>
    %mul3A_2302 = arith.muli %sub3A_2292, %min3A_2301 : vector<16xi32>
    %add3A_2303 = arith.addi %add3A_2269, %mul3A_2302 : vector<16xi32>
    %slice3A_2304 = vector.extract_strided_slice %get3A_1869 {offsets = [12], sizes = [1], strides = [1]} : vector<16xi32> to vector<1xi32>
    %squeeze3A_2305 = vector.extract %slice3A_2304[0] : i32 from vector<1xi32>
    %sub3A_2306 = vector.broadcast %squeeze3A_2305 : i32 to vector<16xi32>
    %sub3A_2307 = arith.subi %iota3A, %sub3A_2306 : vector<16xi32>
    %abs3A_2308 = math.absi %sub3A_2307 : vector<16xi32>
    %min3A_2309 = arith.constant 1 : i32
    %min3A_2310 = vector.broadcast %min3A_2309 : i32 to vector<16xi32>
    %min3A_2311 = arith.minsi %abs3A_2308, %min3A_2310 : vector<16xi32>
    %sub3A_2312 = arith.constant 1 : i32
    %sub3A_2313 = vector.broadcast %sub3A_2312 : i32 to vector<16xi32>
    %sub3A_2314 = arith.subi %sub3A_2313, %min3A_2311 : vector<16xi32>
    %add3A_2315 = arith.addi %add3A_2281, %sub3A_2314 : vector<16xi32>
    %slice3A_2316 = vector.extract_strided_slice %get3A_1869 {offsets = [13], sizes = [1], strides = [1]} : vector<16xi32> to vector<1xi32>
    %squeeze3A_2317 = vector.extract %slice3A_2316[0] : i32 from vector<1xi32>
    %sub3A_2318 = vector.broadcast %squeeze3A_2317 : i32 to vector<16xi32>
    %sub3A_2319 = arith.subi %get3A_1869, %sub3A_2318 : vector<16xi32>
    %abs3A_2320 = math.absi %sub3A_2319 : vector<16xi32>
    %min3A_2321 = arith.constant 1 : i32
    %min3A_2322 = vector.broadcast %min3A_2321 : i32 to vector<16xi32>
    %min3A_2323 = arith.minsi %abs3A_2320, %min3A_2322 : vector<16xi32>
    %sub3A_2324 = arith.constant 1 : i32
    %sub3A_2325 = vector.broadcast %sub3A_2324 : i32 to vector<16xi32>
    %sub3A_2326 = arith.subi %sub3A_2325, %min3A_2323 : vector<16xi32>
    %sub3A_2327 = arith.constant 13 : i32
    %sub3A_2328 = vector.broadcast %sub3A_2327 : i32 to vector<16xi32>
    %sub3A_2329 = arith.subi %iota3A, %sub3A_2328 : vector<16xi32>
    %max3A_2330 = arith.constant 0 : i32
    %max3A_2331 = vector.broadcast %max3A_2330 : i32 to vector<16xi32>
    %max3A_2332 = arith.maxsi %sub3A_2329, %max3A_2331 : vector<16xi32>
    %min3A_2333 = arith.constant 1 : i32
    %min3A_2334 = vector.broadcast %min3A_2333 : i32 to vector<16xi32>
    %min3A_2335 = arith.minsi %max3A_2332, %min3A_2334 : vector<16xi32>
    %mul3A_2336 = arith.muli %sub3A_2326, %min3A_2335 : vector<16xi32>
    %add3A_2337 = arith.addi %add3A_2303, %mul3A_2336 : vector<16xi32>
    %slice3A_2338 = vector.extract_strided_slice %get3A_1869 {offsets = [13], sizes = [1], strides = [1]} : vector<16xi32> to vector<1xi32>
    %squeeze3A_2339 = vector.extract %slice3A_2338[0] : i32 from vector<1xi32>
    %sub3A_2340 = vector.broadcast %squeeze3A_2339 : i32 to vector<16xi32>
    %sub3A_2341 = arith.subi %iota3A, %sub3A_2340 : vector<16xi32>
    %abs3A_2342 = math.absi %sub3A_2341 : vector<16xi32>
    %min3A_2343 = arith.constant 1 : i32
    %min3A_2344 = vector.broadcast %min3A_2343 : i32 to vector<16xi32>
    %min3A_2345 = arith.minsi %abs3A_2342, %min3A_2344 : vector<16xi32>
    %sub3A_2346 = arith.constant 1 : i32
    %sub3A_2347 = vector.broadcast %sub3A_2346 : i32 to vector<16xi32>
    %sub3A_2348 = arith.subi %sub3A_2347, %min3A_2345 : vector<16xi32>
    %add3A_2349 = arith.addi %add3A_2315, %sub3A_2348 : vector<16xi32>
    %slice3A_2350 = vector.extract_strided_slice %get3A_1869 {offsets = [14], sizes = [1], strides = [1]} : vector<16xi32> to vector<1xi32>
    %squeeze3A_2351 = vector.extract %slice3A_2350[0] : i32 from vector<1xi32>
    %sub3A_2352 = vector.broadcast %squeeze3A_2351 : i32 to vector<16xi32>
    %sub3A_2353 = arith.subi %get3A_1869, %sub3A_2352 : vector<16xi32>
    %abs3A_2354 = math.absi %sub3A_2353 : vector<16xi32>
    %min3A_2355 = arith.constant 1 : i32
    %min3A_2356 = vector.broadcast %min3A_2355 : i32 to vector<16xi32>
    %min3A_2357 = arith.minsi %abs3A_2354, %min3A_2356 : vector<16xi32>
    %sub3A_2358 = arith.constant 1 : i32
    %sub3A_2359 = vector.broadcast %sub3A_2358 : i32 to vector<16xi32>
    %sub3A_2360 = arith.subi %sub3A_2359, %min3A_2357 : vector<16xi32>
    %sub3A_2361 = arith.constant 14 : i32
    %sub3A_2362 = vector.broadcast %sub3A_2361 : i32 to vector<16xi32>
    %sub3A_2363 = arith.subi %iota3A, %sub3A_2362 : vector<16xi32>
    %max3A_2364 = arith.constant 0 : i32
    %max3A_2365 = vector.broadcast %max3A_2364 : i32 to vector<16xi32>
    %max3A_2366 = arith.maxsi %sub3A_2363, %max3A_2365 : vector<16xi32>
    %min3A_2367 = arith.constant 1 : i32
    %min3A_2368 = vector.broadcast %min3A_2367 : i32 to vector<16xi32>
    %min3A_2369 = arith.minsi %max3A_2366, %min3A_2368 : vector<16xi32>
    %mul3A_2370 = arith.muli %sub3A_2360, %min3A_2369 : vector<16xi32>
    %add3A_2371 = arith.addi %add3A_2337, %mul3A_2370 : vector<16xi32>
    %slice3A_2372 = vector.extract_strided_slice %get3A_1869 {offsets = [14], sizes = [1], strides = [1]} : vector<16xi32> to vector<1xi32>
    %squeeze3A_2373 = vector.extract %slice3A_2372[0] : i32 from vector<1xi32>
    %sub3A_2374 = vector.broadcast %squeeze3A_2373 : i32 to vector<16xi32>
    %sub3A_2375 = arith.subi %iota3A, %sub3A_2374 : vector<16xi32>
    %abs3A_2376 = math.absi %sub3A_2375 : vector<16xi32>
    %min3A_2377 = arith.constant 1 : i32
    %min3A_2378 = vector.broadcast %min3A_2377 : i32 to vector<16xi32>
    %min3A_2379 = arith.minsi %abs3A_2376, %min3A_2378 : vector<16xi32>
    %sub3A_2380 = arith.constant 1 : i32
    %sub3A_2381 = vector.broadcast %sub3A_2380 : i32 to vector<16xi32>
    %sub3A_2382 = arith.subi %sub3A_2381, %min3A_2379 : vector<16xi32>
    %add3A_2383 = arith.addi %add3A_2349, %sub3A_2382 : vector<16xi32>
    %slice3A_2384 = vector.extract_strided_slice %get3A_1869 {offsets = [15], sizes = [1], strides = [1]} : vector<16xi32> to vector<1xi32>
    %squeeze3A_2385 = vector.extract %slice3A_2384[0] : i32 from vector<1xi32>
    %sub3A_2386 = vector.broadcast %squeeze3A_2385 : i32 to vector<16xi32>
    %sub3A_2387 = arith.subi %get3A_1869, %sub3A_2386 : vector<16xi32>
    %abs3A_2388 = math.absi %sub3A_2387 : vector<16xi32>
    %min3A_2389 = arith.constant 1 : i32
    %min3A_2390 = vector.broadcast %min3A_2389 : i32 to vector<16xi32>
    %min3A_2391 = arith.minsi %abs3A_2388, %min3A_2390 : vector<16xi32>
    %sub3A_2392 = arith.constant 1 : i32
    %sub3A_2393 = vector.broadcast %sub3A_2392 : i32 to vector<16xi32>
    %sub3A_2394 = arith.subi %sub3A_2393, %min3A_2391 : vector<16xi32>
    %sub3A_2395 = arith.constant 15 : i32
    %sub3A_2396 = vector.broadcast %sub3A_2395 : i32 to vector<16xi32>
    %sub3A_2397 = arith.subi %iota3A, %sub3A_2396 : vector<16xi32>
    %max3A_2398 = arith.constant 0 : i32
    %max3A_2399 = vector.broadcast %max3A_2398 : i32 to vector<16xi32>
    %max3A_2400 = arith.maxsi %sub3A_2397, %max3A_2399 : vector<16xi32>
    %min3A_2401 = arith.constant 1 : i32
    %min3A_2402 = vector.broadcast %min3A_2401 : i32 to vector<16xi32>
    %min3A_2403 = arith.minsi %max3A_2400, %min3A_2402 : vector<16xi32>
    %mul3A_2404 = arith.muli %sub3A_2394, %min3A_2403 : vector<16xi32>
    %add3A_2405 = arith.addi %add3A_2371, %mul3A_2404 : vector<16xi32>
    %slice3A_2406 = vector.extract_strided_slice %get3A_1869 {offsets = [15], sizes = [1], strides = [1]} : vector<16xi32> to vector<1xi32>
    %squeeze3A_2407 = vector.extract %slice3A_2406[0] : i32 from vector<1xi32>
    %sub3A_2408 = vector.broadcast %squeeze3A_2407 : i32 to vector<16xi32>
    %sub3A_2409 = arith.subi %iota3A, %sub3A_2408 : vector<16xi32>
    %abs3A_2410 = math.absi %sub3A_2409 : vector<16xi32>
    %min3A_2411 = arith.constant 1 : i32
    %min3A_2412 = vector.broadcast %min3A_2411 : i32 to vector<16xi32>
    %min3A_2413 = arith.minsi %abs3A_2410, %min3A_2412 : vector<16xi32>
    %sub3A_2414 = arith.constant 1 : i32
    %sub3A_2415 = vector.broadcast %sub3A_2414 : i32 to vector<16xi32>
    %sub3A_2416 = arith.subi %sub3A_2415, %min3A_2413 : vector<16xi32>
    %add3A_2417 = arith.addi %add3A_2383, %sub3A_2416 : vector<16xi32>
    %add3A_2418 = arith.addi %gather3A_1872, %add3A_2405 : vector<16xi32>
    %swap3A_2419 = arith.constant 0 : index
    %swap3A_2420 = tpu.vector_load %arg11[%swap3A_2419] {strides = array<i32>} : memref<64xi32, #tpu.memory_space<vmem>>, vector<16xi32>,
    %swap3A_2421 = vector.shape_cast %swap3A_2420 : vector<16xi32> to vector<16xi32>
    %swap3A_2422 = vector.shape_cast %add3A_2418 : vector<16xi32> to vector<16xi32>
    tpu.vector_store %arg11[%swap3A_2419], %swap3A_2422 {strides = array<i32>} : memref<64xi32, #tpu.memory_space<vmem>>, vector<16xi32>,
    %mul3A_2423 = arith.constant 64 : i32
    %mul3A_2424 = arith.muli %arg0, %mul3A_2423 : i32
    %add3A_2425 = arith.constant 16 : i32
    %add3A_2426 = arith.addi %mul3A_2424, %add3A_2425 : i32
    %get3A_2427 = arith.index_cast %add3A_2426 : i32 to index
    %get3A_2428 = tpu.vector_load %arg7[%get3A_2427] {strides = array<i32>} : memref<128xi32, #tpu.memory_space<vmem>>, vector<16xi32>,
    %get3A_2429 = vector.shape_cast %get3A_2428 : vector<16xi32> to vector<16xi32>
    %add3A_2430 = arith.addi %add3A_1860, %add3A_2417 : vector<16xi32>
    %broadcast_in_dim3A_2431 = vector.shape_cast %get3A_2429 : vector<16xi32> to vector<16x1xi32>
    %gather3A_2432 = vector.shape_cast %broadcast_in_dim3A_2431 : vector<16x1xi32> to vector<16xi32>
    %gather3A_2433 = tpu.dynamic_gather %add3A_2430[%gather3A_2432] in [0] : vector<16xi32>, vector<16xi32> -> vector<16xi32>
    %broadcast_in_dim3A_2434 = arith.constant 0 : i32
    %broadcast_in_dim3A_2435 = vector.broadcast %broadcast_in_dim3A_2434 : i32 to vector<16xi32>
    %slice3A_2436 = vector.extract_strided_slice %get3A_2429 {offsets = [0], sizes = [1], strides = [1]} : vector<16xi32> to vector<1xi32>
    %squeeze3A_2437 = vector.extract %slice3A_2436[0] : i32 from vector<1xi32>
    %sub3A_2438 = vector.broadcast %squeeze3A_2437 : i32 to vector<16xi32>
    %sub3A_2439 = arith.subi %get3A_2429, %sub3A_2438 : vector<16xi32>
    %abs3A_2440 = math.absi %sub3A_2439 : vector<16xi32>
    %min3A_2441 = arith.constant 1 : i32
    %min3A_2442 = vector.broadcast %min3A_2441 : i32 to vector<16xi32>
    %min3A_2443 = arith.minsi %abs3A_2440, %min3A_2442 : vector<16xi32>
    %sub3A_2444 = arith.constant 1 : i32
    %sub3A_2445 = vector.broadcast %sub3A_2444 : i32 to vector<16xi32>
    %sub3A_2446 = arith.subi %sub3A_2445, %min3A_2443 : vector<16xi32>
    %sub3A_2447 = arith.constant 0 : i32
    %sub3A_2448 = vector.broadcast %sub3A_2447 : i32 to vector<16xi32>
    %sub3A_2449 = arith.subi %iota3A, %sub3A_2448 : vector<16xi32>
    %max3A_2450 = arith.constant 0 : i32
    %max3A_2451 = vector.broadcast %max3A_2450 : i32 to vector<16xi32>
    %max3A_2452 = arith.maxsi %sub3A_2449, %max3A_2451 : vector<16xi32>
    %min3A_2453 = arith.constant 1 : i32
    %min3A_2454 = vector.broadcast %min3A_2453 : i32 to vector<16xi32>
    %min3A_2455 = arith.minsi %max3A_2452, %min3A_2454 : vector<16xi32>
    %mul3A_2456 = arith.muli %sub3A_2446, %min3A_2455 : vector<16xi32>
    %add3A_2457 = arith.addi %broadcast_in_dim3A_2435, %mul3A_2456 : vector<16xi32>
    %slice3A_2458 = vector.extract_strided_slice %get3A_2429 {offsets = [0], sizes = [1], strides = [1]} : vector<16xi32> to vector<1xi32>
    %squeeze3A_2459 = vector.extract %slice3A_2458[0] : i32 from vector<1xi32>
    %sub3A_2460 = vector.broadcast %squeeze3A_2459 : i32 to vector<16xi32>
    %sub3A_2461 = arith.subi %iota3A, %sub3A_2460 : vector<16xi32>
    %abs3A_2462 = math.absi %sub3A_2461 : vector<16xi32>
    %min3A_2463 = arith.constant 1 : i32
    %min3A_2464 = vector.broadcast %min3A_2463 : i32 to vector<16xi32>
    %min3A_2465 = arith.minsi %abs3A_2462, %min3A_2464 : vector<16xi32>
    %sub3A_2466 = arith.constant 1 : i32
    %sub3A_2467 = vector.broadcast %sub3A_2466 : i32 to vector<16xi32>
    %sub3A_2468 = arith.subi %sub3A_2467, %min3A_2465 : vector<16xi32>
    %add3A_2469 = arith.addi %add3A_2417, %sub3A_2468 : vector<16xi32>
    %slice3A_2470 = vector.extract_strided_slice %get3A_2429 {offsets = [1], sizes = [1], strides = [1]} : vector<16xi32> to vector<1xi32>
    %squeeze3A_2471 = vector.extract %slice3A_2470[0] : i32 from vector<1xi32>
    %sub3A_2472 = vector.broadcast %squeeze3A_2471 : i32 to vector<16xi32>
    %sub3A_2473 = arith.subi %get3A_2429, %sub3A_2472 : vector<16xi32>
    %abs3A_2474 = math.absi %sub3A_2473 : vector<16xi32>
    %min3A_2475 = arith.constant 1 : i32
    %min3A_2476 = vector.broadcast %min3A_2475 : i32 to vector<16xi32>
    %min3A_2477 = arith.minsi %abs3A_2474, %min3A_2476 : vector<16xi32>
    %sub3A_2478 = arith.constant 1 : i32
    %sub3A_2479 = vector.broadcast %sub3A_2478 : i32 to vector<16xi32>
    %sub3A_2480 = arith.subi %sub3A_2479, %min3A_2477 : vector<16xi32>
    %sub3A_2481 = arith.constant 1 : i32
    %sub3A_2482 = vector.broadcast %sub3A_2481 : i32 to vector<16xi32>
    %sub3A_2483 = arith.subi %iota3A, %sub3A_2482 : vector<16xi32>
    %max3A_2484 = arith.constant 0 : i32
    %max3A_2485 = vector.broadcast %max3A_2484 : i32 to vector<16xi32>
    %max3A_2486 = arith.maxsi %sub3A_2483, %max3A_2485 : vector<16xi32>
    %min3A_2487 = arith.constant 1 : i32
    %min3A_2488 = vector.broadcast %min3A_2487 : i32 to vector<16xi32>
    %min3A_2489 = arith.minsi %max3A_2486, %min3A_2488 : vector<16xi32>
    %mul3A_2490 = arith.muli %sub3A_2480, %min3A_2489 : vector<16xi32>
    %add3A_2491 = arith.addi %add3A_2457, %mul3A_2490 : vector<16xi32>
    %slice3A_2492 = vector.extract_strided_slice %get3A_2429 {offsets = [1], sizes = [1], strides = [1]} : vector<16xi32> to vector<1xi32>
    %squeeze3A_2493 = vector.extract %slice3A_2492[0] : i32 from vector<1xi32>
    %sub3A_2494 = vector.broadcast %squeeze3A_2493 : i32 to vector<16xi32>
    %sub3A_2495 = arith.subi %iota3A, %sub3A_2494 : vector<16xi32>
    %abs3A_2496 = math.absi %sub3A_2495 : vector<16xi32>
    %min3A_2497 = arith.constant 1 : i32
    %min3A_2498 = vector.broadcast %min3A_2497 : i32 to vector<16xi32>
    %min3A_2499 = arith.minsi %abs3A_2496, %min3A_2498 : vector<16xi32>
    %sub3A_2500 = arith.constant 1 : i32
    %sub3A_2501 = vector.broadcast %sub3A_2500 : i32 to vector<16xi32>
    %sub3A_2502 = arith.subi %sub3A_2501, %min3A_2499 : vector<16xi32>
    %add3A_2503 = arith.addi %add3A_2469, %sub3A_2502 : vector<16xi32>
    %slice3A_2504 = vector.extract_strided_slice %get3A_2429 {offsets = [2], sizes = [1], strides = [1]} : vector<16xi32> to vector<1xi32>
    %squeeze3A_2505 = vector.extract %slice3A_2504[0] : i32 from vector<1xi32>
    %sub3A_2506 = vector.broadcast %squeeze3A_2505 : i32 to vector<16xi32>
    %sub3A_2507 = arith.subi %get3A_2429, %sub3A_2506 : vector<16xi32>
    %abs3A_2508 = math.absi %sub3A_2507 : vector<16xi32>
    %min3A_2509 = arith.constant 1 : i32
    %min3A_2510 = vector.broadcast %min3A_2509 : i32 to vector<16xi32>
    %min3A_2511 = arith.minsi %abs3A_2508, %min3A_2510 : vector<16xi32>
    %sub3A_2512 = arith.constant 1 : i32
    %sub3A_2513 = vector.broadcast %sub3A_2512 : i32 to vector<16xi32>
    %sub3A_2514 = arith.subi %sub3A_2513, %min3A_2511 : vector<16xi32>
    %sub3A_2515 = arith.constant 2 : i32
    %sub3A_2516 = vector.broadcast %sub3A_2515 : i32 to vector<16xi32>
    %sub3A_2517 = arith.subi %iota3A, %sub3A_2516 : vector<16xi32>
    %max3A_2518 = arith.constant 0 : i32
    %max3A_2519 = vector.broadcast %max3A_2518 : i32 to vector<16xi32>
    %max3A_2520 = arith.maxsi %sub3A_2517, %max3A_2519 : vector<16xi32>
    %min3A_2521 = arith.constant 1 : i32
    %min3A_2522 = vector.broadcast %min3A_2521 : i32 to vector<16xi32>
    %min3A_2523 = arith.minsi %max3A_2520, %min3A_2522 : vector<16xi32>
    %mul3A_2524 = arith.muli %sub3A_2514, %min3A_2523 : vector<16xi32>
    %add3A_2525 = arith.addi %add3A_2491, %mul3A_2524 : vector<16xi32>
    %slice3A_2526 = vector.extract_strided_slice %get3A_2429 {offsets = [2], sizes = [1], strides = [1]} : vector<16xi32> to vector<1xi32>
    %squeeze3A_2527 = vector.extract %slice3A_2526[0] : i32 from vector<1xi32>
    %sub3A_2528 = vector.broadcast %squeeze3A_2527 : i32 to vector<16xi32>
    %sub3A_2529 = arith.subi %iota3A, %sub3A_2528 : vector<16xi32>
    %abs3A_2530 = math.absi %sub3A_2529 : vector<16xi32>
    %min3A_2531 = arith.constant 1 : i32
    %min3A_2532 = vector.broadcast %min3A_2531 : i32 to vector<16xi32>
    %min3A_2533 = arith.minsi %abs3A_2530, %min3A_2532 : vector<16xi32>
    %sub3A_2534 = arith.constant 1 : i32
    %sub3A_2535 = vector.broadcast %sub3A_2534 : i32 to vector<16xi32>
    %sub3A_2536 = arith.subi %sub3A_2535, %min3A_2533 : vector<16xi32>
    %add3A_2537 = arith.addi %add3A_2503, %sub3A_2536 : vector<16xi32>
    %slice3A_2538 = vector.extract_strided_slice %get3A_2429 {offsets = [3], sizes = [1], strides = [1]} : vector<16xi32> to vector<1xi32>
    %squeeze3A_2539 = vector.extract %slice3A_2538[0] : i32 from vector<1xi32>
    %sub3A_2540 = vector.broadcast %squeeze3A_2539 : i32 to vector<16xi32>
    %sub3A_2541 = arith.subi %get3A_2429, %sub3A_2540 : vector<16xi32>
    %abs3A_2542 = math.absi %sub3A_2541 : vector<16xi32>
    %min3A_2543 = arith.constant 1 : i32
    %min3A_2544 = vector.broadcast %min3A_2543 : i32 to vector<16xi32>
    %min3A_2545 = arith.minsi %abs3A_2542, %min3A_2544 : vector<16xi32>
    %sub3A_2546 = arith.constant 1 : i32
    %sub3A_2547 = vector.broadcast %sub3A_2546 : i32 to vector<16xi32>
    %sub3A_2548 = arith.subi %sub3A_2547, %min3A_2545 : vector<16xi32>
    %sub3A_2549 = arith.constant 3 : i32
    %sub3A_2550 = vector.broadcast %sub3A_2549 : i32 to vector<16xi32>
    %sub3A_2551 = arith.subi %iota3A, %sub3A_2550 : vector<16xi32>
    %max3A_2552 = arith.constant 0 : i32
    %max3A_2553 = vector.broadcast %max3A_2552 : i32 to vector<16xi32>
    %max3A_2554 = arith.maxsi %sub3A_2551, %max3A_2553 : vector<16xi32>
    %min3A_2555 = arith.constant 1 : i32
    %min3A_2556 = vector.broadcast %min3A_2555 : i32 to vector<16xi32>
    %min3A_2557 = arith.minsi %max3A_2554, %min3A_2556 : vector<16xi32>
    %mul3A_2558 = arith.muli %sub3A_2548, %min3A_2557 : vector<16xi32>
    %add3A_2559 = arith.addi %add3A_2525, %mul3A_2558 : vector<16xi32>
    %slice3A_2560 = vector.extract_strided_slice %get3A_2429 {offsets = [3], sizes = [1], strides = [1]} : vector<16xi32> to vector<1xi32>
    %squeeze3A_2561 = vector.extract %slice3A_2560[0] : i32 from vector<1xi32>
    %sub3A_2562 = vector.broadcast %squeeze3A_2561 : i32 to vector<16xi32>
    %sub3A_2563 = arith.subi %iota3A, %sub3A_2562 : vector<16xi32>
    %abs3A_2564 = math.absi %sub3A_2563 : vector<16xi32>
    %min3A_2565 = arith.constant 1 : i32
    %min3A_2566 = vector.broadcast %min3A_2565 : i32 to vector<16xi32>
    %min3A_2567 = arith.minsi %abs3A_2564, %min3A_2566 : vector<16xi32>
    %sub3A_2568 = arith.constant 1 : i32
    %sub3A_2569 = vector.broadcast %sub3A_2568 : i32 to vector<16xi32>
    %sub3A_2570 = arith.subi %sub3A_2569, %min3A_2567 : vector<16xi32>
    %add3A_2571 = arith.addi %add3A_2537, %sub3A_2570 : vector<16xi32>
    %slice3A_2572 = vector.extract_strided_slice %get3A_2429 {offsets = [4], sizes = [1], strides = [1]} : vector<16xi32> to vector<1xi32>
    %squeeze3A_2573 = vector.extract %slice3A_2572[0] : i32 from vector<1xi32>
    %sub3A_2574 = vector.broadcast %squeeze3A_2573 : i32 to vector<16xi32>
    %sub3A_2575 = arith.subi %get3A_2429, %sub3A_2574 : vector<16xi32>
    %abs3A_2576 = math.absi %sub3A_2575 : vector<16xi32>
    %min3A_2577 = arith.constant 1 : i32
    %min3A_2578 = vector.broadcast %min3A_2577 : i32 to vector<16xi32>
    %min3A_2579 = arith.minsi %abs3A_2576, %min3A_2578 : vector<16xi32>
    %sub3A_2580 = arith.constant 1 : i32
    %sub3A_2581 = vector.broadcast %sub3A_2580 : i32 to vector<16xi32>
    %sub3A_2582 = arith.subi %sub3A_2581, %min3A_2579 : vector<16xi32>
    %sub3A_2583 = arith.constant 4 : i32
    %sub3A_2584 = vector.broadcast %sub3A_2583 : i32 to vector<16xi32>
    %sub3A_2585 = arith.subi %iota3A, %sub3A_2584 : vector<16xi32>
    %max3A_2586 = arith.constant 0 : i32
    %max3A_2587 = vector.broadcast %max3A_2586 : i32 to vector<16xi32>
    %max3A_2588 = arith.maxsi %sub3A_2585, %max3A_2587 : vector<16xi32>
    %min3A_2589 = arith.constant 1 : i32
    %min3A_2590 = vector.broadcast %min3A_2589 : i32 to vector<16xi32>
    %min3A_2591 = arith.minsi %max3A_2588, %min3A_2590 : vector<16xi32>
    %mul3A_2592 = arith.muli %sub3A_2582, %min3A_2591 : vector<16xi32>
    %add3A_2593 = arith.addi %add3A_2559, %mul3A_2592 : vector<16xi32>
    %slice3A_2594 = vector.extract_strided_slice %get3A_2429 {offsets = [4], sizes = [1], strides = [1]} : vector<16xi32> to vector<1xi32>
    %squeeze3A_2595 = vector.extract %slice3A_2594[0] : i32 from vector<1xi32>
    %sub3A_2596 = vector.broadcast %squeeze3A_2595 : i32 to vector<16xi32>
    %sub3A_2597 = arith.subi %iota3A, %sub3A_2596 : vector<16xi32>
    %abs3A_2598 = math.absi %sub3A_2597 : vector<16xi32>
    %min3A_2599 = arith.constant 1 : i32
    %min3A_2600 = vector.broadcast %min3A_2599 : i32 to vector<16xi32>
    %min3A_2601 = arith.minsi %abs3A_2598, %min3A_2600 : vector<16xi32>
    %sub3A_2602 = arith.constant 1 : i32
    %sub3A_2603 = vector.broadcast %sub3A_2602 : i32 to vector<16xi32>
    %sub3A_2604 = arith.subi %sub3A_2603, %min3A_2601 : vector<16xi32>
    %add3A_2605 = arith.addi %add3A_2571, %sub3A_2604 : vector<16xi32>
    %slice3A_2606 = vector.extract_strided_slice %get3A_2429 {offsets = [5], sizes = [1], strides = [1]} : vector<16xi32> to vector<1xi32>
    %squeeze3A_2607 = vector.extract %slice3A_2606[0] : i32 from vector<1xi32>
    %sub3A_2608 = vector.broadcast %squeeze3A_2607 : i32 to vector<16xi32>
    %sub3A_2609 = arith.subi %get3A_2429, %sub3A_2608 : vector<16xi32>
    %abs3A_2610 = math.absi %sub3A_2609 : vector<16xi32>
    %min3A_2611 = arith.constant 1 : i32
    %min3A_2612 = vector.broadcast %min3A_2611 : i32 to vector<16xi32>
    %min3A_2613 = arith.minsi %abs3A_2610, %min3A_2612 : vector<16xi32>
    %sub3A_2614 = arith.constant 1 : i32
    %sub3A_2615 = vector.broadcast %sub3A_2614 : i32 to vector<16xi32>
    %sub3A_2616 = arith.subi %sub3A_2615, %min3A_2613 : vector<16xi32>
    %sub3A_2617 = arith.constant 5 : i32
    %sub3A_2618 = vector.broadcast %sub3A_2617 : i32 to vector<16xi32>
    %sub3A_2619 = arith.subi %iota3A, %sub3A_2618 : vector<16xi32>
    %max3A_2620 = arith.constant 0 : i32
    %max3A_2621 = vector.broadcast %max3A_2620 : i32 to vector<16xi32>
    %max3A_2622 = arith.maxsi %sub3A_2619, %max3A_2621 : vector<16xi32>
    %min3A_2623 = arith.constant 1 : i32
    %min3A_2624 = vector.broadcast %min3A_2623 : i32 to vector<16xi32>
    %min3A_2625 = arith.minsi %max3A_2622, %min3A_2624 : vector<16xi32>
    %mul3A_2626 = arith.muli %sub3A_2616, %min3A_2625 : vector<16xi32>
    %add3A_2627 = arith.addi %add3A_2593, %mul3A_2626 : vector<16xi32>
    %slice3A_2628 = vector.extract_strided_slice %get3A_2429 {offsets = [5], sizes = [1], strides = [1]} : vector<16xi32> to vector<1xi32>
    %squeeze3A_2629 = vector.extract %slice3A_2628[0] : i32 from vector<1xi32>
    %sub3A_2630 = vector.broadcast %squeeze3A_2629 : i32 to vector<16xi32>
    %sub3A_2631 = arith.subi %iota3A, %sub3A_2630 : vector<16xi32>
    %abs3A_2632 = math.absi %sub3A_2631 : vector<16xi32>
    %min3A_2633 = arith.constant 1 : i32
    %min3A_2634 = vector.broadcast %min3A_2633 : i32 to vector<16xi32>
    %min3A_2635 = arith.minsi %abs3A_2632, %min3A_2634 : vector<16xi32>
    %sub3A_2636 = arith.constant 1 : i32
    %sub3A_2637 = vector.broadcast %sub3A_2636 : i32 to vector<16xi32>
    %sub3A_2638 = arith.subi %sub3A_2637, %min3A_2635 : vector<16xi32>
    %add3A_2639 = arith.addi %add3A_2605, %sub3A_2638 : vector<16xi32>
    %slice3A_2640 = vector.extract_strided_slice %get3A_2429 {offsets = [6], sizes = [1], strides = [1]} : vector<16xi32> to vector<1xi32>
    %squeeze3A_2641 = vector.extract %slice3A_2640[0] : i32 from vector<1xi32>
    %sub3A_2642 = vector.broadcast %squeeze3A_2641 : i32 to vector<16xi32>
    %sub3A_2643 = arith.subi %get3A_2429, %sub3A_2642 : vector<16xi32>
    %abs3A_2644 = math.absi %sub3A_2643 : vector<16xi32>
    %min3A_2645 = arith.constant 1 : i32
    %min3A_2646 = vector.broadcast %min3A_2645 : i32 to vector<16xi32>
    %min3A_2647 = arith.minsi %abs3A_2644, %min3A_2646 : vector<16xi32>
    %sub3A_2648 = arith.constant 1 : i32
    %sub3A_2649 = vector.broadcast %sub3A_2648 : i32 to vector<16xi32>
    %sub3A_2650 = arith.subi %sub3A_2649, %min3A_2647 : vector<16xi32>
    %sub3A_2651 = arith.constant 6 : i32
    %sub3A_2652 = vector.broadcast %sub3A_2651 : i32 to vector<16xi32>
    %sub3A_2653 = arith.subi %iota3A, %sub3A_2652 : vector<16xi32>
    %max3A_2654 = arith.constant 0 : i32
    %max3A_2655 = vector.broadcast %max3A_2654 : i32 to vector<16xi32>
    %max3A_2656 = arith.maxsi %sub3A_2653, %max3A_2655 : vector<16xi32>
    %min3A_2657 = arith.constant 1 : i32
    %min3A_2658 = vector.broadcast %min3A_2657 : i32 to vector<16xi32>
    %min3A_2659 = arith.minsi %max3A_2656, %min3A_2658 : vector<16xi32>
    %mul3A_2660 = arith.muli %sub3A_2650, %min3A_2659 : vector<16xi32>
    %add3A_2661 = arith.addi %add3A_2627, %mul3A_2660 : vector<16xi32>
    %slice3A_2662 = vector.extract_strided_slice %get3A_2429 {offsets = [6], sizes = [1], strides = [1]} : vector<16xi32> to vector<1xi32>
    %squeeze3A_2663 = vector.extract %slice3A_2662[0] : i32 from vector<1xi32>
    %sub3A_2664 = vector.broadcast %squeeze3A_2663 : i32 to vector<16xi32>
    %sub3A_2665 = arith.subi %iota3A, %sub3A_2664 : vector<16xi32>
    %abs3A_2666 = math.absi %sub3A_2665 : vector<16xi32>
    %min3A_2667 = arith.constant 1 : i32
    %min3A_2668 = vector.broadcast %min3A_2667 : i32 to vector<16xi32>
    %min3A_2669 = arith.minsi %abs3A_2666, %min3A_2668 : vector<16xi32>
    %sub3A_2670 = arith.constant 1 : i32
    %sub3A_2671 = vector.broadcast %sub3A_2670 : i32 to vector<16xi32>
    %sub3A_2672 = arith.subi %sub3A_2671, %min3A_2669 : vector<16xi32>
    %add3A_2673 = arith.addi %add3A_2639, %sub3A_2672 : vector<16xi32>
    %slice3A_2674 = vector.extract_strided_slice %get3A_2429 {offsets = [7], sizes = [1], strides = [1]} : vector<16xi32> to vector<1xi32>
    %squeeze3A_2675 = vector.extract %slice3A_2674[0] : i32 from vector<1xi32>
    %sub3A_2676 = vector.broadcast %squeeze3A_2675 : i32 to vector<16xi32>
    %sub3A_2677 = arith.subi %get3A_2429, %sub3A_2676 : vector<16xi32>
    %abs3A_2678 = math.absi %sub3A_2677 : vector<16xi32>
    %min3A_2679 = arith.constant 1 : i32
    %min3A_2680 = vector.broadcast %min3A_2679 : i32 to vector<16xi32>
    %min3A_2681 = arith.minsi %abs3A_2678, %min3A_2680 : vector<16xi32>
    %sub3A_2682 = arith.constant 1 : i32
    %sub3A_2683 = vector.broadcast %sub3A_2682 : i32 to vector<16xi32>
    %sub3A_2684 = arith.subi %sub3A_2683, %min3A_2681 : vector<16xi32>
    %sub3A_2685 = arith.constant 7 : i32
    %sub3A_2686 = vector.broadcast %sub3A_2685 : i32 to vector<16xi32>
    %sub3A_2687 = arith.subi %iota3A, %sub3A_2686 : vector<16xi32>
    %max3A_2688 = arith.constant 0 : i32
    %max3A_2689 = vector.broadcast %max3A_2688 : i32 to vector<16xi32>
    %max3A_2690 = arith.maxsi %sub3A_2687, %max3A_2689 : vector<16xi32>
    %min3A_2691 = arith.constant 1 : i32
    %min3A_2692 = vector.broadcast %min3A_2691 : i32 to vector<16xi32>
    %min3A_2693 = arith.minsi %max3A_2690, %min3A_2692 : vector<16xi32>
    %mul3A_2694 = arith.muli %sub3A_2684, %min3A_2693 : vector<16xi32>
    %add3A_2695 = arith.addi %add3A_2661, %mul3A_2694 : vector<16xi32>
    %slice3A_2696 = vector.extract_strided_slice %get3A_2429 {offsets = [7], sizes = [1], strides = [1]} : vector<16xi32> to vector<1xi32>
    %squeeze3A_2697 = vector.extract %slice3A_2696[0] : i32 from vector<1xi32>
    %sub3A_2698 = vector.broadcast %squeeze3A_2697 : i32 to vector<16xi32>
    %sub3A_2699 = arith.subi %iota3A, %sub3A_2698 : vector<16xi32>
    %abs3A_2700 = math.absi %sub3A_2699 : vector<16xi32>
    %min3A_2701 = arith.constant 1 : i32
    %min3A_2702 = vector.broadcast %min3A_2701 : i32 to vector<16xi32>
    %min3A_2703 = arith.minsi %abs3A_2700, %min3A_2702 : vector<16xi32>
    %sub3A_2704 = arith.constant 1 : i32
    %sub3A_2705 = vector.broadcast %sub3A_2704 : i32 to vector<16xi32>
    %sub3A_2706 = arith.subi %sub3A_2705, %min3A_2703 : vector<16xi32>
    %add3A_2707 = arith.addi %add3A_2673, %sub3A_2706 : vector<16xi32>
    %slice3A_2708 = vector.extract_strided_slice %get3A_2429 {offsets = [8], sizes = [1], strides = [1]} : vector<16xi32> to vector<1xi32>
    %squeeze3A_2709 = vector.extract %slice3A_2708[0] : i32 from vector<1xi32>
    %sub3A_2710 = vector.broadcast %squeeze3A_2709 : i32 to vector<16xi32>
    %sub3A_2711 = arith.subi %get3A_2429, %sub3A_2710 : vector<16xi32>
    %abs3A_2712 = math.absi %sub3A_2711 : vector<16xi32>
    %min3A_2713 = arith.constant 1 : i32
    %min3A_2714 = vector.broadcast %min3A_2713 : i32 to vector<16xi32>
    %min3A_2715 = arith.minsi %abs3A_2712, %min3A_2714 : vector<16xi32>
    %sub3A_2716 = arith.constant 1 : i32
    %sub3A_2717 = vector.broadcast %sub3A_2716 : i32 to vector<16xi32>
    %sub3A_2718 = arith.subi %sub3A_2717, %min3A_2715 : vector<16xi32>
    %sub3A_2719 = arith.constant 8 : i32
    %sub3A_2720 = vector.broadcast %sub3A_2719 : i32 to vector<16xi32>
    %sub3A_2721 = arith.subi %iota3A, %sub3A_2720 : vector<16xi32>
    %max3A_2722 = arith.constant 0 : i32
    %max3A_2723 = vector.broadcast %max3A_2722 : i32 to vector<16xi32>
    %max3A_2724 = arith.maxsi %sub3A_2721, %max3A_2723 : vector<16xi32>
    %min3A_2725 = arith.constant 1 : i32
    %min3A_2726 = vector.broadcast %min3A_2725 : i32 to vector<16xi32>
    %min3A_2727 = arith.minsi %max3A_2724, %min3A_2726 : vector<16xi32>
    %mul3A_2728 = arith.muli %sub3A_2718, %min3A_2727 : vector<16xi32>
    %add3A_2729 = arith.addi %add3A_2695, %mul3A_2728 : vector<16xi32>
    %slice3A_2730 = vector.extract_strided_slice %get3A_2429 {offsets = [8], sizes = [1], strides = [1]} : vector<16xi32> to vector<1xi32>
    %squeeze3A_2731 = vector.extract %slice3A_2730[0] : i32 from vector<1xi32>
    %sub3A_2732 = vector.broadcast %squeeze3A_2731 : i32 to vector<16xi32>
    %sub3A_2733 = arith.subi %iota3A, %sub3A_2732 : vector<16xi32>
    %abs3A_2734 = math.absi %sub3A_2733 : vector<16xi32>
    %min3A_2735 = arith.constant 1 : i32
    %min3A_2736 = vector.broadcast %min3A_2735 : i32 to vector<16xi32>
    %min3A_2737 = arith.minsi %abs3A_2734, %min3A_2736 : vector<16xi32>
    %sub3A_2738 = arith.constant 1 : i32
    %sub3A_2739 = vector.broadcast %sub3A_2738 : i32 to vector<16xi32>
    %sub3A_2740 = arith.subi %sub3A_2739, %min3A_2737 : vector<16xi32>
    %add3A_2741 = arith.addi %add3A_2707, %sub3A_2740 : vector<16xi32>
    %slice3A_2742 = vector.extract_strided_slice %get3A_2429 {offsets = [9], sizes = [1], strides = [1]} : vector<16xi32> to vector<1xi32>
    %squeeze3A_2743 = vector.extract %slice3A_2742[0] : i32 from vector<1xi32>
    %sub3A_2744 = vector.broadcast %squeeze3A_2743 : i32 to vector<16xi32>
    %sub3A_2745 = arith.subi %get3A_2429, %sub3A_2744 : vector<16xi32>
    %abs3A_2746 = math.absi %sub3A_2745 : vector<16xi32>
    %min3A_2747 = arith.constant 1 : i32
    %min3A_2748 = vector.broadcast %min3A_2747 : i32 to vector<16xi32>
    %min3A_2749 = arith.minsi %abs3A_2746, %min3A_2748 : vector<16xi32>
    %sub3A_2750 = arith.constant 1 : i32
    %sub3A_2751 = vector.broadcast %sub3A_2750 : i32 to vector<16xi32>
    %sub3A_2752 = arith.subi %sub3A_2751, %min3A_2749 : vector<16xi32>
    %sub3A_2753 = arith.constant 9 : i32
    %sub3A_2754 = vector.broadcast %sub3A_2753 : i32 to vector<16xi32>
    %sub3A_2755 = arith.subi %iota3A, %sub3A_2754 : vector<16xi32>
    %max3A_2756 = arith.constant 0 : i32
    %max3A_2757 = vector.broadcast %max3A_2756 : i32 to vector<16xi32>
    %max3A_2758 = arith.maxsi %sub3A_2755, %max3A_2757 : vector<16xi32>
    %min3A_2759 = arith.constant 1 : i32
    %min3A_2760 = vector.broadcast %min3A_2759 : i32 to vector<16xi32>
    %min3A_2761 = arith.minsi %max3A_2758, %min3A_2760 : vector<16xi32>
    %mul3A_2762 = arith.muli %sub3A_2752, %min3A_2761 : vector<16xi32>
    %add3A_2763 = arith.addi %add3A_2729, %mul3A_2762 : vector<16xi32>
    %slice3A_2764 = vector.extract_strided_slice %get3A_2429 {offsets = [9], sizes = [1], strides = [1]} : vector<16xi32> to vector<1xi32>
    %squeeze3A_2765 = vector.extract %slice3A_2764[0] : i32 from vector<1xi32>
    %sub3A_2766 = vector.broadcast %squeeze3A_2765 : i32 to vector<16xi32>
    %sub3A_2767 = arith.subi %iota3A, %sub3A_2766 : vector<16xi32>
    %abs3A_2768 = math.absi %sub3A_2767 : vector<16xi32>
    %min3A_2769 = arith.constant 1 : i32
    %min3A_2770 = vector.broadcast %min3A_2769 : i32 to vector<16xi32>
    %min3A_2771 = arith.minsi %abs3A_2768, %min3A_2770 : vector<16xi32>
    %sub3A_2772 = arith.constant 1 : i32
    %sub3A_2773 = vector.broadcast %sub3A_2772 : i32 to vector<16xi32>
    %sub3A_2774 = arith.subi %sub3A_2773, %min3A_2771 : vector<16xi32>
    %add3A_2775 = arith.addi %add3A_2741, %sub3A_2774 : vector<16xi32>
    %slice3A_2776 = vector.extract_strided_slice %get3A_2429 {offsets = [10], sizes = [1], strides = [1]} : vector<16xi32> to vector<1xi32>
    %squeeze3A_2777 = vector.extract %slice3A_2776[0] : i32 from vector<1xi32>
    %sub3A_2778 = vector.broadcast %squeeze3A_2777 : i32 to vector<16xi32>
    %sub3A_2779 = arith.subi %get3A_2429, %sub3A_2778 : vector<16xi32>
    %abs3A_2780 = math.absi %sub3A_2779 : vector<16xi32>
    %min3A_2781 = arith.constant 1 : i32
    %min3A_2782 = vector.broadcast %min3A_2781 : i32 to vector<16xi32>
    %min3A_2783 = arith.minsi %abs3A_2780, %min3A_2782 : vector<16xi32>
    %sub3A_2784 = arith.constant 1 : i32
    %sub3A_2785 = vector.broadcast %sub3A_2784 : i32 to vector<16xi32>
    %sub3A_2786 = arith.subi %sub3A_2785, %min3A_2783 : vector<16xi32>
    %sub3A_2787 = arith.constant 10 : i32
    %sub3A_2788 = vector.broadcast %sub3A_2787 : i32 to vector<16xi32>
    %sub3A_2789 = arith.subi %iota3A, %sub3A_2788 : vector<16xi32>
    %max3A_2790 = arith.constant 0 : i32
    %max3A_2791 = vector.broadcast %max3A_2790 : i32 to vector<16xi32>
    %max3A_2792 = arith.maxsi %sub3A_2789, %max3A_2791 : vector<16xi32>
    %min3A_2793 = arith.constant 1 : i32
    %min3A_2794 = vector.broadcast %min3A_2793 : i32 to vector<16xi32>
    %min3A_2795 = arith.minsi %max3A_2792, %min3A_2794 : vector<16xi32>
    %mul3A_2796 = arith.muli %sub3A_2786, %min3A_2795 : vector<16xi32>
    %add3A_2797 = arith.addi %add3A_2763, %mul3A_2796 : vector<16xi32>
    %slice3A_2798 = vector.extract_strided_slice %get3A_2429 {offsets = [10], sizes = [1], strides = [1]} : vector<16xi32> to vector<1xi32>
    %squeeze3A_2799 = vector.extract %slice3A_2798[0] : i32 from vector<1xi32>
    %sub3A_2800 = vector.broadcast %squeeze3A_2799 : i32 to vector<16xi32>
    %sub3A_2801 = arith.subi %iota3A, %sub3A_2800 : vector<16xi32>
    %abs3A_2802 = math.absi %sub3A_2801 : vector<16xi32>
    %min3A_2803 = arith.constant 1 : i32
    %min3A_2804 = vector.broadcast %min3A_2803 : i32 to vector<16xi32>
    %min3A_2805 = arith.minsi %abs3A_2802, %min3A_2804 : vector<16xi32>
    %sub3A_2806 = arith.constant 1 : i32
    %sub3A_2807 = vector.broadcast %sub3A_2806 : i32 to vector<16xi32>
    %sub3A_2808 = arith.subi %sub3A_2807, %min3A_2805 : vector<16xi32>
    %add3A_2809 = arith.addi %add3A_2775, %sub3A_2808 : vector<16xi32>
    %slice3A_2810 = vector.extract_strided_slice %get3A_2429 {offsets = [11], sizes = [1], strides = [1]} : vector<16xi32> to vector<1xi32>
    %squeeze3A_2811 = vector.extract %slice3A_2810[0] : i32 from vector<1xi32>
    %sub3A_2812 = vector.broadcast %squeeze3A_2811 : i32 to vector<16xi32>
    %sub3A_2813 = arith.subi %get3A_2429, %sub3A_2812 : vector<16xi32>
    %abs3A_2814 = math.absi %sub3A_2813 : vector<16xi32>
    %min3A_2815 = arith.constant 1 : i32
    %min3A_2816 = vector.broadcast %min3A_2815 : i32 to vector<16xi32>
    %min3A_2817 = arith.minsi %abs3A_2814, %min3A_2816 : vector<16xi32>
    %sub3A_2818 = arith.constant 1 : i32
    %sub3A_2819 = vector.broadcast %sub3A_2818 : i32 to vector<16xi32>
    %sub3A_2820 = arith.subi %sub3A_2819, %min3A_2817 : vector<16xi32>
    %sub3A_2821 = arith.constant 11 : i32
    %sub3A_2822 = vector.broadcast %sub3A_2821 : i32 to vector<16xi32>
    %sub3A_2823 = arith.subi %iota3A, %sub3A_2822 : vector<16xi32>
    %max3A_2824 = arith.constant 0 : i32
    %max3A_2825 = vector.broadcast %max3A_2824 : i32 to vector<16xi32>
    %max3A_2826 = arith.maxsi %sub3A_2823, %max3A_2825 : vector<16xi32>
    %min3A_2827 = arith.constant 1 : i32
    %min3A_2828 = vector.broadcast %min3A_2827 : i32 to vector<16xi32>
    %min3A_2829 = arith.minsi %max3A_2826, %min3A_2828 : vector<16xi32>
    %mul3A_2830 = arith.muli %sub3A_2820, %min3A_2829 : vector<16xi32>
    %add3A_2831 = arith.addi %add3A_2797, %mul3A_2830 : vector<16xi32>
    %slice3A_2832 = vector.extract_strided_slice %get3A_2429 {offsets = [11], sizes = [1], strides = [1]} : vector<16xi32> to vector<1xi32>
    %squeeze3A_2833 = vector.extract %slice3A_2832[0] : i32 from vector<1xi32>
    %sub3A_2834 = vector.broadcast %squeeze3A_2833 : i32 to vector<16xi32>
    %sub3A_2835 = arith.subi %iota3A, %sub3A_2834 : vector<16xi32>
    %abs3A_2836 = math.absi %sub3A_2835 : vector<16xi32>
    %min3A_2837 = arith.constant 1 : i32
    %min3A_2838 = vector.broadcast %min3A_2837 : i32 to vector<16xi32>
    %min3A_2839 = arith.minsi %abs3A_2836, %min3A_2838 : vector<16xi32>
    %sub3A_2840 = arith.constant 1 : i32
    %sub3A_2841 = vector.broadcast %sub3A_2840 : i32 to vector<16xi32>
    %sub3A_2842 = arith.subi %sub3A_2841, %min3A_2839 : vector<16xi32>
    %add3A_2843 = arith.addi %add3A_2809, %sub3A_2842 : vector<16xi32>
    %slice3A_2844 = vector.extract_strided_slice %get3A_2429 {offsets = [12], sizes = [1], strides = [1]} : vector<16xi32> to vector<1xi32>
    %squeeze3A_2845 = vector.extract %slice3A_2844[0] : i32 from vector<1xi32>
    %sub3A_2846 = vector.broadcast %squeeze3A_2845 : i32 to vector<16xi32>
    %sub3A_2847 = arith.subi %get3A_2429, %sub3A_2846 : vector<16xi32>
    %abs3A_2848 = math.absi %sub3A_2847 : vector<16xi32>
    %min3A_2849 = arith.constant 1 : i32
    %min3A_2850 = vector.broadcast %min3A_2849 : i32 to vector<16xi32>
    %min3A_2851 = arith.minsi %abs3A_2848, %min3A_2850 : vector<16xi32>
    %sub3A_2852 = arith.constant 1 : i32
    %sub3A_2853 = vector.broadcast %sub3A_2852 : i32 to vector<16xi32>
    %sub3A_2854 = arith.subi %sub3A_2853, %min3A_2851 : vector<16xi32>
    %sub3A_2855 = arith.constant 12 : i32
    %sub3A_2856 = vector.broadcast %sub3A_2855 : i32 to vector<16xi32>
    %sub3A_2857 = arith.subi %iota3A, %sub3A_2856 : vector<16xi32>
    %max3A_2858 = arith.constant 0 : i32
    %max3A_2859 = vector.broadcast %max3A_2858 : i32 to vector<16xi32>
    %max3A_2860 = arith.maxsi %sub3A_2857, %max3A_2859 : vector<16xi32>
    %min3A_2861 = arith.constant 1 : i32
    %min3A_2862 = vector.broadcast %min3A_2861 : i32 to vector<16xi32>
    %min3A_2863 = arith.minsi %max3A_2860, %min3A_2862 : vector<16xi32>
    %mul3A_2864 = arith.muli %sub3A_2854, %min3A_2863 : vector<16xi32>
    %add3A_2865 = arith.addi %add3A_2831, %mul3A_2864 : vector<16xi32>
    %slice3A_2866 = vector.extract_strided_slice %get3A_2429 {offsets = [12], sizes = [1], strides = [1]} : vector<16xi32> to vector<1xi32>
    %squeeze3A_2867 = vector.extract %slice3A_2866[0] : i32 from vector<1xi32>
    %sub3A_2868 = vector.broadcast %squeeze3A_2867 : i32 to vector<16xi32>
    %sub3A_2869 = arith.subi %iota3A, %sub3A_2868 : vector<16xi32>
    %abs3A_2870 = math.absi %sub3A_2869 : vector<16xi32>
    %min3A_2871 = arith.constant 1 : i32
    %min3A_2872 = vector.broadcast %min3A_2871 : i32 to vector<16xi32>
    %min3A_2873 = arith.minsi %abs3A_2870, %min3A_2872 : vector<16xi32>
    %sub3A_2874 = arith.constant 1 : i32
    %sub3A_2875 = vector.broadcast %sub3A_2874 : i32 to vector<16xi32>
    %sub3A_2876 = arith.subi %sub3A_2875, %min3A_2873 : vector<16xi32>
    %add3A_2877 = arith.addi %add3A_2843, %sub3A_2876 : vector<16xi32>
    %slice3A_2878 = vector.extract_strided_slice %get3A_2429 {offsets = [13], sizes = [1], strides = [1]} : vector<16xi32> to vector<1xi32>
    %squeeze3A_2879 = vector.extract %slice3A_2878[0] : i32 from vector<1xi32>
    %sub3A_2880 = vector.broadcast %squeeze3A_2879 : i32 to vector<16xi32>
    %sub3A_2881 = arith.subi %get3A_2429, %sub3A_2880 : vector<16xi32>
    %abs3A_2882 = math.absi %sub3A_2881 : vector<16xi32>
    %min3A_2883 = arith.constant 1 : i32
    %min3A_2884 = vector.broadcast %min3A_2883 : i32 to vector<16xi32>
    %min3A_2885 = arith.minsi %abs3A_2882, %min3A_2884 : vector<16xi32>
    %sub3A_2886 = arith.constant 1 : i32
    %sub3A_2887 = vector.broadcast %sub3A_2886 : i32 to vector<16xi32>
    %sub3A_2888 = arith.subi %sub3A_2887, %min3A_2885 : vector<16xi32>
    %sub3A_2889 = arith.constant 13 : i32
    %sub3A_2890 = vector.broadcast %sub3A_2889 : i32 to vector<16xi32>
    %sub3A_2891 = arith.subi %iota3A, %sub3A_2890 : vector<16xi32>
    %max3A_2892 = arith.constant 0 : i32
    %max3A_2893 = vector.broadcast %max3A_2892 : i32 to vector<16xi32>
    %max3A_2894 = arith.maxsi %sub3A_2891, %max3A_2893 : vector<16xi32>
    %min3A_2895 = arith.constant 1 : i32
    %min3A_2896 = vector.broadcast %min3A_2895 : i32 to vector<16xi32>
    %min3A_2897 = arith.minsi %max3A_2894, %min3A_2896 : vector<16xi32>
    %mul3A_2898 = arith.muli %sub3A_2888, %min3A_2897 : vector<16xi32>
    %add3A_2899 = arith.addi %add3A_2865, %mul3A_2898 : vector<16xi32>
    %slice3A_2900 = vector.extract_strided_slice %get3A_2429 {offsets = [13], sizes = [1], strides = [1]} : vector<16xi32> to vector<1xi32>
    %squeeze3A_2901 = vector.extract %slice3A_2900[0] : i32 from vector<1xi32>
    %sub3A_2902 = vector.broadcast %squeeze3A_2901 : i32 to vector<16xi32>
    %sub3A_2903 = arith.subi %iota3A, %sub3A_2902 : vector<16xi32>
    %abs3A_2904 = math.absi %sub3A_2903 : vector<16xi32>
    %min3A_2905 = arith.constant 1 : i32
    %min3A_2906 = vector.broadcast %min3A_2905 : i32 to vector<16xi32>
    %min3A_2907 = arith.minsi %abs3A_2904, %min3A_2906 : vector<16xi32>
    %sub3A_2908 = arith.constant 1 : i32
    %sub3A_2909 = vector.broadcast %sub3A_2908 : i32 to vector<16xi32>
    %sub3A_2910 = arith.subi %sub3A_2909, %min3A_2907 : vector<16xi32>
    %add3A_2911 = arith.addi %add3A_2877, %sub3A_2910 : vector<16xi32>
    %slice3A_2912 = vector.extract_strided_slice %get3A_2429 {offsets = [14], sizes = [1], strides = [1]} : vector<16xi32> to vector<1xi32>
    %squeeze3A_2913 = vector.extract %slice3A_2912[0] : i32 from vector<1xi32>
    %sub3A_2914 = vector.broadcast %squeeze3A_2913 : i32 to vector<16xi32>
    %sub3A_2915 = arith.subi %get3A_2429, %sub3A_2914 : vector<16xi32>
    %abs3A_2916 = math.absi %sub3A_2915 : vector<16xi32>
    %min3A_2917 = arith.constant 1 : i32
    %min3A_2918 = vector.broadcast %min3A_2917 : i32 to vector<16xi32>
    %min3A_2919 = arith.minsi %abs3A_2916, %min3A_2918 : vector<16xi32>
    %sub3A_2920 = arith.constant 1 : i32
    %sub3A_2921 = vector.broadcast %sub3A_2920 : i32 to vector<16xi32>
    %sub3A_2922 = arith.subi %sub3A_2921, %min3A_2919 : vector<16xi32>
    %sub3A_2923 = arith.constant 14 : i32
    %sub3A_2924 = vector.broadcast %sub3A_2923 : i32 to vector<16xi32>
    %sub3A_2925 = arith.subi %iota3A, %sub3A_2924 : vector<16xi32>
    %max3A_2926 = arith.constant 0 : i32
    %max3A_2927 = vector.broadcast %max3A_2926 : i32 to vector<16xi32>
    %max3A_2928 = arith.maxsi %sub3A_2925, %max3A_2927 : vector<16xi32>
    %min3A_2929 = arith.constant 1 : i32
    %min3A_2930 = vector.broadcast %min3A_2929 : i32 to vector<16xi32>
    %min3A_2931 = arith.minsi %max3A_2928, %min3A_2930 : vector<16xi32>
    %mul3A_2932 = arith.muli %sub3A_2922, %min3A_2931 : vector<16xi32>
    %add3A_2933 = arith.addi %add3A_2899, %mul3A_2932 : vector<16xi32>
    %slice3A_2934 = vector.extract_strided_slice %get3A_2429 {offsets = [14], sizes = [1], strides = [1]} : vector<16xi32> to vector<1xi32>
    %squeeze3A_2935 = vector.extract %slice3A_2934[0] : i32 from vector<1xi32>
    %sub3A_2936 = vector.broadcast %squeeze3A_2935 : i32 to vector<16xi32>
    %sub3A_2937 = arith.subi %iota3A, %sub3A_2936 : vector<16xi32>
    %abs3A_2938 = math.absi %sub3A_2937 : vector<16xi32>
    %min3A_2939 = arith.constant 1 : i32
    %min3A_2940 = vector.broadcast %min3A_2939 : i32 to vector<16xi32>
    %min3A_2941 = arith.minsi %abs3A_2938, %min3A_2940 : vector<16xi32>
    %sub3A_2942 = arith.constant 1 : i32
    %sub3A_2943 = vector.broadcast %sub3A_2942 : i32 to vector<16xi32>
    %sub3A_2944 = arith.subi %sub3A_2943, %min3A_2941 : vector<16xi32>
    %add3A_2945 = arith.addi %add3A_2911, %sub3A_2944 : vector<16xi32>
    %slice3A_2946 = vector.extract_strided_slice %get3A_2429 {offsets = [15], sizes = [1], strides = [1]} : vector<16xi32> to vector<1xi32>
    %squeeze3A_2947 = vector.extract %slice3A_2946[0] : i32 from vector<1xi32>
    %sub3A_2948 = vector.broadcast %squeeze3A_2947 : i32 to vector<16xi32>
    %sub3A_2949 = arith.subi %get3A_2429, %sub3A_2948 : vector<16xi32>
    %abs3A_2950 = math.absi %sub3A_2949 : vector<16xi32>
    %min3A_2951 = arith.constant 1 : i32
    %min3A_2952 = vector.broadcast %min3A_2951 : i32 to vector<16xi32>
    %min3A_2953 = arith.minsi %abs3A_2950, %min3A_2952 : vector<16xi32>
    %sub3A_2954 = arith.constant 1 : i32
    %sub3A_2955 = vector.broadcast %sub3A_2954 : i32 to vector<16xi32>
    %sub3A_2956 = arith.subi %sub3A_2955, %min3A_2953 : vector<16xi32>
    %sub3A_2957 = arith.constant 15 : i32
    %sub3A_2958 = vector.broadcast %sub3A_2957 : i32 to vector<16xi32>
    %sub3A_2959 = arith.subi %iota3A, %sub3A_2958 : vector<16xi32>
    %max3A_2960 = arith.constant 0 : i32
    %max3A_2961 = vector.broadcast %max3A_2960 : i32 to vector<16xi32>
    %max3A_2962 = arith.maxsi %sub3A_2959, %max3A_2961 : vector<16xi32>
    %min3A_2963 = arith.constant 1 : i32
    %min3A_2964 = vector.broadcast %min3A_2963 : i32 to vector<16xi32>
    %min3A_2965 = arith.minsi %max3A_2962, %min3A_2964 : vector<16xi32>
    %mul3A_2966 = arith.muli %sub3A_2956, %min3A_2965 : vector<16xi32>
    %add3A_2967 = arith.addi %add3A_2933, %mul3A_2966 : vector<16xi32>
    %slice3A_2968 = vector.extract_strided_slice %get3A_2429 {offsets = [15], sizes = [1], strides = [1]} : vector<16xi32> to vector<1xi32>
    %squeeze3A_2969 = vector.extract %slice3A_2968[0] : i32 from vector<1xi32>
    %sub3A_2970 = vector.broadcast %squeeze3A_2969 : i32 to vector<16xi32>
    %sub3A_2971 = arith.subi %iota3A, %sub3A_2970 : vector<16xi32>
    %abs3A_2972 = math.absi %sub3A_2971 : vector<16xi32>
    %min3A_2973 = arith.constant 1 : i32
    %min3A_2974 = vector.broadcast %min3A_2973 : i32 to vector<16xi32>
    %min3A_2975 = arith.minsi %abs3A_2972, %min3A_2974 : vector<16xi32>
    %sub3A_2976 = arith.constant 1 : i32
    %sub3A_2977 = vector.broadcast %sub3A_2976 : i32 to vector<16xi32>
    %sub3A_2978 = arith.subi %sub3A_2977, %min3A_2975 : vector<16xi32>
    %add3A_2979 = arith.addi %add3A_2945, %sub3A_2978 : vector<16xi32>
    %add3A_2980 = arith.addi %gather3A_2433, %add3A_2967 : vector<16xi32>
    %swap3A_2981 = arith.constant 16 : index
    %swap3A_2982 = tpu.vector_load %arg11[%swap3A_2981] {strides = array<i32>} : memref<64xi32, #tpu.memory_space<vmem>>, vector<16xi32>,
    %swap3A_2983 = vector.shape_cast %swap3A_2982 : vector<16xi32> to vector<16xi32>
    %swap3A_2984 = vector.shape_cast %add3A_2980 : vector<16xi32> to vector<16xi32>
    tpu.vector_store %arg11[%swap3A_2981], %swap3A_2984 {strides = array<i32>} : memref<64xi32, #tpu.memory_space<vmem>>, vector<16xi32>,
    %mul3A_2985 = arith.constant 64 : i32
    %mul3A_2986 = arith.muli %arg0, %mul3A_2985 : i32
    %add3A_2987 = arith.constant 32 : i32
    %add3A_2988 = arith.addi %mul3A_2986, %add3A_2987 : i32
    %get3A_2989 = arith.index_cast %add3A_2988 : i32 to index
    %get3A_2990 = tpu.vector_load %arg7[%get3A_2989] {strides = array<i32>} : memref<128xi32, #tpu.memory_space<vmem>>, vector<16xi32>,
    %get3A_2991 = vector.shape_cast %get3A_2990 : vector<16xi32> to vector<16xi32>
    %add3A_2992 = arith.addi %add3A_1860, %add3A_2979 : vector<16xi32>
    %broadcast_in_dim3A_2993 = vector.shape_cast %get3A_2991 : vector<16xi32> to vector<16x1xi32>
    %gather3A_2994 = vector.shape_cast %broadcast_in_dim3A_2993 : vector<16x1xi32> to vector<16xi32>
    %gather3A_2995 = tpu.dynamic_gather %add3A_2992[%gather3A_2994] in [0] : vector<16xi32>, vector<16xi32> -> vector<16xi32>
    %broadcast_in_dim3A_2996 = arith.constant 0 : i32
    %broadcast_in_dim3A_2997 = vector.broadcast %broadcast_in_dim3A_2996 : i32 to vector<16xi32>
    %slice3A_2998 = vector.extract_strided_slice %get3A_2991 {offsets = [0], sizes = [1], strides = [1]} : vector<16xi32> to vector<1xi32>
    %squeeze3A_2999 = vector.extract %slice3A_2998[0] : i32 from vector<1xi32>
    %sub3A_3000 = vector.broadcast %squeeze3A_2999 : i32 to vector<16xi32>
    %sub3A_3001 = arith.subi %get3A_2991, %sub3A_3000 : vector<16xi32>
    %abs3A_3002 = math.absi %sub3A_3001 : vector<16xi32>
    %min3A_3003 = arith.constant 1 : i32
    %min3A_3004 = vector.broadcast %min3A_3003 : i32 to vector<16xi32>
    %min3A_3005 = arith.minsi %abs3A_3002, %min3A_3004 : vector<16xi32>
    %sub3A_3006 = arith.constant 1 : i32
    %sub3A_3007 = vector.broadcast %sub3A_3006 : i32 to vector<16xi32>
    %sub3A_3008 = arith.subi %sub3A_3007, %min3A_3005 : vector<16xi32>
    %sub3A_3009 = arith.constant 0 : i32
    %sub3A_3010 = vector.broadcast %sub3A_3009 : i32 to vector<16xi32>
    %sub3A_3011 = arith.subi %iota3A, %sub3A_3010 : vector<16xi32>
    %max3A_3012 = arith.constant 0 : i32
    %max3A_3013 = vector.broadcast %max3A_3012 : i32 to vector<16xi32>
    %max3A_3014 = arith.maxsi %sub3A_3011, %max3A_3013 : vector<16xi32>
    %min3A_3015 = arith.constant 1 : i32
    %min3A_3016 = vector.broadcast %min3A_3015 : i32 to vector<16xi32>
    %min3A_3017 = arith.minsi %max3A_3014, %min3A_3016 : vector<16xi32>
    %mul3A_3018 = arith.muli %sub3A_3008, %min3A_3017 : vector<16xi32>
    %add3A_3019 = arith.addi %broadcast_in_dim3A_2997, %mul3A_3018 : vector<16xi32>
    %slice3A_3020 = vector.extract_strided_slice %get3A_2991 {offsets = [0], sizes = [1], strides = [1]} : vector<16xi32> to vector<1xi32>
    %squeeze3A_3021 = vector.extract %slice3A_3020[0] : i32 from vector<1xi32>
    %sub3A_3022 = vector.broadcast %squeeze3A_3021 : i32 to vector<16xi32>
    %sub3A_3023 = arith.subi %iota3A, %sub3A_3022 : vector<16xi32>
    %abs3A_3024 = math.absi %sub3A_3023 : vector<16xi32>
    %min3A_3025 = arith.constant 1 : i32
    %min3A_3026 = vector.broadcast %min3A_3025 : i32 to vector<16xi32>
    %min3A_3027 = arith.minsi %abs3A_3024, %min3A_3026 : vector<16xi32>
    %sub3A_3028 = arith.constant 1 : i32
    %sub3A_3029 = vector.broadcast %sub3A_3028 : i32 to vector<16xi32>
    %sub3A_3030 = arith.subi %sub3A_3029, %min3A_3027 : vector<16xi32>
    %add3A_3031 = arith.addi %add3A_2979, %sub3A_3030 : vector<16xi32>
    %slice3A_3032 = vector.extract_strided_slice %get3A_2991 {offsets = [1], sizes = [1], strides = [1]} : vector<16xi32> to vector<1xi32>
    %squeeze3A_3033 = vector.extract %slice3A_3032[0] : i32 from vector<1xi32>
    %sub3A_3034 = vector.broadcast %squeeze3A_3033 : i32 to vector<16xi32>
    %sub3A_3035 = arith.subi %get3A_2991, %sub3A_3034 : vector<16xi32>
    %abs3A_3036 = math.absi %sub3A_3035 : vector<16xi32>
    %min3A_3037 = arith.constant 1 : i32
    %min3A_3038 = vector.broadcast %min3A_3037 : i32 to vector<16xi32>
    %min3A_3039 = arith.minsi %abs3A_3036, %min3A_3038 : vector<16xi32>
    %sub3A_3040 = arith.constant 1 : i32
    %sub3A_3041 = vector.broadcast %sub3A_3040 : i32 to vector<16xi32>
    %sub3A_3042 = arith.subi %sub3A_3041, %min3A_3039 : vector<16xi32>
    %sub3A_3043 = arith.constant 1 : i32
    %sub3A_3044 = vector.broadcast %sub3A_3043 : i32 to vector<16xi32>
    %sub3A_3045 = arith.subi %iota3A, %sub3A_3044 : vector<16xi32>
    %max3A_3046 = arith.constant 0 : i32
    %max3A_3047 = vector.broadcast %max3A_3046 : i32 to vector<16xi32>
    %max3A_3048 = arith.maxsi %sub3A_3045, %max3A_3047 : vector<16xi32>
    %min3A_3049 = arith.constant 1 : i32
    %min3A_3050 = vector.broadcast %min3A_3049 : i32 to vector<16xi32>
    %min3A_3051 = arith.minsi %max3A_3048, %min3A_3050 : vector<16xi32>
    %mul3A_3052 = arith.muli %sub3A_3042, %min3A_3051 : vector<16xi32>
    %add3A_3053 = arith.addi %add3A_3019, %mul3A_3052 : vector<16xi32>
    %slice3A_3054 = vector.extract_strided_slice %get3A_2991 {offsets = [1], sizes = [1], strides = [1]} : vector<16xi32> to vector<1xi32>
    %squeeze3A_3055 = vector.extract %slice3A_3054[0] : i32 from vector<1xi32>
    %sub3A_3056 = vector.broadcast %squeeze3A_3055 : i32 to vector<16xi32>
    %sub3A_3057 = arith.subi %iota3A, %sub3A_3056 : vector<16xi32>
    %abs3A_3058 = math.absi %sub3A_3057 : vector<16xi32>
    %min3A_3059 = arith.constant 1 : i32
    %min3A_3060 = vector.broadcast %min3A_3059 : i32 to vector<16xi32>
    %min3A_3061 = arith.minsi %abs3A_3058, %min3A_3060 : vector<16xi32>
    %sub3A_3062 = arith.constant 1 : i32
    %sub3A_3063 = vector.broadcast %sub3A_3062 : i32 to vector<16xi32>
    %sub3A_3064 = arith.subi %sub3A_3063, %min3A_3061 : vector<16xi32>
    %add3A_3065 = arith.addi %add3A_3031, %sub3A_3064 : vector<16xi32>
    %slice3A_3066 = vector.extract_strided_slice %get3A_2991 {offsets = [2], sizes = [1], strides = [1]} : vector<16xi32> to vector<1xi32>
    %squeeze3A_3067 = vector.extract %slice3A_3066[0] : i32 from vector<1xi32>
    %sub3A_3068 = vector.broadcast %squeeze3A_3067 : i32 to vector<16xi32>
    %sub3A_3069 = arith.subi %get3A_2991, %sub3A_3068 : vector<16xi32>
    %abs3A_3070 = math.absi %sub3A_3069 : vector<16xi32>
    %min3A_3071 = arith.constant 1 : i32
    %min3A_3072 = vector.broadcast %min3A_3071 : i32 to vector<16xi32>
    %min3A_3073 = arith.minsi %abs3A_3070, %min3A_3072 : vector<16xi32>
    %sub3A_3074 = arith.constant 1 : i32
    %sub3A_3075 = vector.broadcast %sub3A_3074 : i32 to vector<16xi32>
    %sub3A_3076 = arith.subi %sub3A_3075, %min3A_3073 : vector<16xi32>
    %sub3A_3077 = arith.constant 2 : i32
    %sub3A_3078 = vector.broadcast %sub3A_3077 : i32 to vector<16xi32>
    %sub3A_3079 = arith.subi %iota3A, %sub3A_3078 : vector<16xi32>
    %max3A_3080 = arith.constant 0 : i32
    %max3A_3081 = vector.broadcast %max3A_3080 : i32 to vector<16xi32>
    %max3A_3082 = arith.maxsi %sub3A_3079, %max3A_3081 : vector<16xi32>
    %min3A_3083 = arith.constant 1 : i32
    %min3A_3084 = vector.broadcast %min3A_3083 : i32 to vector<16xi32>
    %min3A_3085 = arith.minsi %max3A_3082, %min3A_3084 : vector<16xi32>
    %mul3A_3086 = arith.muli %sub3A_3076, %min3A_3085 : vector<16xi32>
    %add3A_3087 = arith.addi %add3A_3053, %mul3A_3086 : vector<16xi32>
    %slice3A_3088 = vector.extract_strided_slice %get3A_2991 {offsets = [2], sizes = [1], strides = [1]} : vector<16xi32> to vector<1xi32>
    %squeeze3A_3089 = vector.extract %slice3A_3088[0] : i32 from vector<1xi32>
    %sub3A_3090 = vector.broadcast %squeeze3A_3089 : i32 to vector<16xi32>
    %sub3A_3091 = arith.subi %iota3A, %sub3A_3090 : vector<16xi32>
    %abs3A_3092 = math.absi %sub3A_3091 : vector<16xi32>
    %min3A_3093 = arith.constant 1 : i32
    %min3A_3094 = vector.broadcast %min3A_3093 : i32 to vector<16xi32>
    %min3A_3095 = arith.minsi %abs3A_3092, %min3A_3094 : vector<16xi32>
    %sub3A_3096 = arith.constant 1 : i32
    %sub3A_3097 = vector.broadcast %sub3A_3096 : i32 to vector<16xi32>
    %sub3A_3098 = arith.subi %sub3A_3097, %min3A_3095 : vector<16xi32>
    %add3A_3099 = arith.addi %add3A_3065, %sub3A_3098 : vector<16xi32>
    %slice3A_3100 = vector.extract_strided_slice %get3A_2991 {offsets = [3], sizes = [1], strides = [1]} : vector<16xi32> to vector<1xi32>
    %squeeze3A_3101 = vector.extract %slice3A_3100[0] : i32 from vector<1xi32>
    %sub3A_3102 = vector.broadcast %squeeze3A_3101 : i32 to vector<16xi32>
    %sub3A_3103 = arith.subi %get3A_2991, %sub3A_3102 : vector<16xi32>
    %abs3A_3104 = math.absi %sub3A_3103 : vector<16xi32>
    %min3A_3105 = arith.constant 1 : i32
    %min3A_3106 = vector.broadcast %min3A_3105 : i32 to vector<16xi32>
    %min3A_3107 = arith.minsi %abs3A_3104, %min3A_3106 : vector<16xi32>
    %sub3A_3108 = arith.constant 1 : i32
    %sub3A_3109 = vector.broadcast %sub3A_3108 : i32 to vector<16xi32>
    %sub3A_3110 = arith.subi %sub3A_3109, %min3A_3107 : vector<16xi32>
    %sub3A_3111 = arith.constant 3 : i32
    %sub3A_3112 = vector.broadcast %sub3A_3111 : i32 to vector<16xi32>
    %sub3A_3113 = arith.subi %iota3A, %sub3A_3112 : vector<16xi32>
    %max3A_3114 = arith.constant 0 : i32
    %max3A_3115 = vector.broadcast %max3A_3114 : i32 to vector<16xi32>
    %max3A_3116 = arith.maxsi %sub3A_3113, %max3A_3115 : vector<16xi32>
    %min3A_3117 = arith.constant 1 : i32
    %min3A_3118 = vector.broadcast %min3A_3117 : i32 to vector<16xi32>
    %min3A_3119 = arith.minsi %max3A_3116, %min3A_3118 : vector<16xi32>
    %mul3A_3120 = arith.muli %sub3A_3110, %min3A_3119 : vector<16xi32>
    %add3A_3121 = arith.addi %add3A_3087, %mul3A_3120 : vector<16xi32>
    %slice3A_3122 = vector.extract_strided_slice %get3A_2991 {offsets = [3], sizes = [1], strides = [1]} : vector<16xi32> to vector<1xi32>
    %squeeze3A_3123 = vector.extract %slice3A_3122[0] : i32 from vector<1xi32>
    %sub3A_3124 = vector.broadcast %squeeze3A_3123 : i32 to vector<16xi32>
    %sub3A_3125 = arith.subi %iota3A, %sub3A_3124 : vector<16xi32>
    %abs3A_3126 = math.absi %sub3A_3125 : vector<16xi32>
    %min3A_3127 = arith.constant 1 : i32
    %min3A_3128 = vector.broadcast %min3A_3127 : i32 to vector<16xi32>
    %min3A_3129 = arith.minsi %abs3A_3126, %min3A_3128 : vector<16xi32>
    %sub3A_3130 = arith.constant 1 : i32
    %sub3A_3131 = vector.broadcast %sub3A_3130 : i32 to vector<16xi32>
    %sub3A_3132 = arith.subi %sub3A_3131, %min3A_3129 : vector<16xi32>
    %add3A_3133 = arith.addi %add3A_3099, %sub3A_3132 : vector<16xi32>
    %slice3A_3134 = vector.extract_strided_slice %get3A_2991 {offsets = [4], sizes = [1], strides = [1]} : vector<16xi32> to vector<1xi32>
    %squeeze3A_3135 = vector.extract %slice3A_3134[0] : i32 from vector<1xi32>
    %sub3A_3136 = vector.broadcast %squeeze3A_3135 : i32 to vector<16xi32>
    %sub3A_3137 = arith.subi %get3A_2991, %sub3A_3136 : vector<16xi32>
    %abs3A_3138 = math.absi %sub3A_3137 : vector<16xi32>
    %min3A_3139 = arith.constant 1 : i32
    %min3A_3140 = vector.broadcast %min3A_3139 : i32 to vector<16xi32>
    %min3A_3141 = arith.minsi %abs3A_3138, %min3A_3140 : vector<16xi32>
    %sub3A_3142 = arith.constant 1 : i32
    %sub3A_3143 = vector.broadcast %sub3A_3142 : i32 to vector<16xi32>
    %sub3A_3144 = arith.subi %sub3A_3143, %min3A_3141 : vector<16xi32>
    %sub3A_3145 = arith.constant 4 : i32
    %sub3A_3146 = vector.broadcast %sub3A_3145 : i32 to vector<16xi32>
    %sub3A_3147 = arith.subi %iota3A, %sub3A_3146 : vector<16xi32>
    %max3A_3148 = arith.constant 0 : i32
    %max3A_3149 = vector.broadcast %max3A_3148 : i32 to vector<16xi32>
    %max3A_3150 = arith.maxsi %sub3A_3147, %max3A_3149 : vector<16xi32>
    %min3A_3151 = arith.constant 1 : i32
    %min3A_3152 = vector.broadcast %min3A_3151 : i32 to vector<16xi32>
    %min3A_3153 = arith.minsi %max3A_3150, %min3A_3152 : vector<16xi32>
    %mul3A_3154 = arith.muli %sub3A_3144, %min3A_3153 : vector<16xi32>
    %add3A_3155 = arith.addi %add3A_3121, %mul3A_3154 : vector<16xi32>
    %slice3A_3156 = vector.extract_strided_slice %get3A_2991 {offsets = [4], sizes = [1], strides = [1]} : vector<16xi32> to vector<1xi32>
    %squeeze3A_3157 = vector.extract %slice3A_3156[0] : i32 from vector<1xi32>
    %sub3A_3158 = vector.broadcast %squeeze3A_3157 : i32 to vector<16xi32>
    %sub3A_3159 = arith.subi %iota3A, %sub3A_3158 : vector<16xi32>
    %abs3A_3160 = math.absi %sub3A_3159 : vector<16xi32>
    %min3A_3161 = arith.constant 1 : i32
    %min3A_3162 = vector.broadcast %min3A_3161 : i32 to vector<16xi32>
    %min3A_3163 = arith.minsi %abs3A_3160, %min3A_3162 : vector<16xi32>
    %sub3A_3164 = arith.constant 1 : i32
    %sub3A_3165 = vector.broadcast %sub3A_3164 : i32 to vector<16xi32>
    %sub3A_3166 = arith.subi %sub3A_3165, %min3A_3163 : vector<16xi32>
    %add3A_3167 = arith.addi %add3A_3133, %sub3A_3166 : vector<16xi32>
    %slice3A_3168 = vector.extract_strided_slice %get3A_2991 {offsets = [5], sizes = [1], strides = [1]} : vector<16xi32> to vector<1xi32>
    %squeeze3A_3169 = vector.extract %slice3A_3168[0] : i32 from vector<1xi32>
    %sub3A_3170 = vector.broadcast %squeeze3A_3169 : i32 to vector<16xi32>
    %sub3A_3171 = arith.subi %get3A_2991, %sub3A_3170 : vector<16xi32>
    %abs3A_3172 = math.absi %sub3A_3171 : vector<16xi32>
    %min3A_3173 = arith.constant 1 : i32
    %min3A_3174 = vector.broadcast %min3A_3173 : i32 to vector<16xi32>
    %min3A_3175 = arith.minsi %abs3A_3172, %min3A_3174 : vector<16xi32>
    %sub3A_3176 = arith.constant 1 : i32
    %sub3A_3177 = vector.broadcast %sub3A_3176 : i32 to vector<16xi32>
    %sub3A_3178 = arith.subi %sub3A_3177, %min3A_3175 : vector<16xi32>
    %sub3A_3179 = arith.constant 5 : i32
    %sub3A_3180 = vector.broadcast %sub3A_3179 : i32 to vector<16xi32>
    %sub3A_3181 = arith.subi %iota3A, %sub3A_3180 : vector<16xi32>
    %max3A_3182 = arith.constant 0 : i32
    %max3A_3183 = vector.broadcast %max3A_3182 : i32 to vector<16xi32>
    %max3A_3184 = arith.maxsi %sub3A_3181, %max3A_3183 : vector<16xi32>
    %min3A_3185 = arith.constant 1 : i32
    %min3A_3186 = vector.broadcast %min3A_3185 : i32 to vector<16xi32>
    %min3A_3187 = arith.minsi %max3A_3184, %min3A_3186 : vector<16xi32>
    %mul3A_3188 = arith.muli %sub3A_3178, %min3A_3187 : vector<16xi32>
    %add3A_3189 = arith.addi %add3A_3155, %mul3A_3188 : vector<16xi32>
    %slice3A_3190 = vector.extract_strided_slice %get3A_2991 {offsets = [5], sizes = [1], strides = [1]} : vector<16xi32> to vector<1xi32>
    %squeeze3A_3191 = vector.extract %slice3A_3190[0] : i32 from vector<1xi32>
    %sub3A_3192 = vector.broadcast %squeeze3A_3191 : i32 to vector<16xi32>
    %sub3A_3193 = arith.subi %iota3A, %sub3A_3192 : vector<16xi32>
    %abs3A_3194 = math.absi %sub3A_3193 : vector<16xi32>
    %min3A_3195 = arith.constant 1 : i32
    %min3A_3196 = vector.broadcast %min3A_3195 : i32 to vector<16xi32>
    %min3A_3197 = arith.minsi %abs3A_3194, %min3A_3196 : vector<16xi32>
    %sub3A_3198 = arith.constant 1 : i32
    %sub3A_3199 = vector.broadcast %sub3A_3198 : i32 to vector<16xi32>
    %sub3A_3200 = arith.subi %sub3A_3199, %min3A_3197 : vector<16xi32>
    %add3A_3201 = arith.addi %add3A_3167, %sub3A_3200 : vector<16xi32>
    %slice3A_3202 = vector.extract_strided_slice %get3A_2991 {offsets = [6], sizes = [1], strides = [1]} : vector<16xi32> to vector<1xi32>
    %squeeze3A_3203 = vector.extract %slice3A_3202[0] : i32 from vector<1xi32>
    %sub3A_3204 = vector.broadcast %squeeze3A_3203 : i32 to vector<16xi32>
    %sub3A_3205 = arith.subi %get3A_2991, %sub3A_3204 : vector<16xi32>
    %abs3A_3206 = math.absi %sub3A_3205 : vector<16xi32>
    %min3A_3207 = arith.constant 1 : i32
    %min3A_3208 = vector.broadcast %min3A_3207 : i32 to vector<16xi32>
    %min3A_3209 = arith.minsi %abs3A_3206, %min3A_3208 : vector<16xi32>
    %sub3A_3210 = arith.constant 1 : i32
    %sub3A_3211 = vector.broadcast %sub3A_3210 : i32 to vector<16xi32>
    %sub3A_3212 = arith.subi %sub3A_3211, %min3A_3209 : vector<16xi32>
    %sub3A_3213 = arith.constant 6 : i32
    %sub3A_3214 = vector.broadcast %sub3A_3213 : i32 to vector<16xi32>
    %sub3A_3215 = arith.subi %iota3A, %sub3A_3214 : vector<16xi32>
    %max3A_3216 = arith.constant 0 : i32
    %max3A_3217 = vector.broadcast %max3A_3216 : i32 to vector<16xi32>
    %max3A_3218 = arith.maxsi %sub3A_3215, %max3A_3217 : vector<16xi32>
    %min3A_3219 = arith.constant 1 : i32
    %min3A_3220 = vector.broadcast %min3A_3219 : i32 to vector<16xi32>
    %min3A_3221 = arith.minsi %max3A_3218, %min3A_3220 : vector<16xi32>
    %mul3A_3222 = arith.muli %sub3A_3212, %min3A_3221 : vector<16xi32>
    %add3A_3223 = arith.addi %add3A_3189, %mul3A_3222 : vector<16xi32>
    %slice3A_3224 = vector.extract_strided_slice %get3A_2991 {offsets = [6], sizes = [1], strides = [1]} : vector<16xi32> to vector<1xi32>
    %squeeze3A_3225 = vector.extract %slice3A_3224[0] : i32 from vector<1xi32>
    %sub3A_3226 = vector.broadcast %squeeze3A_3225 : i32 to vector<16xi32>
    %sub3A_3227 = arith.subi %iota3A, %sub3A_3226 : vector<16xi32>
    %abs3A_3228 = math.absi %sub3A_3227 : vector<16xi32>
    %min3A_3229 = arith.constant 1 : i32
    %min3A_3230 = vector.broadcast %min3A_3229 : i32 to vector<16xi32>
    %min3A_3231 = arith.minsi %abs3A_3228, %min3A_3230 : vector<16xi32>
    %sub3A_3232 = arith.constant 1 : i32
    %sub3A_3233 = vector.broadcast %sub3A_3232 : i32 to vector<16xi32>
    %sub3A_3234 = arith.subi %sub3A_3233, %min3A_3231 : vector<16xi32>
    %add3A_3235 = arith.addi %add3A_3201, %sub3A_3234 : vector<16xi32>
    %slice3A_3236 = vector.extract_strided_slice %get3A_2991 {offsets = [7], sizes = [1], strides = [1]} : vector<16xi32> to vector<1xi32>
    %squeeze3A_3237 = vector.extract %slice3A_3236[0] : i32 from vector<1xi32>
    %sub3A_3238 = vector.broadcast %squeeze3A_3237 : i32 to vector<16xi32>
    %sub3A_3239 = arith.subi %get3A_2991, %sub3A_3238 : vector<16xi32>
    %abs3A_3240 = math.absi %sub3A_3239 : vector<16xi32>
    %min3A_3241 = arith.constant 1 : i32
    %min3A_3242 = vector.broadcast %min3A_3241 : i32 to vector<16xi32>
    %min3A_3243 = arith.minsi %abs3A_3240, %min3A_3242 : vector<16xi32>
    %sub3A_3244 = arith.constant 1 : i32
    %sub3A_3245 = vector.broadcast %sub3A_3244 : i32 to vector<16xi32>
    %sub3A_3246 = arith.subi %sub3A_3245, %min3A_3243 : vector<16xi32>
    %sub3A_3247 = arith.constant 7 : i32
    %sub3A_3248 = vector.broadcast %sub3A_3247 : i32 to vector<16xi32>
    %sub3A_3249 = arith.subi %iota3A, %sub3A_3248 : vector<16xi32>
    %max3A_3250 = arith.constant 0 : i32
    %max3A_3251 = vector.broadcast %max3A_3250 : i32 to vector<16xi32>
    %max3A_3252 = arith.maxsi %sub3A_3249, %max3A_3251 : vector<16xi32>
    %min3A_3253 = arith.constant 1 : i32
    %min3A_3254 = vector.broadcast %min3A_3253 : i32 to vector<16xi32>
    %min3A_3255 = arith.minsi %max3A_3252, %min3A_3254 : vector<16xi32>
    %mul3A_3256 = arith.muli %sub3A_3246, %min3A_3255 : vector<16xi32>
    %add3A_3257 = arith.addi %add3A_3223, %mul3A_3256 : vector<16xi32>
    %slice3A_3258 = vector.extract_strided_slice %get3A_2991 {offsets = [7], sizes = [1], strides = [1]} : vector<16xi32> to vector<1xi32>
    %squeeze3A_3259 = vector.extract %slice3A_3258[0] : i32 from vector<1xi32>
    %sub3A_3260 = vector.broadcast %squeeze3A_3259 : i32 to vector<16xi32>
    %sub3A_3261 = arith.subi %iota3A, %sub3A_3260 : vector<16xi32>
    %abs3A_3262 = math.absi %sub3A_3261 : vector<16xi32>
    %min3A_3263 = arith.constant 1 : i32
    %min3A_3264 = vector.broadcast %min3A_3263 : i32 to vector<16xi32>
    %min3A_3265 = arith.minsi %abs3A_3262, %min3A_3264 : vector<16xi32>
    %sub3A_3266 = arith.constant 1 : i32
    %sub3A_3267 = vector.broadcast %sub3A_3266 : i32 to vector<16xi32>
    %sub3A_3268 = arith.subi %sub3A_3267, %min3A_3265 : vector<16xi32>
    %add3A_3269 = arith.addi %add3A_3235, %sub3A_3268 : vector<16xi32>
    %slice3A_3270 = vector.extract_strided_slice %get3A_2991 {offsets = [8], sizes = [1], strides = [1]} : vector<16xi32> to vector<1xi32>
    %squeeze3A_3271 = vector.extract %slice3A_3270[0] : i32 from vector<1xi32>
    %sub3A_3272 = vector.broadcast %squeeze3A_3271 : i32 to vector<16xi32>
    %sub3A_3273 = arith.subi %get3A_2991, %sub3A_3272 : vector<16xi32>
    %abs3A_3274 = math.absi %sub3A_3273 : vector<16xi32>
    %min3A_3275 = arith.constant 1 : i32
    %min3A_3276 = vector.broadcast %min3A_3275 : i32 to vector<16xi32>
    %min3A_3277 = arith.minsi %abs3A_3274, %min3A_3276 : vector<16xi32>
    %sub3A_3278 = arith.constant 1 : i32
    %sub3A_3279 = vector.broadcast %sub3A_3278 : i32 to vector<16xi32>
    %sub3A_3280 = arith.subi %sub3A_3279, %min3A_3277 : vector<16xi32>
    %sub3A_3281 = arith.constant 8 : i32
    %sub3A_3282 = vector.broadcast %sub3A_3281 : i32 to vector<16xi32>
    %sub3A_3283 = arith.subi %iota3A, %sub3A_3282 : vector<16xi32>
    %max3A_3284 = arith.constant 0 : i32
    %max3A_3285 = vector.broadcast %max3A_3284 : i32 to vector<16xi32>
    %max3A_3286 = arith.maxsi %sub3A_3283, %max3A_3285 : vector<16xi32>
    %min3A_3287 = arith.constant 1 : i32
    %min3A_3288 = vector.broadcast %min3A_3287 : i32 to vector<16xi32>
    %min3A_3289 = arith.minsi %max3A_3286, %min3A_3288 : vector<16xi32>
    %mul3A_3290 = arith.muli %sub3A_3280, %min3A_3289 : vector<16xi32>
    %add3A_3291 = arith.addi %add3A_3257, %mul3A_3290 : vector<16xi32>
    %slice3A_3292 = vector.extract_strided_slice %get3A_2991 {offsets = [8], sizes = [1], strides = [1]} : vector<16xi32> to vector<1xi32>
    %squeeze3A_3293 = vector.extract %slice3A_3292[0] : i32 from vector<1xi32>
    %sub3A_3294 = vector.broadcast %squeeze3A_3293 : i32 to vector<16xi32>
    %sub3A_3295 = arith.subi %iota3A, %sub3A_3294 : vector<16xi32>
    %abs3A_3296 = math.absi %sub3A_3295 : vector<16xi32>
    %min3A_3297 = arith.constant 1 : i32
    %min3A_3298 = vector.broadcast %min3A_3297 : i32 to vector<16xi32>
    %min3A_3299 = arith.minsi %abs3A_3296, %min3A_3298 : vector<16xi32>
    %sub3A_3300 = arith.constant 1 : i32
    %sub3A_3301 = vector.broadcast %sub3A_3300 : i32 to vector<16xi32>
    %sub3A_3302 = arith.subi %sub3A_3301, %min3A_3299 : vector<16xi32>
    %add3A_3303 = arith.addi %add3A_3269, %sub3A_3302 : vector<16xi32>
    %slice3A_3304 = vector.extract_strided_slice %get3A_2991 {offsets = [9], sizes = [1], strides = [1]} : vector<16xi32> to vector<1xi32>
    %squeeze3A_3305 = vector.extract %slice3A_3304[0] : i32 from vector<1xi32>
    %sub3A_3306 = vector.broadcast %squeeze3A_3305 : i32 to vector<16xi32>
    %sub3A_3307 = arith.subi %get3A_2991, %sub3A_3306 : vector<16xi32>
    %abs3A_3308 = math.absi %sub3A_3307 : vector<16xi32>
    %min3A_3309 = arith.constant 1 : i32
    %min3A_3310 = vector.broadcast %min3A_3309 : i32 to vector<16xi32>
    %min3A_3311 = arith.minsi %abs3A_3308, %min3A_3310 : vector<16xi32>
    %sub3A_3312 = arith.constant 1 : i32
    %sub3A_3313 = vector.broadcast %sub3A_3312 : i32 to vector<16xi32>
    %sub3A_3314 = arith.subi %sub3A_3313, %min3A_3311 : vector<16xi32>
    %sub3A_3315 = arith.constant 9 : i32
    %sub3A_3316 = vector.broadcast %sub3A_3315 : i32 to vector<16xi32>
    %sub3A_3317 = arith.subi %iota3A, %sub3A_3316 : vector<16xi32>
    %max3A_3318 = arith.constant 0 : i32
    %max3A_3319 = vector.broadcast %max3A_3318 : i32 to vector<16xi32>
    %max3A_3320 = arith.maxsi %sub3A_3317, %max3A_3319 : vector<16xi32>
    %min3A_3321 = arith.constant 1 : i32
    %min3A_3322 = vector.broadcast %min3A_3321 : i32 to vector<16xi32>
    %min3A_3323 = arith.minsi %max3A_3320, %min3A_3322 : vector<16xi32>
    %mul3A_3324 = arith.muli %sub3A_3314, %min3A_3323 : vector<16xi32>
    %add3A_3325 = arith.addi %add3A_3291, %mul3A_3324 : vector<16xi32>
    %slice3A_3326 = vector.extract_strided_slice %get3A_2991 {offsets = [9], sizes = [1], strides = [1]} : vector<16xi32> to vector<1xi32>
    %squeeze3A_3327 = vector.extract %slice3A_3326[0] : i32 from vector<1xi32>
    %sub3A_3328 = vector.broadcast %squeeze3A_3327 : i32 to vector<16xi32>
    %sub3A_3329 = arith.subi %iota3A, %sub3A_3328 : vector<16xi32>
    %abs3A_3330 = math.absi %sub3A_3329 : vector<16xi32>
    %min3A_3331 = arith.constant 1 : i32
    %min3A_3332 = vector.broadcast %min3A_3331 : i32 to vector<16xi32>
    %min3A_3333 = arith.minsi %abs3A_3330, %min3A_3332 : vector<16xi32>
    %sub3A_3334 = arith.constant 1 : i32
    %sub3A_3335 = vector.broadcast %sub3A_3334 : i32 to vector<16xi32>
    %sub3A_3336 = arith.subi %sub3A_3335, %min3A_3333 : vector<16xi32>
    %add3A_3337 = arith.addi %add3A_3303, %sub3A_3336 : vector<16xi32>
    %slice3A_3338 = vector.extract_strided_slice %get3A_2991 {offsets = [10], sizes = [1], strides = [1]} : vector<16xi32> to vector<1xi32>
    %squeeze3A_3339 = vector.extract %slice3A_3338[0] : i32 from vector<1xi32>
    %sub3A_3340 = vector.broadcast %squeeze3A_3339 : i32 to vector<16xi32>
    %sub3A_3341 = arith.subi %get3A_2991, %sub3A_3340 : vector<16xi32>
    %abs3A_3342 = math.absi %sub3A_3341 : vector<16xi32>
    %min3A_3343 = arith.constant 1 : i32
    %min3A_3344 = vector.broadcast %min3A_3343 : i32 to vector<16xi32>
    %min3A_3345 = arith.minsi %abs3A_3342, %min3A_3344 : vector<16xi32>
    %sub3A_3346 = arith.constant 1 : i32
    %sub3A_3347 = vector.broadcast %sub3A_3346 : i32 to vector<16xi32>
    %sub3A_3348 = arith.subi %sub3A_3347, %min3A_3345 : vector<16xi32>
    %sub3A_3349 = arith.constant 10 : i32
    %sub3A_3350 = vector.broadcast %sub3A_3349 : i32 to vector<16xi32>
    %sub3A_3351 = arith.subi %iota3A, %sub3A_3350 : vector<16xi32>
    %max3A_3352 = arith.constant 0 : i32
    %max3A_3353 = vector.broadcast %max3A_3352 : i32 to vector<16xi32>
    %max3A_3354 = arith.maxsi %sub3A_3351, %max3A_3353 : vector<16xi32>
    %min3A_3355 = arith.constant 1 : i32
    %min3A_3356 = vector.broadcast %min3A_3355 : i32 to vector<16xi32>
    %min3A_3357 = arith.minsi %max3A_3354, %min3A_3356 : vector<16xi32>
    %mul3A_3358 = arith.muli %sub3A_3348, %min3A_3357 : vector<16xi32>
    %add3A_3359 = arith.addi %add3A_3325, %mul3A_3358 : vector<16xi32>
    %slice3A_3360 = vector.extract_strided_slice %get3A_2991 {offsets = [10], sizes = [1], strides = [1]} : vector<16xi32> to vector<1xi32>
    %squeeze3A_3361 = vector.extract %slice3A_3360[0] : i32 from vector<1xi32>
    %sub3A_3362 = vector.broadcast %squeeze3A_3361 : i32 to vector<16xi32>
    %sub3A_3363 = arith.subi %iota3A, %sub3A_3362 : vector<16xi32>
    %abs3A_3364 = math.absi %sub3A_3363 : vector<16xi32>
    %min3A_3365 = arith.constant 1 : i32
    %min3A_3366 = vector.broadcast %min3A_3365 : i32 to vector<16xi32>
    %min3A_3367 = arith.minsi %abs3A_3364, %min3A_3366 : vector<16xi32>
    %sub3A_3368 = arith.constant 1 : i32
    %sub3A_3369 = vector.broadcast %sub3A_3368 : i32 to vector<16xi32>
    %sub3A_3370 = arith.subi %sub3A_3369, %min3A_3367 : vector<16xi32>
    %add3A_3371 = arith.addi %add3A_3337, %sub3A_3370 : vector<16xi32>
    %slice3A_3372 = vector.extract_strided_slice %get3A_2991 {offsets = [11], sizes = [1], strides = [1]} : vector<16xi32> to vector<1xi32>
    %squeeze3A_3373 = vector.extract %slice3A_3372[0] : i32 from vector<1xi32>
    %sub3A_3374 = vector.broadcast %squeeze3A_3373 : i32 to vector<16xi32>
    %sub3A_3375 = arith.subi %get3A_2991, %sub3A_3374 : vector<16xi32>
    %abs3A_3376 = math.absi %sub3A_3375 : vector<16xi32>
    %min3A_3377 = arith.constant 1 : i32
    %min3A_3378 = vector.broadcast %min3A_3377 : i32 to vector<16xi32>
    %min3A_3379 = arith.minsi %abs3A_3376, %min3A_3378 : vector<16xi32>
    %sub3A_3380 = arith.constant 1 : i32
    %sub3A_3381 = vector.broadcast %sub3A_3380 : i32 to vector<16xi32>
    %sub3A_3382 = arith.subi %sub3A_3381, %min3A_3379 : vector<16xi32>
    %sub3A_3383 = arith.constant 11 : i32
    %sub3A_3384 = vector.broadcast %sub3A_3383 : i32 to vector<16xi32>
    %sub3A_3385 = arith.subi %iota3A, %sub3A_3384 : vector<16xi32>
    %max3A_3386 = arith.constant 0 : i32
    %max3A_3387 = vector.broadcast %max3A_3386 : i32 to vector<16xi32>
    %max3A_3388 = arith.maxsi %sub3A_3385, %max3A_3387 : vector<16xi32>
    %min3A_3389 = arith.constant 1 : i32
    %min3A_3390 = vector.broadcast %min3A_3389 : i32 to vector<16xi32>
    %min3A_3391 = arith.minsi %max3A_3388, %min3A_3390 : vector<16xi32>
    %mul3A_3392 = arith.muli %sub3A_3382, %min3A_3391 : vector<16xi32>
    %add3A_3393 = arith.addi %add3A_3359, %mul3A_3392 : vector<16xi32>
    %slice3A_3394 = vector.extract_strided_slice %get3A_2991 {offsets = [11], sizes = [1], strides = [1]} : vector<16xi32> to vector<1xi32>
    %squeeze3A_3395 = vector.extract %slice3A_3394[0] : i32 from vector<1xi32>
    %sub3A_3396 = vector.broadcast %squeeze3A_3395 : i32 to vector<16xi32>
    %sub3A_3397 = arith.subi %iota3A, %sub3A_3396 : vector<16xi32>
    %abs3A_3398 = math.absi %sub3A_3397 : vector<16xi32>
    %min3A_3399 = arith.constant 1 : i32
    %min3A_3400 = vector.broadcast %min3A_3399 : i32 to vector<16xi32>
    %min3A_3401 = arith.minsi %abs3A_3398, %min3A_3400 : vector<16xi32>
    %sub3A_3402 = arith.constant 1 : i32
    %sub3A_3403 = vector.broadcast %sub3A_3402 : i32 to vector<16xi32>
    %sub3A_3404 = arith.subi %sub3A_3403, %min3A_3401 : vector<16xi32>
    %add3A_3405 = arith.addi %add3A_3371, %sub3A_3404 : vector<16xi32>
    %slice3A_3406 = vector.extract_strided_slice %get3A_2991 {offsets = [12], sizes = [1], strides = [1]} : vector<16xi32> to vector<1xi32>
    %squeeze3A_3407 = vector.extract %slice3A_3406[0] : i32 from vector<1xi32>
    %sub3A_3408 = vector.broadcast %squeeze3A_3407 : i32 to vector<16xi32>
    %sub3A_3409 = arith.subi %get3A_2991, %sub3A_3408 : vector<16xi32>
    %abs3A_3410 = math.absi %sub3A_3409 : vector<16xi32>
    %min3A_3411 = arith.constant 1 : i32
    %min3A_3412 = vector.broadcast %min3A_3411 : i32 to vector<16xi32>
    %min3A_3413 = arith.minsi %abs3A_3410, %min3A_3412 : vector<16xi32>
    %sub3A_3414 = arith.constant 1 : i32
    %sub3A_3415 = vector.broadcast %sub3A_3414 : i32 to vector<16xi32>
    %sub3A_3416 = arith.subi %sub3A_3415, %min3A_3413 : vector<16xi32>
    %sub3A_3417 = arith.constant 12 : i32
    %sub3A_3418 = vector.broadcast %sub3A_3417 : i32 to vector<16xi32>
    %sub3A_3419 = arith.subi %iota3A, %sub3A_3418 : vector<16xi32>
    %max3A_3420 = arith.constant 0 : i32
    %max3A_3421 = vector.broadcast %max3A_3420 : i32 to vector<16xi32>
    %max3A_3422 = arith.maxsi %sub3A_3419, %max3A_3421 : vector<16xi32>
    %min3A_3423 = arith.constant 1 : i32
    %min3A_3424 = vector.broadcast %min3A_3423 : i32 to vector<16xi32>
    %min3A_3425 = arith.minsi %max3A_3422, %min3A_3424 : vector<16xi32>
    %mul3A_3426 = arith.muli %sub3A_3416, %min3A_3425 : vector<16xi32>
    %add3A_3427 = arith.addi %add3A_3393, %mul3A_3426 : vector<16xi32>
    %slice3A_3428 = vector.extract_strided_slice %get3A_2991 {offsets = [12], sizes = [1], strides = [1]} : vector<16xi32> to vector<1xi32>
    %squeeze3A_3429 = vector.extract %slice3A_3428[0] : i32 from vector<1xi32>
    %sub3A_3430 = vector.broadcast %squeeze3A_3429 : i32 to vector<16xi32>
    %sub3A_3431 = arith.subi %iota3A, %sub3A_3430 : vector<16xi32>
    %abs3A_3432 = math.absi %sub3A_3431 : vector<16xi32>
    %min3A_3433 = arith.constant 1 : i32
    %min3A_3434 = vector.broadcast %min3A_3433 : i32 to vector<16xi32>
    %min3A_3435 = arith.minsi %abs3A_3432, %min3A_3434 : vector<16xi32>
    %sub3A_3436 = arith.constant 1 : i32
    %sub3A_3437 = vector.broadcast %sub3A_3436 : i32 to vector<16xi32>
    %sub3A_3438 = arith.subi %sub3A_3437, %min3A_3435 : vector<16xi32>
    %add3A_3439 = arith.addi %add3A_3405, %sub3A_3438 : vector<16xi32>
    %slice3A_3440 = vector.extract_strided_slice %get3A_2991 {offsets = [13], sizes = [1], strides = [1]} : vector<16xi32> to vector<1xi32>
    %squeeze3A_3441 = vector.extract %slice3A_3440[0] : i32 from vector<1xi32>
    %sub3A_3442 = vector.broadcast %squeeze3A_3441 : i32 to vector<16xi32>
    %sub3A_3443 = arith.subi %get3A_2991, %sub3A_3442 : vector<16xi32>
    %abs3A_3444 = math.absi %sub3A_3443 : vector<16xi32>
    %min3A_3445 = arith.constant 1 : i32
    %min3A_3446 = vector.broadcast %min3A_3445 : i32 to vector<16xi32>
    %min3A_3447 = arith.minsi %abs3A_3444, %min3A_3446 : vector<16xi32>
    %sub3A_3448 = arith.constant 1 : i32
    %sub3A_3449 = vector.broadcast %sub3A_3448 : i32 to vector<16xi32>
    %sub3A_3450 = arith.subi %sub3A_3449, %min3A_3447 : vector<16xi32>
    %sub3A_3451 = arith.constant 13 : i32
    %sub3A_3452 = vector.broadcast %sub3A_3451 : i32 to vector<16xi32>
    %sub3A_3453 = arith.subi %iota3A, %sub3A_3452 : vector<16xi32>
    %max3A_3454 = arith.constant 0 : i32
    %max3A_3455 = vector.broadcast %max3A_3454 : i32 to vector<16xi32>
    %max3A_3456 = arith.maxsi %sub3A_3453, %max3A_3455 : vector<16xi32>
    %min3A_3457 = arith.constant 1 : i32
    %min3A_3458 = vector.broadcast %min3A_3457 : i32 to vector<16xi32>
    %min3A_3459 = arith.minsi %max3A_3456, %min3A_3458 : vector<16xi32>
    %mul3A_3460 = arith.muli %sub3A_3450, %min3A_3459 : vector<16xi32>
    %add3A_3461 = arith.addi %add3A_3427, %mul3A_3460 : vector<16xi32>
    %slice3A_3462 = vector.extract_strided_slice %get3A_2991 {offsets = [13], sizes = [1], strides = [1]} : vector<16xi32> to vector<1xi32>
    %squeeze3A_3463 = vector.extract %slice3A_3462[0] : i32 from vector<1xi32>
    %sub3A_3464 = vector.broadcast %squeeze3A_3463 : i32 to vector<16xi32>
    %sub3A_3465 = arith.subi %iota3A, %sub3A_3464 : vector<16xi32>
    %abs3A_3466 = math.absi %sub3A_3465 : vector<16xi32>
    %min3A_3467 = arith.constant 1 : i32
    %min3A_3468 = vector.broadcast %min3A_3467 : i32 to vector<16xi32>
    %min3A_3469 = arith.minsi %abs3A_3466, %min3A_3468 : vector<16xi32>
    %sub3A_3470 = arith.constant 1 : i32
    %sub3A_3471 = vector.broadcast %sub3A_3470 : i32 to vector<16xi32>
    %sub3A_3472 = arith.subi %sub3A_3471, %min3A_3469 : vector<16xi32>
    %add3A_3473 = arith.addi %add3A_3439, %sub3A_3472 : vector<16xi32>
    %slice3A_3474 = vector.extract_strided_slice %get3A_2991 {offsets = [14], sizes = [1], strides = [1]} : vector<16xi32> to vector<1xi32>
    %squeeze3A_3475 = vector.extract %slice3A_3474[0] : i32 from vector<1xi32>
    %sub3A_3476 = vector.broadcast %squeeze3A_3475 : i32 to vector<16xi32>
    %sub3A_3477 = arith.subi %get3A_2991, %sub3A_3476 : vector<16xi32>
    %abs3A_3478 = math.absi %sub3A_3477 : vector<16xi32>
    %min3A_3479 = arith.constant 1 : i32
    %min3A_3480 = vector.broadcast %min3A_3479 : i32 to vector<16xi32>
    %min3A_3481 = arith.minsi %abs3A_3478, %min3A_3480 : vector<16xi32>
    %sub3A_3482 = arith.constant 1 : i32
    %sub3A_3483 = vector.broadcast %sub3A_3482 : i32 to vector<16xi32>
    %sub3A_3484 = arith.subi %sub3A_3483, %min3A_3481 : vector<16xi32>
    %sub3A_3485 = arith.constant 14 : i32
    %sub3A_3486 = vector.broadcast %sub3A_3485 : i32 to vector<16xi32>
    %sub3A_3487 = arith.subi %iota3A, %sub3A_3486 : vector<16xi32>
    %max3A_3488 = arith.constant 0 : i32
    %max3A_3489 = vector.broadcast %max3A_3488 : i32 to vector<16xi32>
    %max3A_3490 = arith.maxsi %sub3A_3487, %max3A_3489 : vector<16xi32>
    %min3A_3491 = arith.constant 1 : i32
    %min3A_3492 = vector.broadcast %min3A_3491 : i32 to vector<16xi32>
    %min3A_3493 = arith.minsi %max3A_3490, %min3A_3492 : vector<16xi32>
    %mul3A_3494 = arith.muli %sub3A_3484, %min3A_3493 : vector<16xi32>
    %add3A_3495 = arith.addi %add3A_3461, %mul3A_3494 : vector<16xi32>
    %slice3A_3496 = vector.extract_strided_slice %get3A_2991 {offsets = [14], sizes = [1], strides = [1]} : vector<16xi32> to vector<1xi32>
    %squeeze3A_3497 = vector.extract %slice3A_3496[0] : i32 from vector<1xi32>
    %sub3A_3498 = vector.broadcast %squeeze3A_3497 : i32 to vector<16xi32>
    %sub3A_3499 = arith.subi %iota3A, %sub3A_3498 : vector<16xi32>
    %abs3A_3500 = math.absi %sub3A_3499 : vector<16xi32>
    %min3A_3501 = arith.constant 1 : i32
    %min3A_3502 = vector.broadcast %min3A_3501 : i32 to vector<16xi32>
    %min3A_3503 = arith.minsi %abs3A_3500, %min3A_3502 : vector<16xi32>
    %sub3A_3504 = arith.constant 1 : i32
    %sub3A_3505 = vector.broadcast %sub3A_3504 : i32 to vector<16xi32>
    %sub3A_3506 = arith.subi %sub3A_3505, %min3A_3503 : vector<16xi32>
    %add3A_3507 = arith.addi %add3A_3473, %sub3A_3506 : vector<16xi32>
    %slice3A_3508 = vector.extract_strided_slice %get3A_2991 {offsets = [15], sizes = [1], strides = [1]} : vector<16xi32> to vector<1xi32>
    %squeeze3A_3509 = vector.extract %slice3A_3508[0] : i32 from vector<1xi32>
    %sub3A_3510 = vector.broadcast %squeeze3A_3509 : i32 to vector<16xi32>
    %sub3A_3511 = arith.subi %get3A_2991, %sub3A_3510 : vector<16xi32>
    %abs3A_3512 = math.absi %sub3A_3511 : vector<16xi32>
    %min3A_3513 = arith.constant 1 : i32
    %min3A_3514 = vector.broadcast %min3A_3513 : i32 to vector<16xi32>
    %min3A_3515 = arith.minsi %abs3A_3512, %min3A_3514 : vector<16xi32>
    %sub3A_3516 = arith.constant 1 : i32
    %sub3A_3517 = vector.broadcast %sub3A_3516 : i32 to vector<16xi32>
    %sub3A_3518 = arith.subi %sub3A_3517, %min3A_3515 : vector<16xi32>
    %sub3A_3519 = arith.constant 15 : i32
    %sub3A_3520 = vector.broadcast %sub3A_3519 : i32 to vector<16xi32>
    %sub3A_3521 = arith.subi %iota3A, %sub3A_3520 : vector<16xi32>
    %max3A_3522 = arith.constant 0 : i32
    %max3A_3523 = vector.broadcast %max3A_3522 : i32 to vector<16xi32>
    %max3A_3524 = arith.maxsi %sub3A_3521, %max3A_3523 : vector<16xi32>
    %min3A_3525 = arith.constant 1 : i32
    %min3A_3526 = vector.broadcast %min3A_3525 : i32 to vector<16xi32>
    %min3A_3527 = arith.minsi %max3A_3524, %min3A_3526 : vector<16xi32>
    %mul3A_3528 = arith.muli %sub3A_3518, %min3A_3527 : vector<16xi32>
    %add3A_3529 = arith.addi %add3A_3495, %mul3A_3528 : vector<16xi32>
    %slice3A_3530 = vector.extract_strided_slice %get3A_2991 {offsets = [15], sizes = [1], strides = [1]} : vector<16xi32> to vector<1xi32>
    %squeeze3A_3531 = vector.extract %slice3A_3530[0] : i32 from vector<1xi32>
    %sub3A_3532 = vector.broadcast %squeeze3A_3531 : i32 to vector<16xi32>
    %sub3A_3533 = arith.subi %iota3A, %sub3A_3532 : vector<16xi32>
    %abs3A_3534 = math.absi %sub3A_3533 : vector<16xi32>
    %min3A_3535 = arith.constant 1 : i32
    %min3A_3536 = vector.broadcast %min3A_3535 : i32 to vector<16xi32>
    %min3A_3537 = arith.minsi %abs3A_3534, %min3A_3536 : vector<16xi32>
    %sub3A_3538 = arith.constant 1 : i32
    %sub3A_3539 = vector.broadcast %sub3A_3538 : i32 to vector<16xi32>
    %sub3A_3540 = arith.subi %sub3A_3539, %min3A_3537 : vector<16xi32>
    %add3A_3541 = arith.addi %add3A_3507, %sub3A_3540 : vector<16xi32>
    %add3A_3542 = arith.addi %gather3A_2995, %add3A_3529 : vector<16xi32>
    %swap3A_3543 = arith.constant 32 : index
    %swap3A_3544 = tpu.vector_load %arg11[%swap3A_3543] {strides = array<i32>} : memref<64xi32, #tpu.memory_space<vmem>>, vector<16xi32>,
    %swap3A_3545 = vector.shape_cast %swap3A_3544 : vector<16xi32> to vector<16xi32>
    %swap3A_3546 = vector.shape_cast %add3A_3542 : vector<16xi32> to vector<16xi32>
    tpu.vector_store %arg11[%swap3A_3543], %swap3A_3546 {strides = array<i32>} : memref<64xi32, #tpu.memory_space<vmem>>, vector<16xi32>,
    %mul3A_3547 = arith.constant 64 : i32
    %mul3A_3548 = arith.muli %arg0, %mul3A_3547 : i32
    %add3A_3549 = arith.constant 48 : i32
    %add3A_3550 = arith.addi %mul3A_3548, %add3A_3549 : i32
    %get3A_3551 = arith.index_cast %add3A_3550 : i32 to index
    %get3A_3552 = tpu.vector_load %arg7[%get3A_3551] {strides = array<i32>} : memref<128xi32, #tpu.memory_space<vmem>>, vector<16xi32>,
    %get3A_3553 = vector.shape_cast %get3A_3552 : vector<16xi32> to vector<16xi32>
    %add3A_3554 = arith.addi %add3A_1860, %add3A_3541 : vector<16xi32>
    %broadcast_in_dim3A_3555 = vector.shape_cast %get3A_3553 : vector<16xi32> to vector<16x1xi32>
    %gather3A_3556 = vector.shape_cast %broadcast_in_dim3A_3555 : vector<16x1xi32> to vector<16xi32>
    %gather3A_3557 = tpu.dynamic_gather %add3A_3554[%gather3A_3556] in [0] : vector<16xi32>, vector<16xi32> -> vector<16xi32>
    %broadcast_in_dim3A_3558 = arith.constant 0 : i32
    %broadcast_in_dim3A_3559 = vector.broadcast %broadcast_in_dim3A_3558 : i32 to vector<16xi32>
    %slice3A_3560 = vector.extract_strided_slice %get3A_3553 {offsets = [0], sizes = [1], strides = [1]} : vector<16xi32> to vector<1xi32>
    %squeeze3A_3561 = vector.extract %slice3A_3560[0] : i32 from vector<1xi32>
    %sub3A_3562 = vector.broadcast %squeeze3A_3561 : i32 to vector<16xi32>
    %sub3A_3563 = arith.subi %get3A_3553, %sub3A_3562 : vector<16xi32>
    %abs3A_3564 = math.absi %sub3A_3563 : vector<16xi32>
    %min3A_3565 = arith.constant 1 : i32
    %min3A_3566 = vector.broadcast %min3A_3565 : i32 to vector<16xi32>
    %min3A_3567 = arith.minsi %abs3A_3564, %min3A_3566 : vector<16xi32>
    %sub3A_3568 = arith.constant 1 : i32
    %sub3A_3569 = vector.broadcast %sub3A_3568 : i32 to vector<16xi32>
    %sub3A_3570 = arith.subi %sub3A_3569, %min3A_3567 : vector<16xi32>
    %sub3A_3571 = arith.constant 0 : i32
    %sub3A_3572 = vector.broadcast %sub3A_3571 : i32 to vector<16xi32>
    %sub3A_3573 = arith.subi %iota3A, %sub3A_3572 : vector<16xi32>
    %max3A_3574 = arith.constant 0 : i32
    %max3A_3575 = vector.broadcast %max3A_3574 : i32 to vector<16xi32>
    %max3A_3576 = arith.maxsi %sub3A_3573, %max3A_3575 : vector<16xi32>
    %min3A_3577 = arith.constant 1 : i32
    %min3A_3578 = vector.broadcast %min3A_3577 : i32 to vector<16xi32>
    %min3A_3579 = arith.minsi %max3A_3576, %min3A_3578 : vector<16xi32>
    %mul3A_3580 = arith.muli %sub3A_3570, %min3A_3579 : vector<16xi32>
    %add3A_3581 = arith.addi %broadcast_in_dim3A_3559, %mul3A_3580 : vector<16xi32>
    %slice3A_3582 = vector.extract_strided_slice %get3A_3553 {offsets = [0], sizes = [1], strides = [1]} : vector<16xi32> to vector<1xi32>
    %squeeze3A_3583 = vector.extract %slice3A_3582[0] : i32 from vector<1xi32>
    %sub3A_3584 = vector.broadcast %squeeze3A_3583 : i32 to vector<16xi32>
    %sub3A_3585 = arith.subi %iota3A, %sub3A_3584 : vector<16xi32>
    %abs3A_3586 = math.absi %sub3A_3585 : vector<16xi32>
    %min3A_3587 = arith.constant 1 : i32
    %min3A_3588 = vector.broadcast %min3A_3587 : i32 to vector<16xi32>
    %min3A_3589 = arith.minsi %abs3A_3586, %min3A_3588 : vector<16xi32>
    %sub3A_3590 = arith.constant 1 : i32
    %sub3A_3591 = vector.broadcast %sub3A_3590 : i32 to vector<16xi32>
    %sub3A_3592 = arith.subi %sub3A_3591, %min3A_3589 : vector<16xi32>
    %add3A_3593 = arith.addi %add3A_3541, %sub3A_3592 : vector<16xi32>
    %slice3A_3594 = vector.extract_strided_slice %get3A_3553 {offsets = [1], sizes = [1], strides = [1]} : vector<16xi32> to vector<1xi32>
    %squeeze3A_3595 = vector.extract %slice3A_3594[0] : i32 from vector<1xi32>
    %sub3A_3596 = vector.broadcast %squeeze3A_3595 : i32 to vector<16xi32>
    %sub3A_3597 = arith.subi %get3A_3553, %sub3A_3596 : vector<16xi32>
    %abs3A_3598 = math.absi %sub3A_3597 : vector<16xi32>
    %min3A_3599 = arith.constant 1 : i32
    %min3A_3600 = vector.broadcast %min3A_3599 : i32 to vector<16xi32>
    %min3A_3601 = arith.minsi %abs3A_3598, %min3A_3600 : vector<16xi32>
    %sub3A_3602 = arith.constant 1 : i32
    %sub3A_3603 = vector.broadcast %sub3A_3602 : i32 to vector<16xi32>
    %sub3A_3604 = arith.subi %sub3A_3603, %min3A_3601 : vector<16xi32>
    %sub3A_3605 = arith.constant 1 : i32
    %sub3A_3606 = vector.broadcast %sub3A_3605 : i32 to vector<16xi32>
    %sub3A_3607 = arith.subi %iota3A, %sub3A_3606 : vector<16xi32>
    %max3A_3608 = arith.constant 0 : i32
    %max3A_3609 = vector.broadcast %max3A_3608 : i32 to vector<16xi32>
    %max3A_3610 = arith.maxsi %sub3A_3607, %max3A_3609 : vector<16xi32>
    %min3A_3611 = arith.constant 1 : i32
    %min3A_3612 = vector.broadcast %min3A_3611 : i32 to vector<16xi32>
    %min3A_3613 = arith.minsi %max3A_3610, %min3A_3612 : vector<16xi32>
    %mul3A_3614 = arith.muli %sub3A_3604, %min3A_3613 : vector<16xi32>
    %add3A_3615 = arith.addi %add3A_3581, %mul3A_3614 : vector<16xi32>
    %slice3A_3616 = vector.extract_strided_slice %get3A_3553 {offsets = [1], sizes = [1], strides = [1]} : vector<16xi32> to vector<1xi32>
    %squeeze3A_3617 = vector.extract %slice3A_3616[0] : i32 from vector<1xi32>
    %sub3A_3618 = vector.broadcast %squeeze3A_3617 : i32 to vector<16xi32>
    %sub3A_3619 = arith.subi %iota3A, %sub3A_3618 : vector<16xi32>
    %abs3A_3620 = math.absi %sub3A_3619 : vector<16xi32>
    %min3A_3621 = arith.constant 1 : i32
    %min3A_3622 = vector.broadcast %min3A_3621 : i32 to vector<16xi32>
    %min3A_3623 = arith.minsi %abs3A_3620, %min3A_3622 : vector<16xi32>
    %sub3A_3624 = arith.constant 1 : i32
    %sub3A_3625 = vector.broadcast %sub3A_3624 : i32 to vector<16xi32>
    %sub3A_3626 = arith.subi %sub3A_3625, %min3A_3623 : vector<16xi32>
    %add3A_3627 = arith.addi %add3A_3593, %sub3A_3626 : vector<16xi32>
    %slice3A_3628 = vector.extract_strided_slice %get3A_3553 {offsets = [2], sizes = [1], strides = [1]} : vector<16xi32> to vector<1xi32>
    %squeeze3A_3629 = vector.extract %slice3A_3628[0] : i32 from vector<1xi32>
    %sub3A_3630 = vector.broadcast %squeeze3A_3629 : i32 to vector<16xi32>
    %sub3A_3631 = arith.subi %get3A_3553, %sub3A_3630 : vector<16xi32>
    %abs3A_3632 = math.absi %sub3A_3631 : vector<16xi32>
    %min3A_3633 = arith.constant 1 : i32
    %min3A_3634 = vector.broadcast %min3A_3633 : i32 to vector<16xi32>
    %min3A_3635 = arith.minsi %abs3A_3632, %min3A_3634 : vector<16xi32>
    %sub3A_3636 = arith.constant 1 : i32
    %sub3A_3637 = vector.broadcast %sub3A_3636 : i32 to vector<16xi32>
    %sub3A_3638 = arith.subi %sub3A_3637, %min3A_3635 : vector<16xi32>
    %sub3A_3639 = arith.constant 2 : i32
    %sub3A_3640 = vector.broadcast %sub3A_3639 : i32 to vector<16xi32>
    %sub3A_3641 = arith.subi %iota3A, %sub3A_3640 : vector<16xi32>
    %max3A_3642 = arith.constant 0 : i32
    %max3A_3643 = vector.broadcast %max3A_3642 : i32 to vector<16xi32>
    %max3A_3644 = arith.maxsi %sub3A_3641, %max3A_3643 : vector<16xi32>
    %min3A_3645 = arith.constant 1 : i32
    %min3A_3646 = vector.broadcast %min3A_3645 : i32 to vector<16xi32>
    %min3A_3647 = arith.minsi %max3A_3644, %min3A_3646 : vector<16xi32>
    %mul3A_3648 = arith.muli %sub3A_3638, %min3A_3647 : vector<16xi32>
    %add3A_3649 = arith.addi %add3A_3615, %mul3A_3648 : vector<16xi32>
    %slice3A_3650 = vector.extract_strided_slice %get3A_3553 {offsets = [2], sizes = [1], strides = [1]} : vector<16xi32> to vector<1xi32>
    %squeeze3A_3651 = vector.extract %slice3A_3650[0] : i32 from vector<1xi32>
    %sub3A_3652 = vector.broadcast %squeeze3A_3651 : i32 to vector<16xi32>
    %sub3A_3653 = arith.subi %iota3A, %sub3A_3652 : vector<16xi32>
    %abs3A_3654 = math.absi %sub3A_3653 : vector<16xi32>
    %min3A_3655 = arith.constant 1 : i32
    %min3A_3656 = vector.broadcast %min3A_3655 : i32 to vector<16xi32>
    %min3A_3657 = arith.minsi %abs3A_3654, %min3A_3656 : vector<16xi32>
    %sub3A_3658 = arith.constant 1 : i32
    %sub3A_3659 = vector.broadcast %sub3A_3658 : i32 to vector<16xi32>
    %sub3A_3660 = arith.subi %sub3A_3659, %min3A_3657 : vector<16xi32>
    %add3A_3661 = arith.addi %add3A_3627, %sub3A_3660 : vector<16xi32>
    %slice3A_3662 = vector.extract_strided_slice %get3A_3553 {offsets = [3], sizes = [1], strides = [1]} : vector<16xi32> to vector<1xi32>
    %squeeze3A_3663 = vector.extract %slice3A_3662[0] : i32 from vector<1xi32>
    %sub3A_3664 = vector.broadcast %squeeze3A_3663 : i32 to vector<16xi32>
    %sub3A_3665 = arith.subi %get3A_3553, %sub3A_3664 : vector<16xi32>
    %abs3A_3666 = math.absi %sub3A_3665 : vector<16xi32>
    %min3A_3667 = arith.constant 1 : i32
    %min3A_3668 = vector.broadcast %min3A_3667 : i32 to vector<16xi32>
    %min3A_3669 = arith.minsi %abs3A_3666, %min3A_3668 : vector<16xi32>
    %sub3A_3670 = arith.constant 1 : i32
    %sub3A_3671 = vector.broadcast %sub3A_3670 : i32 to vector<16xi32>
    %sub3A_3672 = arith.subi %sub3A_3671, %min3A_3669 : vector<16xi32>
    %sub3A_3673 = arith.constant 3 : i32
    %sub3A_3674 = vector.broadcast %sub3A_3673 : i32 to vector<16xi32>
    %sub3A_3675 = arith.subi %iota3A, %sub3A_3674 : vector<16xi32>
    %max3A_3676 = arith.constant 0 : i32
    %max3A_3677 = vector.broadcast %max3A_3676 : i32 to vector<16xi32>
    %max3A_3678 = arith.maxsi %sub3A_3675, %max3A_3677 : vector<16xi32>
    %min3A_3679 = arith.constant 1 : i32
    %min3A_3680 = vector.broadcast %min3A_3679 : i32 to vector<16xi32>
    %min3A_3681 = arith.minsi %max3A_3678, %min3A_3680 : vector<16xi32>
    %mul3A_3682 = arith.muli %sub3A_3672, %min3A_3681 : vector<16xi32>
    %add3A_3683 = arith.addi %add3A_3649, %mul3A_3682 : vector<16xi32>
    %slice3A_3684 = vector.extract_strided_slice %get3A_3553 {offsets = [3], sizes = [1], strides = [1]} : vector<16xi32> to vector<1xi32>
    %squeeze3A_3685 = vector.extract %slice3A_3684[0] : i32 from vector<1xi32>
    %sub3A_3686 = vector.broadcast %squeeze3A_3685 : i32 to vector<16xi32>
    %sub3A_3687 = arith.subi %iota3A, %sub3A_3686 : vector<16xi32>
    %abs3A_3688 = math.absi %sub3A_3687 : vector<16xi32>
    %min3A_3689 = arith.constant 1 : i32
    %min3A_3690 = vector.broadcast %min3A_3689 : i32 to vector<16xi32>
    %min3A_3691 = arith.minsi %abs3A_3688, %min3A_3690 : vector<16xi32>
    %sub3A_3692 = arith.constant 1 : i32
    %sub3A_3693 = vector.broadcast %sub3A_3692 : i32 to vector<16xi32>
    %sub3A_3694 = arith.subi %sub3A_3693, %min3A_3691 : vector<16xi32>
    %add3A_3695 = arith.addi %add3A_3661, %sub3A_3694 : vector<16xi32>
    %slice3A_3696 = vector.extract_strided_slice %get3A_3553 {offsets = [4], sizes = [1], strides = [1]} : vector<16xi32> to vector<1xi32>
    %squeeze3A_3697 = vector.extract %slice3A_3696[0] : i32 from vector<1xi32>
    %sub3A_3698 = vector.broadcast %squeeze3A_3697 : i32 to vector<16xi32>
    %sub3A_3699 = arith.subi %get3A_3553, %sub3A_3698 : vector<16xi32>
    %abs3A_3700 = math.absi %sub3A_3699 : vector<16xi32>
    %min3A_3701 = arith.constant 1 : i32
    %min3A_3702 = vector.broadcast %min3A_3701 : i32 to vector<16xi32>
    %min3A_3703 = arith.minsi %abs3A_3700, %min3A_3702 : vector<16xi32>
    %sub3A_3704 = arith.constant 1 : i32
    %sub3A_3705 = vector.broadcast %sub3A_3704 : i32 to vector<16xi32>
    %sub3A_3706 = arith.subi %sub3A_3705, %min3A_3703 : vector<16xi32>
    %sub3A_3707 = arith.constant 4 : i32
    %sub3A_3708 = vector.broadcast %sub3A_3707 : i32 to vector<16xi32>
    %sub3A_3709 = arith.subi %iota3A, %sub3A_3708 : vector<16xi32>
    %max3A_3710 = arith.constant 0 : i32
    %max3A_3711 = vector.broadcast %max3A_3710 : i32 to vector<16xi32>
    %max3A_3712 = arith.maxsi %sub3A_3709, %max3A_3711 : vector<16xi32>
    %min3A_3713 = arith.constant 1 : i32
    %min3A_3714 = vector.broadcast %min3A_3713 : i32 to vector<16xi32>
    %min3A_3715 = arith.minsi %max3A_3712, %min3A_3714 : vector<16xi32>
    %mul3A_3716 = arith.muli %sub3A_3706, %min3A_3715 : vector<16xi32>
    %add3A_3717 = arith.addi %add3A_3683, %mul3A_3716 : vector<16xi32>
    %slice3A_3718 = vector.extract_strided_slice %get3A_3553 {offsets = [4], sizes = [1], strides = [1]} : vector<16xi32> to vector<1xi32>
    %squeeze3A_3719 = vector.extract %slice3A_3718[0] : i32 from vector<1xi32>
    %sub3A_3720 = vector.broadcast %squeeze3A_3719 : i32 to vector<16xi32>
    %sub3A_3721 = arith.subi %iota3A, %sub3A_3720 : vector<16xi32>
    %abs3A_3722 = math.absi %sub3A_3721 : vector<16xi32>
    %min3A_3723 = arith.constant 1 : i32
    %min3A_3724 = vector.broadcast %min3A_3723 : i32 to vector<16xi32>
    %min3A_3725 = arith.minsi %abs3A_3722, %min3A_3724 : vector<16xi32>
    %sub3A_3726 = arith.constant 1 : i32
    %sub3A_3727 = vector.broadcast %sub3A_3726 : i32 to vector<16xi32>
    %sub3A_3728 = arith.subi %sub3A_3727, %min3A_3725 : vector<16xi32>
    %add3A_3729 = arith.addi %add3A_3695, %sub3A_3728 : vector<16xi32>
    %slice3A_3730 = vector.extract_strided_slice %get3A_3553 {offsets = [5], sizes = [1], strides = [1]} : vector<16xi32> to vector<1xi32>
    %squeeze3A_3731 = vector.extract %slice3A_3730[0] : i32 from vector<1xi32>
    %sub3A_3732 = vector.broadcast %squeeze3A_3731 : i32 to vector<16xi32>
    %sub3A_3733 = arith.subi %get3A_3553, %sub3A_3732 : vector<16xi32>
    %abs3A_3734 = math.absi %sub3A_3733 : vector<16xi32>
    %min3A_3735 = arith.constant 1 : i32
    %min3A_3736 = vector.broadcast %min3A_3735 : i32 to vector<16xi32>
    %min3A_3737 = arith.minsi %abs3A_3734, %min3A_3736 : vector<16xi32>
    %sub3A_3738 = arith.constant 1 : i32
    %sub3A_3739 = vector.broadcast %sub3A_3738 : i32 to vector<16xi32>
    %sub3A_3740 = arith.subi %sub3A_3739, %min3A_3737 : vector<16xi32>
    %sub3A_3741 = arith.constant 5 : i32
    %sub3A_3742 = vector.broadcast %sub3A_3741 : i32 to vector<16xi32>
    %sub3A_3743 = arith.subi %iota3A, %sub3A_3742 : vector<16xi32>
    %max3A_3744 = arith.constant 0 : i32
    %max3A_3745 = vector.broadcast %max3A_3744 : i32 to vector<16xi32>
    %max3A_3746 = arith.maxsi %sub3A_3743, %max3A_3745 : vector<16xi32>
    %min3A_3747 = arith.constant 1 : i32
    %min3A_3748 = vector.broadcast %min3A_3747 : i32 to vector<16xi32>
    %min3A_3749 = arith.minsi %max3A_3746, %min3A_3748 : vector<16xi32>
    %mul3A_3750 = arith.muli %sub3A_3740, %min3A_3749 : vector<16xi32>
    %add3A_3751 = arith.addi %add3A_3717, %mul3A_3750 : vector<16xi32>
    %slice3A_3752 = vector.extract_strided_slice %get3A_3553 {offsets = [5], sizes = [1], strides = [1]} : vector<16xi32> to vector<1xi32>
    %squeeze3A_3753 = vector.extract %slice3A_3752[0] : i32 from vector<1xi32>
    %sub3A_3754 = vector.broadcast %squeeze3A_3753 : i32 to vector<16xi32>
    %sub3A_3755 = arith.subi %iota3A, %sub3A_3754 : vector<16xi32>
    %abs3A_3756 = math.absi %sub3A_3755 : vector<16xi32>
    %min3A_3757 = arith.constant 1 : i32
    %min3A_3758 = vector.broadcast %min3A_3757 : i32 to vector<16xi32>
    %min3A_3759 = arith.minsi %abs3A_3756, %min3A_3758 : vector<16xi32>
    %sub3A_3760 = arith.constant 1 : i32
    %sub3A_3761 = vector.broadcast %sub3A_3760 : i32 to vector<16xi32>
    %sub3A_3762 = arith.subi %sub3A_3761, %min3A_3759 : vector<16xi32>
    %add3A_3763 = arith.addi %add3A_3729, %sub3A_3762 : vector<16xi32>
    %slice3A_3764 = vector.extract_strided_slice %get3A_3553 {offsets = [6], sizes = [1], strides = [1]} : vector<16xi32> to vector<1xi32>
    %squeeze3A_3765 = vector.extract %slice3A_3764[0] : i32 from vector<1xi32>
    %sub3A_3766 = vector.broadcast %squeeze3A_3765 : i32 to vector<16xi32>
    %sub3A_3767 = arith.subi %get3A_3553, %sub3A_3766 : vector<16xi32>
    %abs3A_3768 = math.absi %sub3A_3767 : vector<16xi32>
    %min3A_3769 = arith.constant 1 : i32
    %min3A_3770 = vector.broadcast %min3A_3769 : i32 to vector<16xi32>
    %min3A_3771 = arith.minsi %abs3A_3768, %min3A_3770 : vector<16xi32>
    %sub3A_3772 = arith.constant 1 : i32
    %sub3A_3773 = vector.broadcast %sub3A_3772 : i32 to vector<16xi32>
    %sub3A_3774 = arith.subi %sub3A_3773, %min3A_3771 : vector<16xi32>
    %sub3A_3775 = arith.constant 6 : i32
    %sub3A_3776 = vector.broadcast %sub3A_3775 : i32 to vector<16xi32>
    %sub3A_3777 = arith.subi %iota3A, %sub3A_3776 : vector<16xi32>
    %max3A_3778 = arith.constant 0 : i32
    %max3A_3779 = vector.broadcast %max3A_3778 : i32 to vector<16xi32>
    %max3A_3780 = arith.maxsi %sub3A_3777, %max3A_3779 : vector<16xi32>
    %min3A_3781 = arith.constant 1 : i32
    %min3A_3782 = vector.broadcast %min3A_3781 : i32 to vector<16xi32>
    %min3A_3783 = arith.minsi %max3A_3780, %min3A_3782 : vector<16xi32>
    %mul3A_3784 = arith.muli %sub3A_3774, %min3A_3783 : vector<16xi32>
    %add3A_3785 = arith.addi %add3A_3751, %mul3A_3784 : vector<16xi32>
    %slice3A_3786 = vector.extract_strided_slice %get3A_3553 {offsets = [6], sizes = [1], strides = [1]} : vector<16xi32> to vector<1xi32>
    %squeeze3A_3787 = vector.extract %slice3A_3786[0] : i32 from vector<1xi32>
    %sub3A_3788 = vector.broadcast %squeeze3A_3787 : i32 to vector<16xi32>
    %sub3A_3789 = arith.subi %iota3A, %sub3A_3788 : vector<16xi32>
    %abs3A_3790 = math.absi %sub3A_3789 : vector<16xi32>
    %min3A_3791 = arith.constant 1 : i32
    %min3A_3792 = vector.broadcast %min3A_3791 : i32 to vector<16xi32>
    %min3A_3793 = arith.minsi %abs3A_3790, %min3A_3792 : vector<16xi32>
    %sub3A_3794 = arith.constant 1 : i32
    %sub3A_3795 = vector.broadcast %sub3A_3794 : i32 to vector<16xi32>
    %sub3A_3796 = arith.subi %sub3A_3795, %min3A_3793 : vector<16xi32>
    %add3A_3797 = arith.addi %add3A_3763, %sub3A_3796 : vector<16xi32>
    %slice3A_3798 = vector.extract_strided_slice %get3A_3553 {offsets = [7], sizes = [1], strides = [1]} : vector<16xi32> to vector<1xi32>
    %squeeze3A_3799 = vector.extract %slice3A_3798[0] : i32 from vector<1xi32>
    %sub3A_3800 = vector.broadcast %squeeze3A_3799 : i32 to vector<16xi32>
    %sub3A_3801 = arith.subi %get3A_3553, %sub3A_3800 : vector<16xi32>
    %abs3A_3802 = math.absi %sub3A_3801 : vector<16xi32>
    %min3A_3803 = arith.constant 1 : i32
    %min3A_3804 = vector.broadcast %min3A_3803 : i32 to vector<16xi32>
    %min3A_3805 = arith.minsi %abs3A_3802, %min3A_3804 : vector<16xi32>
    %sub3A_3806 = arith.constant 1 : i32
    %sub3A_3807 = vector.broadcast %sub3A_3806 : i32 to vector<16xi32>
    %sub3A_3808 = arith.subi %sub3A_3807, %min3A_3805 : vector<16xi32>
    %sub3A_3809 = arith.constant 7 : i32
    %sub3A_3810 = vector.broadcast %sub3A_3809 : i32 to vector<16xi32>
    %sub3A_3811 = arith.subi %iota3A, %sub3A_3810 : vector<16xi32>
    %max3A_3812 = arith.constant 0 : i32
    %max3A_3813 = vector.broadcast %max3A_3812 : i32 to vector<16xi32>
    %max3A_3814 = arith.maxsi %sub3A_3811, %max3A_3813 : vector<16xi32>
    %min3A_3815 = arith.constant 1 : i32
    %min3A_3816 = vector.broadcast %min3A_3815 : i32 to vector<16xi32>
    %min3A_3817 = arith.minsi %max3A_3814, %min3A_3816 : vector<16xi32>
    %mul3A_3818 = arith.muli %sub3A_3808, %min3A_3817 : vector<16xi32>
    %add3A_3819 = arith.addi %add3A_3785, %mul3A_3818 : vector<16xi32>
    %slice3A_3820 = vector.extract_strided_slice %get3A_3553 {offsets = [7], sizes = [1], strides = [1]} : vector<16xi32> to vector<1xi32>
    %squeeze3A_3821 = vector.extract %slice3A_3820[0] : i32 from vector<1xi32>
    %sub3A_3822 = vector.broadcast %squeeze3A_3821 : i32 to vector<16xi32>
    %sub3A_3823 = arith.subi %iota3A, %sub3A_3822 : vector<16xi32>
    %abs3A_3824 = math.absi %sub3A_3823 : vector<16xi32>
    %min3A_3825 = arith.constant 1 : i32
    %min3A_3826 = vector.broadcast %min3A_3825 : i32 to vector<16xi32>
    %min3A_3827 = arith.minsi %abs3A_3824, %min3A_3826 : vector<16xi32>
    %sub3A_3828 = arith.constant 1 : i32
    %sub3A_3829 = vector.broadcast %sub3A_3828 : i32 to vector<16xi32>
    %sub3A_3830 = arith.subi %sub3A_3829, %min3A_3827 : vector<16xi32>
    %add3A_3831 = arith.addi %add3A_3797, %sub3A_3830 : vector<16xi32>
    %slice3A_3832 = vector.extract_strided_slice %get3A_3553 {offsets = [8], sizes = [1], strides = [1]} : vector<16xi32> to vector<1xi32>
    %squeeze3A_3833 = vector.extract %slice3A_3832[0] : i32 from vector<1xi32>
    %sub3A_3834 = vector.broadcast %squeeze3A_3833 : i32 to vector<16xi32>
    %sub3A_3835 = arith.subi %get3A_3553, %sub3A_3834 : vector<16xi32>
    %abs3A_3836 = math.absi %sub3A_3835 : vector<16xi32>
    %min3A_3837 = arith.constant 1 : i32
    %min3A_3838 = vector.broadcast %min3A_3837 : i32 to vector<16xi32>
    %min3A_3839 = arith.minsi %abs3A_3836, %min3A_3838 : vector<16xi32>
    %sub3A_3840 = arith.constant 1 : i32
    %sub3A_3841 = vector.broadcast %sub3A_3840 : i32 to vector<16xi32>
    %sub3A_3842 = arith.subi %sub3A_3841, %min3A_3839 : vector<16xi32>
    %sub3A_3843 = arith.constant 8 : i32
    %sub3A_3844 = vector.broadcast %sub3A_3843 : i32 to vector<16xi32>
    %sub3A_3845 = arith.subi %iota3A, %sub3A_3844 : vector<16xi32>
    %max3A_3846 = arith.constant 0 : i32
    %max3A_3847 = vector.broadcast %max3A_3846 : i32 to vector<16xi32>
    %max3A_3848 = arith.maxsi %sub3A_3845, %max3A_3847 : vector<16xi32>
    %min3A_3849 = arith.constant 1 : i32
    %min3A_3850 = vector.broadcast %min3A_3849 : i32 to vector<16xi32>
    %min3A_3851 = arith.minsi %max3A_3848, %min3A_3850 : vector<16xi32>
    %mul3A_3852 = arith.muli %sub3A_3842, %min3A_3851 : vector<16xi32>
    %add3A_3853 = arith.addi %add3A_3819, %mul3A_3852 : vector<16xi32>
    %slice3A_3854 = vector.extract_strided_slice %get3A_3553 {offsets = [8], sizes = [1], strides = [1]} : vector<16xi32> to vector<1xi32>
    %squeeze3A_3855 = vector.extract %slice3A_3854[0] : i32 from vector<1xi32>
    %sub3A_3856 = vector.broadcast %squeeze3A_3855 : i32 to vector<16xi32>
    %sub3A_3857 = arith.subi %iota3A, %sub3A_3856 : vector<16xi32>
    %abs3A_3858 = math.absi %sub3A_3857 : vector<16xi32>
    %min3A_3859 = arith.constant 1 : i32
    %min3A_3860 = vector.broadcast %min3A_3859 : i32 to vector<16xi32>
    %min3A_3861 = arith.minsi %abs3A_3858, %min3A_3860 : vector<16xi32>
    %sub3A_3862 = arith.constant 1 : i32
    %sub3A_3863 = vector.broadcast %sub3A_3862 : i32 to vector<16xi32>
    %sub3A_3864 = arith.subi %sub3A_3863, %min3A_3861 : vector<16xi32>
    %add3A_3865 = arith.addi %add3A_3831, %sub3A_3864 : vector<16xi32>
    %slice3A_3866 = vector.extract_strided_slice %get3A_3553 {offsets = [9], sizes = [1], strides = [1]} : vector<16xi32> to vector<1xi32>
    %squeeze3A_3867 = vector.extract %slice3A_3866[0] : i32 from vector<1xi32>
    %sub3A_3868 = vector.broadcast %squeeze3A_3867 : i32 to vector<16xi32>
    %sub3A_3869 = arith.subi %get3A_3553, %sub3A_3868 : vector<16xi32>
    %abs3A_3870 = math.absi %sub3A_3869 : vector<16xi32>
    %min3A_3871 = arith.constant 1 : i32
    %min3A_3872 = vector.broadcast %min3A_3871 : i32 to vector<16xi32>
    %min3A_3873 = arith.minsi %abs3A_3870, %min3A_3872 : vector<16xi32>
    %sub3A_3874 = arith.constant 1 : i32
    %sub3A_3875 = vector.broadcast %sub3A_3874 : i32 to vector<16xi32>
    %sub3A_3876 = arith.subi %sub3A_3875, %min3A_3873 : vector<16xi32>
    %sub3A_3877 = arith.constant 9 : i32
    %sub3A_3878 = vector.broadcast %sub3A_3877 : i32 to vector<16xi32>
    %sub3A_3879 = arith.subi %iota3A, %sub3A_3878 : vector<16xi32>
    %max3A_3880 = arith.constant 0 : i32
    %max3A_3881 = vector.broadcast %max3A_3880 : i32 to vector<16xi32>
    %max3A_3882 = arith.maxsi %sub3A_3879, %max3A_3881 : vector<16xi32>
    %min3A_3883 = arith.constant 1 : i32
    %min3A_3884 = vector.broadcast %min3A_3883 : i32 to vector<16xi32>
    %min3A_3885 = arith.minsi %max3A_3882, %min3A_3884 : vector<16xi32>
    %mul3A_3886 = arith.muli %sub3A_3876, %min3A_3885 : vector<16xi32>
    %add3A_3887 = arith.addi %add3A_3853, %mul3A_3886 : vector<16xi32>
    %slice3A_3888 = vector.extract_strided_slice %get3A_3553 {offsets = [9], sizes = [1], strides = [1]} : vector<16xi32> to vector<1xi32>
    %squeeze3A_3889 = vector.extract %slice3A_3888[0] : i32 from vector<1xi32>
    %sub3A_3890 = vector.broadcast %squeeze3A_3889 : i32 to vector<16xi32>
    %sub3A_3891 = arith.subi %iota3A, %sub3A_3890 : vector<16xi32>
    %abs3A_3892 = math.absi %sub3A_3891 : vector<16xi32>
    %min3A_3893 = arith.constant 1 : i32
    %min3A_3894 = vector.broadcast %min3A_3893 : i32 to vector<16xi32>
    %min3A_3895 = arith.minsi %abs3A_3892, %min3A_3894 : vector<16xi32>
    %sub3A_3896 = arith.constant 1 : i32
    %sub3A_3897 = vector.broadcast %sub3A_3896 : i32 to vector<16xi32>
    %sub3A_3898 = arith.subi %sub3A_3897, %min3A_3895 : vector<16xi32>
    %add3A_3899 = arith.addi %add3A_3865, %sub3A_3898 : vector<16xi32>
    %slice3A_3900 = vector.extract_strided_slice %get3A_3553 {offsets = [10], sizes = [1], strides = [1]} : vector<16xi32> to vector<1xi32>
    %squeeze3A_3901 = vector.extract %slice3A_3900[0] : i32 from vector<1xi32>
    %sub3A_3902 = vector.broadcast %squeeze3A_3901 : i32 to vector<16xi32>
    %sub3A_3903 = arith.subi %get3A_3553, %sub3A_3902 : vector<16xi32>
    %abs3A_3904 = math.absi %sub3A_3903 : vector<16xi32>
    %min3A_3905 = arith.constant 1 : i32
    %min3A_3906 = vector.broadcast %min3A_3905 : i32 to vector<16xi32>
    %min3A_3907 = arith.minsi %abs3A_3904, %min3A_3906 : vector<16xi32>
    %sub3A_3908 = arith.constant 1 : i32
    %sub3A_3909 = vector.broadcast %sub3A_3908 : i32 to vector<16xi32>
    %sub3A_3910 = arith.subi %sub3A_3909, %min3A_3907 : vector<16xi32>
    %sub3A_3911 = arith.constant 10 : i32
    %sub3A_3912 = vector.broadcast %sub3A_3911 : i32 to vector<16xi32>
    %sub3A_3913 = arith.subi %iota3A, %sub3A_3912 : vector<16xi32>
    %max3A_3914 = arith.constant 0 : i32
    %max3A_3915 = vector.broadcast %max3A_3914 : i32 to vector<16xi32>
    %max3A_3916 = arith.maxsi %sub3A_3913, %max3A_3915 : vector<16xi32>
    %min3A_3917 = arith.constant 1 : i32
    %min3A_3918 = vector.broadcast %min3A_3917 : i32 to vector<16xi32>
    %min3A_3919 = arith.minsi %max3A_3916, %min3A_3918 : vector<16xi32>
    %mul3A_3920 = arith.muli %sub3A_3910, %min3A_3919 : vector<16xi32>
    %add3A_3921 = arith.addi %add3A_3887, %mul3A_3920 : vector<16xi32>
    %slice3A_3922 = vector.extract_strided_slice %get3A_3553 {offsets = [10], sizes = [1], strides = [1]} : vector<16xi32> to vector<1xi32>
    %squeeze3A_3923 = vector.extract %slice3A_3922[0] : i32 from vector<1xi32>
    %sub3A_3924 = vector.broadcast %squeeze3A_3923 : i32 to vector<16xi32>
    %sub3A_3925 = arith.subi %iota3A, %sub3A_3924 : vector<16xi32>
    %abs3A_3926 = math.absi %sub3A_3925 : vector<16xi32>
    %min3A_3927 = arith.constant 1 : i32
    %min3A_3928 = vector.broadcast %min3A_3927 : i32 to vector<16xi32>
    %min3A_3929 = arith.minsi %abs3A_3926, %min3A_3928 : vector<16xi32>
    %sub3A_3930 = arith.constant 1 : i32
    %sub3A_3931 = vector.broadcast %sub3A_3930 : i32 to vector<16xi32>
    %sub3A_3932 = arith.subi %sub3A_3931, %min3A_3929 : vector<16xi32>
    %add3A_3933 = arith.addi %add3A_3899, %sub3A_3932 : vector<16xi32>
    %slice3A_3934 = vector.extract_strided_slice %get3A_3553 {offsets = [11], sizes = [1], strides = [1]} : vector<16xi32> to vector<1xi32>
    %squeeze3A_3935 = vector.extract %slice3A_3934[0] : i32 from vector<1xi32>
    %sub3A_3936 = vector.broadcast %squeeze3A_3935 : i32 to vector<16xi32>
    %sub3A_3937 = arith.subi %get3A_3553, %sub3A_3936 : vector<16xi32>
    %abs3A_3938 = math.absi %sub3A_3937 : vector<16xi32>
    %min3A_3939 = arith.constant 1 : i32
    %min3A_3940 = vector.broadcast %min3A_3939 : i32 to vector<16xi32>
    %min3A_3941 = arith.minsi %abs3A_3938, %min3A_3940 : vector<16xi32>
    %sub3A_3942 = arith.constant 1 : i32
    %sub3A_3943 = vector.broadcast %sub3A_3942 : i32 to vector<16xi32>
    %sub3A_3944 = arith.subi %sub3A_3943, %min3A_3941 : vector<16xi32>
    %sub3A_3945 = arith.constant 11 : i32
    %sub3A_3946 = vector.broadcast %sub3A_3945 : i32 to vector<16xi32>
    %sub3A_3947 = arith.subi %iota3A, %sub3A_3946 : vector<16xi32>
    %max3A_3948 = arith.constant 0 : i32
    %max3A_3949 = vector.broadcast %max3A_3948 : i32 to vector<16xi32>
    %max3A_3950 = arith.maxsi %sub3A_3947, %max3A_3949 : vector<16xi32>
    %min3A_3951 = arith.constant 1 : i32
    %min3A_3952 = vector.broadcast %min3A_3951 : i32 to vector<16xi32>
    %min3A_3953 = arith.minsi %max3A_3950, %min3A_3952 : vector<16xi32>
    %mul3A_3954 = arith.muli %sub3A_3944, %min3A_3953 : vector<16xi32>
    %add3A_3955 = arith.addi %add3A_3921, %mul3A_3954 : vector<16xi32>
    %slice3A_3956 = vector.extract_strided_slice %get3A_3553 {offsets = [11], sizes = [1], strides = [1]} : vector<16xi32> to vector<1xi32>
    %squeeze3A_3957 = vector.extract %slice3A_3956[0] : i32 from vector<1xi32>
    %sub3A_3958 = vector.broadcast %squeeze3A_3957 : i32 to vector<16xi32>
    %sub3A_3959 = arith.subi %iota3A, %sub3A_3958 : vector<16xi32>
    %abs3A_3960 = math.absi %sub3A_3959 : vector<16xi32>
    %min3A_3961 = arith.constant 1 : i32
    %min3A_3962 = vector.broadcast %min3A_3961 : i32 to vector<16xi32>
    %min3A_3963 = arith.minsi %abs3A_3960, %min3A_3962 : vector<16xi32>
    %sub3A_3964 = arith.constant 1 : i32
    %sub3A_3965 = vector.broadcast %sub3A_3964 : i32 to vector<16xi32>
    %sub3A_3966 = arith.subi %sub3A_3965, %min3A_3963 : vector<16xi32>
    %add3A_3967 = arith.addi %add3A_3933, %sub3A_3966 : vector<16xi32>
    %slice3A_3968 = vector.extract_strided_slice %get3A_3553 {offsets = [12], sizes = [1], strides = [1]} : vector<16xi32> to vector<1xi32>
    %squeeze3A_3969 = vector.extract %slice3A_3968[0] : i32 from vector<1xi32>
    %sub3A_3970 = vector.broadcast %squeeze3A_3969 : i32 to vector<16xi32>
    %sub3A_3971 = arith.subi %get3A_3553, %sub3A_3970 : vector<16xi32>
    %abs3A_3972 = math.absi %sub3A_3971 : vector<16xi32>
    %min3A_3973 = arith.constant 1 : i32
    %min3A_3974 = vector.broadcast %min3A_3973 : i32 to vector<16xi32>
    %min3A_3975 = arith.minsi %abs3A_3972, %min3A_3974 : vector<16xi32>
    %sub3A_3976 = arith.constant 1 : i32
    %sub3A_3977 = vector.broadcast %sub3A_3976 : i32 to vector<16xi32>
    %sub3A_3978 = arith.subi %sub3A_3977, %min3A_3975 : vector<16xi32>
    %sub3A_3979 = arith.constant 12 : i32
    %sub3A_3980 = vector.broadcast %sub3A_3979 : i32 to vector<16xi32>
    %sub3A_3981 = arith.subi %iota3A, %sub3A_3980 : vector<16xi32>
    %max3A_3982 = arith.constant 0 : i32
    %max3A_3983 = vector.broadcast %max3A_3982 : i32 to vector<16xi32>
    %max3A_3984 = arith.maxsi %sub3A_3981, %max3A_3983 : vector<16xi32>
    %min3A_3985 = arith.constant 1 : i32
    %min3A_3986 = vector.broadcast %min3A_3985 : i32 to vector<16xi32>
    %min3A_3987 = arith.minsi %max3A_3984, %min3A_3986 : vector<16xi32>
    %mul3A_3988 = arith.muli %sub3A_3978, %min3A_3987 : vector<16xi32>
    %add3A_3989 = arith.addi %add3A_3955, %mul3A_3988 : vector<16xi32>
    %slice3A_3990 = vector.extract_strided_slice %get3A_3553 {offsets = [12], sizes = [1], strides = [1]} : vector<16xi32> to vector<1xi32>
    %squeeze3A_3991 = vector.extract %slice3A_3990[0] : i32 from vector<1xi32>
    %sub3A_3992 = vector.broadcast %squeeze3A_3991 : i32 to vector<16xi32>
    %sub3A_3993 = arith.subi %iota3A, %sub3A_3992 : vector<16xi32>
    %abs3A_3994 = math.absi %sub3A_3993 : vector<16xi32>
    %min3A_3995 = arith.constant 1 : i32
    %min3A_3996 = vector.broadcast %min3A_3995 : i32 to vector<16xi32>
    %min3A_3997 = arith.minsi %abs3A_3994, %min3A_3996 : vector<16xi32>
    %sub3A_3998 = arith.constant 1 : i32
    %sub3A_3999 = vector.broadcast %sub3A_3998 : i32 to vector<16xi32>
    %sub3A_4000 = arith.subi %sub3A_3999, %min3A_3997 : vector<16xi32>
    %add3A_4001 = arith.addi %add3A_3967, %sub3A_4000 : vector<16xi32>
    %slice3A_4002 = vector.extract_strided_slice %get3A_3553 {offsets = [13], sizes = [1], strides = [1]} : vector<16xi32> to vector<1xi32>
    %squeeze3A_4003 = vector.extract %slice3A_4002[0] : i32 from vector<1xi32>
    %sub3A_4004 = vector.broadcast %squeeze3A_4003 : i32 to vector<16xi32>
    %sub3A_4005 = arith.subi %get3A_3553, %sub3A_4004 : vector<16xi32>
    %abs3A_4006 = math.absi %sub3A_4005 : vector<16xi32>
    %min3A_4007 = arith.constant 1 : i32
    %min3A_4008 = vector.broadcast %min3A_4007 : i32 to vector<16xi32>
    %min3A_4009 = arith.minsi %abs3A_4006, %min3A_4008 : vector<16xi32>
    %sub3A_4010 = arith.constant 1 : i32
    %sub3A_4011 = vector.broadcast %sub3A_4010 : i32 to vector<16xi32>
    %sub3A_4012 = arith.subi %sub3A_4011, %min3A_4009 : vector<16xi32>
    %sub3A_4013 = arith.constant 13 : i32
    %sub3A_4014 = vector.broadcast %sub3A_4013 : i32 to vector<16xi32>
    %sub3A_4015 = arith.subi %iota3A, %sub3A_4014 : vector<16xi32>
    %max3A_4016 = arith.constant 0 : i32
    %max3A_4017 = vector.broadcast %max3A_4016 : i32 to vector<16xi32>
    %max3A_4018 = arith.maxsi %sub3A_4015, %max3A_4017 : vector<16xi32>
    %min3A_4019 = arith.constant 1 : i32
    %min3A_4020 = vector.broadcast %min3A_4019 : i32 to vector<16xi32>
    %min3A_4021 = arith.minsi %max3A_4018, %min3A_4020 : vector<16xi32>
    %mul3A_4022 = arith.muli %sub3A_4012, %min3A_4021 : vector<16xi32>
    %add3A_4023 = arith.addi %add3A_3989, %mul3A_4022 : vector<16xi32>
    %slice3A_4024 = vector.extract_strided_slice %get3A_3553 {offsets = [13], sizes = [1], strides = [1]} : vector<16xi32> to vector<1xi32>
    %squeeze3A_4025 = vector.extract %slice3A_4024[0] : i32 from vector<1xi32>
    %sub3A_4026 = vector.broadcast %squeeze3A_4025 : i32 to vector<16xi32>
    %sub3A_4027 = arith.subi %iota3A, %sub3A_4026 : vector<16xi32>
    %abs3A_4028 = math.absi %sub3A_4027 : vector<16xi32>
    %min3A_4029 = arith.constant 1 : i32
    %min3A_4030 = vector.broadcast %min3A_4029 : i32 to vector<16xi32>
    %min3A_4031 = arith.minsi %abs3A_4028, %min3A_4030 : vector<16xi32>
    %sub3A_4032 = arith.constant 1 : i32
    %sub3A_4033 = vector.broadcast %sub3A_4032 : i32 to vector<16xi32>
    %sub3A_4034 = arith.subi %sub3A_4033, %min3A_4031 : vector<16xi32>
    %add3A_4035 = arith.addi %add3A_4001, %sub3A_4034 : vector<16xi32>
    %slice3A_4036 = vector.extract_strided_slice %get3A_3553 {offsets = [14], sizes = [1], strides = [1]} : vector<16xi32> to vector<1xi32>
    %squeeze3A_4037 = vector.extract %slice3A_4036[0] : i32 from vector<1xi32>
    %sub3A_4038 = vector.broadcast %squeeze3A_4037 : i32 to vector<16xi32>
    %sub3A_4039 = arith.subi %get3A_3553, %sub3A_4038 : vector<16xi32>
    %abs3A_4040 = math.absi %sub3A_4039 : vector<16xi32>
    %min3A_4041 = arith.constant 1 : i32
    %min3A_4042 = vector.broadcast %min3A_4041 : i32 to vector<16xi32>
    %min3A_4043 = arith.minsi %abs3A_4040, %min3A_4042 : vector<16xi32>
    %sub3A_4044 = arith.constant 1 : i32
    %sub3A_4045 = vector.broadcast %sub3A_4044 : i32 to vector<16xi32>
    %sub3A_4046 = arith.subi %sub3A_4045, %min3A_4043 : vector<16xi32>
    %sub3A_4047 = arith.constant 14 : i32
    %sub3A_4048 = vector.broadcast %sub3A_4047 : i32 to vector<16xi32>
    %sub3A_4049 = arith.subi %iota3A, %sub3A_4048 : vector<16xi32>
    %max3A_4050 = arith.constant 0 : i32
    %max3A_4051 = vector.broadcast %max3A_4050 : i32 to vector<16xi32>
    %max3A_4052 = arith.maxsi %sub3A_4049, %max3A_4051 : vector<16xi32>
    %min3A_4053 = arith.constant 1 : i32
    %min3A_4054 = vector.broadcast %min3A_4053 : i32 to vector<16xi32>
    %min3A_4055 = arith.minsi %max3A_4052, %min3A_4054 : vector<16xi32>
    %mul3A_4056 = arith.muli %sub3A_4046, %min3A_4055 : vector<16xi32>
    %add3A_4057 = arith.addi %add3A_4023, %mul3A_4056 : vector<16xi32>
    %slice3A_4058 = vector.extract_strided_slice %get3A_3553 {offsets = [14], sizes = [1], strides = [1]} : vector<16xi32> to vector<1xi32>
    %squeeze3A_4059 = vector.extract %slice3A_4058[0] : i32 from vector<1xi32>
    %sub3A_4060 = vector.broadcast %squeeze3A_4059 : i32 to vector<16xi32>
    %sub3A_4061 = arith.subi %iota3A, %sub3A_4060 : vector<16xi32>
    %abs3A_4062 = math.absi %sub3A_4061 : vector<16xi32>
    %min3A_4063 = arith.constant 1 : i32
    %min3A_4064 = vector.broadcast %min3A_4063 : i32 to vector<16xi32>
    %min3A_4065 = arith.minsi %abs3A_4062, %min3A_4064 : vector<16xi32>
    %sub3A_4066 = arith.constant 1 : i32
    %sub3A_4067 = vector.broadcast %sub3A_4066 : i32 to vector<16xi32>
    %sub3A_4068 = arith.subi %sub3A_4067, %min3A_4065 : vector<16xi32>
    %add3A_4069 = arith.addi %add3A_4035, %sub3A_4068 : vector<16xi32>
    %slice3A_4070 = vector.extract_strided_slice %get3A_3553 {offsets = [15], sizes = [1], strides = [1]} : vector<16xi32> to vector<1xi32>
    %squeeze3A_4071 = vector.extract %slice3A_4070[0] : i32 from vector<1xi32>
    %sub3A_4072 = vector.broadcast %squeeze3A_4071 : i32 to vector<16xi32>
    %sub3A_4073 = arith.subi %get3A_3553, %sub3A_4072 : vector<16xi32>
    %abs3A_4074 = math.absi %sub3A_4073 : vector<16xi32>
    %min3A_4075 = arith.constant 1 : i32
    %min3A_4076 = vector.broadcast %min3A_4075 : i32 to vector<16xi32>
    %min3A_4077 = arith.minsi %abs3A_4074, %min3A_4076 : vector<16xi32>
    %sub3A_4078 = arith.constant 1 : i32
    %sub3A_4079 = vector.broadcast %sub3A_4078 : i32 to vector<16xi32>
    %sub3A_4080 = arith.subi %sub3A_4079, %min3A_4077 : vector<16xi32>
    %sub3A_4081 = arith.constant 15 : i32
    %sub3A_4082 = vector.broadcast %sub3A_4081 : i32 to vector<16xi32>
    %sub3A_4083 = arith.subi %iota3A, %sub3A_4082 : vector<16xi32>
    %max3A_4084 = arith.constant 0 : i32
    %max3A_4085 = vector.broadcast %max3A_4084 : i32 to vector<16xi32>
    %max3A_4086 = arith.maxsi %sub3A_4083, %max3A_4085 : vector<16xi32>
    %min3A_4087 = arith.constant 1 : i32
    %min3A_4088 = vector.broadcast %min3A_4087 : i32 to vector<16xi32>
    %min3A_4089 = arith.minsi %max3A_4086, %min3A_4088 : vector<16xi32>
    %mul3A_4090 = arith.muli %sub3A_4080, %min3A_4089 : vector<16xi32>
    %add3A_4091 = arith.addi %add3A_4057, %mul3A_4090 : vector<16xi32>
    %slice3A_4092 = vector.extract_strided_slice %get3A_3553 {offsets = [15], sizes = [1], strides = [1]} : vector<16xi32> to vector<1xi32>
    %squeeze3A_4093 = vector.extract %slice3A_4092[0] : i32 from vector<1xi32>
    %sub3A_4094 = vector.broadcast %squeeze3A_4093 : i32 to vector<16xi32>
    %sub3A_4095 = arith.subi %iota3A, %sub3A_4094 : vector<16xi32>
    %abs3A_4096 = math.absi %sub3A_4095 : vector<16xi32>
    %min3A_4097 = arith.constant 1 : i32
    %min3A_4098 = vector.broadcast %min3A_4097 : i32 to vector<16xi32>
    %min3A_4099 = arith.minsi %abs3A_4096, %min3A_4098 : vector<16xi32>
    %sub3A_4100 = arith.constant 1 : i32
    %sub3A_4101 = vector.broadcast %sub3A_4100 : i32 to vector<16xi32>
    %sub3A_4102 = arith.subi %sub3A_4101, %min3A_4099 : vector<16xi32>
    %add3A_4103 = arith.addi %add3A_4069, %sub3A_4102 : vector<16xi32>
    %add3A_4104 = arith.addi %gather3A_3557, %add3A_4091 : vector<16xi32>
    %swap3A_4105 = arith.constant 48 : index
    %swap3A_4106 = tpu.vector_load %arg11[%swap3A_4105] {strides = array<i32>} : memref<64xi32, #tpu.memory_space<vmem>>, vector<16xi32>,
    %swap3A_4107 = vector.shape_cast %swap3A_4106 : vector<16xi32> to vector<16xi32>
    %swap3A_4108 = vector.shape_cast %add3A_4104 : vector<16xi32> to vector<16xi32>
    tpu.vector_store %arg11[%swap3A_4105], %swap3A_4108 {strides = array<i32>} : memref<64xi32, #tpu.memory_space<vmem>>, vector<16xi32>,
    %mul3A_4109 = arith.constant 64 : i32
    %mul3A_4110 = arith.muli %add3A, %mul3A_4109 : i32
    "tpu.region"() ({
      %run_scoped3A = tpu.sem_alloc : memref<!tpu.dma_semaphore, #tpu.memory_space<semaphore_mem>>
      %dma_start3A_4122 = tpu.memref_slice %arg5[%mul3A_4110] : memref<2048xi32, #tpu.memory_space<hbm>> -> memref<64xi32, #tpu.memory_space<hbm>>
      %dma_start3A_4123 = tpu.memref_slice %arg5[%mul3A_4110] : memref<2048xi32, #tpu.memory_space<hbm>> -> memref<64xi32, #tpu.memory_space<hbm>>
      tpu.enqueue_dma source(%arg11 : memref<64xi32, #tpu.memory_space<vmem>>) target(%dma_start3A_4123 : memref<64xi32, #tpu.memory_space<hbm>>) target_semaphore(%run_scoped3A : memref<!tpu.dma_semaphore, #tpu.memory_space<semaphore_mem>>)
      %dma_wait3A_4124 = tpu.memref_slice %arg5[%mul3A_4110] : memref<2048xi32, #tpu.memory_space<hbm>> -> memref<64xi32, #tpu.memory_space<hbm>>
      %dma_wait3A_4125 = tpu.memref_slice %arg5[%mul3A_4110] : memref<2048xi32, #tpu.memory_space<hbm>> -> memref<64xi32, #tpu.memory_space<hbm>>
      tpu.wait_dma2 semaphore(%run_scoped3A : memref<!tpu.dma_semaphore, #tpu.memory_space<semaphore_mem>>) src(%arg11 : memref<64xi32, #tpu.memory_space<vmem>>) dst(%dma_wait3A_4125 : memref<64xi32, #tpu.memory_space<hbm>>)
      tpu.yield
    }) : () -> ()
    %dma_wait3A = arith.constant 0 : i32
    %dma_wait3A_4111 = tpu.memref_slice %arg3[%mul3A_2, %dma_wait3A] : memref<2048x768xf32, #tpu.memory_space<hbm>> -> memref<64x768xf32, #tpu.memory_space<hbm>>
    %dma_wait3A_4112 = arith.constant 0 : i32
    %dma_wait3A_4113 = tpu.memref_slice %arg3[%mul3A_2, %dma_wait3A_4112] : memref<2048x768xf32, #tpu.memory_space<hbm>> -> memref<64x768xf32, #tpu.memory_space<hbm>>
    tpu.wait_dma2 semaphore(%arg16 : memref<!tpu.dma_semaphore, #tpu.memory_space<semaphore_mem>>) src(%dma_wait3A_4113 : memref<64x768xf32, #tpu.memory_space<hbm>>) dst(%arg12 : memref<64x768xf32, #tpu.memory_space<vmem>>)
    %dma_start3A_4114 = arith.constant 0 : i32
    %dma_start3A_4115 = arith.constant 0 : i32
    %dma_start3A_4116 = tpu.memref_slice %arg4[%dma_start3A_4114, %dma_start3A_4115] : memref<4096x768xf32, #tpu.memory_space<hbm>> -> memref<4096x768xf32, #tpu.memory_space<hbm>>
    tpu.enqueue_indirect_dma source(%arg12 : memref<64x768xf32, #tpu.memory_space<vmem>>) target(%dma_start3A_4116 : memref<4096x768xf32, #tpu.memory_space<hbm>>) offsets(%arg11 : memref<64xi32, #tpu.memory_space<vmem>>) semaphore(%arg15 : memref<!tpu.dma_semaphore, #tpu.memory_space<semaphore_mem>>)
    %dma_wait3A_4117 = arith.constant 0 : i32
    %dma_wait3A_4118 = arith.constant 0 : i32
    %dma_wait3A_4119 = tpu.memref_slice %arg4[%dma_wait3A_4117, %dma_wait3A_4118] : memref<4096x768xf32, #tpu.memory_space<hbm>> -> memref<4096x768xf32, #tpu.memory_space<hbm>>
    tpu.wait_indirect_dma semaphore(%arg15 : memref<!tpu.dma_semaphore, #tpu.memory_space<semaphore_mem>>) src(%arg12 : memref<64x768xf32, #tpu.memory_space<vmem>>) dst(%dma_wait3A_4119 : memref<4096x768xf32, #tpu.memory_space<hbm>>)
    %eq3A = arith.constant 0 : i32
    %eq3A_4120 = arith.cmpi eq, %add3A, %eq3A : i32
    %convert_element_type3A = arith.extui %eq3A_4120 : i1 to i32
    %cond3A = arith.constant 0 : i32
    %cond3A_4121 = arith.cmpi ne, %convert_element_type3A, %cond3A : i32
    scf.if %cond3A_4121 {
      %add3A_4122 = arith.constant 0 : i32
      %add3A_4123 = vector.broadcast %add3A_4122 : i32 to vector<16xi32>
      %add3A_4124 = arith.addi %iota3A, %add3A_4123 : vector<16xi32>
      %broadcast_in_dim3A_4125 = arith.constant 0 : i32
      %broadcast_in_dim3A_4126 = vector.broadcast %broadcast_in_dim3A_4125 : i32 to vector<16xi32>
      %slice3A_4127 = vector.extract_strided_slice %add3A_1854 {offsets = [0], sizes = [1], strides = [1]} : vector<16xi32> to vector<1xi32>
      %squeeze3A_4128 = vector.extract %slice3A_4127[0] : i32 from vector<1xi32>
      %sub3A_4129 = vector.broadcast %squeeze3A_4128 : i32 to vector<16xi32>
      %sub3A_4130 = arith.subi %add3A_4124, %sub3A_4129 : vector<16xi32>
      %add3A_4131 = arith.constant 1 : i32
      %add3A_4132 = vector.broadcast %add3A_4131 : i32 to vector<16xi32>
      %add3A_4133 = arith.addi %sub3A_4130, %add3A_4132 : vector<16xi32>
      %max3A_4134 = arith.constant 0 : i32
      %max3A_4135 = vector.broadcast %max3A_4134 : i32 to vector<16xi32>
      %max3A_4136 = arith.maxsi %add3A_4133, %max3A_4135 : vector<16xi32>
      %min3A_4137 = arith.constant 1 : i32
      %min3A_4138 = vector.broadcast %min3A_4137 : i32 to vector<16xi32>
      %min3A_4139 = arith.minsi %max3A_4136, %min3A_4138 : vector<16xi32>
      %add3A_4140 = arith.addi %broadcast_in_dim3A_4126, %min3A_4139 : vector<16xi32>
      %slice3A_4141 = vector.extract_strided_slice %add3A_1854 {offsets = [1], sizes = [1], strides = [1]} : vector<16xi32> to vector<1xi32>
      %squeeze3A_4142 = vector.extract %slice3A_4141[0] : i32 from vector<1xi32>
      %sub3A_4143 = vector.broadcast %squeeze3A_4142 : i32 to vector<16xi32>
      %sub3A_4144 = arith.subi %add3A_4124, %sub3A_4143 : vector<16xi32>
      %add3A_4145 = arith.constant 1 : i32
      %add3A_4146 = vector.broadcast %add3A_4145 : i32 to vector<16xi32>
      %add3A_4147 = arith.addi %sub3A_4144, %add3A_4146 : vector<16xi32>
      %max3A_4148 = arith.constant 0 : i32
      %max3A_4149 = vector.broadcast %max3A_4148 : i32 to vector<16xi32>
      %max3A_4150 = arith.maxsi %add3A_4147, %max3A_4149 : vector<16xi32>
      %min3A_4151 = arith.constant 1 : i32
      %min3A_4152 = vector.broadcast %min3A_4151 : i32 to vector<16xi32>
      %min3A_4153 = arith.minsi %max3A_4150, %min3A_4152 : vector<16xi32>
      %add3A_4154 = arith.addi %add3A_4140, %min3A_4153 : vector<16xi32>
      %slice3A_4155 = vector.extract_strided_slice %add3A_1854 {offsets = [2], sizes = [1], strides = [1]} : vector<16xi32> to vector<1xi32>
      %squeeze3A_4156 = vector.extract %slice3A_4155[0] : i32 from vector<1xi32>
      %sub3A_4157 = vector.broadcast %squeeze3A_4156 : i32 to vector<16xi32>
      %sub3A_4158 = arith.subi %add3A_4124, %sub3A_4157 : vector<16xi32>
      %add3A_4159 = arith.constant 1 : i32
      %add3A_4160 = vector.broadcast %add3A_4159 : i32 to vector<16xi32>
      %add3A_4161 = arith.addi %sub3A_4158, %add3A_4160 : vector<16xi32>
      %max3A_4162 = arith.constant 0 : i32
      %max3A_4163 = vector.broadcast %max3A_4162 : i32 to vector<16xi32>
      %max3A_4164 = arith.maxsi %add3A_4161, %max3A_4163 : vector<16xi32>
      %min3A_4165 = arith.constant 1 : i32
      %min3A_4166 = vector.broadcast %min3A_4165 : i32 to vector<16xi32>
      %min3A_4167 = arith.minsi %max3A_4164, %min3A_4166 : vector<16xi32>
      %add3A_4168 = arith.addi %add3A_4154, %min3A_4167 : vector<16xi32>
      %slice3A_4169 = vector.extract_strided_slice %add3A_1854 {offsets = [3], sizes = [1], strides = [1]} : vector<16xi32> to vector<1xi32>
      %squeeze3A_4170 = vector.extract %slice3A_4169[0] : i32 from vector<1xi32>
      %sub3A_4171 = vector.broadcast %squeeze3A_4170 : i32 to vector<16xi32>
      %sub3A_4172 = arith.subi %add3A_4124, %sub3A_4171 : vector<16xi32>
      %add3A_4173 = arith.constant 1 : i32
      %add3A_4174 = vector.broadcast %add3A_4173 : i32 to vector<16xi32>
      %add3A_4175 = arith.addi %sub3A_4172, %add3A_4174 : vector<16xi32>
      %max3A_4176 = arith.constant 0 : i32
      %max3A_4177 = vector.broadcast %max3A_4176 : i32 to vector<16xi32>
      %max3A_4178 = arith.maxsi %add3A_4175, %max3A_4177 : vector<16xi32>
      %min3A_4179 = arith.constant 1 : i32
      %min3A_4180 = vector.broadcast %min3A_4179 : i32 to vector<16xi32>
      %min3A_4181 = arith.minsi %max3A_4178, %min3A_4180 : vector<16xi32>
      %add3A_4182 = arith.addi %add3A_4168, %min3A_4181 : vector<16xi32>
      %slice3A_4183 = vector.extract_strided_slice %add3A_1854 {offsets = [4], sizes = [1], strides = [1]} : vector<16xi32> to vector<1xi32>
      %squeeze3A_4184 = vector.extract %slice3A_4183[0] : i32 from vector<1xi32>
      %sub3A_4185 = vector.broadcast %squeeze3A_4184 : i32 to vector<16xi32>
      %sub3A_4186 = arith.subi %add3A_4124, %sub3A_4185 : vector<16xi32>
      %add3A_4187 = arith.constant 1 : i32
      %add3A_4188 = vector.broadcast %add3A_4187 : i32 to vector<16xi32>
      %add3A_4189 = arith.addi %sub3A_4186, %add3A_4188 : vector<16xi32>
      %max3A_4190 = arith.constant 0 : i32
      %max3A_4191 = vector.broadcast %max3A_4190 : i32 to vector<16xi32>
      %max3A_4192 = arith.maxsi %add3A_4189, %max3A_4191 : vector<16xi32>
      %min3A_4193 = arith.constant 1 : i32
      %min3A_4194 = vector.broadcast %min3A_4193 : i32 to vector<16xi32>
      %min3A_4195 = arith.minsi %max3A_4192, %min3A_4194 : vector<16xi32>
      %add3A_4196 = arith.addi %add3A_4182, %min3A_4195 : vector<16xi32>
      %slice3A_4197 = vector.extract_strided_slice %add3A_1854 {offsets = [5], sizes = [1], strides = [1]} : vector<16xi32> to vector<1xi32>
      %squeeze3A_4198 = vector.extract %slice3A_4197[0] : i32 from vector<1xi32>
      %sub3A_4199 = vector.broadcast %squeeze3A_4198 : i32 to vector<16xi32>
      %sub3A_4200 = arith.subi %add3A_4124, %sub3A_4199 : vector<16xi32>
      %add3A_4201 = arith.constant 1 : i32
      %add3A_4202 = vector.broadcast %add3A_4201 : i32 to vector<16xi32>
      %add3A_4203 = arith.addi %sub3A_4200, %add3A_4202 : vector<16xi32>
      %max3A_4204 = arith.constant 0 : i32
      %max3A_4205 = vector.broadcast %max3A_4204 : i32 to vector<16xi32>
      %max3A_4206 = arith.maxsi %add3A_4203, %max3A_4205 : vector<16xi32>
      %min3A_4207 = arith.constant 1 : i32
      %min3A_4208 = vector.broadcast %min3A_4207 : i32 to vector<16xi32>
      %min3A_4209 = arith.minsi %max3A_4206, %min3A_4208 : vector<16xi32>
      %add3A_4210 = arith.addi %add3A_4196, %min3A_4209 : vector<16xi32>
      %slice3A_4211 = vector.extract_strided_slice %add3A_1854 {offsets = [6], sizes = [1], strides = [1]} : vector<16xi32> to vector<1xi32>
      %squeeze3A_4212 = vector.extract %slice3A_4211[0] : i32 from vector<1xi32>
      %sub3A_4213 = vector.broadcast %squeeze3A_4212 : i32 to vector<16xi32>
      %sub3A_4214 = arith.subi %add3A_4124, %sub3A_4213 : vector<16xi32>
      %add3A_4215 = arith.constant 1 : i32
      %add3A_4216 = vector.broadcast %add3A_4215 : i32 to vector<16xi32>
      %add3A_4217 = arith.addi %sub3A_4214, %add3A_4216 : vector<16xi32>
      %max3A_4218 = arith.constant 0 : i32
      %max3A_4219 = vector.broadcast %max3A_4218 : i32 to vector<16xi32>
      %max3A_4220 = arith.maxsi %add3A_4217, %max3A_4219 : vector<16xi32>
      %min3A_4221 = arith.constant 1 : i32
      %min3A_4222 = vector.broadcast %min3A_4221 : i32 to vector<16xi32>
      %min3A_4223 = arith.minsi %max3A_4220, %min3A_4222 : vector<16xi32>
      %add3A_4224 = arith.addi %add3A_4210, %min3A_4223 : vector<16xi32>
      %slice3A_4225 = vector.extract_strided_slice %add3A_1854 {offsets = [7], sizes = [1], strides = [1]} : vector<16xi32> to vector<1xi32>
      %squeeze3A_4226 = vector.extract %slice3A_4225[0] : i32 from vector<1xi32>
      %sub3A_4227 = vector.broadcast %squeeze3A_4226 : i32 to vector<16xi32>
      %sub3A_4228 = arith.subi %add3A_4124, %sub3A_4227 : vector<16xi32>
      %add3A_4229 = arith.constant 1 : i32
      %add3A_4230 = vector.broadcast %add3A_4229 : i32 to vector<16xi32>
      %add3A_4231 = arith.addi %sub3A_4228, %add3A_4230 : vector<16xi32>
      %max3A_4232 = arith.constant 0 : i32
      %max3A_4233 = vector.broadcast %max3A_4232 : i32 to vector<16xi32>
      %max3A_4234 = arith.maxsi %add3A_4231, %max3A_4233 : vector<16xi32>
      %min3A_4235 = arith.constant 1 : i32
      %min3A_4236 = vector.broadcast %min3A_4235 : i32 to vector<16xi32>
      %min3A_4237 = arith.minsi %max3A_4234, %min3A_4236 : vector<16xi32>
      %add3A_4238 = arith.addi %add3A_4224, %min3A_4237 : vector<16xi32>
      %slice3A_4239 = vector.extract_strided_slice %add3A_1854 {offsets = [8], sizes = [1], strides = [1]} : vector<16xi32> to vector<1xi32>
      %squeeze3A_4240 = vector.extract %slice3A_4239[0] : i32 from vector<1xi32>
      %sub3A_4241 = vector.broadcast %squeeze3A_4240 : i32 to vector<16xi32>
      %sub3A_4242 = arith.subi %add3A_4124, %sub3A_4241 : vector<16xi32>
      %add3A_4243 = arith.constant 1 : i32
      %add3A_4244 = vector.broadcast %add3A_4243 : i32 to vector<16xi32>
      %add3A_4245 = arith.addi %sub3A_4242, %add3A_4244 : vector<16xi32>
      %max3A_4246 = arith.constant 0 : i32
      %max3A_4247 = vector.broadcast %max3A_4246 : i32 to vector<16xi32>
      %max3A_4248 = arith.maxsi %add3A_4245, %max3A_4247 : vector<16xi32>
      %min3A_4249 = arith.constant 1 : i32
      %min3A_4250 = vector.broadcast %min3A_4249 : i32 to vector<16xi32>
      %min3A_4251 = arith.minsi %max3A_4248, %min3A_4250 : vector<16xi32>
      %add3A_4252 = arith.addi %add3A_4238, %min3A_4251 : vector<16xi32>
      %slice3A_4253 = vector.extract_strided_slice %add3A_1854 {offsets = [9], sizes = [1], strides = [1]} : vector<16xi32> to vector<1xi32>
      %squeeze3A_4254 = vector.extract %slice3A_4253[0] : i32 from vector<1xi32>
      %sub3A_4255 = vector.broadcast %squeeze3A_4254 : i32 to vector<16xi32>
      %sub3A_4256 = arith.subi %add3A_4124, %sub3A_4255 : vector<16xi32>
      %add3A_4257 = arith.constant 1 : i32
      %add3A_4258 = vector.broadcast %add3A_4257 : i32 to vector<16xi32>
      %add3A_4259 = arith.addi %sub3A_4256, %add3A_4258 : vector<16xi32>
      %max3A_4260 = arith.constant 0 : i32
      %max3A_4261 = vector.broadcast %max3A_4260 : i32 to vector<16xi32>
      %max3A_4262 = arith.maxsi %add3A_4259, %max3A_4261 : vector<16xi32>
      %min3A_4263 = arith.constant 1 : i32
      %min3A_4264 = vector.broadcast %min3A_4263 : i32 to vector<16xi32>
      %min3A_4265 = arith.minsi %max3A_4262, %min3A_4264 : vector<16xi32>
      %add3A_4266 = arith.addi %add3A_4252, %min3A_4265 : vector<16xi32>
      %slice3A_4267 = vector.extract_strided_slice %add3A_1854 {offsets = [10], sizes = [1], strides = [1]} : vector<16xi32> to vector<1xi32>
      %squeeze3A_4268 = vector.extract %slice3A_4267[0] : i32 from vector<1xi32>
      %sub3A_4269 = vector.broadcast %squeeze3A_4268 : i32 to vector<16xi32>
      %sub3A_4270 = arith.subi %add3A_4124, %sub3A_4269 : vector<16xi32>
      %add3A_4271 = arith.constant 1 : i32
      %add3A_4272 = vector.broadcast %add3A_4271 : i32 to vector<16xi32>
      %add3A_4273 = arith.addi %sub3A_4270, %add3A_4272 : vector<16xi32>
      %max3A_4274 = arith.constant 0 : i32
      %max3A_4275 = vector.broadcast %max3A_4274 : i32 to vector<16xi32>
      %max3A_4276 = arith.maxsi %add3A_4273, %max3A_4275 : vector<16xi32>
      %min3A_4277 = arith.constant 1 : i32
      %min3A_4278 = vector.broadcast %min3A_4277 : i32 to vector<16xi32>
      %min3A_4279 = arith.minsi %max3A_4276, %min3A_4278 : vector<16xi32>
      %add3A_4280 = arith.addi %add3A_4266, %min3A_4279 : vector<16xi32>
      %slice3A_4281 = vector.extract_strided_slice %add3A_1854 {offsets = [11], sizes = [1], strides = [1]} : vector<16xi32> to vector<1xi32>
      %squeeze3A_4282 = vector.extract %slice3A_4281[0] : i32 from vector<1xi32>
      %sub3A_4283 = vector.broadcast %squeeze3A_4282 : i32 to vector<16xi32>
      %sub3A_4284 = arith.subi %add3A_4124, %sub3A_4283 : vector<16xi32>
      %add3A_4285 = arith.constant 1 : i32
      %add3A_4286 = vector.broadcast %add3A_4285 : i32 to vector<16xi32>
      %add3A_4287 = arith.addi %sub3A_4284, %add3A_4286 : vector<16xi32>
      %max3A_4288 = arith.constant 0 : i32
      %max3A_4289 = vector.broadcast %max3A_4288 : i32 to vector<16xi32>
      %max3A_4290 = arith.maxsi %add3A_4287, %max3A_4289 : vector<16xi32>
      %min3A_4291 = arith.constant 1 : i32
      %min3A_4292 = vector.broadcast %min3A_4291 : i32 to vector<16xi32>
      %min3A_4293 = arith.minsi %max3A_4290, %min3A_4292 : vector<16xi32>
      %add3A_4294 = arith.addi %add3A_4280, %min3A_4293 : vector<16xi32>
      %slice3A_4295 = vector.extract_strided_slice %add3A_1854 {offsets = [12], sizes = [1], strides = [1]} : vector<16xi32> to vector<1xi32>
      %squeeze3A_4296 = vector.extract %slice3A_4295[0] : i32 from vector<1xi32>
      %sub3A_4297 = vector.broadcast %squeeze3A_4296 : i32 to vector<16xi32>
      %sub3A_4298 = arith.subi %add3A_4124, %sub3A_4297 : vector<16xi32>
      %add3A_4299 = arith.constant 1 : i32
      %add3A_4300 = vector.broadcast %add3A_4299 : i32 to vector<16xi32>
      %add3A_4301 = arith.addi %sub3A_4298, %add3A_4300 : vector<16xi32>
      %max3A_4302 = arith.constant 0 : i32
      %max3A_4303 = vector.broadcast %max3A_4302 : i32 to vector<16xi32>
      %max3A_4304 = arith.maxsi %add3A_4301, %max3A_4303 : vector<16xi32>
      %min3A_4305 = arith.constant 1 : i32
      %min3A_4306 = vector.broadcast %min3A_4305 : i32 to vector<16xi32>
      %min3A_4307 = arith.minsi %max3A_4304, %min3A_4306 : vector<16xi32>
      %add3A_4308 = arith.addi %add3A_4294, %min3A_4307 : vector<16xi32>
      %slice3A_4309 = vector.extract_strided_slice %add3A_1854 {offsets = [13], sizes = [1], strides = [1]} : vector<16xi32> to vector<1xi32>
      %squeeze3A_4310 = vector.extract %slice3A_4309[0] : i32 from vector<1xi32>
      %sub3A_4311 = vector.broadcast %squeeze3A_4310 : i32 to vector<16xi32>
      %sub3A_4312 = arith.subi %add3A_4124, %sub3A_4311 : vector<16xi32>
      %add3A_4313 = arith.constant 1 : i32
      %add3A_4314 = vector.broadcast %add3A_4313 : i32 to vector<16xi32>
      %add3A_4315 = arith.addi %sub3A_4312, %add3A_4314 : vector<16xi32>
      %max3A_4316 = arith.constant 0 : i32
      %max3A_4317 = vector.broadcast %max3A_4316 : i32 to vector<16xi32>
      %max3A_4318 = arith.maxsi %add3A_4315, %max3A_4317 : vector<16xi32>
      %min3A_4319 = arith.constant 1 : i32
      %min3A_4320 = vector.broadcast %min3A_4319 : i32 to vector<16xi32>
      %min3A_4321 = arith.minsi %max3A_4318, %min3A_4320 : vector<16xi32>
      %add3A_4322 = arith.addi %add3A_4308, %min3A_4321 : vector<16xi32>
      %slice3A_4323 = vector.extract_strided_slice %add3A_1854 {offsets = [14], sizes = [1], strides = [1]} : vector<16xi32> to vector<1xi32>
      %squeeze3A_4324 = vector.extract %slice3A_4323[0] : i32 from vector<1xi32>
      %sub3A_4325 = vector.broadcast %squeeze3A_4324 : i32 to vector<16xi32>
      %sub3A_4326 = arith.subi %add3A_4124, %sub3A_4325 : vector<16xi32>
      %add3A_4327 = arith.constant 1 : i32
      %add3A_4328 = vector.broadcast %add3A_4327 : i32 to vector<16xi32>
      %add3A_4329 = arith.addi %sub3A_4326, %add3A_4328 : vector<16xi32>
      %max3A_4330 = arith.constant 0 : i32
      %max3A_4331 = vector.broadcast %max3A_4330 : i32 to vector<16xi32>
      %max3A_4332 = arith.maxsi %add3A_4329, %max3A_4331 : vector<16xi32>
      %min3A_4333 = arith.constant 1 : i32
      %min3A_4334 = vector.broadcast %min3A_4333 : i32 to vector<16xi32>
      %min3A_4335 = arith.minsi %max3A_4332, %min3A_4334 : vector<16xi32>
      %add3A_4336 = arith.addi %add3A_4322, %min3A_4335 : vector<16xi32>
      %slice3A_4337 = vector.extract_strided_slice %add3A_1854 {offsets = [15], sizes = [1], strides = [1]} : vector<16xi32> to vector<1xi32>
      %squeeze3A_4338 = vector.extract %slice3A_4337[0] : i32 from vector<1xi32>
      %sub3A_4339 = vector.broadcast %squeeze3A_4338 : i32 to vector<16xi32>
      %sub3A_4340 = arith.subi %add3A_4124, %sub3A_4339 : vector<16xi32>
      %add3A_4341 = arith.constant 1 : i32
      %add3A_4342 = vector.broadcast %add3A_4341 : i32 to vector<16xi32>
      %add3A_4343 = arith.addi %sub3A_4340, %add3A_4342 : vector<16xi32>
      %max3A_4344 = arith.constant 0 : i32
      %max3A_4345 = vector.broadcast %max3A_4344 : i32 to vector<16xi32>
      %max3A_4346 = arith.maxsi %add3A_4343, %max3A_4345 : vector<16xi32>
      %min3A_4347 = arith.constant 1 : i32
      %min3A_4348 = vector.broadcast %min3A_4347 : i32 to vector<16xi32>
      %min3A_4349 = arith.minsi %max3A_4346, %min3A_4348 : vector<16xi32>
      %add3A_4350 = arith.addi %add3A_4336, %min3A_4349 : vector<16xi32>
      %sub3A_4351 = arith.constant 1 : i32
      %sub3A_4352 = vector.broadcast %sub3A_4351 : i32 to vector<16xi32>
      %sub3A_4353 = arith.subi %add3A_4350, %sub3A_4352 : vector<16xi32>
      %swap3A_4354 = arith.constant 0 : index
      %swap3A_4355 = tpu.vector_load %arg13[%swap3A_4354] {strides = array<i32>} : memref<32xi32, #tpu.memory_space<vmem>>, vector<16xi32>,
      %swap3A_4356 = vector.shape_cast %swap3A_4355 : vector<16xi32> to vector<16xi32>
      %swap3A_4357 = vector.shape_cast %sub3A_4353 : vector<16xi32> to vector<16xi32>
      tpu.vector_store %arg13[%swap3A_4354], %swap3A_4357 {strides = array<i32>} : memref<32xi32, #tpu.memory_space<vmem>>, vector<16xi32>,
      %add3A_4358 = arith.constant 16 : i32
      %add3A_4359 = vector.broadcast %add3A_4358 : i32 to vector<16xi32>
      %add3A_4360 = arith.addi %iota3A, %add3A_4359 : vector<16xi32>
      %broadcast_in_dim3A_4361 = arith.constant 0 : i32
      %broadcast_in_dim3A_4362 = vector.broadcast %broadcast_in_dim3A_4361 : i32 to vector<16xi32>
      %slice3A_4363 = vector.extract_strided_slice %add3A_1854 {offsets = [0], sizes = [1], strides = [1]} : vector<16xi32> to vector<1xi32>
      %squeeze3A_4364 = vector.extract %slice3A_4363[0] : i32 from vector<1xi32>
      %sub3A_4365 = vector.broadcast %squeeze3A_4364 : i32 to vector<16xi32>
      %sub3A_4366 = arith.subi %add3A_4360, %sub3A_4365 : vector<16xi32>
      %add3A_4367 = arith.constant 1 : i32
      %add3A_4368 = vector.broadcast %add3A_4367 : i32 to vector<16xi32>
      %add3A_4369 = arith.addi %sub3A_4366, %add3A_4368 : vector<16xi32>
      %max3A_4370 = arith.constant 0 : i32
      %max3A_4371 = vector.broadcast %max3A_4370 : i32 to vector<16xi32>
      %max3A_4372 = arith.maxsi %add3A_4369, %max3A_4371 : vector<16xi32>
      %min3A_4373 = arith.constant 1 : i32
      %min3A_4374 = vector.broadcast %min3A_4373 : i32 to vector<16xi32>
      %min3A_4375 = arith.minsi %max3A_4372, %min3A_4374 : vector<16xi32>
      %add3A_4376 = arith.addi %broadcast_in_dim3A_4362, %min3A_4375 : vector<16xi32>
      %slice3A_4377 = vector.extract_strided_slice %add3A_1854 {offsets = [1], sizes = [1], strides = [1]} : vector<16xi32> to vector<1xi32>
      %squeeze3A_4378 = vector.extract %slice3A_4377[0] : i32 from vector<1xi32>
      %sub3A_4379 = vector.broadcast %squeeze3A_4378 : i32 to vector<16xi32>
      %sub3A_4380 = arith.subi %add3A_4360, %sub3A_4379 : vector<16xi32>
      %add3A_4381 = arith.constant 1 : i32
      %add3A_4382 = vector.broadcast %add3A_4381 : i32 to vector<16xi32>
      %add3A_4383 = arith.addi %sub3A_4380, %add3A_4382 : vector<16xi32>
      %max3A_4384 = arith.constant 0 : i32
      %max3A_4385 = vector.broadcast %max3A_4384 : i32 to vector<16xi32>
      %max3A_4386 = arith.maxsi %add3A_4383, %max3A_4385 : vector<16xi32>
      %min3A_4387 = arith.constant 1 : i32
      %min3A_4388 = vector.broadcast %min3A_4387 : i32 to vector<16xi32>
      %min3A_4389 = arith.minsi %max3A_4386, %min3A_4388 : vector<16xi32>
      %add3A_4390 = arith.addi %add3A_4376, %min3A_4389 : vector<16xi32>
      %slice3A_4391 = vector.extract_strided_slice %add3A_1854 {offsets = [2], sizes = [1], strides = [1]} : vector<16xi32> to vector<1xi32>
      %squeeze3A_4392 = vector.extract %slice3A_4391[0] : i32 from vector<1xi32>
      %sub3A_4393 = vector.broadcast %squeeze3A_4392 : i32 to vector<16xi32>
      %sub3A_4394 = arith.subi %add3A_4360, %sub3A_4393 : vector<16xi32>
      %add3A_4395 = arith.constant 1 : i32
      %add3A_4396 = vector.broadcast %add3A_4395 : i32 to vector<16xi32>
      %add3A_4397 = arith.addi %sub3A_4394, %add3A_4396 : vector<16xi32>
      %max3A_4398 = arith.constant 0 : i32
      %max3A_4399 = vector.broadcast %max3A_4398 : i32 to vector<16xi32>
      %max3A_4400 = arith.maxsi %add3A_4397, %max3A_4399 : vector<16xi32>
      %min3A_4401 = arith.constant 1 : i32
      %min3A_4402 = vector.broadcast %min3A_4401 : i32 to vector<16xi32>
      %min3A_4403 = arith.minsi %max3A_4400, %min3A_4402 : vector<16xi32>
      %add3A_4404 = arith.addi %add3A_4390, %min3A_4403 : vector<16xi32>
      %slice3A_4405 = vector.extract_strided_slice %add3A_1854 {offsets = [3], sizes = [1], strides = [1]} : vector<16xi32> to vector<1xi32>
      %squeeze3A_4406 = vector.extract %slice3A_4405[0] : i32 from vector<1xi32>
      %sub3A_4407 = vector.broadcast %squeeze3A_4406 : i32 to vector<16xi32>
      %sub3A_4408 = arith.subi %add3A_4360, %sub3A_4407 : vector<16xi32>
      %add3A_4409 = arith.constant 1 : i32
      %add3A_4410 = vector.broadcast %add3A_4409 : i32 to vector<16xi32>
      %add3A_4411 = arith.addi %sub3A_4408, %add3A_4410 : vector<16xi32>
      %max3A_4412 = arith.constant 0 : i32
      %max3A_4413 = vector.broadcast %max3A_4412 : i32 to vector<16xi32>
      %max3A_4414 = arith.maxsi %add3A_4411, %max3A_4413 : vector<16xi32>
      %min3A_4415 = arith.constant 1 : i32
      %min3A_4416 = vector.broadcast %min3A_4415 : i32 to vector<16xi32>
      %min3A_4417 = arith.minsi %max3A_4414, %min3A_4416 : vector<16xi32>
      %add3A_4418 = arith.addi %add3A_4404, %min3A_4417 : vector<16xi32>
      %slice3A_4419 = vector.extract_strided_slice %add3A_1854 {offsets = [4], sizes = [1], strides = [1]} : vector<16xi32> to vector<1xi32>
      %squeeze3A_4420 = vector.extract %slice3A_4419[0] : i32 from vector<1xi32>
      %sub3A_4421 = vector.broadcast %squeeze3A_4420 : i32 to vector<16xi32>
      %sub3A_4422 = arith.subi %add3A_4360, %sub3A_4421 : vector<16xi32>
      %add3A_4423 = arith.constant 1 : i32
      %add3A_4424 = vector.broadcast %add3A_4423 : i32 to vector<16xi32>
      %add3A_4425 = arith.addi %sub3A_4422, %add3A_4424 : vector<16xi32>
      %max3A_4426 = arith.constant 0 : i32
      %max3A_4427 = vector.broadcast %max3A_4426 : i32 to vector<16xi32>
      %max3A_4428 = arith.maxsi %add3A_4425, %max3A_4427 : vector<16xi32>
      %min3A_4429 = arith.constant 1 : i32
      %min3A_4430 = vector.broadcast %min3A_4429 : i32 to vector<16xi32>
      %min3A_4431 = arith.minsi %max3A_4428, %min3A_4430 : vector<16xi32>
      %add3A_4432 = arith.addi %add3A_4418, %min3A_4431 : vector<16xi32>
      %slice3A_4433 = vector.extract_strided_slice %add3A_1854 {offsets = [5], sizes = [1], strides = [1]} : vector<16xi32> to vector<1xi32>
      %squeeze3A_4434 = vector.extract %slice3A_4433[0] : i32 from vector<1xi32>
      %sub3A_4435 = vector.broadcast %squeeze3A_4434 : i32 to vector<16xi32>
      %sub3A_4436 = arith.subi %add3A_4360, %sub3A_4435 : vector<16xi32>
      %add3A_4437 = arith.constant 1 : i32
      %add3A_4438 = vector.broadcast %add3A_4437 : i32 to vector<16xi32>
      %add3A_4439 = arith.addi %sub3A_4436, %add3A_4438 : vector<16xi32>
      %max3A_4440 = arith.constant 0 : i32
      %max3A_4441 = vector.broadcast %max3A_4440 : i32 to vector<16xi32>
      %max3A_4442 = arith.maxsi %add3A_4439, %max3A_4441 : vector<16xi32>
      %min3A_4443 = arith.constant 1 : i32
      %min3A_4444 = vector.broadcast %min3A_4443 : i32 to vector<16xi32>
      %min3A_4445 = arith.minsi %max3A_4442, %min3A_4444 : vector<16xi32>
      %add3A_4446 = arith.addi %add3A_4432, %min3A_4445 : vector<16xi32>
      %slice3A_4447 = vector.extract_strided_slice %add3A_1854 {offsets = [6], sizes = [1], strides = [1]} : vector<16xi32> to vector<1xi32>
      %squeeze3A_4448 = vector.extract %slice3A_4447[0] : i32 from vector<1xi32>
      %sub3A_4449 = vector.broadcast %squeeze3A_4448 : i32 to vector<16xi32>
      %sub3A_4450 = arith.subi %add3A_4360, %sub3A_4449 : vector<16xi32>
      %add3A_4451 = arith.constant 1 : i32
      %add3A_4452 = vector.broadcast %add3A_4451 : i32 to vector<16xi32>
      %add3A_4453 = arith.addi %sub3A_4450, %add3A_4452 : vector<16xi32>
      %max3A_4454 = arith.constant 0 : i32
      %max3A_4455 = vector.broadcast %max3A_4454 : i32 to vector<16xi32>
      %max3A_4456 = arith.maxsi %add3A_4453, %max3A_4455 : vector<16xi32>
      %min3A_4457 = arith.constant 1 : i32
      %min3A_4458 = vector.broadcast %min3A_4457 : i32 to vector<16xi32>
      %min3A_4459 = arith.minsi %max3A_4456, %min3A_4458 : vector<16xi32>
      %add3A_4460 = arith.addi %add3A_4446, %min3A_4459 : vector<16xi32>
      %slice3A_4461 = vector.extract_strided_slice %add3A_1854 {offsets = [7], sizes = [1], strides = [1]} : vector<16xi32> to vector<1xi32>
      %squeeze3A_4462 = vector.extract %slice3A_4461[0] : i32 from vector<1xi32>
      %sub3A_4463 = vector.broadcast %squeeze3A_4462 : i32 to vector<16xi32>
      %sub3A_4464 = arith.subi %add3A_4360, %sub3A_4463 : vector<16xi32>
      %add3A_4465 = arith.constant 1 : i32
      %add3A_4466 = vector.broadcast %add3A_4465 : i32 to vector<16xi32>
      %add3A_4467 = arith.addi %sub3A_4464, %add3A_4466 : vector<16xi32>
      %max3A_4468 = arith.constant 0 : i32
      %max3A_4469 = vector.broadcast %max3A_4468 : i32 to vector<16xi32>
      %max3A_4470 = arith.maxsi %add3A_4467, %max3A_4469 : vector<16xi32>
      %min3A_4471 = arith.constant 1 : i32
      %min3A_4472 = vector.broadcast %min3A_4471 : i32 to vector<16xi32>
      %min3A_4473 = arith.minsi %max3A_4470, %min3A_4472 : vector<16xi32>
      %add3A_4474 = arith.addi %add3A_4460, %min3A_4473 : vector<16xi32>
      %slice3A_4475 = vector.extract_strided_slice %add3A_1854 {offsets = [8], sizes = [1], strides = [1]} : vector<16xi32> to vector<1xi32>
      %squeeze3A_4476 = vector.extract %slice3A_4475[0] : i32 from vector<1xi32>
      %sub3A_4477 = vector.broadcast %squeeze3A_4476 : i32 to vector<16xi32>
      %sub3A_4478 = arith.subi %add3A_4360, %sub3A_4477 : vector<16xi32>
      %add3A_4479 = arith.constant 1 : i32
      %add3A_4480 = vector.broadcast %add3A_4479 : i32 to vector<16xi32>
      %add3A_4481 = arith.addi %sub3A_4478, %add3A_4480 : vector<16xi32>
      %max3A_4482 = arith.constant 0 : i32
      %max3A_4483 = vector.broadcast %max3A_4482 : i32 to vector<16xi32>
      %max3A_4484 = arith.maxsi %add3A_4481, %max3A_4483 : vector<16xi32>
      %min3A_4485 = arith.constant 1 : i32
      %min3A_4486 = vector.broadcast %min3A_4485 : i32 to vector<16xi32>
      %min3A_4487 = arith.minsi %max3A_4484, %min3A_4486 : vector<16xi32>
      %add3A_4488 = arith.addi %add3A_4474, %min3A_4487 : vector<16xi32>
      %slice3A_4489 = vector.extract_strided_slice %add3A_1854 {offsets = [9], sizes = [1], strides = [1]} : vector<16xi32> to vector<1xi32>
      %squeeze3A_4490 = vector.extract %slice3A_4489[0] : i32 from vector<1xi32>
      %sub3A_4491 = vector.broadcast %squeeze3A_4490 : i32 to vector<16xi32>
      %sub3A_4492 = arith.subi %add3A_4360, %sub3A_4491 : vector<16xi32>
      %add3A_4493 = arith.constant 1 : i32
      %add3A_4494 = vector.broadcast %add3A_4493 : i32 to vector<16xi32>
      %add3A_4495 = arith.addi %sub3A_4492, %add3A_4494 : vector<16xi32>
      %max3A_4496 = arith.constant 0 : i32
      %max3A_4497 = vector.broadcast %max3A_4496 : i32 to vector<16xi32>
      %max3A_4498 = arith.maxsi %add3A_4495, %max3A_4497 : vector<16xi32>
      %min3A_4499 = arith.constant 1 : i32
      %min3A_4500 = vector.broadcast %min3A_4499 : i32 to vector<16xi32>
      %min3A_4501 = arith.minsi %max3A_4498, %min3A_4500 : vector<16xi32>
      %add3A_4502 = arith.addi %add3A_4488, %min3A_4501 : vector<16xi32>
      %slice3A_4503 = vector.extract_strided_slice %add3A_1854 {offsets = [10], sizes = [1], strides = [1]} : vector<16xi32> to vector<1xi32>
      %squeeze3A_4504 = vector.extract %slice3A_4503[0] : i32 from vector<1xi32>
      %sub3A_4505 = vector.broadcast %squeeze3A_4504 : i32 to vector<16xi32>
      %sub3A_4506 = arith.subi %add3A_4360, %sub3A_4505 : vector<16xi32>
      %add3A_4507 = arith.constant 1 : i32
      %add3A_4508 = vector.broadcast %add3A_4507 : i32 to vector<16xi32>
      %add3A_4509 = arith.addi %sub3A_4506, %add3A_4508 : vector<16xi32>
      %max3A_4510 = arith.constant 0 : i32
      %max3A_4511 = vector.broadcast %max3A_4510 : i32 to vector<16xi32>
      %max3A_4512 = arith.maxsi %add3A_4509, %max3A_4511 : vector<16xi32>
      %min3A_4513 = arith.constant 1 : i32
      %min3A_4514 = vector.broadcast %min3A_4513 : i32 to vector<16xi32>
      %min3A_4515 = arith.minsi %max3A_4512, %min3A_4514 : vector<16xi32>
      %add3A_4516 = arith.addi %add3A_4502, %min3A_4515 : vector<16xi32>
      %slice3A_4517 = vector.extract_strided_slice %add3A_1854 {offsets = [11], sizes = [1], strides = [1]} : vector<16xi32> to vector<1xi32>
      %squeeze3A_4518 = vector.extract %slice3A_4517[0] : i32 from vector<1xi32>
      %sub3A_4519 = vector.broadcast %squeeze3A_4518 : i32 to vector<16xi32>
      %sub3A_4520 = arith.subi %add3A_4360, %sub3A_4519 : vector<16xi32>
      %add3A_4521 = arith.constant 1 : i32
      %add3A_4522 = vector.broadcast %add3A_4521 : i32 to vector<16xi32>
      %add3A_4523 = arith.addi %sub3A_4520, %add3A_4522 : vector<16xi32>
      %max3A_4524 = arith.constant 0 : i32
      %max3A_4525 = vector.broadcast %max3A_4524 : i32 to vector<16xi32>
      %max3A_4526 = arith.maxsi %add3A_4523, %max3A_4525 : vector<16xi32>
      %min3A_4527 = arith.constant 1 : i32
      %min3A_4528 = vector.broadcast %min3A_4527 : i32 to vector<16xi32>
      %min3A_4529 = arith.minsi %max3A_4526, %min3A_4528 : vector<16xi32>
      %add3A_4530 = arith.addi %add3A_4516, %min3A_4529 : vector<16xi32>
      %slice3A_4531 = vector.extract_strided_slice %add3A_1854 {offsets = [12], sizes = [1], strides = [1]} : vector<16xi32> to vector<1xi32>
      %squeeze3A_4532 = vector.extract %slice3A_4531[0] : i32 from vector<1xi32>
      %sub3A_4533 = vector.broadcast %squeeze3A_4532 : i32 to vector<16xi32>
      %sub3A_4534 = arith.subi %add3A_4360, %sub3A_4533 : vector<16xi32>
      %add3A_4535 = arith.constant 1 : i32
      %add3A_4536 = vector.broadcast %add3A_4535 : i32 to vector<16xi32>
      %add3A_4537 = arith.addi %sub3A_4534, %add3A_4536 : vector<16xi32>
      %max3A_4538 = arith.constant 0 : i32
      %max3A_4539 = vector.broadcast %max3A_4538 : i32 to vector<16xi32>
      %max3A_4540 = arith.maxsi %add3A_4537, %max3A_4539 : vector<16xi32>
      %min3A_4541 = arith.constant 1 : i32
      %min3A_4542 = vector.broadcast %min3A_4541 : i32 to vector<16xi32>
      %min3A_4543 = arith.minsi %max3A_4540, %min3A_4542 : vector<16xi32>
      %add3A_4544 = arith.addi %add3A_4530, %min3A_4543 : vector<16xi32>
      %slice3A_4545 = vector.extract_strided_slice %add3A_1854 {offsets = [13], sizes = [1], strides = [1]} : vector<16xi32> to vector<1xi32>
      %squeeze3A_4546 = vector.extract %slice3A_4545[0] : i32 from vector<1xi32>
      %sub3A_4547 = vector.broadcast %squeeze3A_4546 : i32 to vector<16xi32>
      %sub3A_4548 = arith.subi %add3A_4360, %sub3A_4547 : vector<16xi32>
      %add3A_4549 = arith.constant 1 : i32
      %add3A_4550 = vector.broadcast %add3A_4549 : i32 to vector<16xi32>
      %add3A_4551 = arith.addi %sub3A_4548, %add3A_4550 : vector<16xi32>
      %max3A_4552 = arith.constant 0 : i32
      %max3A_4553 = vector.broadcast %max3A_4552 : i32 to vector<16xi32>
      %max3A_4554 = arith.maxsi %add3A_4551, %max3A_4553 : vector<16xi32>
      %min3A_4555 = arith.constant 1 : i32
      %min3A_4556 = vector.broadcast %min3A_4555 : i32 to vector<16xi32>
      %min3A_4557 = arith.minsi %max3A_4554, %min3A_4556 : vector<16xi32>
      %add3A_4558 = arith.addi %add3A_4544, %min3A_4557 : vector<16xi32>
      %slice3A_4559 = vector.extract_strided_slice %add3A_1854 {offsets = [14], sizes = [1], strides = [1]} : vector<16xi32> to vector<1xi32>
      %squeeze3A_4560 = vector.extract %slice3A_4559[0] : i32 from vector<1xi32>
      %sub3A_4561 = vector.broadcast %squeeze3A_4560 : i32 to vector<16xi32>
      %sub3A_4562 = arith.subi %add3A_4360, %sub3A_4561 : vector<16xi32>
      %add3A_4563 = arith.constant 1 : i32
      %add3A_4564 = vector.broadcast %add3A_4563 : i32 to vector<16xi32>
      %add3A_4565 = arith.addi %sub3A_4562, %add3A_4564 : vector<16xi32>
      %max3A_4566 = arith.constant 0 : i32
      %max3A_4567 = vector.broadcast %max3A_4566 : i32 to vector<16xi32>
      %max3A_4568 = arith.maxsi %add3A_4565, %max3A_4567 : vector<16xi32>
      %min3A_4569 = arith.constant 1 : i32
      %min3A_4570 = vector.broadcast %min3A_4569 : i32 to vector<16xi32>
      %min3A_4571 = arith.minsi %max3A_4568, %min3A_4570 : vector<16xi32>
      %add3A_4572 = arith.addi %add3A_4558, %min3A_4571 : vector<16xi32>
      %slice3A_4573 = vector.extract_strided_slice %add3A_1854 {offsets = [15], sizes = [1], strides = [1]} : vector<16xi32> to vector<1xi32>
      %squeeze3A_4574 = vector.extract %slice3A_4573[0] : i32 from vector<1xi32>
      %sub3A_4575 = vector.broadcast %squeeze3A_4574 : i32 to vector<16xi32>
      %sub3A_4576 = arith.subi %add3A_4360, %sub3A_4575 : vector<16xi32>
      %add3A_4577 = arith.constant 1 : i32
      %add3A_4578 = vector.broadcast %add3A_4577 : i32 to vector<16xi32>
      %add3A_4579 = arith.addi %sub3A_4576, %add3A_4578 : vector<16xi32>
      %max3A_4580 = arith.constant 0 : i32
      %max3A_4581 = vector.broadcast %max3A_4580 : i32 to vector<16xi32>
      %max3A_4582 = arith.maxsi %add3A_4579, %max3A_4581 : vector<16xi32>
      %min3A_4583 = arith.constant 1 : i32
      %min3A_4584 = vector.broadcast %min3A_4583 : i32 to vector<16xi32>
      %min3A_4585 = arith.minsi %max3A_4582, %min3A_4584 : vector<16xi32>
      %add3A_4586 = arith.addi %add3A_4572, %min3A_4585 : vector<16xi32>
      %sub3A_4587 = arith.constant 1 : i32
      %sub3A_4588 = vector.broadcast %sub3A_4587 : i32 to vector<16xi32>
      %sub3A_4589 = arith.subi %add3A_4586, %sub3A_4588 : vector<16xi32>
      %swap3A_4590 = arith.constant 16 : index
      %swap3A_4591 = tpu.vector_load %arg13[%swap3A_4590] {strides = array<i32>} : memref<32xi32, #tpu.memory_space<vmem>>, vector<16xi32>,
      %swap3A_4592 = vector.shape_cast %swap3A_4591 : vector<16xi32> to vector<16xi32>
      %swap3A_4593 = vector.shape_cast %sub3A_4589 : vector<16xi32> to vector<16xi32>
      tpu.vector_store %arg13[%swap3A_4590], %swap3A_4593 {strides = array<i32>} : memref<32xi32, #tpu.memory_space<vmem>>, vector<16xi32>,
      "tpu.region"() ({
        %run_scoped3A = tpu.sem_alloc : memref<!tpu.dma_semaphore, #tpu.memory_space<semaphore_mem>>
        tpu.enqueue_dma source(%arg13 : memref<32xi32, #tpu.memory_space<vmem>>) target(%arg6 : memref<32xi32, #tpu.memory_space<hbm>>) target_semaphore(%run_scoped3A : memref<!tpu.dma_semaphore, #tpu.memory_space<semaphore_mem>>)
        tpu.wait_dma2 semaphore(%run_scoped3A : memref<!tpu.dma_semaphore, #tpu.memory_space<semaphore_mem>>) src(%arg13 : memref<32xi32, #tpu.memory_space<vmem>>) dst(%arg6 : memref<32xi32, #tpu.memory_space<hbm>>)
        tpu.yield
      }) : () -> ()
    } else {
    }
    return
  }
}

#map = affine_map<(d0, d1) -> (0, 0)>
#map1 = affine_map<(d0, d1) -> (0)>
module attributes {stable_mosaic.version = 14 : i64} {
  func.func @sc_gather(%arg0: i32, %arg1: i32, %arg2: memref<4096x768xf32, #tpu.memory_space<hbm>>, %arg3: memref<2048xi32, #tpu.memory_space<hbm>>, %arg4: memref<2048x768xf32, #tpu.memory_space<hbm>>, %arg5: memref<64xi32, #tpu.memory_space<vmem>>, %arg6: memref<64x768xf32, #tpu.memory_space<vmem>>, %arg7: memref<!tpu.dma_semaphore, #tpu.memory_space<semaphore_mem>>, %arg8: memref<!tpu.dma_semaphore, #tpu.memory_space<semaphore_mem>>) attributes {dimension_semantics = [#tpu.dimension_semantics<core_parallel>, #tpu.dimension_semantics<subcore_parallel>], iteration_bounds = array<i64: 2, 16>, scalar_prefetch = 0 : i64, scratch_operands = 4 : i64, tpu.core_type = #tpu.core_type<sc_vector_subcore>, window_params = [{transform_indices = #map}, {transform_indices = #map1}, {transform_indices = #map}]} {
    %mul3A = arith.constant 2 : i32
    %mul3A_0 = arith.muli %arg1, %mul3A : i32
    %add3A = arith.addi %mul3A_0, %arg0 : i32
    %mul3A_1 = arith.constant 64 : i32
    %mul3A_2 = arith.muli %add3A, %mul3A_1 : i32
    "tpu.region"() ({
      %run_scoped3A = tpu.sem_alloc : memref<!tpu.dma_semaphore, #tpu.memory_space<semaphore_mem>>
      %dma_start3A_7 = tpu.memref_slice %arg3[%mul3A_2] : memref<2048xi32, #tpu.memory_space<hbm>> -> memref<64xi32, #tpu.memory_space<hbm>>
      %dma_start3A_8 = tpu.memref_slice %arg3[%mul3A_2] : memref<2048xi32, #tpu.memory_space<hbm>> -> memref<64xi32, #tpu.memory_space<hbm>>
      tpu.enqueue_dma source(%dma_start3A_8 : memref<64xi32, #tpu.memory_space<hbm>>) target(%arg5 : memref<64xi32, #tpu.memory_space<vmem>>) target_semaphore(%run_scoped3A : memref<!tpu.dma_semaphore, #tpu.memory_space<semaphore_mem>>)
      %dma_wait3A_9 = tpu.memref_slice %arg3[%mul3A_2] : memref<2048xi32, #tpu.memory_space<hbm>> -> memref<64xi32, #tpu.memory_space<hbm>>
      %dma_wait3A_10 = tpu.memref_slice %arg3[%mul3A_2] : memref<2048xi32, #tpu.memory_space<hbm>> -> memref<64xi32, #tpu.memory_space<hbm>>
      tpu.wait_dma2 semaphore(%run_scoped3A : memref<!tpu.dma_semaphore, #tpu.memory_space<semaphore_mem>>) src(%dma_wait3A_10 : memref<64xi32, #tpu.memory_space<hbm>>) dst(%arg5 : memref<64xi32, #tpu.memory_space<vmem>>)
      tpu.yield
    }) : () -> ()
    %dma_start3A = arith.constant 0 : i32
    %dma_start3A_3 = arith.constant 0 : i32
    %dma_start3A_4 = tpu.memref_slice %arg2[%dma_start3A, %dma_start3A_3] : memref<4096x768xf32, #tpu.memory_space<hbm>> -> memref<4096x768xf32, #tpu.memory_space<hbm>>
    tpu.enqueue_indirect_dma source(%dma_start3A_4 : memref<4096x768xf32, #tpu.memory_space<hbm>>) target(%arg6 : memref<64x768xf32, #tpu.memory_space<vmem>>) offsets(%arg5 : memref<64xi32, #tpu.memory_space<vmem>>) semaphore(%arg7 : memref<!tpu.dma_semaphore, #tpu.memory_space<semaphore_mem>>)
    %dma_wait3A = arith.constant 0 : i32
    %dma_wait3A_5 = arith.constant 0 : i32
    %dma_wait3A_6 = tpu.memref_slice %arg2[%dma_wait3A, %dma_wait3A_5] : memref<4096x768xf32, #tpu.memory_space<hbm>> -> memref<4096x768xf32, #tpu.memory_space<hbm>>
    tpu.wait_indirect_dma semaphore(%arg7 : memref<!tpu.dma_semaphore, #tpu.memory_space<semaphore_mem>>) src(%dma_wait3A_6 : memref<4096x768xf32, #tpu.memory_space<hbm>>) dst(%arg6 : memref<64x768xf32, #tpu.memory_space<vmem>>)
    "tpu.region"() ({
      %run_scoped3A = tpu.sem_alloc : memref<!tpu.dma_semaphore, #tpu.memory_space<semaphore_mem>>
      %dma_start3A_7 = arith.constant 0 : i32
      %dma_start3A_8 = tpu.memref_slice %arg4[%mul3A_2, %dma_start3A_7] : memref<2048x768xf32, #tpu.memory_space<hbm>> -> memref<64x768xf32, #tpu.memory_space<hbm>>
      %dma_start3A_9 = arith.constant 0 : i32
      %dma_start3A_10 = tpu.memref_slice %arg4[%mul3A_2, %dma_start3A_9] : memref<2048x768xf32, #tpu.memory_space<hbm>> -> memref<64x768xf32, #tpu.memory_space<hbm>>
      tpu.enqueue_dma source(%arg6 : memref<64x768xf32, #tpu.memory_space<vmem>>) target(%dma_start3A_10 : memref<64x768xf32, #tpu.memory_space<hbm>>) target_semaphore(%run_scoped3A : memref<!tpu.dma_semaphore, #tpu.memory_space<semaphore_mem>>)
      %dma_wait3A_11 = arith.constant 0 : i32
      %dma_wait3A_12 = tpu.memref_slice %arg4[%mul3A_2, %dma_wait3A_11] : memref<2048x768xf32, #tpu.memory_space<hbm>> -> memref<64x768xf32, #tpu.memory_space<hbm>>
      %dma_wait3A_13 = arith.constant 0 : i32
      %dma_wait3A_14 = tpu.memref_slice %arg4[%mul3A_2, %dma_wait3A_13] : memref<2048x768xf32, #tpu.memory_space<hbm>> -> memref<64x768xf32, #tpu.memory_space<hbm>>
      tpu.wait_dma2 semaphore(%run_scoped3A : memref<!tpu.dma_semaphore, #tpu.memory_space<semaphore_mem>>) src(%arg6 : memref<64x768xf32, #tpu.memory_space<vmem>>) dst(%dma_wait3A_14 : memref<64x768xf32, #tpu.memory_space<hbm>>)
      tpu.yield
    }) : () -> ()
    return
  }
}

module attributes {stable_mosaic.version = 14 : i64} {
  func.func @_mlp_body(%arg0: i32, %arg1: memref<32xi32, #tpu.memory_space<smem>>, %arg2: memref<512x768xf32, #tpu.memory_space<vmem>>, %arg3: memref<1x128x768xf32, #tpu.memory_space<vmem>>, %arg4: memref<1x768x128xf32, #tpu.memory_space<vmem>>, %arg5: memref<1x1x128xf32, #tpu.memory_space<vmem>>, %arg6: memref<1x1x768xf32, #tpu.memory_space<vmem>>, %arg7: memref<1x128x768xf32, #tpu.memory_space<vmem>>, %arg8: memref<1x768x128xf32, #tpu.memory_space<vmem>>, %arg9: memref<1x1x128xf32, #tpu.memory_space<vmem>>, %arg10: memref<1x1x768xf32, #tpu.memory_space<vmem>>, %arg11: memref<1x128x768xf32, #tpu.memory_space<vmem>>, %arg12: memref<1x768x128xf32, #tpu.memory_space<vmem>>, %arg13: memref<1x1x128xf32, #tpu.memory_space<vmem>>, %arg14: memref<1x1x768xf32, #tpu.memory_space<vmem>>, %arg15: memref<1x128x768xf32, #tpu.memory_space<vmem>>, %arg16: memref<1x768x128xf32, #tpu.memory_space<vmem>>, %arg17: memref<1x1x128xf32, #tpu.memory_space<vmem>>, %arg18: memref<1x1x768xf32, #tpu.memory_space<vmem>>, %arg19: memref<512x768xf32, #tpu.memory_space<vmem>>) attributes {dimension_semantics = [#tpu.dimension_semantics<arbitrary>], iteration_bounds = array<i64: 8>, scalar_prefetch = 1 : i64, scratch_operands = 0 : i64, tpu.core_type = #tpu.core_type<tc>, window_params = [{transform_indices = @transform_0, window_bounds = array<i64: 512, 768>}, {transform_indices = @transform_1, window_bounds = array<i64: 1, 128, 768>}, {transform_indices = @transform_2, window_bounds = array<i64: 1, 768, 128>}, {transform_indices = @transform_3, window_bounds = array<i64: 1, 1, 128>}, {transform_indices = @transform_4, window_bounds = array<i64: 1, 1, 768>}, {transform_indices = @transform_5, window_bounds = array<i64: 1, 128, 768>}, {transform_indices = @transform_6, window_bounds = array<i64: 1, 768, 128>}, {transform_indices = @transform_7, window_bounds = array<i64: 1, 1, 128>}, {transform_indices = @transform_8, window_bounds = array<i64: 1, 1, 768>}, {transform_indices = @transform_9, window_bounds = array<i64: 1, 128, 768>}, {transform_indices = @transform_10, window_bounds = array<i64: 1, 768, 128>}, {transform_indices = @transform_11, window_bounds = array<i64: 1, 1, 128>}, {transform_indices = @transform_12, window_bounds = array<i64: 1, 1, 768>}, {transform_indices = @transform_13, window_bounds = array<i64: 1, 128, 768>}, {transform_indices = @transform_14, window_bounds = array<i64: 1, 768, 128>}, {transform_indices = @transform_15, window_bounds = array<i64: 1, 1, 128>}, {transform_indices = @transform_16, window_bounds = array<i64: 1, 1, 768>}, {transform_indices = @transform_17, window_bounds = array<i64: 512, 768>}]} {
    %get3A = arith.constant 0 : index
    %get3A_0 = arith.constant 0 : index
    %get3A_1 = vector.load %arg2[%get3A, %get3A_0] : memref<512x768xf32, #tpu.memory_space<vmem>>, vector<128x768xf32>
    %get3A_2 = arith.constant 0 : index
    %get3A_3 = arith.constant 0 : index
    %get3A_4 = arith.constant 0 : index
    %get3A_5 = vector.load %arg3[%get3A_2, %get3A_3, %get3A_4] : memref<1x128x768xf32, #tpu.memory_space<vmem>>, vector<1x128x768xf32>
    %get3A_6 = vector.shape_cast %get3A_5 : vector<1x128x768xf32> to vector<128x768xf32>
    %get3A_7 = arith.constant 0 : index
    %get3A_8 = arith.constant 0 : index
    %get3A_9 = arith.constant 0 : index
    %get3A_10 = vector.load %arg4[%get3A_7, %get3A_8, %get3A_9] : memref<1x768x128xf32, #tpu.memory_space<vmem>>, vector<1x768x128xf32>
    %get3A_11 = vector.shape_cast %get3A_10 : vector<1x768x128xf32> to vector<768x128xf32>
    %get3A_12 = arith.constant 0 : index
    %get3A_13 = arith.constant 0 : index
    %get3A_14 = arith.constant 0 : index
    %get3A_15 = vector.load %arg5[%get3A_12, %get3A_13, %get3A_14] : memref<1x1x128xf32, #tpu.memory_space<vmem>>, vector<1x1x128xf32>
    %get3A_16 = vector.shape_cast %get3A_15 : vector<1x1x128xf32> to vector<1x128xf32>
    %get3A_17 = arith.constant 0 : index
    %get3A_18 = arith.constant 0 : index
    %get3A_19 = arith.constant 0 : index
    %get3A_20 = vector.load %arg6[%get3A_17, %get3A_18, %get3A_19] : memref<1x1x768xf32, #tpu.memory_space<vmem>>, vector<1x1x768xf32>
    %get3A_21 = vector.shape_cast %get3A_20 : vector<1x1x768xf32> to vector<1x768xf32>
    %convert_element_type3A = arith.truncf %get3A_1 : vector<128x768xf32> to vector<128x768xbf16>
    %convert_element_type3A_22 = arith.truncf %get3A_6 : vector<128x768xf32> to vector<128x768xbf16>
    %dot_general3A = arith.constant dense<0.000000e+00> : vector<128x128xf32>
    %dot_general3A_23 = tpu.matmul %convert_element_type3A, %convert_element_type3A_22, %dot_general3A {dimension_numbers = #tpu.dot_dimension_numbers<[1], [1], [0], [0], [0, 0, 1, 0], [], []>, transpose_lhs_hint = false} : vector<128x768xbf16>, vector<128x768xbf16>, vector<128x128xf32> -> vector<128x128xf32>
    %add3A = vector.broadcast %get3A_16 : vector<1x128xf32> to vector<128x128xf32>
    %add3A_24 = arith.addf %dot_general3A_23, %add3A : vector<128x128xf32>
    %max3A = arith.constant 0.000000e+00 : f32
    %max3A_25 = vector.broadcast %max3A : f32 to vector<128x128xf32>
    %max3A_26 = arith.maximumf %add3A_24, %max3A_25 : vector<128x128xf32>
    %convert_element_type3A_27 = arith.truncf %max3A_26 : vector<128x128xf32> to vector<128x128xbf16>
    %convert_element_type3A_28 = arith.truncf %get3A_11 : vector<768x128xf32> to vector<768x128xbf16>
    %dot_general3A_29 = arith.constant dense<0.000000e+00> : vector<128x768xf32>
    %dot_general3A_30 = tpu.matmul %convert_element_type3A_27, %convert_element_type3A_28, %dot_general3A_29 {dimension_numbers = #tpu.dot_dimension_numbers<[1], [1], [0], [0], [0, 0, 1, 0], [], []>, transpose_lhs_hint = false} : vector<128x128xbf16>, vector<768x128xbf16>, vector<128x768xf32> -> vector<128x768xf32>
    %add3A_31 = vector.broadcast %get3A_21 : vector<1x768xf32> to vector<128x768xf32>
    %add3A_32 = arith.addf %dot_general3A_30, %add3A_31 : vector<128x768xf32>
    %swap3A = arith.constant 0 : index
    %swap3A_33 = arith.constant 0 : index
    %swap3A_34 = vector.load %arg19[%swap3A, %swap3A_33] : memref<512x768xf32, #tpu.memory_space<vmem>>, vector<128x768xf32>
    tpu.vector_store %arg19[%swap3A, %swap3A_33], %add3A_32 {strides = array<i32>} : memref<512x768xf32, #tpu.memory_space<vmem>>, vector<128x768xf32>,
    %get3A_35 = arith.constant 128 : index
    %get3A_36 = arith.constant 0 : index
    %get3A_37 = vector.load %arg2[%get3A_35, %get3A_36] : memref<512x768xf32, #tpu.memory_space<vmem>>, vector<128x768xf32>
    %get3A_38 = arith.constant 0 : index
    %get3A_39 = arith.constant 0 : index
    %get3A_40 = arith.constant 0 : index
    %get3A_41 = vector.load %arg7[%get3A_38, %get3A_39, %get3A_40] : memref<1x128x768xf32, #tpu.memory_space<vmem>>, vector<1x128x768xf32>
    %get3A_42 = vector.shape_cast %get3A_41 : vector<1x128x768xf32> to vector<128x768xf32>
    %get3A_43 = arith.constant 0 : index
    %get3A_44 = arith.constant 0 : index
    %get3A_45 = arith.constant 0 : index
    %get3A_46 = vector.load %arg8[%get3A_43, %get3A_44, %get3A_45] : memref<1x768x128xf32, #tpu.memory_space<vmem>>, vector<1x768x128xf32>
    %get3A_47 = vector.shape_cast %get3A_46 : vector<1x768x128xf32> to vector<768x128xf32>
    %get3A_48 = arith.constant 0 : index
    %get3A_49 = arith.constant 0 : index
    %get3A_50 = arith.constant 0 : index
    %get3A_51 = vector.load %arg9[%get3A_48, %get3A_49, %get3A_50] : memref<1x1x128xf32, #tpu.memory_space<vmem>>, vector<1x1x128xf32>
    %get3A_52 = vector.shape_cast %get3A_51 : vector<1x1x128xf32> to vector<1x128xf32>
    %get3A_53 = arith.constant 0 : index
    %get3A_54 = arith.constant 0 : index
    %get3A_55 = arith.constant 0 : index
    %get3A_56 = vector.load %arg10[%get3A_53, %get3A_54, %get3A_55] : memref<1x1x768xf32, #tpu.memory_space<vmem>>, vector<1x1x768xf32>
    %get3A_57 = vector.shape_cast %get3A_56 : vector<1x1x768xf32> to vector<1x768xf32>
    %convert_element_type3A_58 = arith.truncf %get3A_37 : vector<128x768xf32> to vector<128x768xbf16>
    %convert_element_type3A_59 = arith.truncf %get3A_42 : vector<128x768xf32> to vector<128x768xbf16>
    %dot_general3A_60 = arith.constant dense<0.000000e+00> : vector<128x128xf32>
    %dot_general3A_61 = tpu.matmul %convert_element_type3A_58, %convert_element_type3A_59, %dot_general3A_60 {dimension_numbers = #tpu.dot_dimension_numbers<[1], [1], [0], [0], [0, 0, 1, 0], [], []>, transpose_lhs_hint = false} : vector<128x768xbf16>, vector<128x768xbf16>, vector<128x128xf32> -> vector<128x128xf32>
    %add3A_62 = vector.broadcast %get3A_52 : vector<1x128xf32> to vector<128x128xf32>
    %add3A_63 = arith.addf %dot_general3A_61, %add3A_62 : vector<128x128xf32>
    %max3A_64 = arith.constant 0.000000e+00 : f32
    %max3A_65 = vector.broadcast %max3A_64 : f32 to vector<128x128xf32>
    %max3A_66 = arith.maximumf %add3A_63, %max3A_65 : vector<128x128xf32>
    %convert_element_type3A_67 = arith.truncf %max3A_66 : vector<128x128xf32> to vector<128x128xbf16>
    %convert_element_type3A_68 = arith.truncf %get3A_47 : vector<768x128xf32> to vector<768x128xbf16>
    %dot_general3A_69 = arith.constant dense<0.000000e+00> : vector<128x768xf32>
    %dot_general3A_70 = tpu.matmul %convert_element_type3A_67, %convert_element_type3A_68, %dot_general3A_69 {dimension_numbers = #tpu.dot_dimension_numbers<[1], [1], [0], [0], [0, 0, 1, 0], [], []>, transpose_lhs_hint = false} : vector<128x128xbf16>, vector<768x128xbf16>, vector<128x768xf32> -> vector<128x768xf32>
    %add3A_71 = vector.broadcast %get3A_57 : vector<1x768xf32> to vector<128x768xf32>
    %add3A_72 = arith.addf %dot_general3A_70, %add3A_71 : vector<128x768xf32>
    %swap3A_73 = arith.constant 128 : index
    %swap3A_74 = arith.constant 0 : index
    %swap3A_75 = vector.load %arg19[%swap3A_73, %swap3A_74] : memref<512x768xf32, #tpu.memory_space<vmem>>, vector<128x768xf32>
    tpu.vector_store %arg19[%swap3A_73, %swap3A_74], %add3A_72 {strides = array<i32>} : memref<512x768xf32, #tpu.memory_space<vmem>>, vector<128x768xf32>,
    %get3A_76 = arith.constant 256 : index
    %get3A_77 = arith.constant 0 : index
    %get3A_78 = vector.load %arg2[%get3A_76, %get3A_77] : memref<512x768xf32, #tpu.memory_space<vmem>>, vector<128x768xf32>
    %get3A_79 = arith.constant 0 : index
    %get3A_80 = arith.constant 0 : index
    %get3A_81 = arith.constant 0 : index
    %get3A_82 = vector.load %arg11[%get3A_79, %get3A_80, %get3A_81] : memref<1x128x768xf32, #tpu.memory_space<vmem>>, vector<1x128x768xf32>
    %get3A_83 = vector.shape_cast %get3A_82 : vector<1x128x768xf32> to vector<128x768xf32>
    %get3A_84 = arith.constant 0 : index
    %get3A_85 = arith.constant 0 : index
    %get3A_86 = arith.constant 0 : index
    %get3A_87 = vector.load %arg12[%get3A_84, %get3A_85, %get3A_86] : memref<1x768x128xf32, #tpu.memory_space<vmem>>, vector<1x768x128xf32>
    %get3A_88 = vector.shape_cast %get3A_87 : vector<1x768x128xf32> to vector<768x128xf32>
    %get3A_89 = arith.constant 0 : index
    %get3A_90 = arith.constant 0 : index
    %get3A_91 = arith.constant 0 : index
    %get3A_92 = vector.load %arg13[%get3A_89, %get3A_90, %get3A_91] : memref<1x1x128xf32, #tpu.memory_space<vmem>>, vector<1x1x128xf32>
    %get3A_93 = vector.shape_cast %get3A_92 : vector<1x1x128xf32> to vector<1x128xf32>
    %get3A_94 = arith.constant 0 : index
    %get3A_95 = arith.constant 0 : index
    %get3A_96 = arith.constant 0 : index
    %get3A_97 = vector.load %arg14[%get3A_94, %get3A_95, %get3A_96] : memref<1x1x768xf32, #tpu.memory_space<vmem>>, vector<1x1x768xf32>
    %get3A_98 = vector.shape_cast %get3A_97 : vector<1x1x768xf32> to vector<1x768xf32>
    %convert_element_type3A_99 = arith.truncf %get3A_78 : vector<128x768xf32> to vector<128x768xbf16>
    %convert_element_type3A_100 = arith.truncf %get3A_83 : vector<128x768xf32> to vector<128x768xbf16>
    %dot_general3A_101 = arith.constant dense<0.000000e+00> : vector<128x128xf32>
    %dot_general3A_102 = tpu.matmul %convert_element_type3A_99, %convert_element_type3A_100, %dot_general3A_101 {dimension_numbers = #tpu.dot_dimension_numbers<[1], [1], [0], [0], [0, 0, 1, 0], [], []>, transpose_lhs_hint = false} : vector<128x768xbf16>, vector<128x768xbf16>, vector<128x128xf32> -> vector<128x128xf32>
    %add3A_103 = vector.broadcast %get3A_93 : vector<1x128xf32> to vector<128x128xf32>
    %add3A_104 = arith.addf %dot_general3A_102, %add3A_103 : vector<128x128xf32>
    %max3A_105 = arith.constant 0.000000e+00 : f32
    %max3A_106 = vector.broadcast %max3A_105 : f32 to vector<128x128xf32>
    %max3A_107 = arith.maximumf %add3A_104, %max3A_106 : vector<128x128xf32>
    %convert_element_type3A_108 = arith.truncf %max3A_107 : vector<128x128xf32> to vector<128x128xbf16>
    %convert_element_type3A_109 = arith.truncf %get3A_88 : vector<768x128xf32> to vector<768x128xbf16>
    %dot_general3A_110 = arith.constant dense<0.000000e+00> : vector<128x768xf32>
    %dot_general3A_111 = tpu.matmul %convert_element_type3A_108, %convert_element_type3A_109, %dot_general3A_110 {dimension_numbers = #tpu.dot_dimension_numbers<[1], [1], [0], [0], [0, 0, 1, 0], [], []>, transpose_lhs_hint = false} : vector<128x128xbf16>, vector<768x128xbf16>, vector<128x768xf32> -> vector<128x768xf32>
    %add3A_112 = vector.broadcast %get3A_98 : vector<1x768xf32> to vector<128x768xf32>
    %add3A_113 = arith.addf %dot_general3A_111, %add3A_112 : vector<128x768xf32>
    %swap3A_114 = arith.constant 256 : index
    %swap3A_115 = arith.constant 0 : index
    %swap3A_116 = vector.load %arg19[%swap3A_114, %swap3A_115] : memref<512x768xf32, #tpu.memory_space<vmem>>, vector<128x768xf32>
    tpu.vector_store %arg19[%swap3A_114, %swap3A_115], %add3A_113 {strides = array<i32>} : memref<512x768xf32, #tpu.memory_space<vmem>>, vector<128x768xf32>,
    %get3A_117 = arith.constant 384 : index
    %get3A_118 = arith.constant 0 : index
    %get3A_119 = vector.load %arg2[%get3A_117, %get3A_118] : memref<512x768xf32, #tpu.memory_space<vmem>>, vector<128x768xf32>
    %get3A_120 = arith.constant 0 : index
    %get3A_121 = arith.constant 0 : index
    %get3A_122 = arith.constant 0 : index
    %get3A_123 = vector.load %arg15[%get3A_120, %get3A_121, %get3A_122] : memref<1x128x768xf32, #tpu.memory_space<vmem>>, vector<1x128x768xf32>
    %get3A_124 = vector.shape_cast %get3A_123 : vector<1x128x768xf32> to vector<128x768xf32>
    %get3A_125 = arith.constant 0 : index
    %get3A_126 = arith.constant 0 : index
    %get3A_127 = arith.constant 0 : index
    %get3A_128 = vector.load %arg16[%get3A_125, %get3A_126, %get3A_127] : memref<1x768x128xf32, #tpu.memory_space<vmem>>, vector<1x768x128xf32>
    %get3A_129 = vector.shape_cast %get3A_128 : vector<1x768x128xf32> to vector<768x128xf32>
    %get3A_130 = arith.constant 0 : index
    %get3A_131 = arith.constant 0 : index
    %get3A_132 = arith.constant 0 : index
    %get3A_133 = vector.load %arg17[%get3A_130, %get3A_131, %get3A_132] : memref<1x1x128xf32, #tpu.memory_space<vmem>>, vector<1x1x128xf32>
    %get3A_134 = vector.shape_cast %get3A_133 : vector<1x1x128xf32> to vector<1x128xf32>
    %get3A_135 = arith.constant 0 : index
    %get3A_136 = arith.constant 0 : index
    %get3A_137 = arith.constant 0 : index
    %get3A_138 = vector.load %arg18[%get3A_135, %get3A_136, %get3A_137] : memref<1x1x768xf32, #tpu.memory_space<vmem>>, vector<1x1x768xf32>
    %get3A_139 = vector.shape_cast %get3A_138 : vector<1x1x768xf32> to vector<1x768xf32>
    %convert_element_type3A_140 = arith.truncf %get3A_119 : vector<128x768xf32> to vector<128x768xbf16>
    %convert_element_type3A_141 = arith.truncf %get3A_124 : vector<128x768xf32> to vector<128x768xbf16>
    %dot_general3A_142 = arith.constant dense<0.000000e+00> : vector<128x128xf32>
    %dot_general3A_143 = tpu.matmul %convert_element_type3A_140, %convert_element_type3A_141, %dot_general3A_142 {dimension_numbers = #tpu.dot_dimension_numbers<[1], [1], [0], [0], [0, 0, 1, 0], [], []>, transpose_lhs_hint = false} : vector<128x768xbf16>, vector<128x768xbf16>, vector<128x128xf32> -> vector<128x128xf32>
    %add3A_144 = vector.broadcast %get3A_134 : vector<1x128xf32> to vector<128x128xf32>
    %add3A_145 = arith.addf %dot_general3A_143, %add3A_144 : vector<128x128xf32>
    %max3A_146 = arith.constant 0.000000e+00 : f32
    %max3A_147 = vector.broadcast %max3A_146 : f32 to vector<128x128xf32>
    %max3A_148 = arith.maximumf %add3A_145, %max3A_147 : vector<128x128xf32>
    %convert_element_type3A_149 = arith.truncf %max3A_148 : vector<128x128xf32> to vector<128x128xbf16>
    %convert_element_type3A_150 = arith.truncf %get3A_129 : vector<768x128xf32> to vector<768x128xbf16>
    %dot_general3A_151 = arith.constant dense<0.000000e+00> : vector<128x768xf32>
    %dot_general3A_152 = tpu.matmul %convert_element_type3A_149, %convert_element_type3A_150, %dot_general3A_151 {dimension_numbers = #tpu.dot_dimension_numbers<[1], [1], [0], [0], [0, 0, 1, 0], [], []>, transpose_lhs_hint = false} : vector<128x128xbf16>, vector<768x128xbf16>, vector<128x768xf32> -> vector<128x768xf32>
    %add3A_153 = vector.broadcast %get3A_139 : vector<1x768xf32> to vector<128x768xf32>
    %add3A_154 = arith.addf %dot_general3A_152, %add3A_153 : vector<128x768xf32>
    %swap3A_155 = arith.constant 384 : index
    %swap3A_156 = arith.constant 0 : index
    %swap3A_157 = vector.load %arg19[%swap3A_155, %swap3A_156] : memref<512x768xf32, #tpu.memory_space<vmem>>, vector<128x768xf32>
    tpu.vector_store %arg19[%swap3A_155, %swap3A_156], %add3A_154 {strides = array<i32>} : memref<512x768xf32, #tpu.memory_space<vmem>>, vector<128x768xf32>,
    return
  }
  func.func @transform_0(%arg0: i32, %arg1: memref<32xi32, #tpu.memory_space<smem>>) -> (i32, i32) {
    %c0_i32 = arith.constant 0 : i32
    %c0_i32_0 = arith.constant 0 : i32
    return %arg0, %c0_i32 : i32, i32
  }
  func.func @transform_1(%arg0: i32, %arg1: memref<32xi32, #tpu.memory_space<smem>>) -> (i32, i32, i32) {
    %mul3A = arith.constant 4 : i32
    %mul3A_0 = arith.muli %mul3A, %arg0 : i32
    %add3A = arith.constant 0 : i32
    %add3A_1 = arith.addi %mul3A_0, %add3A : i32
    %get3A = arith.index_cast %add3A_1 : i32 to index
    %get3A_2 = memref.load %arg1[%get3A] : memref<32xi32, #tpu.memory_space<smem>>
    %c0_i32 = arith.constant 0 : i32
    %c0_i32_3 = arith.constant 0 : i32
    %c0_i32_4 = arith.constant 0 : i32
    return %get3A_2, %c0_i32, %c0_i32_3 : i32, i32, i32
  }
  func.func @transform_2(%arg0: i32, %arg1: memref<32xi32, #tpu.memory_space<smem>>) -> (i32, i32, i32) {
    %mul3A = arith.constant 4 : i32
    %mul3A_0 = arith.muli %mul3A, %arg0 : i32
    %add3A = arith.constant 0 : i32
    %add3A_1 = arith.addi %mul3A_0, %add3A : i32
    %get3A = arith.index_cast %add3A_1 : i32 to index
    %get3A_2 = memref.load %arg1[%get3A] : memref<32xi32, #tpu.memory_space<smem>>
    %c0_i32 = arith.constant 0 : i32
    %c0_i32_3 = arith.constant 0 : i32
    %c0_i32_4 = arith.constant 0 : i32
    return %get3A_2, %c0_i32, %c0_i32_3 : i32, i32, i32
  }
  func.func @transform_3(%arg0: i32, %arg1: memref<32xi32, #tpu.memory_space<smem>>) -> (i32, i32, i32) {
    %mul3A = arith.constant 4 : i32
    %mul3A_0 = arith.muli %mul3A, %arg0 : i32
    %add3A = arith.constant 0 : i32
    %add3A_1 = arith.addi %mul3A_0, %add3A : i32
    %get3A = arith.index_cast %add3A_1 : i32 to index
    %get3A_2 = memref.load %arg1[%get3A] : memref<32xi32, #tpu.memory_space<smem>>
    %c0_i32 = arith.constant 0 : i32
    %c0_i32_3 = arith.constant 0 : i32
    %c0_i32_4 = arith.constant 0 : i32
    return %get3A_2, %c0_i32, %c0_i32_3 : i32, i32, i32
  }
  func.func @transform_4(%arg0: i32, %arg1: memref<32xi32, #tpu.memory_space<smem>>) -> (i32, i32, i32) {
    %mul3A = arith.constant 4 : i32
    %mul3A_0 = arith.muli %mul3A, %arg0 : i32
    %add3A = arith.constant 0 : i32
    %add3A_1 = arith.addi %mul3A_0, %add3A : i32
    %get3A = arith.index_cast %add3A_1 : i32 to index
    %get3A_2 = memref.load %arg1[%get3A] : memref<32xi32, #tpu.memory_space<smem>>
    %c0_i32 = arith.constant 0 : i32
    %c0_i32_3 = arith.constant 0 : i32
    %c0_i32_4 = arith.constant 0 : i32
    return %get3A_2, %c0_i32, %c0_i32_3 : i32, i32, i32
  }
  func.func @transform_5(%arg0: i32, %arg1: memref<32xi32, #tpu.memory_space<smem>>) -> (i32, i32, i32) {
    %mul3A = arith.constant 4 : i32
    %mul3A_0 = arith.muli %mul3A, %arg0 : i32
    %add3A = arith.constant 1 : i32
    %add3A_1 = arith.addi %mul3A_0, %add3A : i32
    %get3A = arith.index_cast %add3A_1 : i32 to index
    %get3A_2 = memref.load %arg1[%get3A] : memref<32xi32, #tpu.memory_space<smem>>
    %c0_i32 = arith.constant 0 : i32
    %c0_i32_3 = arith.constant 0 : i32
    %c0_i32_4 = arith.constant 0 : i32
    return %get3A_2, %c0_i32, %c0_i32_3 : i32, i32, i32
  }
  func.func @transform_6(%arg0: i32, %arg1: memref<32xi32, #tpu.memory_space<smem>>) -> (i32, i32, i32) {
    %mul3A = arith.constant 4 : i32
    %mul3A_0 = arith.muli %mul3A, %arg0 : i32
    %add3A = arith.constant 1 : i32
    %add3A_1 = arith.addi %mul3A_0, %add3A : i32
    %get3A = arith.index_cast %add3A_1 : i32 to index
    %get3A_2 = memref.load %arg1[%get3A] : memref<32xi32, #tpu.memory_space<smem>>
    %c0_i32 = arith.constant 0 : i32
    %c0_i32_3 = arith.constant 0 : i32
    %c0_i32_4 = arith.constant 0 : i32
    return %get3A_2, %c0_i32, %c0_i32_3 : i32, i32, i32
  }
  func.func @transform_7(%arg0: i32, %arg1: memref<32xi32, #tpu.memory_space<smem>>) -> (i32, i32, i32) {
    %mul3A = arith.constant 4 : i32
    %mul3A_0 = arith.muli %mul3A, %arg0 : i32
    %add3A = arith.constant 1 : i32
    %add3A_1 = arith.addi %mul3A_0, %add3A : i32
    %get3A = arith.index_cast %add3A_1 : i32 to index
    %get3A_2 = memref.load %arg1[%get3A] : memref<32xi32, #tpu.memory_space<smem>>
    %c0_i32 = arith.constant 0 : i32
    %c0_i32_3 = arith.constant 0 : i32
    %c0_i32_4 = arith.constant 0 : i32
    return %get3A_2, %c0_i32, %c0_i32_3 : i32, i32, i32
  }
  func.func @transform_8(%arg0: i32, %arg1: memref<32xi32, #tpu.memory_space<smem>>) -> (i32, i32, i32) {
    %mul3A = arith.constant 4 : i32
    %mul3A_0 = arith.muli %mul3A, %arg0 : i32
    %add3A = arith.constant 1 : i32
    %add3A_1 = arith.addi %mul3A_0, %add3A : i32
    %get3A = arith.index_cast %add3A_1 : i32 to index
    %get3A_2 = memref.load %arg1[%get3A] : memref<32xi32, #tpu.memory_space<smem>>
    %c0_i32 = arith.constant 0 : i32
    %c0_i32_3 = arith.constant 0 : i32
    %c0_i32_4 = arith.constant 0 : i32
    return %get3A_2, %c0_i32, %c0_i32_3 : i32, i32, i32
  }
  func.func @transform_9(%arg0: i32, %arg1: memref<32xi32, #tpu.memory_space<smem>>) -> (i32, i32, i32) {
    %mul3A = arith.constant 4 : i32
    %mul3A_0 = arith.muli %mul3A, %arg0 : i32
    %add3A = arith.constant 2 : i32
    %add3A_1 = arith.addi %mul3A_0, %add3A : i32
    %get3A = arith.index_cast %add3A_1 : i32 to index
    %get3A_2 = memref.load %arg1[%get3A] : memref<32xi32, #tpu.memory_space<smem>>
    %c0_i32 = arith.constant 0 : i32
    %c0_i32_3 = arith.constant 0 : i32
    %c0_i32_4 = arith.constant 0 : i32
    return %get3A_2, %c0_i32, %c0_i32_3 : i32, i32, i32
  }
  func.func @transform_10(%arg0: i32, %arg1: memref<32xi32, #tpu.memory_space<smem>>) -> (i32, i32, i32) {
    %mul3A = arith.constant 4 : i32
    %mul3A_0 = arith.muli %mul3A, %arg0 : i32
    %add3A = arith.constant 2 : i32
    %add3A_1 = arith.addi %mul3A_0, %add3A : i32
    %get3A = arith.index_cast %add3A_1 : i32 to index
    %get3A_2 = memref.load %arg1[%get3A] : memref<32xi32, #tpu.memory_space<smem>>
    %c0_i32 = arith.constant 0 : i32
    %c0_i32_3 = arith.constant 0 : i32
    %c0_i32_4 = arith.constant 0 : i32
    return %get3A_2, %c0_i32, %c0_i32_3 : i32, i32, i32
  }
  func.func @transform_11(%arg0: i32, %arg1: memref<32xi32, #tpu.memory_space<smem>>) -> (i32, i32, i32) {
    %mul3A = arith.constant 4 : i32
    %mul3A_0 = arith.muli %mul3A, %arg0 : i32
    %add3A = arith.constant 2 : i32
    %add3A_1 = arith.addi %mul3A_0, %add3A : i32
    %get3A = arith.index_cast %add3A_1 : i32 to index
    %get3A_2 = memref.load %arg1[%get3A] : memref<32xi32, #tpu.memory_space<smem>>
    %c0_i32 = arith.constant 0 : i32
    %c0_i32_3 = arith.constant 0 : i32
    %c0_i32_4 = arith.constant 0 : i32
    return %get3A_2, %c0_i32, %c0_i32_3 : i32, i32, i32
  }
  func.func @transform_12(%arg0: i32, %arg1: memref<32xi32, #tpu.memory_space<smem>>) -> (i32, i32, i32) {
    %mul3A = arith.constant 4 : i32
    %mul3A_0 = arith.muli %mul3A, %arg0 : i32
    %add3A = arith.constant 2 : i32
    %add3A_1 = arith.addi %mul3A_0, %add3A : i32
    %get3A = arith.index_cast %add3A_1 : i32 to index
    %get3A_2 = memref.load %arg1[%get3A] : memref<32xi32, #tpu.memory_space<smem>>
    %c0_i32 = arith.constant 0 : i32
    %c0_i32_3 = arith.constant 0 : i32
    %c0_i32_4 = arith.constant 0 : i32
    return %get3A_2, %c0_i32, %c0_i32_3 : i32, i32, i32
  }
  func.func @transform_13(%arg0: i32, %arg1: memref<32xi32, #tpu.memory_space<smem>>) -> (i32, i32, i32) {
    %mul3A = arith.constant 4 : i32
    %mul3A_0 = arith.muli %mul3A, %arg0 : i32
    %add3A = arith.constant 3 : i32
    %add3A_1 = arith.addi %mul3A_0, %add3A : i32
    %get3A = arith.index_cast %add3A_1 : i32 to index
    %get3A_2 = memref.load %arg1[%get3A] : memref<32xi32, #tpu.memory_space<smem>>
    %c0_i32 = arith.constant 0 : i32
    %c0_i32_3 = arith.constant 0 : i32
    %c0_i32_4 = arith.constant 0 : i32
    return %get3A_2, %c0_i32, %c0_i32_3 : i32, i32, i32
  }
  func.func @transform_14(%arg0: i32, %arg1: memref<32xi32, #tpu.memory_space<smem>>) -> (i32, i32, i32) {
    %mul3A = arith.constant 4 : i32
    %mul3A_0 = arith.muli %mul3A, %arg0 : i32
    %add3A = arith.constant 3 : i32
    %add3A_1 = arith.addi %mul3A_0, %add3A : i32
    %get3A = arith.index_cast %add3A_1 : i32 to index
    %get3A_2 = memref.load %arg1[%get3A] : memref<32xi32, #tpu.memory_space<smem>>
    %c0_i32 = arith.constant 0 : i32
    %c0_i32_3 = arith.constant 0 : i32
    %c0_i32_4 = arith.constant 0 : i32
    return %get3A_2, %c0_i32, %c0_i32_3 : i32, i32, i32
  }
  func.func @transform_15(%arg0: i32, %arg1: memref<32xi32, #tpu.memory_space<smem>>) -> (i32, i32, i32) {
    %mul3A = arith.constant 4 : i32
    %mul3A_0 = arith.muli %mul3A, %arg0 : i32
    %add3A = arith.constant 3 : i32
    %add3A_1 = arith.addi %mul3A_0, %add3A : i32
    %get3A = arith.index_cast %add3A_1 : i32 to index
    %get3A_2 = memref.load %arg1[%get3A] : memref<32xi32, #tpu.memory_space<smem>>
    %c0_i32 = arith.constant 0 : i32
    %c0_i32_3 = arith.constant 0 : i32
    %c0_i32_4 = arith.constant 0 : i32
    return %get3A_2, %c0_i32, %c0_i32_3 : i32, i32, i32
  }
  func.func @transform_16(%arg0: i32, %arg1: memref<32xi32, #tpu.memory_space<smem>>) -> (i32, i32, i32) {
    %mul3A = arith.constant 4 : i32
    %mul3A_0 = arith.muli %mul3A, %arg0 : i32
    %add3A = arith.constant 3 : i32
    %add3A_1 = arith.addi %mul3A_0, %add3A : i32
    %get3A = arith.index_cast %add3A_1 : i32 to index
    %get3A_2 = memref.load %arg1[%get3A] : memref<32xi32, #tpu.memory_space<smem>>
    %c0_i32 = arith.constant 0 : i32
    %c0_i32_3 = arith.constant 0 : i32
    %c0_i32_4 = arith.constant 0 : i32
    return %get3A_2, %c0_i32, %c0_i32_3 : i32, i32, i32
  }
  func.func @transform_17(%arg0: i32, %arg1: memref<32xi32, #tpu.memory_space<smem>>) -> (i32, i32) {
    %c0_i32 = arith.constant 0 : i32
    %c0_i32_0 = arith.constant 0 : i32
    return %arg0, %c0_i32 : i32, i32
  }
}

</mosaic_0001>

<sc_bundles>
// kernel: kernel.5.cloned.1.call-start
scs
__scs_entry_jumppad:
0x0: {  	(pc) =	sbr.rel $0x88, $3  }
0x1: {  	(tag) =	ssettag $0x0;
	lr =	simm.s32 $0x1  }
0x2: {  	[smem:$0x3F9B] =	sst lr;
	_ =	strace $0xD0000000  }
0x3: {  	_ = 	snop  }
0x4: {  	_ = 	snop  }
0x5: {  	_ = 	snop  }
0x6: {  	_ = 	snop  }
0x7: {  	_ = 	snop  }
__scs_overlays_trampoline_lowered:
0x8: {  	[smem:$0x3FAA] =	sst s0  }
0x9: {  	[smem:$0x3FAB] =	sst s1  }
0xa: {  	[smem:$0x3FAC] =	sst s2  }
0xb: {  	[smem:$0x3FAD] =	sst s3  }
0xc: {  	[smem:$0x3FAE] =	sst s4  }
0xd: {  	[smem:$0x3FAF] =	sst s5  }
0xe: {  	[smem:$0x3FB0] =	sst s6  }
0xf: {  	[smem:$0x3FB1] =	sst s7  }
0x10: {  	[smem:$0x3FB2] =	sst s8  }
0x11: {  	[smem:$0x3FB3] =	sst s9;
	s0 =	simm.s32 @!p0 $0x0  }
0x12: {  	s1 =	sld [smem:$0x3F99];
	s0 =	simm.s32 @p0 $0x1  }
0x13: {  	[smem:$0x3FB4] =	sst s0;
	s0 =	simm.s32 @!p1 $0x0  }
0x14: {  	s2 =	sld [smem:$0x3F98];
	s0 =	simm.s32 @p1 $0x1  }
0x15: {  	[smem:$0x3FB5] =	sst s0;
	s0 =	simm.s32 @!p2 $0x0  }
0x16: {  	s3 =	sld [smem:$0x3FDB];
	s0 =	simm.s32 @p2 $0x1  }
0x17: {  	s4 =	simm.s32 $0x1BF5;
	[smem:$0x3FB7] =	sst s0  }
0x18: {  	s0 =	sld [smem:$0x3F9A];
	_ =	swait.ge [sflag:s4], $0x0  }
0x19: {  	s7 =	sld [smem:$0x3F9B]  }
0x1a: {  	s8 =	sadd.s32 $0xFFFFE003, lr  }
0x1b: {  	s9 =	sadd.s32 $0xFFFFFEF7, lr;
	s5 =	simm.s32 $0xFFFFFFFF;
	p2 =	slt.u32 s8, $0xFFFFF086  }
0x1c: {  	p1 =	slt.u32 s9, $0xF7A;
	s5 =	simm.s32 @!p2 $0x0  }
0x1d: {  	s5 =	simm.s32 @p1 $0x1;
	p0 =	seq.s32 s7, s2  }
0x1e: {  	s7 =	smul.u32 @!p0 $0xF7A, s2;
	p2 =	seq.s32 @!p0 s5, $0x0  }
0x1f: {  	s9 =	smul.u32 $0xF7A, s1;
	s8 =	simm.s32 @!p0 $0x1BF5;
	p2 =	por !p2, p0  }
0x20: {  	[sflag:s8] =	ssyncset.s32 @!p0 $0xFFFFF086;
	s6 =	sadd.s32 @!p0 s3, s7;
	s7 =	simm.s32 @!p0 $0x108  }
0x21: {  	s3 =	sadd.s32 s3, s9;
	s6 =	sadd.s32 @!p0 $0x88, s6;
	s7 =	simm.s32 @p2 $0x1082  }
0x22: {  	[simem:s7], [sflag:s8] =	dma.local @!p0 [hbm:s6], $0xF7A  }
0x23: {  	s9 =	sor.u32 $0xD0000000, s2;
	s6 =	simm.s32 $0x108;
	_ =	swait.ge @!p0 [sflag:s8], $0x0  }
0x24: {  	s3 =	sadd.s32 $0x88, s3;
	s6 =	simm.s32 @!p1 $0x1082;
	[sflag:s4] =	ssyncset.s32 $0xFFFFF086  }
0x25: {  	[simem:s6], [sflag:s4] =	dma.local [hbm:s3], $0xF7A  }
0x26: {  	[smem:$0x3F9B] =	sst s1;
	(tag) =	ssettag s2;
	_ =	strace s9  }
0x27: {  	s1 =	sld [smem:$0x3FAB]  }
0x28: {  	s2 =	sld [smem:$0x3FAC]  }
0x29: {  	s4 =	sld [smem:$0x3FAE]  }
0x2a: {  	p0 =	seq.s32 s5, $0x0;
	s5 =	sld [smem:$0x3FAF]  }
0x2b: {  	s6 =	sld [smem:$0x3FB0]  }
0x2c: {  	s7 =	sld [smem:$0x3FB1]  }
0x2d: {  	s3 =	simm.s32 $0x108;
	s8 =	sld [smem:$0x3FB2]  }
0x2e: {  	s3 =	simm.s32 @!p0 $0x1082;
	s9 =	sld [smem:$0x3FB3]  }
0x2f: {  	lr =	sadd.s32 s0, s3;
	s0 =	sld [smem:$0x3FAA]  }
0x30: {  	s3 =	sld [smem:$0x3FAD]  }
0x31: {  	[smem:$0x3FB6] =	sst s10  }
0x32: {  	s10 =	sld [smem:$0x3FB4];
	_ =	sdelay $0x3  }
0x33: {  	p0 =	seq.s32 s10, $0x1;
	s10 =	sld [smem:$0x3FB6];
	_ =	sdelay $0x3  }
0x34: {  	[smem:$0x3FB6] =	sst s10  }
0x35: {  	s10 =	sld [smem:$0x3FB5];
	_ =	sdelay $0x3  }
0x36: {  	p1 =	seq.s32 s10, $0x1;
	s10 =	sld [smem:$0x3FB6];
	_ =	sdelay $0x3  }
0x37: {  	[smem:$0x3FB6] =	sst s10  }
0x38: {  	s10 =	sld [smem:$0x3FB7]  }
0x39: {  	_ = 	snop;
	(pc) =	sbr.ind lr, $3  }
0x3a: {  	_ = 	snop  }
0x3b: {  	_ = 	snop  }
0x3c: {  	p2 =	seq.s32 s10, $0x1;
	s10 =	sld [smem:$0x3FB6]  }
0x3d: {  	_ =	shalt  }
0x3e: {  	_ =	shalt  }
0x3f: {  	_ =	shalt  }
0x40: {  	_ =	shalt  }
0x41: {  	_ =	shalt  }
0x42: {  	_ =	shalt  }
0x43: {  	_ =	shalt  }
0x44: {  	_ =	shalt  }
0x45: {  	_ =	shalt  }
0x46: {  	_ =	shalt  }
0x47: {  	_ =	shalt  }
0x48: {  	_ =	shalt  }
0x49: {  	_ =	shalt  }
0x4a: {  	_ =	shalt  }
0x4b: {  	_ =	shalt  }
0x4c: {  	_ =	shalt  }
0x4d: {  	_ =	shalt  }
0x4e: {  	_ =	shalt  }
0x4f: {  	_ =	shalt  }
0x50: {  	_ =	shalt  }
0x51: {  	_ =	shalt  }
0x52: {  	_ =	shalt  }
0x53: {  	_ =	shalt  }
0x54: {  	_ =	shalt  }
0x55: {  	_ =	shalt  }
0x56: {  	_ =	shalt  }
0x57: {  	_ =	shalt  }
0x58: {  	_ =	shalt  }
0x59: {  	_ =	shalt  }
0x5a: {  	_ =	shalt  }
0x5b: {  	_ =	shalt  }
0x5c: {  	_ =	shalt  }
0x5d: {  	_ =	shalt  }
0x5e: {  	_ =	shalt  }
0x5f: {  	_ =	shalt  }
0x60: {  	_ =	shalt  }
0x61: {  	_ =	shalt  }
0x62: {  	_ =	shalt  }
0x63: {  	_ =	shalt  }
0x64: {  	_ =	shalt  }
0x65: {  	_ =	shalt  }
0x66: {  	_ =	shalt  }
0x67: {  	_ =	shalt  }
0x68: {  	_ =	shalt  }
0x69: {  	_ =	shalt  }
0x6a: {  	_ =	shalt  }
0x6b: {  	_ =	shalt  }
0x6c: {  	_ =	shalt  }
0x6d: {  	_ =	shalt  }
0x6e: {  	_ =	shalt  }
0x6f: {  	_ =	shalt  }
0x70: {  	_ =	shalt  }
0x71: {  	_ =	shalt  }
0x72: {  	_ =	shalt  }
0x73: {  	_ =	shalt  }
0x74: {  	_ =	shalt  }
0x75: {  	_ =	shalt  }
0x76: {  	_ =	shalt  }
0x77: {  	_ =	shalt  }
0x78: {  	_ =	shalt  }
0x79: {  	_ =	shalt  }
0x7a: {  	_ =	shalt  }
0x7b: {  	_ =	shalt  }
0x7c: {  	_ =	shalt  }
0x7d: {  	_ =	shalt  }
0x7e: {  	_ =	shalt  }
0x7f: {  	_ =	shalt  }
0x80: {  	_ =	shalt  }
0x81: {  	_ =	shalt  }
0x82: {  	_ =	shalt  }
0x83: {  	_ =	shalt  }
0x84: {  	_ =	shalt  }
0x85: {  	_ =	shalt  }
0x86: {  	_ =	shalt  }
0x87: {  	_ =	shalt  }
.Lfunc_end0:
.L_simem_size_0:
called_computation_lowered:
.L_overlay_start_0:
0x88: {  	s2 =	sld [smem:$0x3FD9]  }
0x89: {  	s3 =	sld [smem:$0x3FFE];
	_ =	sdelay $0x1  }
0x8a: {  	s1 =	srdreg.scid  }
0x8b: {  	s0 =	sand.u32 $0x1, s1  }
0x8c: {  	s17 =	sshll.u32 s0, $0xA;
	s2 =	sadd.s32 s3, s2  }
0x8d: {  	s2 =	sadd.s32 s2, s17  }
0x8e: {  	[smem:$0x3FC2] =	sst s2  }
0x8f: {  	_ = 	snop  }
0x90: {  	s2 =	sld [smem:$0x3FC9]  }
0x91: {  	s18 =	sld [smem:$0x3FC8]  }
0x92: {  	s4 =	sld [smem:$0x3FD0];
	(tm) =	ssettm $0x1  }
0x93: {  	s5 =	sld [smem:$0x3FFB];
	_ =	sdelay $0x3  }
0x94: {  	_ =	strace s5  }
0x95: {  	s5 =	sld [smem:$0x3FFC];
	_ =	sdelay $0x3  }
0x96: {  	_ =	strace s5  }
0x97: {  	s5 =	sld [smem:$0x3FFD];
	_ =	sdelay $0x3  }
0x98: {  	_ =	strace s5  }
0x99: {  	_ =	strace $0x8FFFFFFF  }
0x9a: {  	s19 =	sld [smem:$0x3FDB];
	_ =	sdelay $0x1  }
0x9b: {  	s6 =	simm.s32 $_scs_section_size  }
0x9c: {  	s7 =	simm.s32 $_size__tile_overlayer_lowered;
	s8 =	simm.s32 $_tile_overlayer_lowered  }
0x9d: {  	s22 =	simm.s32 $0x1BFF;
	s21 =	sshll.u32 s8, $0x1;
	s5 =	sadd.s32 s6, s19  }
0x9e: {  	s9 =	simm.s32 $0x0;
	s20 =	sshll.u32 s7, $0x1;
	s7 =	sadd.s32 s21, s5  }
0x9f: {  	[timem:s9], [sflag:s22] =	dma.local [hbm:s7], s20  }
0xa0: {  	_ =	swait.ge [sflag:s22], s20  }
0xa1: {  	s6 =	ssub.s32 $0x0, s20;
	[sflag:s22] =	ssyncset.done $0x0  }
0xa2: {  	[sflag:s22] =	ssyncadd.s32 s6;
	_ =	sdelay $0x1  }
0xa3: {  	s23 =	simm.s32 $0x1B8B  }
0xa4: {  	_ =	swait.ge [sflag:s23], $0x1  }
0xa5: {  	[sflag:s23] =	ssyncset.done $0x0  }
0xa6: {  	s25 =	simm.s32 $0x1B8E;
	s24 =	sld [smem:$0x3FFE];
	[sflag:s23] =	ssyncadd.s32 $0xFFFFFFFF  }
0xa7: {  	s26 =	simm.s32 $execute0_lowered;
	[smem:$0x3FD2] =	sst s25  }
0xa8: {  	s7 =	sshll.u32 s26, $0x1;
	_ =	strace $0x80000046;
	[dreg:$0x1] =	wrdreg $0xFFFFFFFF  }
0xa9: {  	s28 =	simm.s32 $_size_execute0_lowered;
	s5 =	sadd.s32 s5, s7;
	[dreg:$0x0] =	wrdreg $0x0  }
0xaa: {  	s7 =	sshll.u32 s28, $0x1;
	[dreg:$0x2] =	wrdreg s5  }
0xab: {  	[dreg:$0x3] =	wrdreg s7  }
0xac: {  	[dreg:$0x4] =	wrdreg $0xC0  }
0xad: {  	_ =	task [dreg:s9], $0x5FFFF  }
0xae: {  	[dreg:$0x1] =	wrdreg $0xFFFFFFFF  }
0xaf: {  	[dreg:$0x0] =	wrdreg $0x60  }
0xb0: {  	[dreg:$0x2] =	wrdreg s18  }
0xb1: {  	[dreg:$0x3] =	wrdreg s2  }
0xb2: {  	[dreg:$0x4] =	wrdreg s24  }
0xb3: {  	[dreg:$0x5] =	wrdreg s4  }
0xb4: {  	[dreg:$0x6] =	wrdreg $0xC4800  }
0xb5: {  	[dreg:$0x7] =	wrdreg $0x9  }
0xb6: {  	_ =	task.clear_ibuf [dreg:s9], $0x8FFFF;
	_ =	strace $0x90000046  }
0xb7: {  	s29 =	simm.s32 $0x9;
	_ =	strace $0x80000048  }
0xb8: {  	_ =	swait.ge [sflag:s29], $0x1  }
0xb9: {  	[sflag:s29] =	ssyncadd.s32 $0xFFFFFFFF  }
0xba: {  	_ =	strace $0x90000048  }
0xbb: {  	_ =	sfence  }
0xbc: {  	s30 =	sld [smem:$0x0];
	_ =	sdelay $0x2  }
0xbd: {  	s31 =	sshll.u32 s1, $0xD;
	s1 =	sshrl.u32 s1, $0x2  }
0xbe: {  	s3 =	sand.u32 $0x4000, s31;
	s1 =	sadd.s32 s1, s30  }
0xbf: {  	s0 =	sor.u32 s3, s0;
	s1 =	sshll.u32 s1, $0x11  }
0xc0: {  	s0 =	sor.u32 s1, s0  }
0xc1: {  	s0 =	sadd.s32 $0x8F2B, s0  }
0xc2: {  	[sflag:s0] =	ssyncadd.remote.s32 $0x1  }
0xc3: {  	_ =	sfence.sel $0xFFFF  }
0xc4: {  	[dreg:$0x0] =	wrdreg $0xFFFFFFFF;
	(pc) =	sbr.abs _section_cstart, $3  }
0xc5: {  	[dreg:$0x1] =	wrdreg $0xFFFFFFFF  }
0xc6: {  	_ =	task.clear_ibuf [dreg:s9], $0x2FFFF;
	_ =	strace $0x9FFFFFFF  }
0xc7: {  	(tm) =	ssettm $0x7FFFFFFF  }
tec
execute0_lowered:
.L_overlay_start_1:
0x0: {  	(tag) =	ssettag $0x1  }
0x1: {  	s0 =	rddreg [dreg:$0x0]  }
0x2: {  	s1 =	rddreg [dreg:$0x1]  }
0x3: {  	s2 =	rddreg [dreg:$0x2]  }
0x4: {  	s13 =	rddreg [dreg:$0x4];
	s4 =	simm.s32 $0x0;
	s5 =	srdreg.scid  }
0x5: {  	s3 =	stileid.u32;
	s16 =	simm.s32 $0x400;
	s17 =	simm.s32 $0x3  }
0x6: {  	s20 =	simm.s32 $0x1;
	s22 =	simm.s32 $0x2;
	s19 =	simm.s32 $0x6C00  }
0x7: {  	s21 =	simm.s32 $0x7400;
	s23 =	simm.s32 $0x7C00;
	s28 =	simm.s32 $0x9C00  }
0x8: {  	s29 =	simm.s32 $0xA400;
	s30 =	simm.s32 $0xAC00;
	s31 =	simm.s32 $0xB400  }
0x9: {  	[smem:$0x7FF] =	sst s4;
	s11 =	sand.u32 $0x1, s5;
	s24 =	sshll.u32 s3, $0x1  }
0xa: {  	s6 =	sadd.s32 $0x1600, s2;
	s26 =	sshll.u32 s3, $0x4;
	s10 =	sshll.u32 s3, $0x5  }
0xb: {  	s14 =	sadd.s32 $0x1800, s2;
	_ =	strace $0x80000047;
	s5 =	sor.u32 s11, s24  }
0xc: {  	s8 =	ssub.s32 $0x2, s11;
	s11 =	sshll.u32 s11, $0x6;
	s24 =	simm.s32 $0x8400  }
0xd: {  	s7 =	sshll.u32 s5, $0x3;
	s25 =	sshrl.u32 s8, $0x1;
	s9 =	smul.u32 $0x1800, s5  }
.Ltmp0:
0xe: {  	v51 =	vlaneseq.u32;
	vm14 =	vcmask $0x3B00;
	vm15 =	vcmask $0x300;
	p0 =	sne.s32 s5, $0x0;
	s12 =	sadd.s32 s7, s2;
	(pc) =	sbr.rel .LBB2_1-.Ltmp0, $4  }
0xf: {  	vm0 =	vcmask $0x700;
	vm1 =	vcmask $0xB00;
	vm2 =	vcmask $0xF00;
	s15 =	ssub.s32 s8, s25;
	s8 =	sadd.s32 s0, s26;
	s25 =	simm.s32 $0x8C00  }
0x10: {  	vm3 =	vcmask $0x1300;
	vm4 =	vcmask $0x1700;
	vm5 =	vcmask $0x1B00;
	s26 =	simm.s32 $0x9400;
	s0 =	simm.s32 $0xBC00;
	s7 =	sadd.s32 s1, s9  }
0x11: {  	vm6 =	vcmask $0x2300;
	vm7 =	vcmask $0x2700;
	vm8 =	vcmask $0x2B00;
	s9 =	sadd.s32 s10, s13;
	s12 =	sadd.s32 $0x61600, s12;
	s13 =	sadd.s32 $0x1700, s2  }
0x12: {  	vm9 =	vcmask $0x2F00;
	vm10 =	vcmask $0x3300;
	vm11 =	vcmask $0x3700;
	s15 =	smax.u32 s15, $0x1;
	s2 =	simm.s32 $0x0;
	s10 =	sadd.s32 $0x10, s9  }
.LBB2_5:
0x13: {  	s2 =	sadd.s32 $0x1, s2  }
0x14: {  	p1 =	sne.s32 s2, s15  }
.Ltmp1:
0x15: {  	_ = 	snop;
	(pc) =	sbr.rel @!p1 .LBB2_6-.Ltmp1, $1  }
0x16: {  	_ =	sdelay $0x3  }
.LBB2_1:
0x17: {  	[tilespmem:s16], [sflag:$0x2] =	stream.linear.gather [hbm4b:s7+s4], $0xC000, $0x38;
	[tilespmem:$0xC4A0] =	vst v63  }
0x18: {  	_ = 	snop  }
0x19: {  	[tilespmem:s4], [sflag:$0x3] =	stream.linear.gather [hbm4b:s8+s4], $0x80, $0x38;
	[tilespmem:$0xC4A0] =	vst v63  }
0x1a: {  	_ =	swait.ge [sflag:s17], $0x80  }
0x1b: {  	[sflag:s17] =	ssyncset.done $0x0  }
0x1c: {  	[sflag:s17] =	ssyncadd.s32 $0xFFFFFF80  }
0x1d: {  	v1 =	vld [tilespmem:$0x0];
	_ =	sdelay $0x4  }
0x1e: {  	v2 =	vbroadcast v1, $0x0;
	v4 =	vbroadcast v1, $0x1  }
0x1f: {  	v5 =	vbroadcast v1, $0x2;
	v6 =	vbroadcast v1, $0x3  }
0x20: {  	v7 =	vbroadcast v1, $0x4;
	v8 =	vbroadcast v1, $0x5  }
0x21: {  	v30 =	vld [tilespmem:$0x10];
	v9 =	vbroadcast v1, $0x6;
	v10 =	vbroadcast v1, $0x7  }
0x22: {  	v11 =	vbroadcast v1, $0x8;
	v12 =	vbroadcast v1, $0x9  }
0x23: {  	v13 =	vbroadcast v1, $0xA;
	v14 =	vbroadcast v1, $0xB  }
0x24: {  	v15 =	vbroadcast v1, $0xC;
	v16 =	vbroadcast v1, $0xD  }
0x25: {  	v17 =	vbroadcast v1, $0xE;
	v1 =	vbroadcast v1, $0xF  }
0x26: {  	v18 =	vbroadcast v30, $0x0;
	v19 =	vbroadcast v30, $0x1  }
0x27: {  	v20 =	vbroadcast v30, $0x2;
	v21 =	vbroadcast v30, $0x3  }
0x28: {  	v22 =	vbroadcast v30, $0x4;
	v23 =	vbroadcast v30, $0x5  }
0x29: {  	v24 =	vbroadcast v30, $0x6;
	v25 =	vbroadcast v30, $0x7  }
0x2a: {  	v26 =	vbroadcast v30, $0x8;
	v27 =	vbroadcast v30, $0x9  }
0x2b: {  	v46 =	vbroadcast v30, $0xA;
	v29 =	vbroadcast v30, $0xB  }
0x2c: {  	v31 =	vbroadcast v30, $0xC;
	v32 =	vbroadcast v30, $0xD  }
0x2d: {  	v50 =	vbroadcast v30, $0xE;
	v34 =	vbroadcast v30, $0xF  }
0x2e: {  	v2 =	vsub.s32 v51, v2;
	v4 =	vsub.s32 v51, v4;
	v5 =	vsub.s32 v51, v5  }
0x2f: {  	v7 =	vsub.s32 v51, v7;
	v9 =	vsub.s32 v51, v9;
	v11 =	vsub.s32 v51, v11  }
0x30: {  	v13 =	vsub.s32 v51, v13;
	v15 =	vsub.s32 v51, v15;
	v17 =	vsub.s32 v51, v17  }
0x31: {  	v1 =	vsub.s32 v51, v1;
	v18 =	vsub.s32 v51, v18;
	v20 =	vsub.s32 v51, v20  }
0x32: {  	v22 =	vsub.s32 v51, v22;
	v24 =	vsub.s32 v51, v24;
	v26 =	vsub.s32 v51, v26  }
0x33: {  	v27 =	vsub.s32 v51, v27;
	v29 =	vsub.s32 v51, v29;
	v31 =	vsub.s32 v51, v31  }
0x34: {  	v32 =	vsub.s32 v51, v32;
	v54 =	vsub.s32 v51, v34;
	v3 =	vsub.s32 $0x0, v2  }
0x35: {  	v40 =	vsub.s32 $0x0, v7;
	v41 =	vsub.s32 $0x0, v9;
	v42 =	vsub.s32 $0x0, v11  }
0x36: {  	v43 =	vsub.s32 $0x0, v13;
	v44 =	vsub.s32 $0x0, v15;
	v45 =	vsub.s32 $0x0, v17  }
0x37: {  	v28 =	vsub.s32 $0x0, v27;
	v48 =	vsub.s32 $0x0, v29;
	v2 =	vmin.u32 v2, v3  }
0x38: {  	v49 =	vsub.s32 $0x0, v31;
	v33 =	vsub.s32 $0x0, v32;
	vm12 =	vlt.s32 v2, $0x1  }
0x39: {  	v34 =	vsub.s32 $0x0, v54;
	v3 =	vnsel vm12, $0x1, v2;
	v2 =	vsub.s32 $0x0, v4  }
0x3a: {  	v7 =	vmin.u32 v7, v40;
	v11 =	vmin.u32 v11, v42;
	v2 =	vmin.u32 v4, v2  }
0x3b: {  	v13 =	vmin.u32 v13, v43;
	v42 =	vld [tilespmem:$0x20];
	v4 =	vsub.s32 $0x0, v5;
	vm12 =	vlt.s32 v2, $0x1  }
0x3c: {  	v5 =	vmin.u32 v5, v4;
	v4 =	vnsel vm12, $0x1, v2;
	v2 =	vsub.s32 v51, v6  }
0x3d: {  	v15 =	vmin.u32 v15, v44;
	v17 =	vmin.u32 v17, v45;
	v6 =	vsub.s32 $0x0, v2  }
0x3e: {  	v27 =	vmin.u32 v27, v28;
	vm12 =	vlt.s32 v5, $0x1;
	v2 =	vmin.u32 v2, v6  }
0x3f: {  	v32 =	vmin.u32 v32, v33;
	v5 =	vnsel vm12, $0x1, v5;
	vm12 =	vlt.s32 v2, $0x1  }
0x40: {  	v53 =	vbroadcast v42, $0x0;
	v6 =	vnsel vm12, $0x1, v2;
	v2 =	vsub.s32 v51, v8  }
0x41: {  	v35 =	vbroadcast v42, $0x1;
	v56 =	vbroadcast v42, $0x2;
	v8 =	vsub.s32 $0x0, v2  }
0x42: {  	v37 =	vbroadcast v42, $0x3;
	vm12 =	vlt.s32 v7, $0x1;
	v2 =	vmin.u32 v2, v8  }
0x43: {  	v38 =	vbroadcast v42, $0x4;
	v7 =	vnsel vm12, $0x1, v7;
	vm12 =	vlt.s32 v2, $0x1  }
0x44: {  	v8 =	vmin.u32 v9, v41;
	v9 =	vnsel vm12, $0x1, v2;
	v2 =	vsub.s32 v51, v10  }
0x45: {  	v39 =	vbroadcast v42, $0x5;
	v60 =	vbroadcast v42, $0x6;
	v10 =	vsub.s32 $0x0, v2  }
0x46: {  	v43 =	vbroadcast v42, $0x8;
	vm12 =	vlt.s32 v8, $0x1;
	v2 =	vmin.u32 v2, v10  }
0x47: {  	v44 =	vbroadcast v42, $0x9;
	v8 =	vnsel vm12, $0x1, v8;
	vm12 =	vlt.s32 v2, $0x1  }
0x48: {  	v3 =	vadd.s32 v4, v3;
	v10 =	vnsel vm12, $0x1, v2;
	v2 =	vsub.s32 v51, v12  }
0x49: {  	v33 =	vsub.s32 v51, v53;
	v35 =	vsub.s32 v51, v35;
	v12 =	vsub.s32 $0x0, v2  }
0x4a: {  	v37 =	vsub.s32 v51, v37;
	vm12 =	vlt.s32 v11, $0x1;
	v2 =	vmin.u32 v2, v12  }
0x4b: {  	v38 =	vsub.s32 v51, v38;
	v11 =	vnsel vm12, $0x1, v11;
	vm12 =	vlt.s32 v2, $0x1  }
0x4c: {  	v39 =	vsub.s32 v51, v39;
	v12 =	vnsel vm12, $0x1, v2;
	v2 =	vsub.s32 v51, v14  }
0x4d: {  	v43 =	vsub.s32 v51, v43;
	v44 =	vsub.s32 v51, v44;
	v14 =	vsub.s32 $0x0, v2  }
0x4e: {  	v53 =	vbroadcast v42, $0xD;
	vm12 =	vlt.s32 v13, $0x1;
	v2 =	vmin.u32 v2, v14  }
0x4f: {  	v3 =	vadd.s32 v5, v3;
	v13 =	vnsel vm12, $0x1, v13;
	vm12 =	vlt.s32 v2, $0x1  }
0x50: {  	v55 =	vsub.s32 $0x0, v33;
	v14 =	vnsel vm12, $0x1, v2;
	v2 =	vsub.s32 v51, v16  }
0x51: {  	v36 =	vsub.s32 $0x0, v35;
	v58 =	vsub.s32 $0x0, v37;
	v16 =	vsub.s32 $0x0, v2  }
0x52: {  	v59 =	vsub.s32 $0x0, v38;
	vm12 =	vlt.s32 v15, $0x1;
	v2 =	vmin.u32 v2, v16  }
0x53: {  	v40 =	vsub.s32 $0x0, v39;
	v15 =	vnsel vm12, $0x1, v15;
	vm12 =	vlt.s32 v2, $0x1  }
0x54: {  	v63 =	vsub.s32 $0x0, v43;
	v16 =	vnsel vm12, $0x1, v2;
	v2 =	vsub.s32 $0x0, v1  }
0x55: {  	vm12 =	vlt.s32 v17, $0x1;
	v1 =	vmin.u32 v1, v2;
	v2 =	vsub.s32 $0x0, v18  }
0x56: {  	v17 =	vnsel vm12, $0x1, v17;
	vm12 =	vlt.s32 v1, $0x1;
	v2 =	vmin.u32 v18, v2  }
0x57: {  	v18 =	vnsel vm12, $0x1, v1;
	vm12 =	vlt.s32 v2, $0x1;
	v1 =	vsub.s32 v51, v19  }
0x58: {  	v45 =	vsub.s32 $0x0, v44;
	v19 =	vnsel vm12, $0x1, v2;
	v2 =	vsub.s32 $0x0, v1  }
0x59: {  	v33 =	vmin.u32 v33, v55;
	v1 =	vmin.u32 v1, v2;
	v2 =	vsub.s32 $0x0, v20  }
0x5a: {  	v35 =	vmin.u32 v35, v36;
	vm12 =	vlt.s32 v1, $0x1;
	v2 =	vmin.u32 v20, v2  }
0x5b: {  	v20 =	vnsel vm12, $0x1, v1;
	vm12 =	vlt.s32 v2, $0x1;
	v1 =	vsub.s32 v51, v21  }
0x5c: {  	v39 =	vmin.u32 v39, v40;
	v21 =	vnsel vm12, $0x1, v2;
	v2 =	vsub.s32 $0x0, v1  }
0x5d: {  	v44 =	vmin.u32 v44, v45;
	v1 =	vmin.u32 v1, v2;
	v2 =	vsub.s32 $0x0, v22  }
0x5e: {  	v3 =	vadd.s32 v6, v3;
	vm12 =	vlt.s32 v1, $0x1;
	v2 =	vmin.u32 v22, v2  }
0x5f: {  	v22 =	vnsel vm12, $0x1, v1;
	vm12 =	vlt.s32 v2, $0x1;
	v1 =	vsub.s32 v51, v23  }
0x60: {  	v41 =	vbroadcast v42, $0x7;
	v23 =	vnsel vm12, $0x1, v2;
	v2 =	vsub.s32 $0x0, v1  }
0x61: {  	v3 =	vadd.s32 v7, v3;
	v1 =	vmin.u32 v1, v2;
	v2 =	vsub.s32 $0x0, v24  }
0x62: {  	v41 =	vsub.s32 v51, v41;
	vm12 =	vlt.s32 v1, $0x1;
	v2 =	vmin.u32 v24, v2  }
0x63: {  	v24 =	vnsel vm12, $0x1, v1;
	vm12 =	vlt.s32 v2, $0x1;
	v1 =	vsub.s32 v51, v25  }
0x64: {  	v62 =	vsub.s32 $0x0, v41;
	v25 =	vnsel vm12, $0x1, v2;
	v2 =	vsub.s32 $0x0, v1  }
0x65: {  	v9 =	vadd.s32 v9, v3;
	v1 =	vmin.u32 v1, v2;
	v2 =	vsub.s32 $0x0, v26  }
0x66: {  	vm12 =	vlt.s32 v1, $0x1;
	v2 =	vmin.u32 v26, v2;
	v26 =	vsub.s32 v51, v46  }
0x67: {  	v1 =	vnsel vm12, $0x1, v1;
	vm12 =	vlt.s32 v2, $0x1;
	v47 =	vsub.s32 $0x0, v26  }
0x68: {  	v2 =	vnsel vm12, $0x1, v2;
	vm12 =	vlt.s32 v27, $0x1;
	v28 =	vmin.u32 v26, v47  }
0x69: {  	v46 =	vbroadcast v42, $0xB;
	v26 =	vnsel vm12, $0x1, v27;
	vm12 =	vlt.s32 v28, $0x1  }
0x6a: {  	v3 =	vld [tilespmem:$0x30];
	v47 =	vbroadcast v42, $0xC;
	v27 =	vnsel vm12, $0x1, v28;
	v28 =	vmin.u32 v29, v48  }
0x6b: {  	v29 =	vmin.u32 v31, v49;
	v31 =	vsub.s32 v51, v50;
	v48 =	vbroadcast v42, $0xA  }
0x6c: {  	v50 =	vsub.s32 v51, v46;
	vm12 =	vlt.s32 v28, $0x1;
	v52 =	vsub.s32 $0x0, v31  }
0x6d: {  	v46 =	vsub.s32 $0x0, v50;
	v28 =	vnsel vm12, $0x1, v28;
	vm12 =	vlt.s32 v29, $0x1  }
0x6e: {  	v31 =	vmin.u32 v31, v52;
	v45 =	vmin.u32 v50, v46;
	v52 =	vsub.s32 v51, v47  }
0x6f: {  	v47 =	vbroadcast v3, $0x5;
	v29 =	vnsel vm12, $0x1, v29;
	vm12 =	vlt.s32 v32, $0x1  }
0x70: {  	v4 =	vsub.s32 $0x0, v52;
	v30 =	vnsel vm12, $0x1, v32;
	vm12 =	vlt.s32 v31, $0x1  }
0x71: {  	v32 =	vmin.u32 v54, v34;
	v34 =	vsub.s32 v51, v56;
	v4 =	vmin.u32 v52, v4  }
0x72: {  	v54 =	vsub.s32 v51, v53;
	v56 =	vbroadcast v42, $0xE;
	v52 =	vbroadcast v3, $0x7  }
0x73: {  	v31 =	vnsel vm12, $0x1, v31;
	vm12 =	vlt.s32 v32, $0x1;
	v57 =	vsub.s32 $0x0, v34  }
0x74: {  	v55 =	vsub.s32 $0x0, v54;
	v32 =	vnsel vm12, $0x1, v32;
	vm12 =	vlt.s32 v33, $0x1  }
0x75: {  	v36 =	vmin.u32 v34, v57;
	v6 =	vmin.u32 v54, v55;
	v57 =	vadd.s32 v8, v9  }
0x76: {  	v54 =	vbroadcast v3, $0x8;
	v33 =	vnsel vm12, $0x1, v33;
	vm12 =	vlt.s32 v35, $0x1  }
0x77: {  	v53 =	vsub.s32 v51, v52;
	v7 =	vadd.s32 v10, v57;
	v34 =	vnsel vm12, $0x1, v35  }
0x78: {  	vm12 =	vlt.s32 v36, $0x1;
	v7 =	vadd.s32 v11, v7;
	v55 =	vsub.s32 v51, v54  }
0x79: {  	v35 =	vnsel vm12, $0x1, v36;
	v36 =	vmin.u32 v37, v58;
	v37 =	vmin.u32 v38, v59  }
0x7a: {  	v38 =	vsub.s32 v51, v60;
	v58 =	vsub.s32 v51, v56;
	v60 =	vbroadcast v42, $0xF  }
0x7b: {  	v7 =	vadd.s32 v12, v7;
	v56 =	vbroadcast v3, $0x9;
	vm12 =	vlt.s32 v36, $0x1  }
0x7c: {  	v61 =	vsub.s32 $0x0, v38;
	v59 =	vsub.s32 $0x0, v58;
	v7 =	vadd.s32 v13, v7  }
0x7d: {  	v36 =	vnsel vm12, $0x1, v36;
	vm12 =	vlt.s32 v37, $0x1;
	v40 =	vmin.u32 v38, v61  }
0x7e: {  	v8 =	vmin.u32 v58, v59;
	v61 =	vsub.s32 v51, v60;
	v7 =	vadd.s32 v14, v7  }
0x7f: {  	v57 =	vsub.s32 v51, v56;
	v58 =	vbroadcast v3, $0xA;
	v60 =	vbroadcast v3, $0xB  }
0x80: {  	v37 =	vnsel vm12, $0x1, v37;
	vm12 =	vlt.s32 v39, $0x1;
	v10 =	vsub.s32 $0x0, v61  }
0x81: {  	v7 =	vadd.s32 v15, v7;
	v38 =	vnsel vm12, $0x1, v39;
	vm12 =	vlt.s32 v40, $0x1  }
0x82: {  	v9 =	vmin.u32 v61, v10;
	v7 =	vadd.s32 v16, v7;
	v16 =	vbroadcast v3, $0x1  }
0x83: {  	v59 =	vsub.s32 v51, v58;
	v61 =	vsub.s32 v51, v60;
	v39 =	vnsel vm12, $0x1, v40  }
0x84: {  	v40 =	vmin.u32 v41, v62;
	v41 =	vmin.u32 v43, v63;
	v43 =	vsub.s32 v51, v48  }
0x85: {  	v62 =	vbroadcast v3, $0x0;
	v7 =	vadd.s32 v17, v7;
	v48 =	vsub.s32 v51, v47  }
0x86: {  	v17 =	vsub.s32 $0x0, v55;
	vm12 =	vlt.s32 v40, $0x1;
	v49 =	vsub.s32 $0x0, v43  }
0x87: {  	v7 =	vadd.s32 v18, v7;
	v18 =	vsub.s32 v51, v16;
	v16 =	vsub.s32 $0x0, v53  }
0x88: {  	v40 =	vnsel vm12, $0x1, v40;
	vm12 =	vlt.s32 v41, $0x1;
	v43 =	vmin.u32 v43, v49  }
0x89: {  	v63 =	vsub.s32 v51, v62;
	v7 =	vadd.s32 v19, v7;
	v12 =	vsub.s32 $0x0, v18  }
0x8a: {  	v19 =	vbroadcast v3, $0x2;
	v49 =	vbroadcast v3, $0x6;
	v62 =	vsub.s32 $0x0, v61  }
0x8b: {  	v41 =	vnsel vm12, $0x1, v41;
	vm12 =	vlt.s32 v44, $0x1;
	vm13 =	vlt.s32 v43, $0x1  }
0x8c: {  	v11 =	vsub.s32 $0x0, v63;
	v7 =	vadd.s32 v20, v7;
	v44 =	vnsel vm12, $0x1, v44  }
0x8d: {  	v43 =	vnsel vm13, $0x1, v43;
	vm12 =	vlt.s32 v45, $0x1;
	v7 =	vadd.s32 v21, v7  }
0x8e: {  	v10 =	vmin.u32 v63, v11;
	v11 =	vmin.u32 v18, v12;
	v7 =	vadd.s32 v22, v7  }
0x8f: {  	v21 =	vsub.s32 v51, v19;
	v50 =	vsub.s32 v51, v49;
	v7 =	vadd.s32 v23, v7  }
0x90: {  	v18 =	vsub.s32 $0x0, v57;
	v63 =	vbroadcast v3, $0xC;
	v7 =	vadd.s32 v24, v7  }
0x91: {  	v5 =	vnsel vm12, $0x1, v45;
	vm12 =	vlt.s32 v4, $0x1;
	v7 =	vadd.s32 v25, v7  }
0x92: {  	v13 =	vsub.s32 $0x0, v21;
	v22 =	vbroadcast v3, $0x3;
	v1 =	vadd.s32 v1, v7  }
0x93: {  	v15 =	vsub.s32 $0x0, v50;
	v4 =	vnsel vm12, $0x1, v4;
	v1 =	vadd.s32 v2, v1  }
0x94: {  	vm12 =	vlt.s32 v6, $0x1;
	v12 =	vmin.u32 v21, v13;
	v1 =	vadd.s32 v26, v1  }
0x95: {  	v20 =	vsub.s32 v51, v63;
	v6 =	vnsel vm12, $0x1, v6;
	v1 =	vadd.s32 v27, v1  }
0x96: {  	vm12 =	vlt.s32 v8, $0x1;
	v24 =	vsub.s32 v51, v22;
	v1 =	vadd.s32 v28, v1  }
0x97: {  	v21 =	vsub.s32 $0x0, v20;
	v22 =	vbroadcast v3, $0xD;
	v1 =	vadd.s32 v29, v1  }
0x98: {  	v8 =	vnsel vm12, $0x1, v8;
	vm12 =	vlt.s32 v9, $0x1;
	v1 =	vadd.s32 v30, v1  }
0x99: {  	v14 =	vsub.s32 $0x0, v24;
	v25 =	vbroadcast v3, $0x4;
	v1 =	vadd.s32 v31, v1  }
0x9a: {  	v23 =	vmin.u32 v20, v21;
	v9 =	vnsel vm12, $0x1, v9;
	v1 =	vadd.s32 v32, v1  }
0x9b: {  	vm12 =	vlt.s32 v10, $0x1;
	v45 =	vmin.u32 v24, v14;
	v1 =	vadd.s32 v33, v1  }
0x9c: {  	v14 =	vsub.s32 $0x0, v48;
	v24 =	vsub.s32 v51, v22;
	v1 =	vadd.s32 v34, v1  }
0x9d: {  	v10 =	vnsel vm12, $0x1, v10;
	vm12 =	vlt.s32 v11, $0x1;
	v1 =	vadd.s32 v35, v1  }
0x9e: {  	v2 =	vsub.s32 v51, v25;
	v13 =	vmin.u32 v48, v14;
	v1 =	vadd.s32 v36, v1  }
0x9f: {  	v14 =	vmin.u32 v50, v15;
	v15 =	vmin.u32 v53, v16;
	v1 =	vadd.s32 v37, v1  }
0xa0: {  	v16 =	vmin.u32 v55, v17;
	v17 =	vmin.u32 v57, v18;
	v1 =	vadd.s32 v38, v1  }
0xa1: {  	v25 =	vbroadcast v3, $0xE;
	v3 =	vbroadcast v3, $0xF;
	v1 =	vadd.s32 v39, v1  }
0xa2: {  	v11 =	vnsel vm12, $0x1, v11;
	vm12 =	vlt.s32 v12, $0x1;
	v1 =	vadd.s32 v40, v1  }
0xa3: {  	v46 =	vsub.s32 $0x0, v2;
	v42 =	vnsel vm12, $0x1, v12;
	v1 =	vadd.s32 v41, v1  }
0xa4: {  	vm12 =	vlt.s32 v45, $0x1;
	v2 =	vmin.u32 v2, v46;
	v1 =	vadd.s32 v44, v1  }
0xa5: {  	v26 =	vsub.s32 v51, v25;
	v3 =	vsub.s32 v51, v3;
	v1 =	vadd.s32 v43, v1  }
0xa6: {  	v27 =	vld [tilespmem:$0x40];
	v12 =	vnsel vm12, $0x1, v45;
	vm12 =	vlt.s32 v2, $0x1;
	v1 =	vadd.s32 v5, v1  }
0xa7: {  	v2 =	vnsel vm12, $0x1, v2;
	vm12 =	vlt.s32 v13, $0x1;
	v1 =	vadd.s32 v4, v1  }
0xa8: {  	v13 =	vnsel vm12, $0x1, v13;
	vm12 =	vlt.s32 v14, $0x1;
	v1 =	vadd.s32 v6, v1  }
0xa9: {  	v14 =	vnsel vm12, $0x1, v14;
	vm12 =	vlt.s32 v15, $0x1;
	v1 =	vadd.s32 v8, v1  }
0xaa: {  	v15 =	vnsel vm12, $0x1, v15;
	vm12 =	vlt.s32 v16, $0x1;
	v1 =	vadd.s32 v9, v1  }
0xab: {  	v28 =	vbroadcast v27, $0x0;
	v29 =	vbroadcast v27, $0x1;
	v1 =	vadd.s32 v10, v1  }
0xac: {  	v31 =	vbroadcast v27, $0x3;
	v32 =	vbroadcast v27, $0x4;
	v1 =	vadd.s32 v11, v1  }
0xad: {  	v16 =	vnsel vm12, $0x1, v16;
	vm12 =	vlt.s32 v17, $0x1;
	v1 =	vadd.s32 v42, v1  }
0xae: {  	v33 =	vbroadcast v27, $0x6;
	v5 =	vsub.s32 $0x0, v59;
	v1 =	vadd.s32 v12, v1  }
0xaf: {  	v4 =	vnsel vm12, $0x1, v17;
	v5 =	vmin.u32 v59, v5;
	v1 =	vadd.s32 v2, v1  }
0xb0: {  	vm12 =	vlt.s32 v5, $0x1;
	v6 =	vmin.u32 v61, v62;
	v1 =	vadd.s32 v13, v1  }
0xb1: {  	v5 =	vnsel vm12, $0x1, v5;
	vm12 =	vlt.s32 v6, $0x1;
	v1 =	vadd.s32 v14, v1  }
0xb2: {  	v6 =	vnsel vm12, $0x1, v6;
	vm12 =	vlt.s32 v23, $0x1;
	v1 =	vadd.s32 v15, v1  }
0xb3: {  	v9 =	vsub.s32 $0x0, v26;
	v2 =	vsub.s32 $0x0, v24;
	v1 =	vadd.s32 v16, v1  }
0xb4: {  	v7 =	vnsel vm12, $0x1, v23;
	v2 =	vmin.u32 v24, v2;
	v1 =	vadd.s32 v4, v1  }
0xb5: {  	v8 =	vmin.u32 v26, v9;
	vm12 =	vlt.s32 v2, $0x1;
	v1 =	vadd.s32 v5, v1  }
0xb6: {  	v2 =	vnsel vm12, $0x1, v2;
	vm12 =	vlt.s32 v8, $0x1;
	v1 =	vadd.s32 v6, v1  }
0xb7: {  	v4 =	vnsel vm12, $0x1, v8;
	v5 =	vsub.s32 $0x0, v3;
	v1 =	vadd.s32 v7, v1  }
0xb8: {  	v0 =	vmin.u32 v3, v5;
	v3 =	vsub.s32 v51, v29;
	v1 =	vadd.s32 v2, v1  }
0xb9: {  	[tilespmem:$0x1FFE0] =	vst v0;
	v2 =	vbroadcast v27, $0x2;
	v0 =	vadd.s32 v4, v1;
	v1 =	vsub.s32 v51, v28  }
0xba: {  	v34 =	vbroadcast v27, $0xB;
	v5 =	vsub.s32 $0x0, v3;
	v4 =	vsub.s32 $0x0, v1  }
0xbb: {  	[tilespmem:$0x1FFF0] =	vst v0;
	v2 =	vsub.s32 v51, v2;
	v0 =	vmin.u32 v3, v5;
	v3 =	vbroadcast v27, $0x5  }
0xbc: {  	v30 =	vsub.s32 $0x0, v2;
	v49 =	vmin.u32 v1, v4;
	v1 =	vsub.s32 v51, v31  }
0xbd: {  	[tilespmem:$0x1FFB0] =	vst v0;
	v0 =	vmin.u32 v2, v30;
	v2 =	vsub.s32 v51, v32;
	v4 =	vsub.s32 $0x0, v1  }
0xbe: {  	v35 =	vbroadcast v27, $0xD;
	v5 =	vsub.s32 $0x0, v2;
	v10 =	vmin.u32 v1, v4  }
0xbf: {  	v1 =	vsub.s32 v51, v3;
	v3 =	vsub.s32 v51, v33;
	v4 =	vbroadcast v27, $0x7  }
0xc0: {  	v9 =	vmin.u32 v2, v5;
	v2 =	vsub.s32 $0x0, v1;
	v5 =	vbroadcast v27, $0xA  }
0xc1: {  	[tilespmem:$0x1FFC0] =	vst v0;
	v0 =	vmin.u32 v1, v2;
	v1 =	vsub.s32 $0x0, v3;
	v2 =	vbroadcast v27, $0x8  }
0xc2: {  	v12 =	vmin.u32 v3, v1;
	v1 =	vsub.s32 v51, v4;
	v3 =	vbroadcast v27, $0x9  }
0xc3: {  	v5 =	vsub.s32 v51, v5;
	v4 =	vsub.s32 $0x0, v1;
	v2 =	vsub.s32 v51, v2  }
0xc4: {  	v13 =	vmin.u32 v1, v4;
	v1 =	vsub.s32 $0x0, v2;
	v3 =	vsub.s32 v51, v3  }
0xc5: {  	v4 =	vsub.s32 $0x0, v3;
	v15 =	vmin.u32 v2, v1;
	v1 =	vsub.s32 $0x0, v5  }
0xc6: {  	v2 =	vld [tilespmem:$0x50];
	v14 =	vmin.u32 v3, v4;
	v3 =	vsub.s32 v51, v34;
	v4 =	vbroadcast v27, $0xC  }
0xc7: {  	v16 =	vmin.u32 v5, v1;
	v5 =	vbroadcast v27, $0xE;
	v1 =	vsub.s32 $0x0, v3  }
0xc8: {  	v37 =	vbroadcast v27, $0xF;
	v17 =	vmin.u32 v3, v1  }
0xc9: {  	v1 =	vsub.s32 v51, v4;
	v3 =	vsub.s32 v51, v35;
	v5 =	vsub.s32 v51, v5  }
0xca: {  	v4 =	vsub.s32 $0x0, v1;
	v6 =	vsub.s32 $0x0, v3;
	v36 =	vsub.s32 $0x0, v5  }
0xcb: {  	v38 =	vbroadcast v2, $0x0;
	v21 =	vmin.u32 v1, v4;
	v19 =	vmin.u32 v3, v6  }
0xcc: {  	v18 =	vmin.u32 v5, v36;
	v4 =	vbroadcast v2, $0x1;
	v40 =	vbroadcast v2, $0x2  }
0xcd: {  	v1 =	vsub.s32 v51, v37;
	v41 =	vbroadcast v2, $0x6;
	v42 =	vbroadcast v2, $0x7  }
0xce: {  	v43 =	vbroadcast v2, $0xA;
	v45 =	vbroadcast v2, $0xB;
	v5 =	vsub.s32 $0x0, v1  }
0xcf: {  	v46 =	vbroadcast v2, $0xC;
	v3 =	vsub.s32 v51, v38;
	v22 =	vmin.u32 v1, v5  }
0xd0: {  	v1 =	vsub.s32 v51, v4;
	v4 =	vsub.s32 v51, v40;
	v39 =	vsub.s32 $0x0, v3  }
0xd1: {  	v5 =	vbroadcast v2, $0x3;
	v20 =	vmin.u32 v3, v39;
	v3 =	vsub.s32 $0x0, v1  }
0xd2: {  	v23 =	vmin.u32 v1, v3;
	v1 =	vsub.s32 $0x0, v4;
	v3 =	vbroadcast v2, $0x4  }
0xd3: {  	v24 =	vmin.u32 v4, v1;
	v1 =	vsub.s32 v51, v5;
	v4 =	vbroadcast v2, $0x5  }
0xd4: {  	v6 =	vsub.s32 v51, v41;
	v5 =	vsub.s32 $0x0, v1;
	v3 =	vsub.s32 v51, v3  }
0xd5: {  	v25 =	vmin.u32 v1, v5;
	v1 =	vsub.s32 $0x0, v3;
	v4 =	vsub.s32 v51, v4  }
0xd6: {  	v5 =	vsub.s32 $0x0, v4;
	v27 =	vmin.u32 v3, v1;
	v1 =	vsub.s32 $0x0, v6  }
0xd7: {  	v3 =	vsub.s32 v51, v42;
	v26 =	vmin.u32 v4, v5;
	v4 =	vbroadcast v2, $0x8  }
0xd8: {  	v5 =	vbroadcast v2, $0x9;
	v28 =	vmin.u32 v6, v1;
	v1 =	vsub.s32 $0x0, v3  }
0xd9: {  	v50 =	vbroadcast v2, $0xE;
	v29 =	vmin.u32 v3, v1;
	v1 =	vsub.s32 v51, v4  }
0xda: {  	v6 =	vsub.s32 v51, v43;
	v3 =	vsub.s32 v51, v5;
	v4 =	vsub.s32 $0x0, v1  }
0xdb: {  	v44 =	vsub.s32 $0x0, v6;
	v5 =	vsub.s32 $0x0, v3;
	v33 =	vmin.u32 v1, v4  }
0xdc: {  	v31 =	vmin.u32 v3, v5;
	v1 =	vld [tilespmem:$0x60];
	v3 =	vsub.s32 v51, v45;
	v5 =	vbroadcast v2, $0xD  }
0xdd: {  	v30 =	vmin.u32 v6, v44;
	v4 =	vsub.s32 v51, v46;
	v47 =	vsub.s32 $0x0, v3  }
0xde: {  	v48 =	vsub.s32 $0x0, v4;
	v34 =	vmin.u32 v3, v47;
	v3 =	vsub.s32 v51, v5  }
0xdf: {  	v32 =	vmin.u32 v4, v48;
	v5 =	vsub.s32 v51, v50;
	v4 =	vsub.s32 $0x0, v3  }
0xe0: {  	v2 =	vbroadcast v2, $0xF;
	v35 =	vmin.u32 v3, v4;
	v3 =	vsub.s32 $0x0, v5  }
0xe1: {  	v4 =	vbroadcast v1, $0x0;
	v36 =	vmin.u32 v5, v3;
	v3 =	vbroadcast v1, $0x1  }
0xe2: {  	v2 =	vsub.s32 v51, v2;
	v52 =	vbroadcast v1, $0x2;
	v53 =	vbroadcast v1, $0x3  }
0xe3: {  	v5 =	vsub.s32 $0x0, v2;
	v54 =	vbroadcast v1, $0x6;
	v56 =	vbroadcast v1, $0x7  }
0xe4: {  	v37 =	vmin.u32 v2, v5;
	v4 =	vsub.s32 v51, v4;
	v3 =	vsub.s32 v51, v3  }
0xe5: {  	v6 =	vsub.s32 v51, v52;
	v2 =	vsub.s32 $0x0, v4;
	v5 =	vsub.s32 $0x0, v3  }
0xe6: {  	v39 =	vmin.u32 v4, v2;
	v38 =	vmin.u32 v3, v5;
	v2 =	vsub.s32 $0x0, v6  }
0xe7: {  	v3 =	vsub.s32 v51, v53;
	v4 =	vbroadcast v1, $0x4;
	v5 =	vbroadcast v1, $0x5  }
0xe8: {  	v57 =	vbroadcast v1, $0x8;
	v40 =	vmin.u32 v6, v2;
	v2 =	vsub.s32 $0x0, v3  }
0xe9: {  	v41 =	vmin.u32 v3, v2;
	v2 =	vsub.s32 v51, v4;
	v3 =	vsub.s32 v51, v5  }
0xea: {  	v59 =	vbroadcast v1, $0xA;
	v4 =	vsub.s32 $0x0, v2;
	v5 =	vsub.s32 $0x0, v3  }
0xeb: {  	v50 =	vbroadcast v1, $0xE;
	v45 =	vmin.u32 v2, v4;
	v43 =	vmin.u32 v3, v5  }
0xec: {  	v2 =	vsub.s32 v51, v56;
	v3 =	vsub.s32 v51, v57;
	v4 =	vbroadcast v1, $0x9  }
0xed: {  	v6 =	vsub.s32 v51, v54;
	v5 =	vsub.s32 $0x0, v2;
	v58 =	vsub.s32 $0x0, v3  }
0xee: {  	v46 =	vmin.u32 v2, v5;
	v44 =	vmin.u32 v3, v58;
	v2 =	vsub.s32 v51, v4  }
0xef: {  	v4 =	vsub.s32 v51, v59;
	v5 =	vbroadcast v1, $0xB;
	v3 =	vsub.s32 $0x0, v2  }
0xf0: {  	v55 =	vsub.s32 $0x0, v6;
	v47 =	vmin.u32 v2, v3;
	v2 =	vsub.s32 $0x0, v4  }
0xf1: {  	v3 =	vbroadcast v1, $0xC;
	v8 =	vmin.u32 v4, v2;
	v2 =	vsub.s32 v51, v5;
	v5 =	vld [tilespmem:$0x70]  }
0xf2: {  	v52 =	vsub.s32 v51, v50;
	v42 =	vmin.u32 v6, v55;
	v4 =	vbroadcast v1, $0xD  }
0xf3: {  	v1 =	vbroadcast v1, $0xF;
	v60 =	vsub.s32 $0x0, v2;
	v3 =	vsub.s32 v51, v3  }
0xf4: {  	v7 =	vmin.u32 v2, v60;
	v2 =	vsub.s32 $0x0, v3;
	v4 =	vsub.s32 v51, v4  }
0xf5: {  	v1 =	vsub.s32 v51, v1;
	v61 =	vsub.s32 $0x0, v4;
	v11 =	vmin.u32 v3, v2  }
0xf6: {  	v2 =	vsub.s32 $0x0, v52;
	v50 =	vmin.u32 v4, v61;
	v3 =	vbroadcast v5, $0x0  }
0xf7: {  	v52 =	vmin.u32 v52, v2;
	v4 =	vbroadcast v5, $0x1;
	v62 =	vbroadcast v5, $0x2  }
0xf8: {  	v2 =	vsub.s32 $0x0, v1;
	v56 =	vbroadcast v5, $0x3;
	v58 =	vbroadcast v5, $0x4  }
0xf9: {  	[tilespmem:$0x1FFD0] =	vst v0;
	v53 =	vmin.u32 v1, v2;
	v59 =	vbroadcast v5, $0x6;
	v0 =	vbroadcast v5, $0xD  }
0xfa: {  	v48 =	vbroadcast v5, $0xA;
	v1 =	vsub.s32 v51, v3;
	v2 =	vsub.s32 v51, v4  }
0xfb: {  	v6 =	vsub.s32 v51, v62;
	v0 =	vsub.s32 v51, v0;
	v3 =	vsub.s32 $0x0, v1  }
0xfc: {  	v4 =	vsub.s32 $0x0, v2;
	v54 =	vsub.s32 $0x0, v6;
	v57 =	vmin.u32 v1, v3  }
0xfd: {  	v55 =	vmin.u32 v2, v4;
	v54 =	vmin.u32 v6, v54;
	v1 =	vsub.s32 v51, v56  }
0xfe: {  	v2 =	vsub.s32 v51, v58;
	v3 =	vbroadcast v5, $0x5;
	v6 =	vsub.s32 v51, v48  }
0xff: {  	v48 =	vbroadcast v5, $0xE;
	v4 =	vsub.s32 $0x0, v1;
	v63 =	vsub.s32 $0x0, v2  }
0x100: {  	v58 =	vmin.u32 v1, v4;
	v56 =	vmin.u32 v2, v63;
	v1 =	vsub.s32 v51, v3  }
0x101: {  	v3 =	vsub.s32 v51, v59;
	v4 =	vbroadcast v5, $0x7;
	v2 =	vsub.s32 $0x0, v1  }
0x102: {  	v59 =	vmin.u32 v1, v2;
	v1 =	vsub.s32 $0x0, v3;
	v2 =	vbroadcast v5, $0x8  }
0x103: {  	v60 =	vmin.u32 v3, v1;
	v1 =	vsub.s32 v51, v4;
	v3 =	vbroadcast v5, $0x9  }
0x104: {  	v63 =	vbroadcast v5, $0xB;
	v4 =	vsub.s32 $0x0, v1;
	v2 =	vsub.s32 v51, v2  }
0x105: {  	v62 =	vmin.u32 v1, v4;
	v1 =	vsub.s32 $0x0, v2;
	v4 =	vsub.s32 v51, v3  }
0x106: {  	v61 =	vsub.s32 $0x0, v4;
	v3 =	vmin.u32 v2, v1;
	v1 =	vsub.s32 $0x0, v6  }
0x107: {  	v4 =	vmin.u32 v4, v61;
	v61 =	vsub.s32 v51, v63;
	v63 =	vbroadcast v5, $0xC  }
0x108: {  	v48 =	vsub.s32 v51, v48;
	v2 =	vmin.u32 v6, v1;
	v1 =	vsub.s32 $0x0, v61  }
0x109: {  	v6 =	vmin.u32 v61, v1;
	v1 =	vsub.s32 v51, v63;
	v63 =	vsub.s32 $0x0, v0  }
0x10a: {  	v61 =	vsub.s32 $0x0, v1;
	v63 =	vmin.u32 v0, v63;
	v0 =	vsub.s32 $0x0, v48  }
0x10b: {  	vm12 =	vlt.s32 v49, $0x1;
	v1 =	vmin.u32 v1, v61;
	v61 =	vmin.u32 v48, v0;
	v48 =	vld [tilespmem:$0x1FFB0]  }
0x10c: {  	v0 =	vnsel vm12, $0x1, v49;
	v49 =	vld [tilespmem:$0x1FFC0];
	_ =	sdelay $0x3  }
0x10d: {  	vm13 =	vlt.s32 v48, $0x1  }
0x10e: {  	vm12 =	vlt.s32 v49, $0x1;
	v48 =	vnsel vm13, $0x1, v48  }
0x10f: {  	v0 =	vadd.s32 v48, v0;
	v48 =	vnsel vm12, $0x1, v49  }
0x110: {  	v0 =	vadd.s32 v48, v0;
	v48 =	vld [tilespmem:$0x1FFD0];
	_ =	sdelay $0x2  }
0x111: {  	vm12 =	vlt.s32 v10, $0x1  }
0x112: {  	v10 =	vnsel vm12, $0x1, v10;
	vm12 =	vlt.s32 v9, $0x1  }
0x113: {  	v0 =	vadd.s32 v10, v0;
	v9 =	vnsel vm12, $0x1, v9;
	vm12 =	vlt.s32 v48, $0x1  }
0x114: {  	v0 =	vadd.s32 v9, v0;
	v49 =	vnsel vm12, $0x1, v48;
	vm12 =	vlt.s32 v12, $0x1  }
0x115: {  	v0 =	vadd.s32 v49, v0;
	v48 =	vnsel vm12, $0x1, v12;
	vm12 =	vlt.s32 v13, $0x1  }
0x116: {  	v0 =	vadd.s32 v48, v0;
	v49 =	vnsel vm12, $0x1, v13;
	vm12 =	vlt.s32 v15, $0x1  }
0x117: {  	v0 =	vadd.s32 v49, v0;
	v12 =	vnsel vm12, $0x1, v15;
	vm12 =	vlt.s32 v14, $0x1  }
0x118: {  	v0 =	vadd.s32 v12, v0;
	v13 =	vnsel vm12, $0x1, v14;
	vm12 =	vlt.s32 v16, $0x1  }
0x119: {  	v0 =	vadd.s32 v13, v0;
	v14 =	vnsel vm12, $0x1, v16;
	vm12 =	vlt.s32 v17, $0x1  }
0x11a: {  	v0 =	vadd.s32 v14, v0;
	v15 =	vnsel vm12, $0x1, v17;
	vm12 =	vlt.s32 v21, $0x1  }
0x11b: {  	v0 =	vadd.s32 v15, v0;
	v16 =	vnsel vm12, $0x1, v21;
	vm12 =	vlt.s32 v19, $0x1  }
0x11c: {  	v0 =	vadd.s32 v16, v0;
	v17 =	vnsel vm12, $0x1, v19;
	vm12 =	vlt.s32 v18, $0x1  }
0x11d: {  	v0 =	vadd.s32 v17, v0;
	v18 =	vnsel vm12, $0x1, v18;
	vm12 =	vlt.s32 v22, $0x1  }
0x11e: {  	v0 =	vadd.s32 v18, v0;
	v19 =	vnsel vm12, $0x1, v22;
	vm12 =	vlt.s32 v20, $0x1  }
0x11f: {  	v0 =	vadd.s32 v19, v0;
	v20 =	vnsel vm12, $0x1, v20;
	vm12 =	vlt.s32 v23, $0x1  }
0x120: {  	v0 =	vadd.s32 v20, v0;
	v21 =	vnsel vm12, $0x1, v23;
	vm12 =	vlt.s32 v24, $0x1  }
0x121: {  	v0 =	vadd.s32 v21, v0;
	v22 =	vnsel vm12, $0x1, v24;
	vm12 =	vlt.s32 v25, $0x1  }
0x122: {  	v0 =	vadd.s32 v22, v0;
	v23 =	vnsel vm12, $0x1, v25;
	vm12 =	vlt.s32 v27, $0x1  }
0x123: {  	v0 =	vadd.s32 v23, v0;
	v24 =	vnsel vm12, $0x1, v27;
	vm12 =	vlt.s32 v26, $0x1  }
0x124: {  	v0 =	vadd.s32 v24, v0;
	v25 =	vnsel vm12, $0x1, v26;
	vm12 =	vlt.s32 v28, $0x1  }
0x125: {  	v0 =	vadd.s32 v25, v0;
	v26 =	vnsel vm12, $0x1, v28;
	vm12 =	vlt.s32 v29, $0x1  }
0x126: {  	v0 =	vadd.s32 v26, v0;
	v27 =	vnsel vm12, $0x1, v29;
	vm12 =	vlt.s32 v33, $0x1  }
0x127: {  	v0 =	vadd.s32 v27, v0;
	v28 =	vnsel vm12, $0x1, v33;
	vm12 =	vlt.s32 v31, $0x1  }
0x128: {  	v0 =	vadd.s32 v28, v0;
	v29 =	vnsel vm12, $0x1, v31;
	vm12 =	vlt.s32 v30, $0x1  }
0x129: {  	v0 =	vadd.s32 v29, v0;
	v30 =	vnsel vm12, $0x1, v30;
	vm12 =	vlt.s32 v34, $0x1  }
0x12a: {  	v0 =	vadd.s32 v30, v0;
	v31 =	vnsel vm12, $0x1, v34;
	vm12 =	vlt.s32 v32, $0x1  }
0x12b: {  	v0 =	vadd.s32 v31, v0;
	v32 =	vnsel vm12, $0x1, v32;
	vm12 =	vlt.s32 v35, $0x1  }
0x12c: {  	v0 =	vadd.s32 v32, v0;
	v33 =	vnsel vm12, $0x1, v35;
	vm12 =	vlt.s32 v36, $0x1  }
0x12d: {  	v0 =	vadd.s32 v33, v0;
	v34 =	vnsel vm12, $0x1, v36;
	vm12 =	vlt.s32 v37, $0x1  }
0x12e: {  	v0 =	vadd.s32 v34, v0;
	v35 =	vnsel vm12, $0x1, v37;
	vm12 =	vlt.s32 v39, $0x1  }
0x12f: {  	v0 =	vadd.s32 v35, v0;
	v36 =	vnsel vm12, $0x1, v39;
	vm12 =	vlt.s32 v38, $0x1  }
0x130: {  	v0 =	vadd.s32 v36, v0;
	v37 =	vnsel vm12, $0x1, v38;
	vm12 =	vlt.s32 v40, $0x1  }
0x131: {  	v0 =	vadd.s32 v37, v0;
	v38 =	vnsel vm12, $0x1, v40;
	vm12 =	vlt.s32 v41, $0x1  }
0x132: {  	v0 =	vadd.s32 v38, v0;
	v39 =	vnsel vm12, $0x1, v41;
	vm12 =	vlt.s32 v45, $0x1  }
0x133: {  	v0 =	vadd.s32 v39, v0;
	v40 =	vnsel vm12, $0x1, v45;
	vm12 =	vlt.s32 v43, $0x1  }
0x134: {  	v0 =	vadd.s32 v40, v0;
	v41 =	vnsel vm12, $0x1, v43;
	vm12 =	vlt.s32 v42, $0x1  }
0x135: {  	v0 =	vadd.s32 v41, v0;
	v42 =	vnsel vm12, $0x1, v42;
	vm12 =	vlt.s32 v46, $0x1  }
0x136: {  	v0 =	vadd.s32 v42, v0;
	v43 =	vnsel vm12, $0x1, v46;
	vm12 =	vlt.s32 v44, $0x1  }
0x137: {  	v0 =	vadd.s32 v43, v0;
	v44 =	vnsel vm12, $0x1, v44;
	vm12 =	vlt.s32 v47, $0x1  }
0x138: {  	v0 =	vadd.s32 v44, v0;
	v45 =	vnsel vm12, $0x1, v47;
	vm12 =	vlt.s32 v8, $0x1  }
0x139: {  	v0 =	vadd.s32 v45, v0;
	v8 =	vnsel vm12, $0x1, v8;
	vm12 =	vlt.s32 v7, $0x1  }
0x13a: {  	v0 =	vadd.s32 v8, v0;
	v7 =	vnsel vm12, $0x1, v7;
	vm12 =	vlt.s32 v11, $0x1  }
0x13b: {  	v0 =	vadd.s32 v7, v0;
	v46 =	vnsel vm12, $0x1, v11;
	vm12 =	vlt.s32 v50, $0x1  }
0x13c: {  	v0 =	vadd.s32 v46, v0;
	v47 =	vnsel vm12, $0x1, v50;
	vm12 =	vlt.s32 v52, $0x1  }
0x13d: {  	v0 =	vadd.s32 v47, v0;
	v48 =	vnsel vm12, $0x1, v52;
	vm12 =	vlt.s32 v53, $0x1  }
0x13e: {  	v0 =	vadd.s32 v48, v0;
	v50 =	vnsel vm12, $0x1, v53;
	vm12 =	vlt.s32 v57, $0x1  }
0x13f: {  	v0 =	vadd.s32 v50, v0;
	v52 =	vnsel vm12, $0x1, v57;
	vm12 =	vlt.s32 v55, $0x1  }
0x140: {  	v0 =	vadd.s32 v52, v0;
	v53 =	vnsel vm12, $0x1, v55;
	vm12 =	vlt.s32 v54, $0x1  }
0x141: {  	v0 =	vadd.s32 v53, v0;
	v55 =	vnsel vm12, $0x1, v54;
	vm12 =	vlt.s32 v58, $0x1  }
0x142: {  	v0 =	vadd.s32 v55, v0;
	v57 =	vnsel vm12, $0x1, v58;
	vm12 =	vlt.s32 v56, $0x1  }
0x143: {  	v0 =	vadd.s32 v57, v0;
	v58 =	vnsel vm12, $0x1, v56;
	vm12 =	vlt.s32 v59, $0x1  }
0x144: {  	v0 =	vadd.s32 v58, v0;
	v59 =	vnsel vm12, $0x1, v59;
	vm12 =	vlt.s32 v60, $0x1  }
0x145: {  	v0 =	vadd.s32 v59, v0;
	v60 =	vnsel vm12, $0x1, v60;
	vm12 =	vlt.s32 v62, $0x1  }
0x146: {  	v0 =	vadd.s32 v60, v0;
	v62 =	vnsel vm12, $0x1, v62;
	vm12 =	vlt.s32 v3, $0x1  }
0x147: {  	v0 =	vadd.s32 v62, v0;
	v3 =	vnsel vm12, $0x1, v3;
	vm12 =	vlt.s32 v4, $0x1  }
0x148: {  	v0 =	vadd.s32 v3, v0;
	v3 =	vnsel vm12, $0x1, v4;
	vm12 =	vlt.s32 v2, $0x1  }
0x149: {  	v0 =	vadd.s32 v3, v0;
	v2 =	vnsel vm12, $0x1, v2;
	vm12 =	vlt.s32 v6, $0x1  }
0x14a: {  	vm13 =	vlt.s32 v1, $0x1;
	v0 =	vadd.s32 v2, v0;
	v2 =	vnsel vm12, $0x1, v6  }
0x14b: {  	v1 =	vnsel vm13, $0x1, v1;
	vm12 =	vlt.s32 v63, $0x1;
	v0 =	vadd.s32 v2, v0  }
0x14c: {  	v0 =	vadd.s32 v1, v0;
	v1 =	vnsel vm12, $0x1, v63  }
0x14d: {  	v0 =	vadd.s32 v1, v0;
	v1 =	vld [tilespmem:$0x1FFE0]  }
0x14e: {  	v3 =	vbroadcast v5, $0xF  }
0x14f: {  	v4 =	vld [tilespmem:$0x1FFF0]  }
0x150: {  	v3 =	vsub.s32 v51, v3  }
0x151: {  	v2 =	vsub.s32 $0x0, v3  }
0x152: {  	vm13 =	vlt.s32 v61, $0x1;
	v2 =	vmin.u32 v3, v2;
	vm12 =	vlt.s32 v1, $0x1  }
0x153: {  	v3 =	vnsel vm13, $0x1, v61;
	v1 =	vnsel vm12, $0x1, v1;
	vm12 =	vlt.s32 v2, $0x1  }
0x154: {  	v0 =	vadd.s32 v3, v0;
	v1 =	vadd.s32 v1, v4;
	v2 =	vnsel vm12, $0x1, v2  }
0x155: {  	v1 =	vsub.s32 $0x40, v1;
	v0 =	vadd.s32 v2, v0  }
0x156: {  	[tilespmem:$0x80] =	vst v1;
	v0 =	vsub.s32 $0x40, v0  }
0x157: {  	s1 =	simm.s32 $0x80;
	[tilespmem:$0x100] =	vst v0  }
0x158: {  	[spmem:s9] =	stream.linear.scatter [tilespmem:s1], [sflag:$0x3], $0x10, $0x38;
	[tilespmem:$0xC4A0] =	vst v63  }
0x159: {  	_ =	swait.ge [sflag:s17], $0x10  }
0x15a: {  	[sflag:s17] =	ssyncset.done $0x0  }
0x15b: {  	s3 =	simm.s32 $0x100;
	[sflag:s17] =	ssyncadd.s32 $0xFFFFFFF0  }
0x15c: {  	[spmem:s10] =	stream.linear.scatter [tilespmem:s3], [sflag:$0x3], $0x10, $0x38;
	[tilespmem:$0xC4A0] =	vst v63  }
0x15d: {  	_ =	swait.ge [sflag:s17], $0x10  }
0x15e: {  	[sflag:s17] =	ssyncset.done $0x0  }
0x15f: {  	[sflag:s17] =	ssyncadd.s32 $0xFFFFFFF0  }
0x160: {  	[bflag:$0x0] =	sbarrier.arrive $0xFFFF  }
0x161: {  	s18 =	simm.s32 $0x180;
	s3 =	rddreg [dreg:$0x4]  }
0x162: {  	[tilespmem:s18], [sflag:$0x3] =	stream.linear.gather [spmem:s3], $0x200, $0x38;
	[tilespmem:$0xC4A0] =	vst v63  }
0x163: {  	_ =	swait.ge [sflag:s17], $0x200  }
0x164: {  	[sflag:s17] =	ssyncset.done $0x0  }
0x165: {  	[sflag:s17] =	ssyncadd.s32 $0xFFFFFE00  }
0x166: {  	v0 =	vld [tilespmem:s18+$0x0];
	_ =	sdelay $0x2  }
0x167: {  	p1 =	sgt.u32 s5, $0x0;
	s18 =	simm.s32 $0x1  }
0x168: {  	v49 =	vimm.s32 $0x0;
	s18 =	simm.s32 @!p1 $0x0  }
0x169: {  	v1 =	vimm.s32 $0x0;
	s1 =	simm.s32 $0x1;
	v3 =	vadd.s32 v49, v0;
	v2 =	vmul.u32 s18, v0;
	s18 =	simm.s32 $0x190  }
.LBB2_2:
0x16a: {  	v0 =	vld [tilespmem:s18+$0x0];
	p1 =	sne.s32 s1, $0x1F;
	s3 =	smov.u32 s1;
	s1 =	sadd.s32 $0x1, s1  }
.Ltmp2:
0x16b: {  	v1 =	vadd.s32 v1, v2;
	(pc) =	sbr.rel @p1 .LBB2_2-.Ltmp2, $4  }
0x16c: {  	_ = 	snop  }
0x16d: {  	p2 =	slt.u32 s3, s5;
	s3 =	simm.s32 $0x1  }
0x16e: {  	s3 =	simm.s32 @!p2 $0x0  }
0x16f: {  	s18 =	sadd.s32 $0x10, s18;
	v3 =	vadd.s32 v3, v0;
	v2 =	vmul.u32 s3, v0  }
0x170: {  	v0 =	vadd.s32 $0x7F, v3  }
0x171: {  	v0 =	vshra.s32 v0, $0x7  }
0x172: {  	(v2sf) =	vpush v0, $0x0  }
0x173: {  	v21 =	vld [tilespmem:s11+$0x0];
	(v2sf) =	vpush v0, $0x1  }
0x174: {  	(v2sf) =	vpush v0, $0x2  }
0x175: {  	vm12 =	vcmask $0xB08;
	v46 =	vimm.s32 $0xFFFFFFFF;
	(v2sf) =	vpush v0, $0x3  }
0x176: {  	v3 =	vsel vm12, $0xFFFFFFFF, v49;
	vm12 =	vcmask $0x704;
	v1 =	vadd.s32 v1, v2  }
0x177: {  	v4 =	vsel vm12, $0xFFFFFFFF, v49;
	vm12 =	vcmask $0xF0C;
	(v2sf) =	vpush v0, $0x4  }
0x178: {  	v6 =	vbroadcast v21, $0x0;
	v9 =	vbroadcast v21, $0x2;
	(v2sf) =	vpush v0, $0x5  }
0x179: {  	v55 =	vbroadcast v21, $0x3;
	v58 =	vbroadcast v21, $0x4;
	(v2sf) =	vpush v0, $0x6  }
0x17a: {  	v13 =	vbroadcast v21, $0x5;
	v62 =	vbroadcast v21, $0x6;
	(v2sf) =	vpush v0, $0x7  }
0x17b: {  	v34 =	vbroadcast v21, $0x7;
	v37 =	vbroadcast v21, $0x8;
	(v2sf) =	vpush v0, $0x8  }
0x17c: {  	v40 =	vbroadcast v21, $0x9;
	v43 =	vbroadcast v21, $0xA;
	(v2sf) =	vpush v0, $0x9  }
0x17d: {  	v47 =	vbroadcast v21, $0xB;
	v10 =	vsub.s32 v21, v9;
	(v2sf) =	vpush v0, $0xA  }
0x17e: {  	v57 =	vsub.s32 v21, v55;
	v59 =	vsub.s32 v21, v58;
	(v2sf) =	vpush v0, $0xB  }
0x17f: {  	v61 =	vsub.s32 v21, v13;
	v14 =	vsub.s32 v51, v58;
	(v2sf) =	vpush v0, $0xC  }
0x180: {  	v13 =	vsub.s32 v51, v13;
	v32 =	vsub.s32 v21, v62;
	(v2sf) =	vpush v0, $0xD  }
0x181: {  	v35 =	vsub.s32 v21, v34;
	s1 =	spop (v2sf);
	(v2sf) =	vpush v0, $0xE;
	v0 =	vbroadcast v0, $0x0  }
0x182: {  	v42 =	vsub.s32 v21, v40;
	v48 =	vsub.s32 v51, v43;
	v58 =	vbroadcast v21, $0xD;
	s3 =	spop (v2sf)  }
0x183: {  	v11 =	vsub.s32 $0x0, v10;
	v60 =	vsub.s32 $0x0, v59;
	s18 =	spop (v2sf);
	s1 =	sadd.s32 s3, s1;
	v0 =	vand.u32 v4, v0  }
0x184: {  	v4 =	vsel vm12, $0xFFFFFFFF, v49;
	vm12 =	vcmask $0x1310;
	s3 =	spop (v2sf);
	v3 =	vand.u32 s1, v3;
	s1 =	sadd.s32 s18, s1  }
0x185: {  	v15 =	vsub.s32 $0x0, v61;
	v5 =	vsel vm12, $0xFFFFFFFF, v49;
	vm12 =	vcmask $0x1714;
	s3 =	sadd.s32 s3, s1  }
0x186: {  	s18 =	spop (v2sf);
	v4 =	vand.u32 s1, v4;
	v0 =	vadd.s32 v0, v3;
	v3 =	vand.u32 s3, v5  }
0x187: {  	s1 =	spop (v2sf);
	s3 =	sadd.s32 s18, s3;
	v0 =	vadd.s32 v4, v0;
	v4 =	vsel vm12, $0xFFFFFFFF, v49;
	vm12 =	vcmask $0x1B18  }
0x188: {  	v16 =	vsub.s32 $0x0, v14;
	s1 =	sadd.s32 s1, s3;
	v5 =	vsel vm12, $0xFFFFFFFF, v49;
	v4 =	vand.u32 s3, v4  }
0x189: {  	s18 =	spop (v2sf);
	v0 =	vadd.s32 v3, v0;
	vm12 =	vcmask $0x1F1C;
	v3 =	vand.u32 s1, v5  }
0x18a: {  	s3 =	spop (v2sf);
	s1 =	sadd.s32 s18, s1;
	v0 =	vadd.s32 v4, v0;
	v4 =	vsel vm12, $0xFFFFFFFF, v49;
	vm12 =	vcmask $0x2320  }
0x18b: {  	v63 =	vsub.s32 $0x0, v13;
	s3 =	sadd.s32 s3, s1;
	v5 =	vsel vm12, $0xFFFFFFFF, v49;
	v4 =	vand.u32 s1, v4  }
0x18c: {  	s18 =	spop (v2sf);
	v0 =	vadd.s32 v3, v0;
	vm12 =	vcmask $0x2724;
	v3 =	vand.u32 s3, v5  }
0x18d: {  	s1 =	spop (v2sf);
	s3 =	sadd.s32 s18, s3;
	v0 =	vadd.s32 v4, v0;
	v4 =	vsel vm12, $0xFFFFFFFF, v49;
	vm12 =	vcmask $0x2B28  }
0x18e: {  	v33 =	vsub.s32 $0x0, v32;
	s1 =	sadd.s32 s1, s3;
	v5 =	vsel vm12, $0xFFFFFFFF, v49;
	v4 =	vand.u32 s3, v4  }
0x18f: {  	s18 =	spop (v2sf);
	v0 =	vadd.s32 v3, v0;
	vm12 =	vcmask $0x2F2C;
	v3 =	vand.u32 s1, v5  }
0x190: {  	s3 =	spop (v2sf);
	s1 =	sadd.s32 s18, s1;
	v0 =	vadd.s32 v4, v0;
	v4 =	vsel vm12, $0xFFFFFFFF, v49;
	vm12 =	vcmask $0x3330  }
0x191: {  	v36 =	vsub.s32 $0x0, v35;
	s3 =	sadd.s32 s3, s1;
	v5 =	vsel vm12, $0xFFFFFFFF, v49;
	v4 =	vand.u32 s1, v4  }
0x192: {  	s18 =	spop (v2sf);
	v0 =	vadd.s32 v3, v0;
	vm12 =	vcmask $0x3734;
	v5 =	vand.u32 s3, v5  }
0x193: {  	s1 =	sadd.s32 s18, s3;
	s18 =	spop (v2sf);
	v0 =	vadd.s32 v4, v0;
	v3 =	vsel vm12, $0xFFFFFFFF, v49;
	vm12 =	vcmask $0x3B38  }
0x194: {  	s3 =	sadd.s32 s18, s1;
	v4 =	vsel vm12, $0xFFFFFFFF, v49;
	v0 =	vadd.s32 v5, v0;
	v3 =	vand.u32 s1, v3;
	s18 =	spop (v2sf)  }
0x195: {  	v5 =	vand.u32 s3, v4;
	v0 =	vadd.s32 v3, v0;
	v4 =	vsel vm14, $0x0, v46;
	s1 =	sadd.s32 s18, s3  }
0x196: {  	v52 =	vsub.s32 $0x0, v48;
	v0 =	vadd.s32 v5, v0;
	v3 =	vand.u32 s1, v4  }
0x197: {  	v10 =	vmin.u32 v10, v11;
	v3 =	vadd.s32 v3, v0;
	v0 =	vsub.s32 v21, v6  }
0x198: {  	v11 =	vsel vm3, $0x0, v46;
	v2 =	vshll.u32 v3, $0x7;
	v5 =	vsub.s32 $0x0, v0  }
0x199: {  	v8 =	vadd.s32 v1, v2;
	v0 =	vmin.u32 v0, v5;
	v5 =	vbroadcast v21, $0x1  }
0x19a: {  	v1 =	vsub.s32 v51, v6;
	v2 =	vperm.xlane v8, v21;
	vm12 =	vlt.s32 v0, $0x1  }
0x19b: {  	v6 =	vsub.s32 $0x0, v1;
	v0 =	vnsel vm12, $0x1, v0;
	v7 =	vsub.s32 v21, v5  }
0x19c: {  	v1 =	vmin.u32 v1, v6;
	v6 =	vsel vm15, $0x0, v46;
	v54 =	vsub.s32 $0x0, v7  }
0x19d: {  	v5 =	vsub.s32 v51, v5;
	vm12 =	vlt.s32 v1, $0x1;
	v7 =	vmin.u32 v7, v54  }
0x19e: {  	v0 =	vsub.s32 $0x1, v0;
	v1 =	vnsel vm12, $0x1, v1;
	vm12 =	vlt.s32 v7, $0x1  }
0x19f: {  	v12 =	vsub.s32 $0x0, v5;
	v20 =	vand.u32 v6, v0;
	v0 =	vnsel vm12, $0x1, v7  }
0x1a0: {  	v7 =	vsel vm0, $0x0, v46;
	vm12 =	vlt.s32 v10, $0x1;
	v0 =	vsub.s32 $0x1, v0  }
0x1a1: {  	v19 =	vand.u32 v7, v0;
	v0 =	vmin.u32 v5, v12;
	v5 =	vnsel vm12, $0x1, v10  }
0x1a2: {  	v12 =	vmin.u32 v59, v60;
	v59 =	vsub.s32 v21, v58;
	vm12 =	vlt.s32 v0, $0x1  }
0x1a3: {  	v2 =	vadd.s32 v2, v19;
	v19 =	vsel vm10, $0x0, v46;
	v60 =	vsub.s32 $0x0, v59  }
0x1a4: {  	v22 =	vnsel vm12, $0x1, v0;
	v0 =	vsub.s32 $0x1, v5;
	v5 =	vsub.s32 v51, v9  }
0x1a5: {  	v9 =	vsel vm1, $0x0, v46;
	v2 =	vadd.s32 v20, v2;
	v56 =	vsub.s32 $0x0, v5  }
0x1a6: {  	v20 =	vmin.u32 v59, v60;
	v25 =	vand.u32 v9, v0;
	v0 =	vmin.u32 v5, v56  }
0x1a7: {  	v1 =	vadd.s32 v22, v1;
	v5 =	vsub.s32 $0x0, v57;
	vm12 =	vlt.s32 v0, $0x1  }
0x1a8: {  	v5 =	vmin.u32 v57, v5;
	v23 =	vnsel vm12, $0x1, v0;
	v0 =	vsub.s32 v51, v55  }
0x1a9: {  	v2 =	vadd.s32 v25, v2;
	vm12 =	vlt.s32 v5, $0x1;
	v10 =	vsub.s32 $0x0, v0  }
0x1aa: {  	v55 =	vbroadcast v21, $0xC;
	v5 =	vnsel vm12, $0x1, v5;
	v0 =	vmin.u32 v0, v10  }
0x1ab: {  	v1 =	vadd.s32 v23, v1;
	v5 =	vsub.s32 $0x1, v5;
	vm12 =	vlt.s32 v0, $0x1  }
0x1ac: {  	v10 =	vsel vm2, $0x0, v46;
	v24 =	vnsel vm12, $0x1, v0;
	vm12 =	vlt.s32 v12, $0x1  }
0x1ad: {  	v57 =	vsub.s32 v21, v55;
	v0 =	vand.u32 v10, v5;
	v5 =	vnsel vm12, $0x1, v12  }
0x1ae: {  	v12 =	vmin.u32 v61, v15;
	v15 =	vsub.s32 v51, v34;
	v61 =	vsub.s32 v51, v55  }
0x1af: {  	v0 =	vadd.s32 v0, v2;
	v1 =	vadd.s32 v24, v1;
	v5 =	vsub.s32 $0x1, v5  }
0x1b0: {  	vm12 =	vlt.s32 v12, $0x1;
	v18 =	vsub.s32 $0x0, v15;
	v2 =	vsub.s32 $0x0, v61  }
0x1b1: {  	v28 =	vand.u32 v11, v5;
	v5 =	vmin.u32 v14, v16;
	v12 =	vnsel vm12, $0x1, v12  }
0x1b2: {  	v15 =	vmin.u32 v15, v18;
	v16 =	vsub.s32 v51, v37;
	vm12 =	vlt.s32 v5, $0x1  }
0x1b3: {  	v26 =	vnsel vm12, $0x1, v5;
	v5 =	vsub.s32 $0x1, v12;
	v12 =	vsel vm4, $0x0, v46  }
0x1b4: {  	v2 =	vmin.u32 v61, v2;
	v0 =	vadd.s32 v28, v0;
	v29 =	vand.u32 v12, v5  }
0x1b5: {  	v5 =	vmin.u32 v13, v63;
	v13 =	vmin.u32 v32, v33;
	v32 =	vsub.s32 v21, v37  }
0x1b6: {  	v1 =	vadd.s32 v26, v1;
	vm12 =	vlt.s32 v5, $0x1;
	v39 =	vsub.s32 $0x0, v32  }
0x1b7: {  	v0 =	vadd.s32 v29, v0;
	v27 =	vnsel vm12, $0x1, v5;
	vm12 =	vlt.s32 v13, $0x1  }
0x1b8: {  	v5 =	vsub.s32 v51, v62;
	v18 =	vmin.u32 v32, v39;
	v32 =	vsub.s32 v51, v40  }
0x1b9: {  	v40 =	vsub.s32 v21, v47;
	v62 =	vbroadcast v21, $0xE;
	v13 =	vnsel vm12, $0x1, v13  }
0x1ba: {  	v14 =	vsub.s32 $0x0, v5;
	v37 =	vsub.s32 $0x0, v32;
	v53 =	vsub.s32 $0x0, v40  }
0x1bb: {  	v1 =	vadd.s32 v27, v1;
	v17 =	vsub.s32 $0x1, v13;
	v5 =	vmin.u32 v5, v14  }
0x1bc: {  	v13 =	vsel vm5, $0x0, v46;
	v14 =	vmin.u32 v35, v36;
	v35 =	vsub.s32 $0x0, v42  }
0x1bd: {  	v36 =	vsub.s32 $0x0, v16;
	v44 =	vmin.u32 v32, v37;
	v54 =	vmin.u32 v40, v53  }
0x1be: {  	v37 =	vsub.s32 v51, v47;
	v40 =	vsub.s32 v21, v62;
	vm12 =	vlt.s32 v5, $0x1  }
0x1bf: {  	v31 =	vand.u32 v13, v17;
	v16 =	vmin.u32 v16, v36;
	v30 =	vnsel vm12, $0x1, v5  }
0x1c0: {  	vm12 =	vlt.s32 v14, $0x1;
	v5 =	vshrl.u32 v51, $0x3;
	v0 =	vadd.s32 v31, v0  }
0x1c1: {  	v38 =	vnsel vm12, $0x1, v14;
	v14 =	vmul.u32 $0xFFFFFFFF, v5;
	vm12 =	vlt.s32 v15, $0x1  }
0x1c2: {  	v1 =	vadd.s32 v30, v1;
	v17 =	vsub.s32 $0x1, v38;
	v33 =	vnsel vm12, $0x1, v15  }
0x1c3: {  	vm12 =	vlt.s32 v18, $0x1;
	v15 =	vsel vm6, $0x0, v46;
	v38 =	vsub.s32 v21, v43  }
0x1c4: {  	v21 =	vbroadcast v21, $0xF;
	v34 =	vand.u32 v14, v17;
	v41 =	vnsel vm12, $0x1, v18  }
0x1c5: {  	v17 =	vmin.u32 v42, v35;
	v45 =	vsub.s32 $0x0, v38;
	v1 =	vadd.s32 v33, v1  }
0x1c6: {  	v18 =	vsub.s32 $0x1, v41;
	vm12 =	vlt.s32 v17, $0x1;
	v32 =	vmin.u32 v38, v45  }
0x1c7: {  	v45 =	vsub.s32 $0x0, v37;
	v0 =	vadd.s32 v34, v0;
	v35 =	vand.u32 v15, v18  }
0x1c8: {  	v17 =	vnsel vm12, $0x1, v17;
	vm12 =	vlt.s32 v16, $0x1;
	v18 =	vsel vm8, $0x0, v46  }
0x1c9: {  	v37 =	vmin.u32 v37, v45;
	v45 =	vsub.s32 $0x0, v40;
	v36 =	vnsel vm12, $0x1, v16  }
0x1ca: {  	v17 =	vsub.s32 $0x1, v17;
	v16 =	vsel vm7, $0x0, v46;
	vm12 =	vlt.s32 v44, $0x1  }
0x1cb: {  	v0 =	vadd.s32 v35, v0;
	v29 =	vmin.u32 v40, v45;
	v39 =	vand.u32 v16, v17  }
0x1cc: {  	v38 =	vnsel vm12, $0x1, v44;
	vm12 =	vlt.s32 v32, $0x1;
	v17 =	vmin.u32 v48, v52  }
0x1cd: {  	v44 =	vsub.s32 $0x0, v57;
	v50 =	vnsel vm12, $0x1, v32;
	vm12 =	vlt.s32 v17, $0x1  }
0x1ce: {  	v32 =	vmin.u32 v57, v44;
	v0 =	vadd.s32 v39, v0;
	v41 =	vsub.s32 $0x1, v50  }
0x1cf: {  	v42 =	vnsel vm12, $0x1, v17;
	vm12 =	vlt.s32 v54, $0x1;
	v17 =	vsel vm9, $0x0, v46  }
0x1d0: {  	v41 =	vand.u32 v18, v41;
	v56 =	vnsel vm12, $0x1, v54;
	vm12 =	vlt.s32 v32, $0x1  }
0x1d1: {  	v43 =	vsub.s32 $0x1, v56;
	v32 =	vnsel vm12, $0x1, v32;
	vm12 =	vlt.s32 v37, $0x1  }
0x1d2: {  	v0 =	vadd.s32 v41, v0;
	v43 =	vand.u32 v17, v43;
	v32 =	vsub.s32 $0x1, v32  }
0x1d3: {  	v37 =	vnsel vm12, $0x1, v37;
	vm12 =	vlt.s32 v20, $0x1;
	v32 =	vand.u32 v19, v32  }
0x1d4: {  	v20 =	vnsel vm12, $0x1, v20;
	vm12 =	vlt.s32 v29, $0x1;
	v0 =	vadd.s32 v43, v0  }
0x1d5: {  	v63 =	vsub.s32 $0x1, v20;
	v20 =	vsel vm11, $0x0, v46;
	v47 =	vnsel vm12, $0x1, v29  }
0x1d6: {  	v0 =	vadd.s32 v32, v0;
	v25 =	vand.u32 v20, v63;
	v22 =	vsub.s32 $0x1, v47  }
0x1d7: {  	v21 =	vsub.s32 v51, v21;
	v22 =	vand.u32 v4, v22;
	v0 =	vadd.s32 v25, v0  }
0x1d8: {  	v1 =	vadd.s32 v36, v1;
	v52 =	vsub.s32 $0x0, v21;
	v0 =	vadd.s32 v22, v0  }
0x1d9: {  	v1 =	vadd.s32 v38, v1;
	v46 =	vsub.s32 v51, v58;
	vm12 =	vlt.s32 v2, $0x1;
	[tilespmem:$0x380] =	vst v0  }
0x1da: {  	v48 =	vsub.s32 $0x0, v46;
	v0 =	vnsel vm12, $0x1, v2;
	v2 =	vsub.s32 v51, v62;
	v22 =	vld [tilespmem:s11+$0x10]  }
0x1db: {  	v1 =	vadd.s32 v42, v1;
	v23 =	vmin.u32 v46, v48;
	v50 =	vsub.s32 $0x0, v2  }
0x1dc: {  	v1 =	vadd.s32 v37, v1;
	vm12 =	vlt.s32 v23, $0x1;
	v2 =	vmin.u32 v2, v50  }
0x1dd: {  	v23 =	vnsel vm12, $0x1, v23;
	v0 =	vadd.s32 v0, v1;
	vm12 =	vlt.s32 v2, $0x1  }
0x1de: {  	v21 =	vmin.u32 v21, v52;
	v0 =	vadd.s32 v23, v0;
	v2 =	vnsel vm12, $0x1, v2  }
0x1df: {  	vm12 =	vlt.s32 v21, $0x1;
	v1 =	vbroadcast v22, $0x0;
	v54 =	vbroadcast v22, $0x1  }
0x1e0: {  	v21 =	vnsel vm12, $0x1, v21;
	v56 =	vbroadcast v22, $0x2;
	v59 =	vbroadcast v22, $0x3  }
0x1e1: {  	v0 =	vadd.s32 v2, v0;
	v63 =	vbroadcast v22, $0x4;
	v39 =	vbroadcast v22, $0x5  }
0x1e2: {  	v0 =	vadd.s32 v21, v0;
	v42 =	vbroadcast v22, $0x6;
	v50 =	vbroadcast v22, $0x7  }
0x1e3: {  	v21 =	vsub.s32 $0x10, v0;
	v2 =	vsub.s32 v22, v1;
	v1 =	vsub.s32 v51, v1  }
0x1e4: {  	v57 =	vsub.s32 v22, v56;
	v60 =	vsub.s32 v51, v56;
	v61 =	vsub.s32 v22, v59  }
0x1e5: {  	v36 =	vsub.s32 v22, v63;
	v26 =	vsub.s32 v51, v59;
	v31 =	vsub.s32 v51, v63  }
0x1e6: {  	v41 =	vsub.s32 v22, v39;
	v45 =	vsub.s32 v22, v42;
	v30 =	vsub.s32 v51, v39  }
0x1e7: {  	v48 =	vsub.s32 v51, v42;
	v34 =	vsub.s32 v51, v50;
	v59 =	vbroadcast v22, $0x9  }
0x1e8: {  	v63 =	vbroadcast v22, $0xA;
	v53 =	vsub.s32 $0x0, v2;
	v58 =	vsub.s32 $0x0, v57  }
0x1e9: {  	v28 =	vsub.s32 $0x0, v60;
	v62 =	vsub.s32 $0x0, v61;
	v37 =	vsub.s32 $0x0, v36  }
0x1ea: {  	v38 =	vsub.s32 $0x0, v26;
	v40 =	vsub.s32 $0x0, v31;
	v44 =	vsub.s32 $0x0, v41  }
0x1eb: {  	v46 =	vsub.s32 $0x0, v45;
	v47 =	vsub.s32 $0x0, v30;
	v52 =	vsub.s32 $0x0, v48  }
0x1ec: {  	v56 =	vsub.s32 $0x0, v34;
	v0 =	vmin.u32 v2, v53;
	v2 =	vadd.s32 v8, v21  }
0x1ed: {  	v29 =	vmin.u32 v36, v37;
	v26 =	vmin.u32 v26, v38;
	v43 =	vmin.u32 v31, v40  }
0x1ee: {  	v31 =	vmin.u32 v41, v44;
	v32 =	vmin.u32 v45, v46;
	v30 =	vmin.u32 v30, v47  }
0x1ef: {  	v33 =	vmin.u32 v48, v52;
	v53 =	vsub.s32 v22, v50;
	v34 =	vmin.u32 v34, v56  }
0x1f0: {  	v39 =	vsub.s32 v51, v59;
	v46 =	vsub.s32 v22, v63;
	v50 =	vbroadcast v22, $0xB  }
0x1f1: {  	v41 =	vsub.s32 v51, v63;
	v52 =	vbroadcast v22, $0xC;
	v56 =	vbroadcast v22, $0xD  }
0x1f2: {  	vm12 =	vlt.s32 v0, $0x1;
	v23 =	vperm.xlane v2, v22;
	v2 =	vsub.s32 $0x0, v1  }
0x1f3: {  	v45 =	vsub.s32 $0x0, v39;
	v47 =	vsub.s32 $0x0, v46;
	v48 =	vsub.s32 $0x0, v41  }
0x1f4: {  	v0 =	vnsel vm12, $0x1, v0;
	v39 =	vmin.u32 v39, v45;
	v42 =	vmin.u32 v46, v47  }
0x1f5: {  	v41 =	vmin.u32 v41, v48;
	v47 =	vsub.s32 v22, v52;
	v0 =	vsub.s32 $0x1, v0  }
0x1f6: {  	v44 =	vsub.s32 v51, v50;
	v24 =	vand.u32 v6, v0;
	v0 =	vmin.u32 v1, v2  }
0x1f7: {  	v48 =	vsub.s32 $0x0, v44;
	v2 =	vsub.s32 v22, v54;
	vm12 =	vlt.s32 v0, $0x1  }
0x1f8: {  	v44 =	vmin.u32 v44, v48;
	v55 =	vsub.s32 $0x0, v2;
	v1 =	vnsel vm12, $0x1, v0  }
0x1f9: {  	v0 =	vmin.u32 v2, v55;
	v2 =	vsub.s32 v51, v54;
	v54 =	vsub.s32 $0x0, v53  }
0x1fa: {  	v55 =	vbroadcast v22, $0x8;
	vm12 =	vlt.s32 v0, $0x1;
	v25 =	vsub.s32 $0x0, v2  }
0x1fb: {  	v36 =	vmin.u32 v53, v54;
	v53 =	vsub.s32 v22, v50;
	v0 =	vnsel vm12, $0x1, v0  }
0x1fc: {  	v2 =	vmin.u32 v2, v25;
	v25 =	vmin.u32 v57, v58;
	v57 =	vsub.s32 v22, v55  }
0x1fd: {  	v38 =	vsub.s32 v51, v55;
	v54 =	vsub.s32 $0x0, v53;
	v55 =	vsub.s32 $0x0, v47  }
0x1fe: {  	v0 =	vsub.s32 $0x1, v0;
	vm12 =	vlt.s32 v2, $0x1;
	v58 =	vsub.s32 $0x0, v57  }
0x1ff: {  	v45 =	vmin.u32 v53, v54;
	v46 =	vmin.u32 v47, v55;
	v2 =	vnsel vm12, $0x1, v2  }
0x200: {  	vm12 =	vlt.s32 v25, $0x1;
	v27 =	vand.u32 v7, v0;
	v37 =	vmin.u32 v57, v58  }
0x201: {  	v57 =	vsub.s32 v51, v52;
	v58 =	vbroadcast v22, $0xE;
	v0 =	vnsel vm12, $0x1, v25  }
0x202: {  	v25 =	vmin.u32 v60, v28;
	v60 =	vsub.s32 $0x0, v38;
	v23 =	vadd.s32 v23, v27  }
0x203: {  	v1 =	vadd.s32 v2, v1;
	v2 =	vsub.s32 v51, v56;
	v0 =	vsub.s32 $0x1, v0  }
0x204: {  	vm12 =	vlt.s32 v25, $0x1;
	v38 =	vmin.u32 v38, v60;
	v23 =	vadd.s32 v24, v23  }
0x205: {  	v60 =	vsub.s32 v22, v56;
	v50 =	vsub.s32 v22, v58;
	v28 =	vand.u32 v9, v0  }
0x206: {  	v0 =	vmin.u32 v61, v62;
	v25 =	vnsel vm12, $0x1, v25;
	v61 =	vsub.s32 v22, v59  }
0x207: {  	v59 =	vsub.s32 $0x0, v57;
	v63 =	vsub.s32 $0x0, v50;
	vm12 =	vlt.s32 v0, $0x1  }
0x208: {  	v62 =	vsub.s32 $0x0, v61;
	v23 =	vadd.s32 v28, v23;
	v28 =	vmin.u32 v50, v63  }
0x209: {  	v24 =	vmin.u32 v57, v59;
	v1 =	vadd.s32 v25, v1;
	v0 =	vnsel vm12, $0x1, v0  }
0x20a: {  	vm12 =	vlt.s32 v29, $0x1;
	v40 =	vmin.u32 v61, v62;
	v61 =	vsub.s32 $0x0, v60  }
0x20b: {  	v0 =	vsub.s32 $0x1, v0;
	v29 =	vnsel vm12, $0x1, v29;
	vm12 =	vlt.s32 v26, $0x1  }
0x20c: {  	v62 =	vmin.u32 v60, v61;
	v0 =	vand.u32 v10, v0;
	v29 =	vsub.s32 $0x1, v29  }
0x20d: {  	v26 =	vnsel vm12, $0x1, v26;
	vm12 =	vlt.s32 v43, $0x1;
	v35 =	vand.u32 v11, v29  }
0x20e: {  	v29 =	vnsel vm12, $0x1, v43;
	vm12 =	vlt.s32 v31, $0x1;
	v0 =	vadd.s32 v0, v23  }
0x20f: {  	v1 =	vadd.s32 v26, v1;
	v31 =	vnsel vm12, $0x1, v31;
	vm12 =	vlt.s32 v32, $0x1  }
0x210: {  	v0 =	vadd.s32 v35, v0;
	v1 =	vadd.s32 v29, v1;
	v31 =	vsub.s32 $0x1, v31  }
0x211: {  	v32 =	vnsel vm12, $0x1, v32;
	vm12 =	vlt.s32 v30, $0x1;
	v31 =	vand.u32 v12, v31  }
0x212: {  	v30 =	vnsel vm12, $0x1, v30;
	v32 =	vsub.s32 $0x1, v32;
	vm12 =	vlt.s32 v33, $0x1  }
0x213: {  	v32 =	vand.u32 v13, v32;
	v33 =	vnsel vm12, $0x1, v33;
	vm12 =	vlt.s32 v36, $0x1  }
0x214: {  	v0 =	vadd.s32 v31, v0;
	v1 =	vadd.s32 v30, v1;
	v36 =	vnsel vm12, $0x1, v36  }
0x215: {  	vm12 =	vlt.s32 v34, $0x1;
	v0 =	vadd.s32 v32, v0;
	v1 =	vadd.s32 v33, v1  }
0x216: {  	v36 =	vsub.s32 $0x1, v36;
	v34 =	vnsel vm12, $0x1, v34;
	vm12 =	vlt.s32 v37, $0x1  }
0x217: {  	v36 =	vand.u32 v14, v36;
	v37 =	vnsel vm12, $0x1, v37;
	vm12 =	vlt.s32 v38, $0x1  }
0x218: {  	v1 =	vadd.s32 v34, v1;
	v38 =	vnsel vm12, $0x1, v38;
	vm12 =	vlt.s32 v40, $0x1  }
0x219: {  	v37 =	vsub.s32 $0x1, v37;
	v0 =	vadd.s32 v36, v0;
	v40 =	vnsel vm12, $0x1, v40  }
0x21a: {  	v37 =	vand.u32 v15, v37;
	vm12 =	vlt.s32 v39, $0x1;
	v40 =	vsub.s32 $0x1, v40  }
0x21b: {  	v39 =	vnsel vm12, $0x1, v39;
	vm12 =	vlt.s32 v42, $0x1;
	v0 =	vadd.s32 v37, v0  }
0x21c: {  	v40 =	vand.u32 v16, v40;
	v42 =	vnsel vm12, $0x1, v42;
	vm12 =	vlt.s32 v41, $0x1  }
0x21d: {  	v42 =	vsub.s32 $0x1, v42;
	v41 =	vnsel vm12, $0x1, v41;
	vm12 =	vlt.s32 v45, $0x1  }
0x21e: {  	v0 =	vadd.s32 v40, v0;
	v45 =	vnsel vm12, $0x1, v45;
	vm12 =	vlt.s32 v46, $0x1  }
0x21f: {  	v42 =	vand.u32 v18, v42;
	v45 =	vsub.s32 $0x1, v45;
	v46 =	vnsel vm12, $0x1, v46  }
0x220: {  	vm12 =	vlt.s32 v44, $0x1;
	v0 =	vadd.s32 v42, v0;
	v45 =	vand.u32 v17, v45  }
0x221: {  	v44 =	vnsel vm12, $0x1, v44;
	v46 =	vsub.s32 $0x1, v46;
	vm12 =	vlt.s32 v62, $0x1  }
0x222: {  	v46 =	vand.u32 v19, v46;
	v23 =	vnsel vm12, $0x1, v62;
	vm12 =	vlt.s32 v28, $0x1  }
0x223: {  	v0 =	vadd.s32 v45, v0;
	v32 =	vnsel vm12, $0x1, v28;
	v23 =	vsub.s32 $0x1, v23  }
0x224: {  	v0 =	vadd.s32 v46, v0;
	v23 =	vand.u32 v20, v23;
	v36 =	vsub.s32 $0x1, v32  }
0x225: {  	v1 =	vadd.s32 v38, v1;
	v26 =	vand.u32 v4, v36;
	v0 =	vadd.s32 v23, v0  }
0x226: {  	v35 =	vsub.s32 $0x0, v2;
	v1 =	vadd.s32 v39, v1;
	v0 =	vadd.s32 v26, v0  }
0x227: {  	v2 =	vmin.u32 v2, v35;
	v40 =	vbroadcast v22, $0xF;
	v1 =	vadd.s32 v41, v1;
	[tilespmem:$0x390] =	vst v0  }
0x228: {  	v1 =	vadd.s32 v44, v1;
	vm12 =	vlt.s32 v24, $0x1;
	v0 =	vsub.s32 v51, v58;
	v22 =	vld [tilespmem:s11+$0x20]  }
0x229: {  	v37 =	vnsel vm12, $0x1, v24;
	v24 =	vsub.s32 v51, v40;
	v42 =	vsub.s32 $0x0, v0  }
0x22a: {  	vm12 =	vlt.s32 v2, $0x1;
	v43 =	vsub.s32 $0x0, v24;
	v0 =	vmin.u32 v0, v42  }
0x22b: {  	v2 =	vnsel vm12, $0x1, v2;
	v24 =	vmin.u32 v24, v43;
	vm12 =	vlt.s32 v0, $0x1  }
0x22c: {  	v1 =	vadd.s32 v37, v1;
	v0 =	vnsel vm12, $0x1, v0;
	vm12 =	vlt.s32 v24, $0x1  }
0x22d: {  	v1 =	vadd.s32 v2, v1;
	v44 =	vnsel vm12, $0x1, v24;
	v2 =	vbroadcast v22, $0x0  }
0x22e: {  	v0 =	vadd.s32 v0, v1;
	v46 =	vbroadcast v22, $0x1;
	v48 =	vbroadcast v22, $0x2  }
0x22f: {  	v0 =	vadd.s32 v44, v0;
	v53 =	vbroadcast v22, $0x3;
	v57 =	vbroadcast v22, $0x4  }
0x230: {  	v61 =	vbroadcast v22, $0x5;
	v36 =	vbroadcast v22, $0x6;
	v21 =	vsub.s32 v21, v0  }
0x231: {  	v43 =	vbroadcast v22, $0x7;
	v1 =	vsub.s32 v22, v2;
	v45 =	vadd.s32 v21, v8  }
0x232: {  	v2 =	vsub.s32 v51, v2;
	v50 =	vsub.s32 v22, v48;
	v54 =	vsub.s32 v51, v48  }
0x233: {  	v55 =	vsub.s32 v22, v53;
	v58 =	vsub.s32 v22, v57;
	v26 =	vsub.s32 v51, v53  }
0x234: {  	v31 =	vsub.s32 v51, v57;
	v63 =	vsub.s32 v22, v61;
	v39 =	vsub.s32 v22, v36  }
0x235: {  	v30 =	vsub.s32 v51, v61;
	v42 =	vsub.s32 v51, v36;
	v34 =	vsub.s32 v51, v43  }
0x236: {  	v53 =	vbroadcast v22, $0x9;
	v57 =	vbroadcast v22, $0xA;
	v0 =	vsub.s32 $0x0, v1  }
0x237: {  	v52 =	vsub.s32 $0x0, v50;
	v28 =	vsub.s32 $0x0, v54;
	v56 =	vsub.s32 $0x0, v55  }
0x238: {  	v59 =	vsub.s32 $0x0, v58;
	v60 =	vsub.s32 $0x0, v26;
	v62 =	vsub.s32 $0x0, v31  }
0x239: {  	v38 =	vsub.s32 $0x0, v63;
	v40 =	vsub.s32 $0x0, v39;
	v41 =	vsub.s32 $0x0, v30  }
0x23a: {  	v44 =	vsub.s32 $0x0, v42;
	v48 =	vsub.s32 $0x0, v34;
	v0 =	vmin.u32 v1, v0  }
0x23b: {  	v1 =	vadd.s32 $0x10, v45;
	v29 =	vmin.u32 v58, v59;
	v26 =	vmin.u32 v26, v60  }
0x23c: {  	v37 =	vmin.u32 v31, v62;
	v31 =	vmin.u32 v63, v38;
	v32 =	vmin.u32 v39, v40  }
0x23d: {  	v30 =	vmin.u32 v30, v41;
	v33 =	vmin.u32 v42, v44;
	v45 =	vsub.s32 v22, v43  }
0x23e: {  	v34 =	vmin.u32 v34, v48;
	v39 =	vsub.s32 v51, v53;
	v59 =	vsub.s32 v22, v57  }
0x23f: {  	v41 =	vsub.s32 v51, v57;
	v62 =	vbroadcast v22, $0xB;
	v63 =	vbroadcast v22, $0xC  }
0x240: {  	v57 =	vbroadcast v22, $0xE;
	vm12 =	vlt.s32 v0, $0x1;
	v23 =	vperm.xlane v1, v22  }
0x241: {  	v1 =	vsub.s32 $0x0, v2;
	v58 =	vsub.s32 $0x0, v39;
	v60 =	vsub.s32 $0x0, v59  }
0x242: {  	v61 =	vsub.s32 $0x0, v41;
	v0 =	vnsel vm12, $0x1, v0;
	v39 =	vmin.u32 v39, v58  }
0x243: {  	v42 =	vmin.u32 v59, v60;
	v41 =	vmin.u32 v41, v61;
	v0 =	vsub.s32 $0x1, v0  }
0x244: {  	v48 =	vsub.s32 v22, v62;
	v24 =	vand.u32 v6, v0;
	v0 =	vmin.u32 v2, v1  }
0x245: {  	v44 =	vsub.s32 v51, v62;
	v2 =	vsub.s32 v22, v46;
	vm12 =	vlt.s32 v0, $0x1  }
0x246: {  	v61 =	vsub.s32 v22, v57;
	v47 =	vsub.s32 $0x0, v2;
	v1 =	vnsel vm12, $0x1, v0  }
0x247: {  	v0 =	vmin.u32 v2, v47;
	v2 =	vsub.s32 v51, v46;
	v46 =	vsub.s32 $0x0, v45  }
0x248: {  	v47 =	vbroadcast v22, $0x8;
	vm12 =	vlt.s32 v0, $0x1;
	v25 =	vsub.s32 $0x0, v2  }
0x249: {  	v36 =	vmin.u32 v45, v46;
	v0 =	vnsel vm12, $0x1, v0;
	v2 =	vmin.u32 v2, v25  }
0x24a: {  	v25 =	vmin.u32 v50, v52;
	v50 =	vsub.s32 v22, v47;
	v38 =	vsub.s32 v51, v47  }
0x24b: {  	v0 =	vsub.s32 $0x1, v0;
	vm12 =	vlt.s32 v2, $0x1;
	v52 =	vsub.s32 $0x0, v50  }
0x24c: {  	v2 =	vnsel vm12, $0x1, v2;
	vm12 =	vlt.s32 v25, $0x1;
	v27 =	vand.u32 v7, v0  }
0x24d: {  	v0 =	vnsel vm12, $0x1, v25;
	v25 =	vmin.u32 v54, v28;
	v54 =	vsub.s32 $0x0, v38  }
0x24e: {  	v23 =	vadd.s32 v23, v27;
	v1 =	vadd.s32 v1, v2;
	v0 =	vsub.s32 $0x1, v0  }
0x24f: {  	vm12 =	vlt.s32 v25, $0x1;
	v38 =	vmin.u32 v38, v54;
	v54 =	vsub.s32 $0x0, v44  }
0x250: {  	v23 =	vadd.s32 v24, v23;
	v28 =	vand.u32 v9, v0;
	v0 =	vmin.u32 v55, v56  }
0x251: {  	v25 =	vnsel vm12, $0x1, v25;
	v55 =	vsub.s32 v22, v53;
	v44 =	vmin.u32 v44, v54  }
0x252: {  	v54 =	vsub.s32 v51, v57;
	vm12 =	vlt.s32 v0, $0x1;
	v56 =	vsub.s32 $0x0, v55  }
0x253: {  	v23 =	vadd.s32 v28, v23;
	v1 =	vadd.s32 v25, v1;
	v0 =	vnsel vm12, $0x1, v0  }
0x254: {  	vm12 =	vlt.s32 v29, $0x1;
	v40 =	vmin.u32 v55, v56;
	v55 =	vbroadcast v22, $0xD  }
0x255: {  	v56 =	vsub.s32 v51, v63;
	v0 =	vsub.s32 $0x1, v0;
	v29 =	vnsel vm12, $0x1, v29  }
0x256: {  	vm12 =	vlt.s32 v26, $0x1;
	v58 =	vsub.s32 $0x0, v56;
	v0 =	vand.u32 v10, v0  }
0x257: {  	v26 =	vnsel vm12, $0x1, v26;
	v29 =	vsub.s32 $0x1, v29;
	vm12 =	vlt.s32 v37, $0x1  }
0x258: {  	v59 =	vsub.s32 v22, v55;
	v35 =	vand.u32 v11, v29;
	v29 =	vnsel vm12, $0x1, v37  }
0x259: {  	vm12 =	vlt.s32 v31, $0x1;
	v37 =	vmin.u32 v50, v52;
	v50 =	vsub.s32 $0x0, v48  }
0x25a: {  	v52 =	vsub.s32 v22, v63;
	v60 =	vsub.s32 $0x0, v59;
	v0 =	vadd.s32 v0, v23  }
0x25b: {  	v63 =	vsub.s32 $0x0, v61;
	v1 =	vadd.s32 v26, v1;
	v31 =	vnsel vm12, $0x1, v31  }
0x25c: {  	vm12 =	vlt.s32 v32, $0x1;
	v45 =	vmin.u32 v48, v50;
	v53 =	vsub.s32 $0x0, v52  }
0x25d: {  	v62 =	vmin.u32 v59, v60;
	v0 =	vadd.s32 v35, v0;
	v28 =	vmin.u32 v61, v63  }
0x25e: {  	v1 =	vadd.s32 v29, v1;
	v31 =	vsub.s32 $0x1, v31;
	v32 =	vnsel vm12, $0x1, v32  }
0x25f: {  	vm12 =	vlt.s32 v30, $0x1;
	v46 =	vmin.u32 v52, v53;
	v31 =	vand.u32 v12, v31  }
0x260: {  	v30 =	vnsel vm12, $0x1, v30;
	v32 =	vsub.s32 $0x1, v32;
	vm12 =	vlt.s32 v33, $0x1  }
0x261: {  	v32 =	vand.u32 v13, v32;
	v33 =	vnsel vm12, $0x1, v33;
	vm12 =	vlt.s32 v36, $0x1  }
0x262: {  	v0 =	vadd.s32 v31, v0;
	v36 =	vnsel vm12, $0x1, v36;
	vm12 =	vlt.s32 v34, $0x1  }
0x263: {  	v0 =	vadd.s32 v32, v0;
	v34 =	vnsel vm12, $0x1, v34;
	vm12 =	vlt.s32 v37, $0x1  }
0x264: {  	v36 =	vsub.s32 $0x1, v36;
	v37 =	vnsel vm12, $0x1, v37;
	vm12 =	vlt.s32 v38, $0x1  }
0x265: {  	v36 =	vand.u32 v14, v36;
	v38 =	vnsel vm12, $0x1, v38;
	vm12 =	vlt.s32 v40, $0x1  }
0x266: {  	v37 =	vsub.s32 $0x1, v37;
	v0 =	vadd.s32 v36, v0;
	v40 =	vnsel vm12, $0x1, v40  }
0x267: {  	v37 =	vand.u32 v15, v37;
	vm12 =	vlt.s32 v39, $0x1;
	v40 =	vsub.s32 $0x1, v40  }
0x268: {  	v39 =	vnsel vm12, $0x1, v39;
	vm12 =	vlt.s32 v42, $0x1;
	v0 =	vadd.s32 v37, v0  }
0x269: {  	v40 =	vand.u32 v16, v40;
	v42 =	vnsel vm12, $0x1, v42;
	vm12 =	vlt.s32 v41, $0x1  }
0x26a: {  	v42 =	vsub.s32 $0x1, v42;
	v41 =	vnsel vm12, $0x1, v41;
	vm12 =	vlt.s32 v45, $0x1  }
0x26b: {  	v0 =	vadd.s32 v40, v0;
	v45 =	vnsel vm12, $0x1, v45;
	vm12 =	vlt.s32 v46, $0x1  }
0x26c: {  	v42 =	vand.u32 v18, v42;
	v45 =	vsub.s32 $0x1, v45;
	v46 =	vnsel vm12, $0x1, v46  }
0x26d: {  	vm12 =	vlt.s32 v44, $0x1;
	v0 =	vadd.s32 v42, v0;
	v45 =	vand.u32 v17, v45  }
0x26e: {  	v44 =	vnsel vm12, $0x1, v44;
	v46 =	vsub.s32 $0x1, v46;
	vm12 =	vlt.s32 v62, $0x1  }
0x26f: {  	v46 =	vand.u32 v19, v46;
	v23 =	vnsel vm12, $0x1, v62;
	vm12 =	vlt.s32 v28, $0x1  }
0x270: {  	v0 =	vadd.s32 v45, v0;
	v48 =	vnsel vm12, $0x1, v28;
	v23 =	vsub.s32 $0x1, v23  }
0x271: {  	v0 =	vadd.s32 v46, v0;
	v23 =	vand.u32 v20, v23;
	v52 =	vsub.s32 $0x1, v48  }
0x272: {  	v1 =	vadd.s32 v30, v1;
	v26 =	vand.u32 v4, v52;
	v0 =	vadd.s32 v23, v0  }
0x273: {  	v24 =	vmin.u32 v56, v58;
	v1 =	vadd.s32 v33, v1;
	v0 =	vadd.s32 v26, v0  }
0x274: {  	v2 =	vsub.s32 v51, v55;
	v22 =	vbroadcast v22, $0xF;
	[tilespmem:$0x3A0] =	vst v0;
	v0 =	vadd.s32 v34, v1  }
0x275: {  	v55 =	vsub.s32 $0x0, v54;
	v50 =	vsub.s32 $0x0, v2;
	v1 =	vld [tilespmem:s11+$0x30];
	v0 =	vadd.s32 v38, v0  }
0x276: {  	v2 =	vmin.u32 v2, v50;
	v22 =	vsub.s32 v51, v22;
	v0 =	vadd.s32 v39, v0  }
0x277: {  	v56 =	vsub.s32 $0x0, v22;
	vm12 =	vlt.s32 v24, $0x1;
	v0 =	vadd.s32 v41, v0  }
0x278: {  	v53 =	vnsel vm12, $0x1, v24;
	vm12 =	vlt.s32 v2, $0x1;
	v0 =	vadd.s32 v44, v0  }
0x279: {  	v22 =	vmin.u32 v22, v56;
	v2 =	vnsel vm12, $0x1, v2;
	v0 =	vadd.s32 v53, v0  }
0x27a: {  	v24 =	vmin.u32 v54, v55;
	v0 =	vadd.s32 v2, v0;
	v2 =	vbroadcast v1, $0x0  }
0x27b: {  	vm12 =	vlt.s32 v24, $0x1;
	v58 =	vbroadcast v1, $0x1;
	v61 =	vbroadcast v1, $0x2  }
0x27c: {  	v24 =	vnsel vm12, $0x1, v24;
	v63 =	vbroadcast v1, $0x3;
	v27 =	vbroadcast v1, $0x4  }
0x27d: {  	vm12 =	vlt.s32 v22, $0x1;
	v32 =	vbroadcast v1, $0x5;
	v35 =	vbroadcast v1, $0x6  }
0x27e: {  	v22 =	vnsel vm12, $0x1, v22;
	v38 =	vbroadcast v1, $0x7;
	v42 =	vbroadcast v1, $0x8  }
0x27f: {  	v46 =	vbroadcast v1, $0x9;
	v47 =	vbroadcast v1, $0xA;
	v0 =	vadd.s32 v24, v0  }
0x280: {  	v52 =	vbroadcast v1, $0xB;
	v55 =	vbroadcast v1, $0xC;
	v0 =	vadd.s32 v22, v0  }
0x281: {  	v2 =	vsub.s32 v1, v2;
	v59 =	vsub.s32 v1, v58;
	v62 =	vsub.s32 v1, v61  }
0x282: {  	v26 =	vsub.s32 v1, v63;
	v30 =	vsub.s32 v1, v27;
	v34 =	vsub.s32 v1, v32  }
0x283: {  	v37 =	vsub.s32 v1, v35;
	v40 =	vsub.s32 v1, v38;
	v44 =	vsub.s32 v1, v42  }
0x284: {  	v48 =	vsub.s32 v1, v46;
	v54 =	vsub.s32 v1, v52;
	v61 =	vbroadcast v1, $0xD  }
0x285: {  	v0 =	vsub.s32 v8, v0;
	v57 =	vsub.s32 $0x0, v2;
	v60 =	vsub.s32 $0x0, v59  }
0x286: {  	v25 =	vsub.s32 $0x0, v62;
	v22 =	vsub.s32 $0x0, v26;
	v31 =	vsub.s32 $0x0, v30  }
0x287: {  	v36 =	vsub.s32 $0x0, v34;
	v41 =	vsub.s32 $0x0, v40;
	v45 =	vsub.s32 $0x0, v44  }
0x288: {  	v0 =	vadd.s32 v21, v0;
	v2 =	vmin.u32 v2, v57;
	v8 =	vmin.u32 v59, v60  }
0x289: {  	v29 =	vmin.u32 v26, v22;
	v33 =	vmin.u32 v30, v31;
	v22 =	vsub.s32 $0x0, v37  }
0x28a: {  	v43 =	vmin.u32 v40, v41;
	v21 =	vsub.s32 v1, v47;
	v57 =	vsub.s32 v1, v55  }
0x28b: {  	v0 =	vadd.s32 $0x20, v0;
	vm12 =	vlt.s32 v2, $0x1;
	v39 =	vmin.u32 v37, v22  }
0x28c: {  	v22 =	vsub.s32 $0x0, v48;
	v50 =	vsub.s32 $0x0, v21;
	v59 =	vsub.s32 $0x0, v57  }
0x28d: {  	v2 =	vnsel vm12, $0x1, v2;
	v0 =	vperm.xlane v0, v1;
	vm12 =	vlt.s32 v8, $0x1  }
0x28e: {  	v21 =	vmin.u32 v21, v50;
	v60 =	vmin.u32 v57, v59;
	v2 =	vsub.s32 $0x1, v2  }
0x28f: {  	v24 =	vnsel vm12, $0x1, v8;
	v8 =	vmin.u32 v62, v25;
	v62 =	vbroadcast v1, $0xE  }
0x290: {  	v2 =	vand.u32 v6, v2;
	v6 =	vsub.s32 $0x1, v24;
	vm12 =	vlt.s32 v8, $0x1  }
0x291: {  	v6 =	vand.u32 v7, v6;
	v28 =	vnsel vm12, $0x1, v8;
	vm12 =	vlt.s32 v29, $0x1  }
0x292: {  	v7 =	vsub.s32 $0x1, v28;
	v8 =	vnsel vm12, $0x1, v29;
	vm12 =	vlt.s32 v33, $0x1  }
0x293: {  	v0 =	vadd.s32 v0, v6;
	v7 =	vand.u32 v9, v7;
	v8 =	vsub.s32 $0x1, v8  }
0x294: {  	v9 =	vnsel vm12, $0x1, v33;
	v0 =	vadd.s32 v2, v0;
	v8 =	vand.u32 v10, v8  }
0x295: {  	v9 =	vsub.s32 $0x1, v9;
	v10 =	vmin.u32 v34, v36;
	v0 =	vadd.s32 v7, v0  }
0x296: {  	v7 =	vsub.s32 v1, v61;
	v1 =	vsub.s32 v1, v62;
	vm12 =	vlt.s32 v10, $0x1  }
0x297: {  	v9 =	vand.u32 v11, v9;
	v0 =	vadd.s32 v8, v0;
	v63 =	vsub.s32 $0x0, v7  }
0x298: {  	v8 =	vsub.s32 $0x0, v1;
	v10 =	vnsel vm12, $0x1, v10;
	vm12 =	vlt.s32 v39, $0x1  }
0x299: {  	v0 =	vadd.s32 v9, v0;
	v7 =	vmin.u32 v7, v63;
	v1 =	vmin.u32 v1, v8  }
0x29a: {  	v10 =	vsub.s32 $0x1, v10;
	v11 =	vnsel vm12, $0x1, v39;
	vm12 =	vlt.s32 v43, $0x1  }
0x29b: {  	v10 =	vand.u32 v12, v10;
	v11 =	vsub.s32 $0x1, v11;
	v12 =	vnsel vm12, $0x1, v43  }
0x29c: {  	v11 =	vand.u32 v13, v11;
	v12 =	vsub.s32 $0x1, v12;
	v13 =	vmin.u32 v44, v45  }
0x29d: {  	v0 =	vadd.s32 v10, v0;
	v12 =	vand.u32 v14, v12;
	vm12 =	vlt.s32 v13, $0x1  }
0x29e: {  	v14 =	vmin.u32 v48, v22;
	v22 =	vsub.s32 $0x0, v54;
	v0 =	vadd.s32 v11, v0  }
0x29f: {  	v13 =	vnsel vm12, $0x1, v13;
	vm12 =	vlt.s32 v14, $0x1;
	v56 =	vmin.u32 v54, v22  }
0x2a0: {  	v13 =	vsub.s32 $0x1, v13;
	v14 =	vnsel vm12, $0x1, v14;
	vm12 =	vlt.s32 v21, $0x1  }
0x2a1: {  	v0 =	vadd.s32 v12, v0;
	v13 =	vand.u32 v15, v13;
	v53 =	vnsel vm12, $0x1, v21  }
0x2a2: {  	v14 =	vsub.s32 $0x1, v14;
	vm12 =	vlt.s32 v56, $0x1;
	v15 =	vsub.s32 $0x1, v53  }
0x2a3: {  	v14 =	vand.u32 v16, v14;
	v58 =	vnsel vm12, $0x1, v56;
	vm12 =	vlt.s32 v60, $0x1  }
0x2a4: {  	v0 =	vadd.s32 v13, v0;
	v15 =	vand.u32 v18, v15;
	v2 =	vsub.s32 $0x1, v58  }
0x2a5: {  	v6 =	vnsel vm12, $0x1, v60;
	vm12 =	vlt.s32 v7, $0x1;
	v0 =	vadd.s32 v14, v0  }
0x2a6: {  	v2 =	vand.u32 v17, v2;
	v6 =	vsub.s32 $0x1, v6;
	v7 =	vnsel vm12, $0x1, v7  }
0x2a7: {  	vm12 =	vlt.s32 v1, $0x1;
	v0 =	vadd.s32 v15, v0;
	v6 =	vand.u32 v19, v6  }
0x2a8: {  	v7 =	vsub.s32 $0x1, v7;
	v1 =	vnsel vm12, $0x1, v1;
	v0 =	vadd.s32 v2, v0  }
0x2a9: {  	v2 =	vand.u32 v20, v7;
	v1 =	vsub.s32 $0x1, v1;
	v0 =	vadd.s32 v6, v0  }
0x2aa: {  	v1 =	vand.u32 v4, v1;
	v0 =	vadd.s32 v2, v0  }
0x2ab: {  	v0 =	vadd.s32 v1, v0  }
0x2ac: {  	s18 =	simm.s32 $0x380;
	[tilespmem:$0x3B0] =	vst v0  }
0x2ad: {  	[hbm4b:s12+s4] =	stream.linear.scatter [tilespmem:s18], [sflag:$0x3], $0x40, $0x38;
	[tilespmem:$0xC4A0] =	vst v63  }
0x2ae: {  	_ =	swait.ge [sflag:s17], $0x40  }
0x2af: {  	[sflag:s17] =	ssyncset.done $0x0  }
0x2b0: {  	[sflag:s17] =	ssyncadd.s32 $0xFFFFFFC0  }
0x2b1: {  	_ =	swait.ge [sflag:s22], $0xC000  }
0x2b2: {  	[sflag:s22] =	ssyncset.done $0x0  }
0x2b3: {  	[sflag:s22] =	ssyncadd.s32 $0xFFFF4000  }
0x2b4: {  	v0 =	vld [tilespmem:$0x380];
	_ =	sdelay $0x4  }
0x2b5: {  	v1 =	vshrl.u32 v0, $0x3  }
0x2b6: {  	v1 =	vmul.u32 $0x30, v1  }
0x2b7: {  	v0 =	vand.u32 $0x7, v0  }
0x2b8: {  	v0 =	vor.u32 v0, v1;
	v1 =	vand.u32 $0x7, v51  }
0x2b9: {  	v4 =	vmul.u32 $0x8, v5;
	v2 =	vperm.xlane v0, v1;
	_ =	sdelay $0x1  }
0x2ba: {  	v2 =	vadd.s32 v4, v2;
	_ =	sdelay $0x2  }
0x2bb: {  	v5 =	vor.u32 $0x8, v51  }
0x2bc: {  	vm12 =	vmmov $0xffff;
	v0 =	vperm.xlane v0, v5  }
0x2bd: {  	[hbm4b:s6+s4] =	stream.indirect_vreg.scatter [tilespmem:s16], [sflag:$0x1], $0x80, v2, vm12, $0xb8;
	[tilespmem:$0xC4A0] =	vst v63  }
0x2be: {  	s3 =	simm.s32 $0xC00;
	v0 =	vadd.s32 v4, v0  }
0x2bf: {  	[hbm4b:s13+s4] =	stream.indirect_vreg.scatter [tilespmem:s3], [sflag:$0x1], $0x80, v2, vm12, $0xb8;
	[tilespmem:$0xC4A0] =	vst v63  }
0x2c0: {  	s18 =	simm.s32 $0x1400  }
0x2c1: {  	[hbm4b:s14+s4] =	stream.indirect_vreg.scatter [tilespmem:s18], [sflag:$0x1], $0x80, v2, vm12, $0xb8;
	[tilespmem:$0xC4A0] =	vst v63  }
0x2c2: {  	s3 =	simm.s32 $0x1C00  }
0x2c3: {  	[hbm4b:s6+s4] =	stream.indirect_vreg.scatter [tilespmem:s3], [sflag:$0x1], $0x80, v0, vm12, $0xb8;
	[tilespmem:$0xC4A0] =	vst v63  }
0x2c4: {  	s18 =	simm.s32 $0x2400  }
0x2c5: {  	[hbm4b:s13+s4] =	stream.indirect_vreg.scatter [tilespmem:s18], [sflag:$0x1], $0x80, v0, vm12, $0xb8;
	[tilespmem:$0xC4A0] =	vst v63  }
0x2c6: {  	s3 =	simm.s32 $0x2C00  }
0x2c7: {  	[hbm4b:s14+s4] =	stream.indirect_vreg.scatter [tilespmem:s3], [sflag:$0x1], $0x80, v0, vm12, $0xb8;
	[tilespmem:$0xC4A0] =	vst v63  }
0x2c8: {  	v0 =	vld [tilespmem:$0x390];
	_ =	sdelay $0x4  }
0x2c9: {  	v2 =	vshrl.u32 v0, $0x3  }
0x2ca: {  	v2 =	vmul.u32 $0x30, v2  }
0x2cb: {  	v0 =	vand.u32 $0x7, v0  }
0x2cc: {  	v0 =	vor.u32 v0, v2  }
0x2cd: {  	v2 =	vperm.xlane v0, v1;
	_ =	sdelay $0x1  }
0x2ce: {  	v2 =	vadd.s32 v4, v2;
	_ =	sdelay $0x3  }
0x2cf: {  	s18 =	simm.s32 $0x3400;
	v0 =	vperm.xlane v0, v5  }
0x2d0: {  	[hbm4b:s6+s4] =	stream.indirect_vreg.scatter [tilespmem:s18], [sflag:$0x1], $0x80, v2, vm12, $0xb8;
	[tilespmem:$0xC4A0] =	vst v63  }
0x2d1: {  	s3 =	simm.s32 $0x3C00;
	v0 =	vadd.s32 v4, v0  }
0x2d2: {  	[hbm4b:s13+s4] =	stream.indirect_vreg.scatter [tilespmem:s3], [sflag:$0x1], $0x80, v2, vm12, $0xb8;
	[tilespmem:$0xC4A0] =	vst v63  }
0x2d3: {  	s18 =	simm.s32 $0x4400  }
0x2d4: {  	[hbm4b:s14+s4] =	stream.indirect_vreg.scatter [tilespmem:s18], [sflag:$0x1], $0x80, v2, vm12, $0xb8;
	[tilespmem:$0xC4A0] =	vst v63  }
0x2d5: {  	s3 =	simm.s32 $0x4C00  }
0x2d6: {  	[hbm4b:s6+s4] =	stream.indirect_vreg.scatter [tilespmem:s3], [sflag:$0x1], $0x80, v0, vm12, $0xb8;
	[tilespmem:$0xC4A0] =	vst v63  }
0x2d7: {  	s18 =	simm.s32 $0x5400  }
0x2d8: {  	[hbm4b:s13+s4] =	stream.indirect_vreg.scatter [tilespmem:s18], [sflag:$0x1], $0x80, v0, vm12, $0xb8;
	[tilespmem:$0xC4A0] =	vst v63  }
0x2d9: {  	s3 =	simm.s32 $0x5C00  }
0x2da: {  	[hbm4b:s14+s4] =	stream.indirect_vreg.scatter [tilespmem:s3], [sflag:$0x1], $0x80, v0, vm12, $0xb8;
	[tilespmem:$0xC4A0] =	vst v63  }
0x2db: {  	v0 =	vld [tilespmem:$0x3A0];
	_ =	sdelay $0x4  }
0x2dc: {  	v2 =	vshrl.u32 v0, $0x3  }
0x2dd: {  	v2 =	vmul.u32 $0x30, v2  }
0x2de: {  	v0 =	vand.u32 $0x7, v0  }
0x2df: {  	v0 =	vor.u32 v0, v2  }
0x2e0: {  	v2 =	vperm.xlane v0, v1;
	_ =	sdelay $0x1  }
0x2e1: {  	v2 =	vadd.s32 v4, v2;
	_ =	sdelay $0x3  }
0x2e2: {  	s18 =	simm.s32 $0x6400;
	v0 =	vperm.xlane v0, v5  }
0x2e3: {  	[hbm4b:s6+s4] =	stream.indirect_vreg.scatter [tilespmem:s18], [sflag:$0x1], $0x80, v2, vm12, $0xb8;
	[tilespmem:$0xC4A0] =	vst v63  }
0x2e4: {  	v0 =	vadd.s32 v4, v0  }
0x2e5: {  	[hbm4b:s13+s4] =	stream.indirect_vreg.scatter [tilespmem:s19], [sflag:$0x1], $0x80, v2, vm12, $0xb8;
	[tilespmem:$0xC4A0] =	vst v63  }
0x2e6: {  	_ = 	snop  }
0x2e7: {  	[hbm4b:s14+s4] =	stream.indirect_vreg.scatter [tilespmem:s21], [sflag:$0x1], $0x80, v2, vm12, $0xb8;
	[tilespmem:$0xC4A0] =	vst v63  }
0x2e8: {  	_ = 	snop  }
0x2e9: {  	[hbm4b:s6+s4] =	stream.indirect_vreg.scatter [tilespmem:s23], [sflag:$0x1], $0x80, v0, vm12, $0xb8;
	[tilespmem:$0xC4A0] =	vst v63  }
0x2ea: {  	_ = 	snop  }
0x2eb: {  	[hbm4b:s13+s4] =	stream.indirect_vreg.scatter [tilespmem:s24], [sflag:$0x1], $0x80, v0, vm12, $0xb8;
	[tilespmem:$0xC4A0] =	vst v63  }
0x2ec: {  	_ = 	snop  }
0x2ed: {  	[hbm4b:s14+s4] =	stream.indirect_vreg.scatter [tilespmem:s25], [sflag:$0x1], $0x80, v0, vm12, $0xb8;
	[tilespmem:$0xC4A0] =	vst v63  }
0x2ee: {  	v0 =	vld [tilespmem:$0x3B0];
	_ =	sdelay $0x4  }
0x2ef: {  	v2 =	vshrl.u32 v0, $0x3  }
0x2f0: {  	v2 =	vmul.u32 $0x30, v2  }
0x2f1: {  	v0 =	vand.u32 $0x7, v0  }
0x2f2: {  	v0 =	vor.u32 v0, v2  }
0x2f3: {  	v1 =	vperm.xlane v0, v1;
	_ =	sdelay $0x1  }
0x2f4: {  	v1 =	vadd.s32 v4, v1;
	_ =	sdelay $0x3  }
0x2f5: {  	v0 =	vperm.xlane v0, v5  }
0x2f6: {  	[hbm4b:s6+s4] =	stream.indirect_vreg.scatter [tilespmem:s26], [sflag:$0x1], $0x80, v1, vm12, $0xb8;
	[tilespmem:$0xC4A0] =	vst v63  }
0x2f7: {  	v0 =	vadd.s32 v4, v0  }
0x2f8: {  	[hbm4b:s13+s4] =	stream.indirect_vreg.scatter [tilespmem:s28], [sflag:$0x1], $0x80, v1, vm12, $0xb8;
	[tilespmem:$0xC4A0] =	vst v63  }
0x2f9: {  	_ = 	snop  }
0x2fa: {  	[hbm4b:s14+s4] =	stream.indirect_vreg.scatter [tilespmem:s29], [sflag:$0x1], $0x80, v1, vm12, $0xb8;
	[tilespmem:$0xC4A0] =	vst v63  }
0x2fb: {  	_ = 	snop  }
0x2fc: {  	[hbm4b:s6+s4] =	stream.indirect_vreg.scatter [tilespmem:s30], [sflag:$0x1], $0x80, v0, vm12, $0xb8;
	[tilespmem:$0xC4A0] =	vst v63  }
0x2fd: {  	_ = 	snop  }
0x2fe: {  	[hbm4b:s13+s4] =	stream.indirect_vreg.scatter [tilespmem:s31], [sflag:$0x1], $0x80, v0, vm12, $0xb8;
	[tilespmem:$0xC4A0] =	vst v63  }
.Ltmp3:
0x2ff: {  	_ = 	snop;
	(pc) =	sbr.rel @p0 .LBB2_5-.Ltmp3, $4  }
0x300: {  	[hbm4b:s14+s4] =	stream.indirect_vreg.scatter [tilespmem:s0], [sflag:$0x1], $0x80, v0, vm12, $0xb8;
	[tilespmem:$0xC4A0] =	vst v63  }
0x301: {  	_ =	swait.ge [sflag:s20], $0xC000  }
0x302: {  	[sflag:s20] =	ssyncset.done $0x0  }
0x303: {  	[sflag:s20] =	ssyncadd.s32 $0xFFFF4000  }
0x304: {  	v0 =	vbroadcast v3, $0x0;
	v4 =	vbroadcast v3, $0x2  }
0x305: {  	v56 =	vbroadcast v3, $0x3;
	v7 =	vbroadcast v3, $0x1  }
0x306: {  	v58 =	vbroadcast v3, $0x4;
	v8 =	vbroadcast v3, $0x5  }
0x307: {  	v14 =	vbroadcast v3, $0x6;
	v59 =	vbroadcast v3, $0x7  }
0x308: {  	v17 =	vbroadcast v3, $0x8;
	v62 =	vbroadcast v3, $0x9  }
0x309: {  	v20 =	vbroadcast v3, $0xA;
	v23 =	vbroadcast v3, $0xB  }
0x30a: {  	v28 =	vbroadcast v3, $0xC;
	v31 =	vbroadcast v3, $0xD  }
0x30b: {  	v1 =	vadd.s32 $0x1, v51;
	v34 =	vbroadcast v3, $0xE;
	v37 =	vbroadcast v3, $0xF  }
0x30c: {  	v40 =	vadd.s32 $0x11, v51;
	v2 =	vsub.s32 v1, v0;
	v6 =	vsub.s32 v1, v4  }
0x30d: {  	v57 =	vsub.s32 v1, v56;
	v9 =	vsub.s32 v1, v7;
	v12 =	vsub.s32 v1, v58  }
0x30e: {  	v13 =	vsub.s32 v1, v8;
	v16 =	vsub.s32 v1, v14;
	v61 =	vsub.s32 v1, v59  }
0x30f: {  	v19 =	vsub.s32 v1, v17;
	v24 =	vsub.s32 v1, v62;
	v22 =	vsub.s32 v1, v20  }
0x310: {  	v27 =	vsub.s32 v1, v23;
	v30 =	vsub.s32 v1, v28;
	v33 =	vsub.s32 v1, v31  }
0x311: {  	v36 =	vsub.s32 v1, v34;
	v1 =	vsub.s32 v1, v37;
	v0 =	vsub.s32 v40, v0  }
0x312: {  	v42 =	vsub.s32 v40, v4;
	v7 =	vsub.s32 v40, v7;
	v44 =	vsub.s32 v40, v8  }
0x313: {  	v47 =	vsub.s32 v40, v14;
	v48 =	vsub.s32 v40, v59;
	v53 =	vsub.s32 v40, v17  }
0x314: {  	v54 =	vsub.s32 v40, v62;
	v59 =	vsub.s32 v40, v31;
	v62 =	vsub.s32 v40, v37  }
0x315: {  	vm12 =	vgt.s32 v2, $0x0;
	vm13 =	vgt.s32 v57, $0x0;
	v2 =	vsub.s32 v40, v56  }
0x316: {  	v56 =	vsub.s32 v40, v20;
	v57 =	vsub.s32 v40, v23;
	v5 =	vsel vm12, $0x1, v49  }
0x317: {  	vm12 =	vgt.s32 v6, $0x0;
	v11 =	vsel vm13, $0x1, v49;
	vm13 =	vgt.s32 v13, $0x0  }
0x318: {  	v6 =	vsub.s32 v40, v58;
	v58 =	vsub.s32 v40, v28;
	v10 =	vsel vm12, $0x1, v49  }
0x319: {  	vm12 =	vgt.s32 v12, $0x0;
	v15 =	vsel vm13, $0x1, v49;
	vm13 =	vlt.s32 v9, $0x1  }
0x31a: {  	v60 =	vsel vm12, $0x1, v49;
	vm12 =	vgt.s32 v16, $0x0;
	v25 =	vsel vm13, $0xFFFFFFFF, v49  }
0x31b: {  	vm13 =	vgt.s32 v6, $0x0;
	v18 =	vsel vm12, $0x1, v49;
	vm12 =	vgt.s32 v61, $0x0  }
0x31c: {  	v5 =	vadd.s32 v5, v25;
	v46 =	vsel vm13, $0x1, v49;
	vm13 =	vlt.s32 v7, $0x1  }
0x31d: {  	v61 =	vsub.s32 v40, v34;
	v63 =	vsel vm12, $0x1, v49;
	v5 =	vadd.s32 v10, v5  }
0x31e: {  	vm12 =	vgt.s32 v19, $0x0;
	v50 =	vsel vm13, $0xFFFFFFFF, v49;
	v5 =	vadd.s32 v11, v5  }
0x31f: {  	v21 =	vsel vm12, $0x1, v49;
	vm12 =	vgt.s32 v24, $0x0;
	v5 =	vadd.s32 v60, v5  }
0x320: {  	v26 =	vsel vm12, $0x1, v49;
	vm12 =	vgt.s32 v22, $0x0;
	v5 =	vadd.s32 v15, v5  }
0x321: {  	v29 =	vsel vm12, $0x1, v49;
	vm12 =	vgt.s32 v27, $0x0;
	v5 =	vadd.s32 v18, v5  }
0x322: {  	v32 =	vsel vm12, $0x1, v49;
	vm12 =	vgt.s32 v30, $0x0;
	v5 =	vadd.s32 v63, v5  }
0x323: {  	v35 =	vsel vm12, $0x1, v49;
	vm12 =	vgt.s32 v33, $0x0;
	v5 =	vadd.s32 v21, v5  }
0x324: {  	v38 =	vsel vm12, $0x1, v49;
	vm12 =	vgt.s32 v36, $0x0;
	v5 =	vadd.s32 v26, v5  }
0x325: {  	v10 =	vsel vm12, $0x1, v49;
	vm12 =	vgt.s32 v1, $0x0;
	v5 =	vadd.s32 v29, v5  }
0x326: {  	v41 =	vsel vm12, $0x1, v49;
	vm12 =	vgt.s32 v0, $0x0;
	v5 =	vadd.s32 v32, v5  }
0x327: {  	v43 =	vsel vm12, $0x1, v49;
	vm12 =	vgt.s32 v42, $0x0;
	v39 =	vadd.s32 v35, v5  }
0x328: {  	v0 =	vsel vm12, $0x1, v49;
	vm12 =	vgt.s32 v2, $0x0;
	v4 =	vadd.s32 v43, v50  }
0x329: {  	v1 =	vadd.s32 v38, v39;
	v45 =	vsel vm12, $0x1, v49;
	v0 =	vadd.s32 v0, v4  }
0x32a: {  	vm12 =	vgt.s32 v44, $0x0;
	v1 =	vadd.s32 v10, v1;
	v0 =	vadd.s32 v45, v0  }
0x32b: {  	v2 =	vsel vm12, $0x1, v49;
	vm12 =	vgt.s32 v47, $0x0;
	v0 =	vadd.s32 v46, v0  }
0x32c: {  	v52 =	vsel vm12, $0x1, v49;
	vm12 =	vgt.s32 v48, $0x0;
	v0 =	vadd.s32 v2, v0  }
0x32d: {  	v7 =	vsel vm12, $0x1, v49;
	vm12 =	vgt.s32 v53, $0x0;
	v0 =	vadd.s32 v52, v0  }
0x32e: {  	v55 =	vsel vm12, $0x1, v49;
	vm12 =	vgt.s32 v54, $0x0;
	v0 =	vadd.s32 v7, v0  }
0x32f: {  	v4 =	vsel vm12, $0x1, v49;
	vm12 =	vgt.s32 v56, $0x0;
	v0 =	vadd.s32 v55, v0  }
0x330: {  	v8 =	vsel vm12, $0x1, v49;
	vm12 =	vgt.s32 v57, $0x0;
	v0 =	vadd.s32 v4, v0  }
0x331: {  	v2 =	vsel vm12, $0x1, v49;
	vm12 =	vgt.s32 v58, $0x0;
	v0 =	vadd.s32 v8, v0  }
0x332: {  	v60 =	vsel vm12, $0x1, v49;
	vm12 =	vgt.s32 v59, $0x0;
	v0 =	vadd.s32 v2, v0  }
0x333: {  	v6 =	vsel vm12, $0x1, v49;
	vm12 =	vgt.s32 v61, $0x0;
	v0 =	vadd.s32 v60, v0  }
0x334: {  	v63 =	vsel vm12, $0x1, v49;
	vm12 =	vgt.s32 v62, $0x0;
	v0 =	vadd.s32 v6, v0  }
0x335: {  	v1 =	vadd.s32 v41, v1;
	v2 =	vsel vm12, $0x1, v49;
	v0 =	vadd.s32 v63, v0  }
0x336: {  	[tilespmem:$0xC400] =	vst v1;
	v0 =	vadd.s32 v2, v0  }
.Ltmp4:
0x337: {  	s1 =	rddreg [dreg:$0x3];
	s3 =	simm.s32 $0xC400;
	[tilespmem:$0xC410] =	vst v0;
	(pc) =	sbr.rel .LBB2_5-.Ltmp4, $4  }
0x338: {  	[hbm4b:s1+s4] =	stream.linear.scatter [tilespmem:s3], [sflag:$0x3], $0x80, $0x38;
	[tilespmem:$0xC4A0] =	vst v63  }
0x339: {  	_ =	swait.ge [sflag:s17], $0x80  }
0x33a: {  	[sflag:s17] =	ssyncset.done $0x0  }
0x33b: {  	[sflag:s17] =	ssyncadd.s32 $0xFFFFFF80  }
.LBB2_6:
0x33c: {  	_ =	sfence.sel $0x180000  }
0x33d: {  	[bflag:$0x0] =	sbarrier.arrive $0xFFFF  }
0x33e: {  	_ =	strace $0x90000047  }
0x33f: {  	s0 =	stileid.u32;
	[bflag:$0x2] =	sbarrier.arrive $0xFFFF  }
0x340: {  	p0 =	sne.s32 s0, $0x0;
	s0 =	rddreg [dreg:$0x5]  }
0x341: {  	s0 =	sadd.s32 @!p0 $0x100000, s0  }
0x342: {  	[sflag:s0] =	ssyncadd.tile.s32 @!p0 $0x1;
	_ =	shalt  }
.Lfunc_end2:
_tile_overlayer_lowered:
.L_overlay_start_2:
0x343: {  	(tag) =	ssettag $0x2  }
0x344: {  	s0 =	rddreg [dreg:$0x0];
	s2 =	stileid.u32  }
0x345: {  	s1 =	rddreg [dreg:$0x1];
	p0 =	sne.s32 s2, $0x0  }
0x346: {  	s3 =	rddreg [dreg:$0x2];
	[bflag:$0x3] =	sbarrier.arrive $0xFFFF;
	s2 =	simm.s32 @!p0 $0x1C03  }
0x347: {  	[timem:s3], [sflag:s2] =	dma.local @!p0 [hbm:s0], s1  }
0x348: {  	s0 =	simm.s32 @!p0 $0x3  }
0x349: {  	_ =	swait.ge @!p0 [sflag:s0], s1  }
0x34a: {  	s1 =	ssub.s32 @!p0 $0x0, s1;
	[sflag:s0] =	ssyncset.done @!p0 $0x0  }
0x34b: {  	[sflag:s0] =	ssyncadd.s32 @!p0 s1  }
0x34c: {  	[bflag:$0x3] =	sbarrier.arrive $0xFFFF  }
0x34d: {  	_ =	shalt  }

// kernel: kernel.8.cloned.1.call-start
scs
__scs_entry_jumppad:
0x0: {  	(pc) =	sbr.rel $0x88, $3  }
0x1: {  	(tag) =	ssettag $0x0;
	lr =	simm.s32 $0x1  }
0x2: {  	[smem:$0x3F9B] =	sst lr;
	_ =	strace $0xD0000000  }
0x3: {  	_ = 	snop  }
0x4: {  	_ = 	snop  }
0x5: {  	_ = 	snop  }
0x6: {  	_ = 	snop  }
0x7: {  	_ = 	snop  }
__scs_overlays_trampoline_lowered:
0x8: {  	[smem:$0x3FAA] =	sst s0  }
0x9: {  	[smem:$0x3FAB] =	sst s1  }
0xa: {  	[smem:$0x3FAC] =	sst s2  }
0xb: {  	[smem:$0x3FAD] =	sst s3  }
0xc: {  	[smem:$0x3FAE] =	sst s4  }
0xd: {  	[smem:$0x3FAF] =	sst s5  }
0xe: {  	[smem:$0x3FB0] =	sst s6  }
0xf: {  	[smem:$0x3FB1] =	sst s7  }
0x10: {  	[smem:$0x3FB2] =	sst s8  }
0x11: {  	[smem:$0x3FB3] =	sst s9;
	s0 =	simm.s32 @!p0 $0x0  }
0x12: {  	s1 =	sld [smem:$0x3F99];
	s0 =	simm.s32 @p0 $0x1  }
0x13: {  	[smem:$0x3FB4] =	sst s0;
	s0 =	simm.s32 @!p1 $0x0  }
0x14: {  	s2 =	sld [smem:$0x3F98];
	s0 =	simm.s32 @p1 $0x1  }
0x15: {  	[smem:$0x3FB5] =	sst s0;
	s0 =	simm.s32 @!p2 $0x0  }
0x16: {  	s3 =	sld [smem:$0x3FDB];
	s0 =	simm.s32 @p2 $0x1  }
0x17: {  	s4 =	simm.s32 $0x1BF5;
	[smem:$0x3FB7] =	sst s0  }
0x18: {  	s0 =	sld [smem:$0x3F9A];
	_ =	swait.ge [sflag:s4], $0x0  }
0x19: {  	s7 =	sld [smem:$0x3F9B]  }
0x1a: {  	s8 =	sadd.s32 $0xFFFFE003, lr  }
0x1b: {  	s9 =	sadd.s32 $0xFFFFFEF7, lr;
	s5 =	simm.s32 $0xFFFFFFFF;
	p2 =	slt.u32 s8, $0xFFFFF086  }
0x1c: {  	p1 =	slt.u32 s9, $0xF7A;
	s5 =	simm.s32 @!p2 $0x0  }
0x1d: {  	s5 =	simm.s32 @p1 $0x1;
	p0 =	seq.s32 s7, s2  }
0x1e: {  	s7 =	smul.u32 @!p0 $0xF7A, s2;
	p2 =	seq.s32 @!p0 s5, $0x0  }
0x1f: {  	s9 =	smul.u32 $0xF7A, s1;
	s8 =	simm.s32 @!p0 $0x1BF5;
	p2 =	por !p2, p0  }
0x20: {  	[sflag:s8] =	ssyncset.s32 @!p0 $0xFFFFF086;
	s6 =	sadd.s32 @!p0 s3, s7;
	s7 =	simm.s32 @!p0 $0x108  }
0x21: {  	s3 =	sadd.s32 s3, s9;
	s6 =	sadd.s32 @!p0 $0x88, s6;
	s7 =	simm.s32 @p2 $0x1082  }
0x22: {  	[simem:s7], [sflag:s8] =	dma.local @!p0 [hbm:s6], $0xF7A  }
0x23: {  	s9 =	sor.u32 $0xD0000000, s2;
	s6 =	simm.s32 $0x108;
	_ =	swait.ge @!p0 [sflag:s8], $0x0  }
0x24: {  	s3 =	sadd.s32 $0x88, s3;
	s6 =	simm.s32 @!p1 $0x1082;
	[sflag:s4] =	ssyncset.s32 $0xFFFFF086  }
0x25: {  	[simem:s6], [sflag:s4] =	dma.local [hbm:s3], $0xF7A  }
0x26: {  	[smem:$0x3F9B] =	sst s1;
	(tag) =	ssettag s2;
	_ =	strace s9  }
0x27: {  	s1 =	sld [smem:$0x3FAB]  }
0x28: {  	s2 =	sld [smem:$0x3FAC]  }
0x29: {  	s4 =	sld [smem:$0x3FAE]  }
0x2a: {  	p0 =	seq.s32 s5, $0x0;
	s5 =	sld [smem:$0x3FAF]  }
0x2b: {  	s6 =	sld [smem:$0x3FB0]  }
0x2c: {  	s7 =	sld [smem:$0x3FB1]  }
0x2d: {  	s3 =	simm.s32 $0x108;
	s8 =	sld [smem:$0x3FB2]  }
0x2e: {  	s3 =	simm.s32 @!p0 $0x1082;
	s9 =	sld [smem:$0x3FB3]  }
0x2f: {  	lr =	sadd.s32 s0, s3;
	s0 =	sld [smem:$0x3FAA]  }
0x30: {  	s3 =	sld [smem:$0x3FAD]  }
0x31: {  	[smem:$0x3FB6] =	sst s10  }
0x32: {  	s10 =	sld [smem:$0x3FB4];
	_ =	sdelay $0x3  }
0x33: {  	p0 =	seq.s32 s10, $0x1;
	s10 =	sld [smem:$0x3FB6];
	_ =	sdelay $0x3  }
0x34: {  	[smem:$0x3FB6] =	sst s10  }
0x35: {  	s10 =	sld [smem:$0x3FB5];
	_ =	sdelay $0x3  }
0x36: {  	p1 =	seq.s32 s10, $0x1;
	s10 =	sld [smem:$0x3FB6];
	_ =	sdelay $0x3  }
0x37: {  	[smem:$0x3FB6] =	sst s10  }
0x38: {  	s10 =	sld [smem:$0x3FB7]  }
0x39: {  	_ = 	snop;
	(pc) =	sbr.ind lr, $3  }
0x3a: {  	_ = 	snop  }
0x3b: {  	_ = 	snop  }
0x3c: {  	p2 =	seq.s32 s10, $0x1;
	s10 =	sld [smem:$0x3FB6]  }
0x3d: {  	_ =	shalt  }
0x3e: {  	_ =	shalt  }
0x3f: {  	_ =	shalt  }
0x40: {  	_ =	shalt  }
0x41: {  	_ =	shalt  }
0x42: {  	_ =	shalt  }
0x43: {  	_ =	shalt  }
0x44: {  	_ =	shalt  }
0x45: {  	_ =	shalt  }
0x46: {  	_ =	shalt  }
0x47: {  	_ =	shalt  }
0x48: {  	_ =	shalt  }
0x49: {  	_ =	shalt  }
0x4a: {  	_ =	shalt  }
0x4b: {  	_ =	shalt  }
0x4c: {  	_ =	shalt  }
0x4d: {  	_ =	shalt  }
0x4e: {  	_ =	shalt  }
0x4f: {  	_ =	shalt  }
0x50: {  	_ =	shalt  }
0x51: {  	_ =	shalt  }
0x52: {  	_ =	shalt  }
0x53: {  	_ =	shalt  }
0x54: {  	_ =	shalt  }
0x55: {  	_ =	shalt  }
0x56: {  	_ =	shalt  }
0x57: {  	_ =	shalt  }
0x58: {  	_ =	shalt  }
0x59: {  	_ =	shalt  }
0x5a: {  	_ =	shalt  }
0x5b: {  	_ =	shalt  }
0x5c: {  	_ =	shalt  }
0x5d: {  	_ =	shalt  }
0x5e: {  	_ =	shalt  }
0x5f: {  	_ =	shalt  }
0x60: {  	_ =	shalt  }
0x61: {  	_ =	shalt  }
0x62: {  	_ =	shalt  }
0x63: {  	_ =	shalt  }
0x64: {  	_ =	shalt  }
0x65: {  	_ =	shalt  }
0x66: {  	_ =	shalt  }
0x67: {  	_ =	shalt  }
0x68: {  	_ =	shalt  }
0x69: {  	_ =	shalt  }
0x6a: {  	_ =	shalt  }
0x6b: {  	_ =	shalt  }
0x6c: {  	_ =	shalt  }
0x6d: {  	_ =	shalt  }
0x6e: {  	_ =	shalt  }
0x6f: {  	_ =	shalt  }
0x70: {  	_ =	shalt  }
0x71: {  	_ =	shalt  }
0x72: {  	_ =	shalt  }
0x73: {  	_ =	shalt  }
0x74: {  	_ =	shalt  }
0x75: {  	_ =	shalt  }
0x76: {  	_ =	shalt  }
0x77: {  	_ =	shalt  }
0x78: {  	_ =	shalt  }
0x79: {  	_ =	shalt  }
0x7a: {  	_ =	shalt  }
0x7b: {  	_ =	shalt  }
0x7c: {  	_ =	shalt  }
0x7d: {  	_ =	shalt  }
0x7e: {  	_ =	shalt  }
0x7f: {  	_ =	shalt  }
0x80: {  	_ =	shalt  }
0x81: {  	_ =	shalt  }
0x82: {  	_ =	shalt  }
0x83: {  	_ =	shalt  }
0x84: {  	_ =	shalt  }
0x85: {  	_ =	shalt  }
0x86: {  	_ =	shalt  }
0x87: {  	_ =	shalt  }
.Lfunc_end0:
.L_simem_size_0:
called_computation.1_lowered:
.L_overlay_start_0:
0x88: {  	s2 =	sld [smem:$0x3FD9]  }
0x89: {  	s3 =	sld [smem:$0x3FFE];
	_ =	sdelay $0x1  }
0x8a: {  	s1 =	srdreg.scid  }
0x8b: {  	s0 =	sand.u32 $0x1, s1  }
0x8c: {  	s17 =	sshll.u32 s0, $0xA;
	s2 =	sadd.s32 s3, s2  }
0x8d: {  	s2 =	sadd.s32 s2, s17  }
0x8e: {  	[smem:$0x3FC2] =	sst s2  }
0x8f: {  	_ = 	snop  }
0x90: {  	s2 =	sld [smem:$0x3FD0];
	(tm) =	ssettm $0x1  }
0x91: {  	s18 =	sld [smem:$0x3FFB];
	_ =	sdelay $0x3  }
0x92: {  	_ =	strace s18  }
0x93: {  	s3 =	sld [smem:$0x3FFC];
	_ =	sdelay $0x3  }
0x94: {  	_ =	strace s3  }
0x95: {  	s3 =	sld [smem:$0x3FFD];
	_ =	sdelay $0x3  }
0x96: {  	_ =	strace s3  }
0x97: {  	_ =	strace $0x8FFFFFFF  }
0x98: {  	s19 =	sld [smem:$0x3FDB];
	_ =	sdelay $0x1  }
0x99: {  	s4 =	simm.s32 $_scs_section_size  }
0x9a: {  	s5 =	simm.s32 $_size__tile_overlayer_lowered;
	s6 =	simm.s32 $_tile_overlayer_lowered  }
0x9b: {  	s22 =	simm.s32 $0x1BFF;
	s21 =	sshll.u32 s6, $0x1;
	s3 =	sadd.s32 s4, s19  }
0x9c: {  	s7 =	simm.s32 $0x0;
	s20 =	sshll.u32 s5, $0x1;
	s5 =	sadd.s32 s21, s3  }
0x9d: {  	[timem:s7], [sflag:s22] =	dma.local [hbm:s5], s20  }
0x9e: {  	_ =	swait.ge [sflag:s22], s20  }
0x9f: {  	s4 =	ssub.s32 $0x0, s20;
	[sflag:s22] =	ssyncset.done $0x0  }
0xa0: {  	[sflag:s22] =	ssyncadd.s32 s4;
	_ =	sdelay $0x1  }
0xa1: {  	s23 =	simm.s32 $0x1B8B  }
0xa2: {  	_ =	swait.ge [sflag:s23], $0x1  }
0xa3: {  	[sflag:s23] =	ssyncset.done $0x0  }
0xa4: {  	s25 =	simm.s32 $0x1B8E;
	s24 =	sld [smem:$0x3FFE];
	[sflag:s23] =	ssyncadd.s32 $0xFFFFFFFF  }
0xa5: {  	s26 =	simm.s32 $execute0_lowered;
	[smem:$0x3FD2] =	sst s25  }
0xa6: {  	s5 =	sshll.u32 s26, $0x1;
	_ =	strace $0x80000049;
	[dreg:$0x1] =	wrdreg $0xFFFFFFFF  }
0xa7: {  	s28 =	simm.s32 $_size_execute0_lowered;
	s3 =	sadd.s32 s3, s5;
	[dreg:$0x0] =	wrdreg $0x0  }
0xa8: {  	s5 =	sshll.u32 s28, $0x1;
	[dreg:$0x2] =	wrdreg s3  }
0xa9: {  	[dreg:$0x3] =	wrdreg s5  }
0xaa: {  	[dreg:$0x4] =	wrdreg $0xC0  }
0xab: {  	_ =	task [dreg:s7], $0x5FFFF  }
0xac: {  	[dreg:$0x1] =	wrdreg $0xFFFFFFFF  }
0xad: {  	[dreg:$0x0] =	wrdreg $0x60  }
0xae: {  	[dreg:$0x2] =	wrdreg s24  }
0xaf: {  	[dreg:$0x3] =	wrdreg s2  }
0xb0: {  	[dreg:$0x4] =	wrdreg $0x9  }
0xb1: {  	_ =	task.clear_ibuf [dreg:s7], $0x5FFFF;
	_ =	strace $0x90000049  }
0xb2: {  	s29 =	simm.s32 $0x9;
	_ =	strace $0x8000004B  }
0xb3: {  	_ =	swait.ge [sflag:s29], $0x1  }
0xb4: {  	[sflag:s29] =	ssyncadd.s32 $0xFFFFFFFF  }
0xb5: {  	_ =	strace $0x9000004B  }
0xb6: {  	_ =	sfence  }
0xb7: {  	s30 =	sld [smem:$0x0];
	_ =	sdelay $0x2  }
0xb8: {  	s31 =	sshll.u32 s1, $0xD;
	s1 =	sshrl.u32 s1, $0x2  }
0xb9: {  	s3 =	sand.u32 $0x4000, s31;
	s1 =	sadd.s32 s1, s30  }
0xba: {  	s0 =	sor.u32 s3, s0;
	s1 =	sshll.u32 s1, $0x11  }
0xbb: {  	s0 =	sor.u32 s1, s0  }
0xbc: {  	s0 =	sadd.s32 $0x8F2B, s0  }
0xbd: {  	[sflag:s0] =	ssyncadd.remote.s32 $0x1  }
0xbe: {  	_ =	sfence.sel $0xFFFF  }
0xbf: {  	[dreg:$0x0] =	wrdreg $0xFFFFFFFF;
	(pc) =	sbr.abs _section_cstart, $3  }
0xc0: {  	[dreg:$0x1] =	wrdreg $0xFFFFFFFF  }
0xc1: {  	_ =	task.clear_ibuf [dreg:s7], $0x2FFFF;
	_ =	strace $0x9FFFFFFF  }
0xc2: {  	(tm) =	ssettm $0x7FFFFFFF  }
0xc3: {  	_ =	shalt  }
tec
execute0_lowered:
.L_overlay_start_1:
0x0: {  	(tag) =	ssettag $0x1  }
0x1: {  	s0 =	rddreg [dreg:$0x0]  }
0x2: {  	s5 =	rddreg [dreg:$0x1];
	s3 =	srdreg.scid  }
0x3: {  	s2 =	simm.s32 $0x0;
	s1 =	stileid.u32;
	s26 =	simm.s32 $0x880  }
0x4: {  	s10 =	simm.s32 $0x1880;
	s11 =	simm.s32 $0x2080;
	s12 =	simm.s32 $0x2880  }
0x5: {  	s13 =	simm.s32 $0x3080;
	s14 =	simm.s32 $0x3880;
	s15 =	simm.s32 $0x4080  }
0x6: {  	s16 =	simm.s32 $0x4880;
	s17 =	simm.s32 $0x5080;
	s18 =	simm.s32 $0x5880  }
0x7: {  	s19 =	simm.s32 $0x6080;
	s20 =	simm.s32 $0x6880;
	s21 =	simm.s32 $0x7080  }
0x8: {  	s22 =	simm.s32 $0x7880;
	s28 =	simm.s32 $0xA080;
	s29 =	simm.s32 $0xA880  }
0x9: {  	s30 =	simm.s32 $0xB080;
	s31 =	simm.s32 $0xB880;
	s3 =	sand.u32 $0x1, s3  }
0xa: {  	[smem:$0x7FF] =	sst s2;
	s4 =	sshll.u32 s1, $0x4;
	s6 =	sshll.u32 s3, $0x3  }
0xb: {  	_ =	strace $0x8000004A;
	s23 =	ssub.s32 $0x2, s3;
	s3 =	sadd.s32 $0x61800, s0  }
0xc: {  	[dreg:$0x5] =	wrdreg s26;
	s26 =	simm.s32 $0x9880;
	s4 =	sor.u32 s6, s4  }
0xd: {  	s8 =	sshrl.u32 s23, $0x1;
	s7 =	sadd.s32 s4, s0;
	s9 =	smul.u32 $0x300, s4  }
0xe: {  	s6 =	ssub.s32 s23, s8;
	s4 =	sadd.s32 $0x61900, s0;
	s8 =	simm.s32 $0x80  }
0xf: {  	s23 =	simm.s32 $0x8080;
	s24 =	sadd.s32 $0x61600, s7;
	s6 =	smax.u32 s6, $0x1  }
0x10: {  	v2 =	vlaneseq.u32;
	s7 =	simm.s32 $0x2;
	[dreg:$0x3] =	wrdreg s24;
	s25 =	sadd.s32 s5, s9  }
0x11: {  	vm0 =	vmmov $0xffff;
	v1 =	vshrl.u32 v2, $0x3;
	s5 =	sadd.s32 $0x61A00, s0;
	s9 =	simm.s32 $0x1080;
	s24 =	simm.s32 $0x8880  }
0x12: {  	v0 =	vand.u32 $0x7, v2;
	v2 =	vor.u32 $0x8, v2;
	v1 =	vmul.u32 $0x8, v1;
	s0 =	simm.s32 $0x1;
	[dreg:$0x4] =	wrdreg s25;
	s25 =	simm.s32 $0x9080  }
.LBB2_1:
0x13: {  	s1 =	rddreg [dreg:$0x3]  }
0x14: {  	[tilespmem:s2], [sflag:$0x2] =	stream.linear.gather [hbm4b:s1+s2], $0x40, $0x38;
	[tilespmem:$0xC080] =	vst v63  }
0x15: {  	_ =	swait.ge [sflag:s7], $0x40  }
0x16: {  	[sflag:s7] =	ssyncset.done $0x0  }
0x17: {  	[sflag:s7] =	ssyncadd.s32 $0xFFFFFFC0  }
0x18: {  	v3 =	vld [tilespmem:$0x0];
	_ =	sdelay $0x4  }
0x19: {  	v4 =	vshrl.u32 v3, $0x3  }
0x1a: {  	v4 =	vmul.u32 $0x30, v4  }
0x1b: {  	v3 =	vand.u32 $0x7, v3  }
0x1c: {  	v3 =	vor.u32 v3, v4  }
0x1d: {  	v4 =	vperm.xlane v3, v0;
	_ =	sdelay $0x1  }
0x1e: {  	v4 =	vadd.s32 v1, v4;
	_ =	sdelay $0x3  }
0x1f: {  	v3 =	vperm.xlane v3, v2  }
0x20: {  	[tilespmem:s8], [sflag:$0x1] =	stream.indirect_vreg.gather [hbm4b:s3+s2], $0x80, v4, vm0, $0xb8;
	[tilespmem:$0xC080] =	vst v63  }
0x21: {  	s1 =	rddreg [dreg:$0x5];
	v3 =	vadd.s32 v1, v3  }
0x22: {  	[tilespmem:s1], [sflag:$0x1] =	stream.indirect_vreg.gather [hbm4b:s4+s2], $0x80, v4, vm0, $0xb8;
	[tilespmem:$0xC080] =	vst v63  }
0x23: {  	_ = 	snop  }
0x24: {  	[tilespmem:s9], [sflag:$0x1] =	stream.indirect_vreg.gather [hbm4b:s5+s2], $0x80, v4, vm0, $0xb8;
	[tilespmem:$0xC080] =	vst v63  }
0x25: {  	_ = 	snop  }
0x26: {  	[tilespmem:s10], [sflag:$0x1] =	stream.indirect_vreg.gather [hbm4b:s3+s2], $0x80, v3, vm0, $0xb8;
	[tilespmem:$0xC080] =	vst v63  }
0x27: {  	_ = 	snop  }
0x28: {  	[tilespmem:s11], [sflag:$0x1] =	stream.indirect_vreg.gather [hbm4b:s4+s2], $0x80, v3, vm0, $0xb8;
	[tilespmem:$0xC080] =	vst v63  }
0x29: {  	_ = 	snop  }
0x2a: {  	[tilespmem:s12], [sflag:$0x1] =	stream.indirect_vreg.gather [hbm4b:s5+s2], $0x80, v3, vm0, $0xb8;
	[tilespmem:$0xC080] =	vst v63  }
0x2b: {  	v3 =	vld [tilespmem:$0x10];
	_ =	sdelay $0x4  }
0x2c: {  	v61 =	vshrl.u32 v3, $0x3  }
0x2d: {  	v4 =	vmul.u32 $0x30, v61  }
0x2e: {  	v3 =	vand.u32 $0x7, v3  }
0x2f: {  	v3 =	vor.u32 v3, v4  }
0x30: {  	v4 =	vperm.xlane v3, v0;
	_ =	sdelay $0x1  }
0x31: {  	v4 =	vadd.s32 v1, v4;
	_ =	sdelay $0x3  }
0x32: {  	v3 =	vperm.xlane v3, v2  }
0x33: {  	[tilespmem:s13], [sflag:$0x1] =	stream.indirect_vreg.gather [hbm4b:s3+s2], $0x80, v4, vm0, $0xb8;
	[tilespmem:$0xC080] =	vst v63  }
0x34: {  	v3 =	vadd.s32 v1, v3  }
0x35: {  	[tilespmem:s14], [sflag:$0x1] =	stream.indirect_vreg.gather [hbm4b:s4+s2], $0x80, v4, vm0, $0xb8;
	[tilespmem:$0xC080] =	vst v63  }
0x36: {  	_ = 	snop  }
0x37: {  	[tilespmem:s15], [sflag:$0x1] =	stream.indirect_vreg.gather [hbm4b:s5+s2], $0x80, v4, vm0, $0xb8;
	[tilespmem:$0xC080] =	vst v63  }
0x38: {  	_ = 	snop  }
0x39: {  	[tilespmem:s16], [sflag:$0x1] =	stream.indirect_vreg.gather [hbm4b:s3+s2], $0x80, v3, vm0, $0xb8;
	[tilespmem:$0xC080] =	vst v63  }
0x3a: {  	_ = 	snop  }
0x3b: {  	[tilespmem:s17], [sflag:$0x1] =	stream.indirect_vreg.gather [hbm4b:s4+s2], $0x80, v3, vm0, $0xb8;
	[tilespmem:$0xC080] =	vst v63  }
0x3c: {  	_ = 	snop  }
0x3d: {  	[tilespmem:s18], [sflag:$0x1] =	stream.indirect_vreg.gather [hbm4b:s5+s2], $0x80, v3, vm0, $0xb8;
	[tilespmem:$0xC080] =	vst v63  }
0x3e: {  	v3 =	vld [tilespmem:$0x20];
	_ =	sdelay $0x4  }
0x3f: {  	v62 =	vshrl.u32 v3, $0x3  }
0x40: {  	v4 =	vmul.u32 $0x30, v62  }
0x41: {  	v3 =	vand.u32 $0x7, v3  }
0x42: {  	v3 =	vor.u32 v3, v4  }
0x43: {  	v4 =	vperm.xlane v3, v0;
	_ =	sdelay $0x1  }
0x44: {  	v4 =	vadd.s32 v1, v4;
	_ =	sdelay $0x3  }
0x45: {  	v3 =	vperm.xlane v3, v2  }
0x46: {  	[tilespmem:s19], [sflag:$0x1] =	stream.indirect_vreg.gather [hbm4b:s3+s2], $0x80, v4, vm0, $0xb8;
	[tilespmem:$0xC080] =	vst v63  }
0x47: {  	v3 =	vadd.s32 v1, v3  }
0x48: {  	[tilespmem:s20], [sflag:$0x1] =	stream.indirect_vreg.gather [hbm4b:s4+s2], $0x80, v4, vm0, $0xb8;
	[tilespmem:$0xC080] =	vst v63  }
0x49: {  	_ = 	snop  }
0x4a: {  	[tilespmem:s21], [sflag:$0x1] =	stream.indirect_vreg.gather [hbm4b:s5+s2], $0x80, v4, vm0, $0xb8;
	[tilespmem:$0xC080] =	vst v63  }
0x4b: {  	_ = 	snop  }
0x4c: {  	[tilespmem:s22], [sflag:$0x1] =	stream.indirect_vreg.gather [hbm4b:s3+s2], $0x80, v3, vm0, $0xb8;
	[tilespmem:$0xC080] =	vst v63  }
0x4d: {  	_ = 	snop  }
0x4e: {  	[tilespmem:s23], [sflag:$0x1] =	stream.indirect_vreg.gather [hbm4b:s4+s2], $0x80, v3, vm0, $0xb8;
	[tilespmem:$0xC080] =	vst v63  }
0x4f: {  	_ = 	snop  }
0x50: {  	[tilespmem:s24], [sflag:$0x1] =	stream.indirect_vreg.gather [hbm4b:s5+s2], $0x80, v3, vm0, $0xb8;
	[tilespmem:$0xC080] =	vst v63  }
0x51: {  	v3 =	vld [tilespmem:$0x30];
	_ =	sdelay $0x4  }
0x52: {  	v63 =	vshrl.u32 v3, $0x3  }
0x53: {  	v4 =	vmul.u32 $0x30, v63  }
0x54: {  	v3 =	vand.u32 $0x7, v3  }
0x55: {  	v3 =	vor.u32 v3, v4  }
0x56: {  	v4 =	vperm.xlane v3, v0;
	_ =	sdelay $0x1  }
0x57: {  	v4 =	vadd.s32 v1, v4;
	_ =	sdelay $0x3  }
0x58: {  	v3 =	vperm.xlane v3, v2  }
0x59: {  	[tilespmem:s25], [sflag:$0x1] =	stream.indirect_vreg.gather [hbm4b:s3+s2], $0x80, v4, vm0, $0xb8;
	[tilespmem:$0xC080] =	vst v63  }
0x5a: {  	v3 =	vadd.s32 v1, v3  }
0x5b: {  	[tilespmem:s26], [sflag:$0x1] =	stream.indirect_vreg.gather [hbm4b:s4+s2], $0x80, v4, vm0, $0xb8;
	[tilespmem:$0xC080] =	vst v63  }
0x5c: {  	_ = 	snop  }
0x5d: {  	[tilespmem:s28], [sflag:$0x1] =	stream.indirect_vreg.gather [hbm4b:s5+s2], $0x80, v4, vm0, $0xb8;
	[tilespmem:$0xC080] =	vst v63  }
0x5e: {  	_ = 	snop  }
0x5f: {  	[tilespmem:s29], [sflag:$0x1] =	stream.indirect_vreg.gather [hbm4b:s3+s2], $0x80, v3, vm0, $0xb8;
	[tilespmem:$0xC080] =	vst v63  }
0x60: {  	_ = 	snop  }
0x61: {  	[tilespmem:s30], [sflag:$0x1] =	stream.indirect_vreg.gather [hbm4b:s4+s2], $0x80, v3, vm0, $0xb8;
	[tilespmem:$0xC080] =	vst v63  }
0x62: {  	_ = 	snop  }
0x63: {  	[tilespmem:s31], [sflag:$0x1] =	stream.indirect_vreg.gather [hbm4b:s5+s2], $0x80, v3, vm0, $0xb8;
	[tilespmem:$0xC080] =	vst v63  }
0x64: {  	_ =	swait.ge [sflag:s0], $0xC000  }
0x65: {  	p0 =	sne.s32 s6, $0x1;
	[sflag:s0] =	ssyncset.done $0x0  }
.Ltmp0:
0x66: {  	s1 =	rddreg [dreg:$0x4];
	[sflag:s0] =	ssyncadd.s32 $0xFFFF4000;
	(pc) =	sbr.rel @p0 .LBB2_1-.Ltmp0, $4  }
0x67: {  	[hbm4b:s1+s2] =	stream.linear.scatter [tilespmem:s8], [sflag:$0x2], $0xC000, $0x38;
	[tilespmem:$0xC080] =	vst v63  }
0x68: {  	_ =	swait.ge [sflag:s7], $0xC000  }
0x69: {  	[sflag:s7] =	ssyncset.done $0x0  }
0x6a: {  	s6 =	sadd.s32 $0xFFFFFFFF, s6;
	[sflag:s7] =	ssyncadd.s32 $0xFFFF4000  }
0x6b: {  	_ =	sfence.sel $0x180000  }
0x6c: {  	[bflag:$0x0] =	sbarrier.arrive $0xFFFF  }
0x6d: {  	_ =	strace $0x9000004A  }
0x6e: {  	s0 =	stileid.u32;
	[bflag:$0x2] =	sbarrier.arrive $0xFFFF  }
0x6f: {  	p0 =	sne.s32 s0, $0x0;
	s0 =	rddreg [dreg:$0x2]  }
0x70: {  	s0 =	sadd.s32 @!p0 $0x100000, s0  }
0x71: {  	[sflag:s0] =	ssyncadd.tile.s32 @!p0 $0x1;
	_ =	shalt  }
.Lfunc_end2:
_tile_overlayer_lowered:
.L_overlay_start_2:
0x72: {  	(tag) =	ssettag $0x2  }
0x73: {  	s0 =	rddreg [dreg:$0x0];
	s2 =	stileid.u32  }
0x74: {  	s1 =	rddreg [dreg:$0x1];
	p0 =	sne.s32 s2, $0x0  }
0x75: {  	s3 =	rddreg [dreg:$0x2];
	[bflag:$0x3] =	sbarrier.arrive $0xFFFF;
	s2 =	simm.s32 @!p0 $0x1C02  }
0x76: {  	[timem:s3], [sflag:s2] =	dma.local @!p0 [hbm:s0], s1  }
0x77: {  	s0 =	simm.s32 @!p0 $0x2  }
0x78: {  	_ =	swait.ge @!p0 [sflag:s0], s1  }
0x79: {  	s1 =	ssub.s32 @!p0 $0x0, s1;
	[sflag:s0] =	ssyncset.done @!p0 $0x0  }
0x7a: {  	[sflag:s0] =	ssyncadd.s32 @!p0 s1  }
0x7b: {  	[bflag:$0x3] =	sbarrier.arrive $0xFFFF  }
0x7c: {  	_ =	shalt  }

</sc_bundles>
